<compile_context>
chip_gen: v7x
topology: tpu7x:2x2x1
jax: 0.10.2.dev20260603
libtpu: 0.0.44.dev20260713+nightly
codegen_flags: <defaults>
</compile_context>

<pallas_src>
import functools

import jax
import jax.numpy as jnp
from jax import lax
from jax.experimental import pallas as pl
from jax.experimental.pallas import tpu as pltpu
from jax.experimental.pallas import tpu_sc as plsc

N = 10000
E = 320000
D = 128
DP = 136
NC = 2
NS = 16
L = 16
NW = NC * NS
PER_TILE = E // NW
C = 80
CHUNKS = PER_TILE // C
ROWS_PER_TILE = N // NS
EPR = D // L


def _prep_body(h_ref, w_ref, wb_ref, aw_ref, wh_ref, sd_ref, ss_ref):
    hp = jax.lax.Precision.HIGHEST
    wh = lax.dot_general(h_ref[...], w_ref[...],
                         (((1,), (1,)), ((), ())), precision=hp)
    wh = wh + wb_ref[...].reshape(1, D)
    wh_ref[...] = wh
    a1 = aw_ref[:, 0:D]
    a2 = aw_ref[:, D:2 * D]
    sd_ref[...] = jnp.sum(wh * a1, axis=1)
    ss_ref[...] = jnp.sum(wh * a2, axis=1)


_prep = pl.pallas_call(
    _prep_body,
    out_shape=(
        jax.ShapeDtypeStruct((N, D), jnp.float32),
        jax.ShapeDtypeStruct((N,), jnp.float32),
        jax.ShapeDtypeStruct((N,), jnp.float32),
    ),
)

_SE_ROWS = E // EPR
_SE_BLK = 4000


def _se_body(ea_ref, aw_ref, ab_ref, se_ref):
    ea = ea_ref[...].reshape(_SE_BLK, D)
    a3 = aw_ref[:, 2 * D:]
    a3t = jnp.concatenate([a3] * EPR, axis=1)
    ii = lax.broadcasted_iota(jnp.int32, (D, D), 0)
    jj = lax.broadcasted_iota(jnp.int32, (D, D), 1)
    seg = jnp.where(ii // 16 == jj, 1.0, 0.0)
    se = lax.dot_general(ea * a3t, seg, (((1,), (0,)), ((), ())),
                         precision=jax.lax.Precision.HIGHEST)
    se_ref[...] = se + ab_ref[...].reshape(1, 1)


_se_prep = pl.pallas_call(
    _se_body,
    grid=(_SE_ROWS // _SE_BLK,),
    in_specs=[
        pl.BlockSpec((_SE_BLK * D,), lambda i: (i,)),
        pl.BlockSpec((1, 272), lambda i: (0, 0)),
        pl.BlockSpec((1,), lambda i: (0,)),
    ],
    out_specs=pl.BlockSpec((_SE_BLK, D), lambda i: (i, 0)),
    out_shape=jax.ShapeDtypeStruct((_SE_ROWS, D), jnp.float32),
)


_mesh = plsc.VectorSubcoreMesh(core_axis_name="c", subcore_axis_name="s")

_BUF = dict(
    rowb=pltpu.VMEM((C,), jnp.int32),
    colb=pltpu.VMEM((C,), jnp.int32),
    seb=pltpu.VMEM((C // EPR * D,), jnp.float32),
    alphab=pltpu.VMEM((C,), jnp.float32),
    rowscat=pltpu.VMEM((C,), jnp.int32),
    normb=pltpu.VMEM((C, DP - D), jnp.float32),
    gbuf=pltpu.VMEM((C, DP), jnp.float32),
    rsem=pltpu.SemaphoreType.DMA,
    csem=pltpu.SemaphoreType.DMA,
    esem=pltpu.SemaphoreType.DMA,
    gsem=pltpu.SemaphoreType.DMA,
    ssem=pltpu.SemaphoreType.DMA,
)


@functools.partial(
    pl.kernel,
    out_type=(jax.ShapeDtypeStruct((NC, N, D), jnp.float32),
              jax.ShapeDtypeStruct((NC, N, DP - D), jnp.float32)),
    mesh=_mesh,
    compiler_params=pltpu.CompilerParams(use_tc_tiling_on_sc=False,
                                         needs_layout_passes=False),
    scratch_types=[
        pltpu.VMEM((N,), jnp.float32),
        pltpu.VMEM((N,), jnp.float32),
        pltpu.VMEM_SHARED((N, DP), jnp.float32),
    ] + list(_BUF.values()) * 2,
)
def _sc_edges(whp_hbm, sd_hbm, ss_hbm, se_hbm, ei_hbm,
              feat_hbm, norm_hbm, sdv, ssv, acc, *bufs):
    nb = len(_BUF)
    A = dict(zip(_BUF.keys(), bufs[:nb]))
    B = dict(zip(_BUF.keys(), bufs[nb:]))

    c = lax.axis_index("c")
    s = lax.axis_index("s")
    wid = c * NS + s
    base = wid * PER_TILE
    nbase = s * ROWS_PER_TILE

    lane = lax.iota(jnp.int32, L)
    se_pat = (lane // EPR) * D + (lane % EPR)

    zeros = jnp.zeros((L,), jnp.float32)
    gz = A["gbuf"]

    @pl.loop(0, C)
    def _(j):
        for q in range(D // L):
            gz[j, pl.ds(q * L, L)] = zeros
        gz[j, pl.ds(DP - L, L)] = zeros

    @pl.loop(0, ROWS_PER_TILE // C)
    def _(i):
        pltpu.sync_copy(gz, acc.at[pl.ds(nbase + i * C, C)])
    rem = ROWS_PER_TILE % C
    if rem:
        pltpu.sync_copy(gz.at[pl.ds(0, rem)],
                        acc.at[pl.ds(nbase + (ROWS_PER_TILE // C) * C, rem)])

    pltpu.sync_copy(sd_hbm, sdv)
    pltpu.sync_copy(ss_hbm, ssv)

    plsc.subcore_barrier()

    SEW = C // EPR * D

    def issue_idx(k, buf):
        off = base + k * C
        pltpu.async_copy(ei_hbm.at[0, pl.ds(off, C)], buf["rowb"],
                         buf["rsem"])
        pltpu.async_copy(ei_hbm.at[1, pl.ds(off, C)], buf["colb"],
                         buf["csem"])
        pltpu.async_copy(se_hbm.at[pl.ds(off // EPR * D, SEW)], buf["seb"],
                         buf["esem"])

    def wait_idx(k, buf):
        off = base + k * C
        pltpu.make_async_copy(ei_hbm.at[0, pl.ds(off, C)], buf["rowb"],
                              buf["rsem"]).wait()
        pltpu.make_async_copy(ei_hbm.at[1, pl.ds(off, C)], buf["colb"],
                              buf["csem"]).wait()
        pltpu.make_async_copy(se_hbm.at[pl.ds(off // EPR * D, SEW)],
                              buf["seb"], buf["esem"]).wait()

    def issue_gather(buf):
        pltpu.async_copy(whp_hbm.at[buf["colb"]], buf["gbuf"], buf["gsem"])

    def wait_gather(buf):
        pltpu.make_async_copy(whp_hbm.at[buf["colb"]], buf["gbuf"],
                              buf["gsem"]).wait()

    def issue_scatter(buf):
        pltpu.async_copy(buf["gbuf"], acc.at[buf["rowscat"]], buf["ssem"],
                         add=True)

    def wait_scatter(buf):
        pltpu.make_async_copy(buf["gbuf"], acc.at[buf["rowscat"]],
                              buf["ssem"]).wait()

    def compute_alpha(buf):
        for g in range(C // L):
            rv = buf["rowb"][pl.ds(g * L, L)]
            cv = buf["colb"][pl.ds(g * L, L)]
            se = plsc.load_gather(buf["seb"], [se_pat + g * (2 * D)])
            x = plsc.load_gather(sdv, [rv]) + plsc.load_gather(ssv, [cv]) + se
            x = jnp.where(x > 0, x, x * 0.01)
            buf["alphab"][pl.ds(g * L, L)] = jnp.exp(x)

    def scale(buf):
        gb = buf["gbuf"]

        @plsc.parallel_loop(0, C, unroll=4)
        def _(j):
            ab = plsc.load_gather(buf["alphab"],
                                  [jnp.zeros((L,), jnp.int32) + j])
            for q in range(D // L):
                gb[j, pl.ds(q * L, L)] = gb[j, pl.ds(q * L, L)] * ab
            v = gb[j, pl.ds(DP - L, L)]
            gb[j, pl.ds(DP - L, L)] = jnp.where(lane < D - (DP - L),
                                                v, v * ab)

    def save_rowscat(buf):
        for g in range(C // L):
            buf["rowscat"][pl.ds(g * L, L)] = buf["rowb"][pl.ds(g * L, L)]

    issue_idx(0, A)
    wait_idx(0, A)
    issue_gather(A)

    def body(k, cur, nxt, first=False):
        issue_idx(k + 1, nxt)
        compute_alpha(cur)
        wait_gather(cur)
        if not first:
            wait_scatter(nxt)
        wait_idx(k + 1, nxt)
        issue_gather(nxt)
        scale(cur)
        save_rowscat(cur)
        issue_scatter(cur)

    body(0, A, B, first=True)

    @pl.loop(0, (CHUNKS - 3) // 2)
    def _(t):
        k = 1 + 2 * t
        body(k, B, A)
        body(k + 1, A, B)

    body(CHUNKS - 2, B, A)
    compute_alpha(A)
    wait_gather(A)
    wait_scatter(B)
    scale(A)
    save_rowscat(A)
    issue_scatter(A)
    wait_scatter(A)

    plsc.subcore_barrier()

    pltpu.sync_copy(acc.at[pl.ds(nbase, ROWS_PER_TILE), pl.ds(0, D)],
                    feat_hbm.at[c].at[pl.ds(nbase, ROWS_PER_TILE)])

    @pl.loop(0, ROWS_PER_TILE // C)
    def _(i):
        r = nbase + i * C
        pltpu.sync_copy(acc.at[pl.ds(r, C), pl.ds(D, DP - D)], A["normb"])
        pltpu.sync_copy(A["normb"], norm_hbm.at[c].at[pl.ds(r, C)])
    remn = ROWS_PER_TILE % C
    if remn:
        r = nbase + (ROWS_PER_TILE // C) * C
        pltpu.sync_copy(acc.at[pl.ds(r, remn), pl.ds(D, DP - D)],
                        A["normb"].at[pl.ds(0, remn)])
        pltpu.sync_copy(A["normb"].at[pl.ds(0, remn)],
                        norm_hbm.at[c].at[pl.ds(r, remn)])


def _fin_body(f_ref, n_ref, o_ref):
    fsum = f_ref[0] + f_ref[1]
    nsum = n_ref[0, :, 0:1] + n_ref[1, :, 0:1]
    o_ref[...] = fsum / (nsum + 1e-8)


_fin = pl.pallas_call(
    _fin_body,
    out_shape=jax.ShapeDtypeStruct((N, D), jnp.float32),
)


def kernel(h, edge_index, edge_attr, w_weight, w_bias, a_weight, a_bias):
    wh, sd, ss = _prep(h, w_weight, w_bias, a_weight)
    pad = jnp.concatenate(
        [jnp.ones((N, 1), jnp.float32), jnp.zeros((N, DP - D - 1), jnp.float32)],
        axis=1)
    whp = jnp.concatenate([wh, pad], axis=1)
    se = _se_prep(edge_attr.reshape(E * 16), a_weight, a_bias)
    feat, norm = _sc_edges(whp, sd, ss, se.reshape(_SE_ROWS * D), edge_index)
    return _fin(feat, norm)

# --- scband reference (transcript-rebuilt; emitter-appended) ---
"""Pipeline reference for scband-gatlayer-34325378629823 (READ-ONLY COPY).

The authoritative reference and input builder live on the scoring server;
editing this copy changes nothing except your own understanding.
"""

import jax, jax.numpy as jnp
import numpy as np

N, E, D_IN, D_OUT, D_EDGE = 10000, 320000, 128, 128, 16

def setup_inputs(seed: int = 0) -> dict:
    key = jax.random.key(seed)
    ks = jax.random.split(key, 6)
    h = jax.random.normal(ks[0], (N, D_IN), dtype=jnp.float32)
    edge_index = jax.random.randint(ks[1], (2, E), 0, N, dtype=jnp.int32)
    edge_attr = jax.random.normal(ks[2], (E, D_EDGE), dtype=jnp.float32)
    w_weight = jax.random.normal(ks[3], (D_OUT, D_IN), dtype=jnp.float32) / np.sqrt(D_IN)
    w_bias = jnp.zeros((D_OUT,), dtype=jnp.float32)
    a_weight = jax.random.normal(ks[4], (1, 2 * D_OUT + D_EDGE), dtype=jnp.float32) / np.sqrt(2 * D_OUT + D_EDGE)
    a_bias = jnp.zeros((1,), dtype=jnp.float32)
    return {"h": h, "edge_index": edge_index, "edge_attr": edge_attr,
            "w_weight": w_weight, "w_bias": w_bias, "a_weight": a_weight, "a_bias": a_bias}

def reference(h, edge_index, edge_attr, w_weight, w_bias, a_weight, a_bias):
    wh = h @ w_weight.T + w_bias                      # [N, D_OUT]
    out_size = wh.shape[0]
    row = edge_index[0]
    col = edge_index[1]
    a_input = jnp.concatenate([wh[row], wh[col], edge_attr], axis=-1)  # [E, 2*D_OUT+D_EDGE]
    e = jax.nn.leaky_relu(a_input @ a_weight.T + a_bias, negative_slope=0.01)  # [E, 1]
    # index_reduce_(0, row, e, 'amax', include_self=False) with fill -1e9
    max_e = jnp.full((out_size, 1), -1000000000.0, dtype=wh.dtype).at[row].max(e)
    e_stable = e - max_e[row]
    alpha = jnp.exp(e_stable)                         # [E, 1]
    weighted_wh = alpha * wh[col]                     # [E, D_OUT]
    out = jnp.zeros((out_size, wh.shape[1]), dtype=wh.dtype).at[row].add(weighted_wh)
    norm = jnp.zeros((out_size, 1), dtype=wh.dtype).at[row].add(alpha)
    return out / (norm + 1e-08)

if __name__ == "__main__":
    import jax
    _d = setup_inputs()
    print(jax.jit(kernel)(*tuple(_d.values())))

</pallas_src>

<mosaic_0001>
#map = affine_map<(d0, d1) -> (0, 0)>
#map1 = affine_map<(d0, d1) -> (0)>
#map2 = affine_map<(d0, d1) -> (0, 0, 0)>
module attributes {stable_mosaic.version = 14 : i64} {
  func.func @_sc_edges(%arg0: i32, %arg1: i32, %arg2: memref<10000x136xf32, #tpu.memory_space<hbm>>, %arg3: memref<10000xf32, #tpu.memory_space<hbm>>, %arg4: memref<10000xf32, #tpu.memory_space<hbm>>, %arg5: memref<5120000xf32, #tpu.memory_space<hbm>>, %arg6: memref<2x320000xi32, #tpu.memory_space<hbm>>, %arg7: memref<2x10000x128xf32, #tpu.memory_space<hbm>>, %arg8: memref<2x10000x8xf32, #tpu.memory_space<hbm>>, %arg9: memref<10000xf32, #tpu.memory_space<vmem>>, %arg10: memref<10000xf32, #tpu.memory_space<vmem>>, %arg11: memref<10000x136xf32, #tpu.memory_space<vmem_shared>>, %arg12: memref<80xi32, #tpu.memory_space<vmem>>, %arg13: memref<80xi32, #tpu.memory_space<vmem>>, %arg14: memref<1280xf32, #tpu.memory_space<vmem>>, %arg15: memref<80xf32, #tpu.memory_space<vmem>>, %arg16: memref<80xi32, #tpu.memory_space<vmem>>, %arg17: memref<80x8xf32, #tpu.memory_space<vmem>>, %arg18: memref<80x136xf32, #tpu.memory_space<vmem>>, %arg19: memref<!tpu.dma_semaphore, #tpu.memory_space<semaphore_mem>>, %arg20: memref<!tpu.dma_semaphore, #tpu.memory_space<semaphore_mem>>, %arg21: memref<!tpu.dma_semaphore, #tpu.memory_space<semaphore_mem>>, %arg22: memref<!tpu.dma_semaphore, #tpu.memory_space<semaphore_mem>>, %arg23: memref<!tpu.dma_semaphore, #tpu.memory_space<semaphore_mem>>, %arg24: memref<80xi32, #tpu.memory_space<vmem>>, %arg25: memref<80xi32, #tpu.memory_space<vmem>>, %arg26: memref<1280xf32, #tpu.memory_space<vmem>>, %arg27: memref<80xf32, #tpu.memory_space<vmem>>, %arg28: memref<80xi32, #tpu.memory_space<vmem>>, %arg29: memref<80x8xf32, #tpu.memory_space<vmem>>, %arg30: memref<80x136xf32, #tpu.memory_space<vmem>>, %arg31: memref<!tpu.dma_semaphore, #tpu.memory_space<semaphore_mem>>, %arg32: memref<!tpu.dma_semaphore, #tpu.memory_space<semaphore_mem>>, %arg33: memref<!tpu.dma_semaphore, #tpu.memory_space<semaphore_mem>>, %arg34: memref<!tpu.dma_semaphore, #tpu.memory_space<semaphore_mem>>, %arg35: memref<!tpu.dma_semaphore, #tpu.memory_space<semaphore_mem>>) attributes {dimension_semantics = [#tpu.dimension_semantics<core_parallel>, #tpu.dimension_semantics<subcore_parallel>], iteration_bounds = array<i64: 2, 16>, scalar_prefetch = 0 : i64, scratch_operands = 27 : i64, tpu.core_type = #tpu.core_type<sc_vector_subcore>, window_params = [{transform_indices = #map}, {transform_indices = #map1}, {transform_indices = #map1}, {transform_indices = #map1}, {transform_indices = #map}, {transform_indices = #map2}, {transform_indices = #map2}]} {
    %mul3A = arith.constant 16 : i32
    %mul3A_0 = arith.muli %arg0, %mul3A : i32
    %add3A = arith.addi %mul3A_0, %arg1 : i32
    %mul3A_1 = arith.constant 10000 : i32
    %mul3A_2 = arith.muli %add3A, %mul3A_1 : i32
    %mul3A_3 = arith.constant 625 : i32
    %mul3A_4 = arith.muli %arg1, %mul3A_3 : i32
    %iota3A = tpu.iota {dimensions = array<i32: 0>} : vector<16xi32>
    %jit3A = arith.constant 8 : i32
    %div3A = vector.broadcast %jit3A : i32 to vector<16xi32>
    %div3A_5 = arith.divsi %iota3A, %div3A : vector<16xi32>
    %sign3A = arith.constant 0 : i32
    %sign3A_6 = vector.broadcast %sign3A : i32 to vector<16xi32>
    %sign3A_7 = arith.cmpi sgt, %iota3A, %sign3A_6 : vector<16xi32>
    %sign3A_8 = arith.extui %sign3A_7 : vector<16xi1> to vector<16xi32>
    %sign3A_9 = arith.constant 0 : i32
    %sign3A_10 = vector.broadcast %sign3A_9 : i32 to vector<16xi32>
    %sign3A_11 = arith.cmpi slt, %iota3A, %sign3A_10 : vector<16xi32>
    %sign3A_12 = arith.extui %sign3A_11 : vector<16xi1> to vector<16xi32>
    %sign3A_13 = arith.subi %sign3A_8, %sign3A_12 : vector<16xi32>
    %sign3A_14 = arith.constant 0 : i32
    %sign3A_15 = arith.cmpi sgt, %jit3A, %sign3A_14 : i32
    %sign3A_16 = arith.extui %sign3A_15 : i1 to i32
    %sign3A_17 = arith.constant 0 : i32
    %sign3A_18 = arith.cmpi slt, %jit3A, %sign3A_17 : i32
    %sign3A_19 = arith.extui %sign3A_18 : i1 to i32
    %sign3A_20 = arith.subi %sign3A_16, %sign3A_19 : i32
    %ne3A = vector.broadcast %sign3A_20 : i32 to vector<16xi32>
    %ne3A_21 = arith.cmpi ne, %sign3A_13, %ne3A : vector<16xi32>
    %rem3A = vector.broadcast %jit3A : i32 to vector<16xi32>
    %rem3A_22 = arith.remsi %iota3A, %rem3A : vector<16xi32>
    %ne3A_23 = arith.constant 0 : i32
    %ne3A_24 = vector.broadcast %ne3A_23 : i32 to vector<16xi32>
    %ne3A_25 = arith.cmpi ne, %rem3A_22, %ne3A_24 : vector<16xi32>
    %and3A = arith.andi %ne3A_21, %ne3A_25 : vector<16xi1>
    %sub3A = arith.constant 1 : i32
    %sub3A_26 = vector.broadcast %sub3A : i32 to vector<16xi32>
    %sub3A_27 = arith.subi %div3A_5, %sub3A_26 : vector<16xi32>
    %select_n3A = arith.select %and3A, %sub3A_27, %div3A_5 : vector<16xi1>, vector<16xi32>
    %mul3A_28 = arith.constant 128 : i32
    %mul3A_29 = vector.broadcast %mul3A_28 : i32 to vector<16xi32>
    %mul3A_30 = arith.muli %select_n3A, %mul3A_29 : vector<16xi32>
    %jit3A_31 = arith.constant 8 : i32
    %eq3A = arith.constant 0 : i32
    %eq3A_32 = arith.cmpi eq, %jit3A_31, %eq3A : i32
    %jit3A_33 = arith.constant 1 : i32
    %select_n3A_34 = arith.select %eq3A_32, %jit3A_33, %jit3A_31 : i32
    %rem3A_35 = vector.broadcast %select_n3A_34 : i32 to vector<16xi32>
    %rem3A_36 = arith.remsi %iota3A, %rem3A_35 : vector<16xi32>
    %ne3A_37 = arith.constant 0 : i32
    %ne3A_38 = vector.broadcast %ne3A_37 : i32 to vector<16xi32>
    %ne3A_39 = arith.cmpi ne, %rem3A_36, %ne3A_38 : vector<16xi32>
    %lt3A = arith.constant 0 : i32
    %lt3A_40 = vector.broadcast %lt3A : i32 to vector<16xi32>
    %lt3A_41 = arith.cmpi slt, %rem3A_36, %lt3A_40 : vector<16xi32>
    %lt3A_42 = arith.constant 0 : i32
    %lt3A_43 = arith.cmpi slt, %select_n3A_34, %lt3A_42 : i32
    %ne3A_44 = vector.broadcast %lt3A_43 : i1 to vector<16xi1>
    %ne3A_45 = vector.broadcast %ne3A_44 : vector<16xi1> to vector<16xi1>
    %ne3A_46 = arith.xori %lt3A_41, %ne3A_45 : vector<16xi1>
    %and3A_47 = arith.andi %ne3A_46, %ne3A_39 : vector<16xi1>
    %add3A_48 = vector.broadcast %select_n3A_34 : i32 to vector<16xi32>
    %add3A_49 = arith.addi %rem3A_36, %add3A_48 : vector<16xi32>
    %select_n3A_50 = arith.select %and3A_47, %add3A_49, %rem3A_36 : vector<16xi1>, vector<16xi32>
    %add3A_51 = arith.addi %mul3A_30, %select_n3A_50 : vector<16xi32>
    %broadcast_in_dim3A = arith.constant 0.000000e+00 : f32
    %broadcast_in_dim3A_52 = vector.broadcast %broadcast_in_dim3A : f32 to vector<16xf32>
    %scan3A = arith.constant 0 : i32
    %scan3A_53 = arith.constant 80 : i32
    %scan3A_54 = arith.addi %scan3A, %scan3A_53 : i32
    %scan3A_55 = arith.constant 1 : i32
    scf.for %scan3A_744 = %scan3A to %scan3A_54 step %scan3A_55  : i32 {
      %mul3A_745 = arith.constant 1 : i32
      %mul3A_746 = arith.muli %scan3A_744, %mul3A_745 : i32
      %add3A_747 = arith.constant 0 : i32
      %add3A_748 = arith.addi %add3A_747, %mul3A_746 : i32
      %swap3A_749 = arith.index_cast %add3A_748 : i32 to index
      %swap3A_750 = arith.constant 0 : index
      %swap3A_751 = tpu.vector_load %arg18[%swap3A_749, %swap3A_750] {strides = array<i32>} : memref<80x136xf32, #tpu.memory_space<vmem>>, vector<16xf32>,
      tpu.vector_store %arg18[%swap3A_749, %swap3A_750], %broadcast_in_dim3A_52 {strides = array<i32>} : memref<80x136xf32, #tpu.memory_space<vmem>>, vector<16xf32>,
      %swap3A_752 = arith.index_cast %add3A_748 : i32 to index
      %swap3A_753 = arith.constant 16 : index
      %swap3A_754 = tpu.vector_load %arg18[%swap3A_752, %swap3A_753] {strides = array<i32>} : memref<80x136xf32, #tpu.memory_space<vmem>>, vector<16xf32>,
      tpu.vector_store %arg18[%swap3A_752, %swap3A_753], %broadcast_in_dim3A_52 {strides = array<i32>} : memref<80x136xf32, #tpu.memory_space<vmem>>, vector<16xf32>,
      %swap3A_755 = arith.index_cast %add3A_748 : i32 to index
      %swap3A_756 = arith.constant 32 : index
      %swap3A_757 = tpu.vector_load %arg18[%swap3A_755, %swap3A_756] {strides = array<i32>} : memref<80x136xf32, #tpu.memory_space<vmem>>, vector<16xf32>,
      tpu.vector_store %arg18[%swap3A_755, %swap3A_756], %broadcast_in_dim3A_52 {strides = array<i32>} : memref<80x136xf32, #tpu.memory_space<vmem>>, vector<16xf32>,
      %swap3A_758 = arith.index_cast %add3A_748 : i32 to index
      %swap3A_759 = arith.constant 48 : index
      %swap3A_760 = tpu.vector_load %arg18[%swap3A_758, %swap3A_759] {strides = array<i32>} : memref<80x136xf32, #tpu.memory_space<vmem>>, vector<16xf32>,
      tpu.vector_store %arg18[%swap3A_758, %swap3A_759], %broadcast_in_dim3A_52 {strides = array<i32>} : memref<80x136xf32, #tpu.memory_space<vmem>>, vector<16xf32>,
      %swap3A_761 = arith.index_cast %add3A_748 : i32 to index
      %swap3A_762 = arith.constant 64 : index
      %swap3A_763 = tpu.vector_load %arg18[%swap3A_761, %swap3A_762] {strides = array<i32>} : memref<80x136xf32, #tpu.memory_space<vmem>>, vector<16xf32>,
      tpu.vector_store %arg18[%swap3A_761, %swap3A_762], %broadcast_in_dim3A_52 {strides = array<i32>} : memref<80x136xf32, #tpu.memory_space<vmem>>, vector<16xf32>,
      %swap3A_764 = arith.index_cast %add3A_748 : i32 to index
      %swap3A_765 = arith.constant 80 : index
      %swap3A_766 = tpu.vector_load %arg18[%swap3A_764, %swap3A_765] {strides = array<i32>} : memref<80x136xf32, #tpu.memory_space<vmem>>, vector<16xf32>,
      tpu.vector_store %arg18[%swap3A_764, %swap3A_765], %broadcast_in_dim3A_52 {strides = array<i32>} : memref<80x136xf32, #tpu.memory_space<vmem>>, vector<16xf32>,
      %swap3A_767 = arith.index_cast %add3A_748 : i32 to index
      %swap3A_768 = arith.constant 96 : index
      %swap3A_769 = tpu.vector_load %arg18[%swap3A_767, %swap3A_768] {strides = array<i32>} : memref<80x136xf32, #tpu.memory_space<vmem>>, vector<16xf32>,
      tpu.vector_store %arg18[%swap3A_767, %swap3A_768], %broadcast_in_dim3A_52 {strides = array<i32>} : memref<80x136xf32, #tpu.memory_space<vmem>>, vector<16xf32>,
      %swap3A_770 = arith.index_cast %add3A_748 : i32 to index
      %swap3A_771 = arith.constant 112 : index
      %swap3A_772 = tpu.vector_load %arg18[%swap3A_770, %swap3A_771] {strides = array<i32>} : memref<80x136xf32, #tpu.memory_space<vmem>>, vector<16xf32>,
      tpu.vector_store %arg18[%swap3A_770, %swap3A_771], %broadcast_in_dim3A_52 {strides = array<i32>} : memref<80x136xf32, #tpu.memory_space<vmem>>, vector<16xf32>,
      %swap3A_773 = arith.index_cast %add3A_748 : i32 to index
      %swap3A_774 = arith.constant 120 : index
      %swap3A_775 = tpu.vector_load %arg18[%swap3A_773, %swap3A_774] {strides = array<i32>} : memref<80x136xf32, #tpu.memory_space<vmem>>, vector<16xf32>,
      tpu.vector_store %arg18[%swap3A_773, %swap3A_774], %broadcast_in_dim3A_52 {strides = array<i32>} : memref<80x136xf32, #tpu.memory_space<vmem>>, vector<16xf32>,
    }
    %scan3A_56 = arith.constant 80 : i32
    %scan3A_57 = arith.constant 0 : i32
    %scan3A_58 = arith.constant 7 : i32
    %scan3A_59 = arith.addi %scan3A_57, %scan3A_58 : i32
    %scan3A_60 = arith.constant 1 : i32
    scf.for %scan3A_744 = %scan3A_57 to %scan3A_59 step %scan3A_60  : i32 {
      %mul3A_745 = arith.constant 1 : i32
      %mul3A_746 = arith.muli %scan3A_744, %mul3A_745 : i32
      %add3A_747 = arith.constant 0 : i32
      %add3A_748 = arith.addi %add3A_747, %mul3A_746 : i32
      %mul3A_749 = arith.constant 80 : i32
      %mul3A_750 = arith.muli %add3A_748, %mul3A_749 : i32
      %add3A_751 = arith.addi %mul3A_4, %mul3A_750 : i32
      "tpu.region"() ({
        %run_scoped3A = tpu.sem_alloc : memref<!tpu.dma_semaphore, #tpu.memory_space<semaphore_mem>>
        %dma_start3A_752 = arith.constant 0 : i32
        %dma_start3A_753 = tpu.memref_slice %arg11[%add3A_751, %dma_start3A_752] : memref<10000x136xf32, #tpu.memory_space<vmem_shared>> -> memref<80x136xf32, #tpu.memory_space<vmem_shared>>
        %dma_start3A_754 = arith.constant 0 : i32
        %dma_start3A_755 = tpu.memref_slice %arg11[%add3A_751, %dma_start3A_754] : memref<10000x136xf32, #tpu.memory_space<vmem_shared>> -> memref<80x136xf32, #tpu.memory_space<vmem_shared>>
        tpu.enqueue_dma source(%arg18 : memref<80x136xf32, #tpu.memory_space<vmem>>) target(%dma_start3A_755 : memref<80x136xf32, #tpu.memory_space<vmem_shared>>) target_semaphore(%run_scoped3A : memref<!tpu.dma_semaphore, #tpu.memory_space<semaphore_mem>>)
        %dma_wait3A_756 = arith.constant 0 : i32
        %dma_wait3A_757 = tpu.memref_slice %arg11[%add3A_751, %dma_wait3A_756] : memref<10000x136xf32, #tpu.memory_space<vmem_shared>> -> memref<80x136xf32, #tpu.memory_space<vmem_shared>>
        %dma_wait3A_758 = arith.constant 0 : i32
        %dma_wait3A_759 = tpu.memref_slice %arg11[%add3A_751, %dma_wait3A_758] : memref<10000x136xf32, #tpu.memory_space<vmem_shared>> -> memref<80x136xf32, #tpu.memory_space<vmem_shared>>
        tpu.wait_dma2 semaphore(%run_scoped3A : memref<!tpu.dma_semaphore, #tpu.memory_space<semaphore_mem>>) src(%arg18 : memref<80x136xf32, #tpu.memory_space<vmem>>) dst(%dma_wait3A_759 : memref<80x136xf32, #tpu.memory_space<vmem_shared>>)
        tpu.yield
      }) : () -> ()
    }
    %scan3A_61 = arith.constant 7 : i32
    %add3A_62 = arith.constant 560 : i32
    %add3A_63 = arith.addi %mul3A_4, %add3A_62 : i32
    "tpu.region"() ({
      %run_scoped3A = tpu.sem_alloc : memref<!tpu.dma_semaphore, #tpu.memory_space<semaphore_mem>>
      %dma_start3A_744 = arith.constant 0 : i32
      %dma_start3A_745 = arith.constant 0 : i32
      %dma_start3A_746 = tpu.memref_slice %arg18[%dma_start3A_744, %dma_start3A_745] : memref<80x136xf32, #tpu.memory_space<vmem>> -> memref<65x136xf32, #tpu.memory_space<vmem>>
      %dma_start3A_747 = arith.constant 0 : i32
      %dma_start3A_748 = tpu.memref_slice %arg11[%add3A_63, %dma_start3A_747] : memref<10000x136xf32, #tpu.memory_space<vmem_shared>> -> memref<65x136xf32, #tpu.memory_space<vmem_shared>>
      %dma_start3A_749 = arith.constant 0 : i32
      %dma_start3A_750 = tpu.memref_slice %arg11[%add3A_63, %dma_start3A_749] : memref<10000x136xf32, #tpu.memory_space<vmem_shared>> -> memref<65x136xf32, #tpu.memory_space<vmem_shared>>
      %dma_start3A_751 = arith.constant 0 : i32
      %dma_start3A_752 = arith.constant 0 : i32
      %dma_start3A_753 = tpu.memref_slice %arg18[%dma_start3A_751, %dma_start3A_752] : memref<80x136xf32, #tpu.memory_space<vmem>> -> memref<65x136xf32, #tpu.memory_space<vmem>>
      tpu.enqueue_dma source(%dma_start3A_753 : memref<65x136xf32, #tpu.memory_space<vmem>>) target(%dma_start3A_750 : memref<65x136xf32, #tpu.memory_space<vmem_shared>>) target_semaphore(%run_scoped3A : memref<!tpu.dma_semaphore, #tpu.memory_space<semaphore_mem>>)
      %dma_wait3A_754 = arith.constant 0 : i32
      %dma_wait3A_755 = arith.constant 0 : i32
      %dma_wait3A_756 = tpu.memref_slice %arg18[%dma_wait3A_754, %dma_wait3A_755] : memref<80x136xf32, #tpu.memory_space<vmem>> -> memref<65x136xf32, #tpu.memory_space<vmem>>
      %dma_wait3A_757 = arith.constant 0 : i32
      %dma_wait3A_758 = tpu.memref_slice %arg11[%add3A_63, %dma_wait3A_757] : memref<10000x136xf32, #tpu.memory_space<vmem_shared>> -> memref<65x136xf32, #tpu.memory_space<vmem_shared>>
      %dma_wait3A_759 = arith.constant 0 : i32
      %dma_wait3A_760 = tpu.memref_slice %arg11[%add3A_63, %dma_wait3A_759] : memref<10000x136xf32, #tpu.memory_space<vmem_shared>> -> memref<65x136xf32, #tpu.memory_space<vmem_shared>>
      %dma_wait3A_761 = arith.constant 0 : i32
      %dma_wait3A_762 = arith.constant 0 : i32
      %dma_wait3A_763 = tpu.memref_slice %arg18[%dma_wait3A_761, %dma_wait3A_762] : memref<80x136xf32, #tpu.memory_space<vmem>> -> memref<65x136xf32, #tpu.memory_space<vmem>>
      tpu.wait_dma2 semaphore(%run_scoped3A : memref<!tpu.dma_semaphore, #tpu.memory_space<semaphore_mem>>) src(%dma_wait3A_763 : memref<65x136xf32, #tpu.memory_space<vmem>>) dst(%dma_wait3A_760 : memref<65x136xf32, #tpu.memory_space<vmem_shared>>)
      tpu.yield
    }) : () -> ()
    "tpu.region"() ({
      %run_scoped3A = tpu.sem_alloc : memref<!tpu.dma_semaphore, #tpu.memory_space<semaphore_mem>>
      tpu.enqueue_dma source(%arg3 : memref<10000xf32, #tpu.memory_space<hbm>>) target(%arg9 : memref<10000xf32, #tpu.memory_space<vmem>>) target_semaphore(%run_scoped3A : memref<!tpu.dma_semaphore, #tpu.memory_space<semaphore_mem>>)
      tpu.wait_dma2 semaphore(%run_scoped3A : memref<!tpu.dma_semaphore, #tpu.memory_space<semaphore_mem>>) src(%arg3 : memref<10000xf32, #tpu.memory_space<hbm>>) dst(%arg9 : memref<10000xf32, #tpu.memory_space<vmem>>)
      tpu.yield
    }) : () -> ()
    "tpu.region"() ({
      %run_scoped3A = tpu.sem_alloc : memref<!tpu.dma_semaphore, #tpu.memory_space<semaphore_mem>>
      tpu.enqueue_dma source(%arg4 : memref<10000xf32, #tpu.memory_space<hbm>>) target(%arg10 : memref<10000xf32, #tpu.memory_space<vmem>>) target_semaphore(%run_scoped3A : memref<!tpu.dma_semaphore, #tpu.memory_space<semaphore_mem>>)
      tpu.wait_dma2 semaphore(%run_scoped3A : memref<!tpu.dma_semaphore, #tpu.memory_space<semaphore_mem>>) src(%arg4 : memref<10000xf32, #tpu.memory_space<hbm>>) dst(%arg10 : memref<10000xf32, #tpu.memory_space<vmem>>)
      tpu.yield
    }) : () -> ()
    %barrier3A = arith.constant 0 : index
    tpu.barrier barrier_id(%barrier3A)
    %add3A_64 = arith.constant 0 : i32
    %add3A_65 = arith.addi %mul3A_2, %add3A_64 : i32
    %dma_start3A = arith.constant 0 : i32
    %dma_start3A_66 = tpu.memref_slice %arg6[%dma_start3A, %add3A_65] : memref<2x320000xi32, #tpu.memory_space<hbm>> -> memref<1x80xi32, #tpu.memory_space<hbm>>
    %dma_start3A_67 = tpu.memref_squeeze %dma_start3A_66 : memref<1x80xi32, #tpu.memory_space<hbm>> -> memref<80xi32, #tpu.memory_space<hbm>>
    %dma_start3A_68 = tpu.memref_slice %arg6[%dma_start3A, %add3A_65] : memref<2x320000xi32, #tpu.memory_space<hbm>> -> memref<1x80xi32, #tpu.memory_space<hbm>>
    %dma_start3A_69 = tpu.memref_squeeze %dma_start3A_68 : memref<1x80xi32, #tpu.memory_space<hbm>> -> memref<80xi32, #tpu.memory_space<hbm>>
    tpu.enqueue_dma source(%dma_start3A_69 : memref<80xi32, #tpu.memory_space<hbm>>) target(%arg12 : memref<80xi32, #tpu.memory_space<vmem>>) target_semaphore(%arg19 : memref<!tpu.dma_semaphore, #tpu.memory_space<semaphore_mem>>)
    %dma_start3A_70 = arith.constant 1 : i32
    %dma_start3A_71 = tpu.memref_slice %arg6[%dma_start3A_70, %add3A_65] : memref<2x320000xi32, #tpu.memory_space<hbm>> -> memref<1x80xi32, #tpu.memory_space<hbm>>
    %dma_start3A_72 = tpu.memref_squeeze %dma_start3A_71 : memref<1x80xi32, #tpu.memory_space<hbm>> -> memref<80xi32, #tpu.memory_space<hbm>>
    %dma_start3A_73 = tpu.memref_slice %arg6[%dma_start3A_70, %add3A_65] : memref<2x320000xi32, #tpu.memory_space<hbm>> -> memref<1x80xi32, #tpu.memory_space<hbm>>
    %dma_start3A_74 = tpu.memref_squeeze %dma_start3A_73 : memref<1x80xi32, #tpu.memory_space<hbm>> -> memref<80xi32, #tpu.memory_space<hbm>>
    tpu.enqueue_dma source(%dma_start3A_74 : memref<80xi32, #tpu.memory_space<hbm>>) target(%arg13 : memref<80xi32, #tpu.memory_space<vmem>>) target_semaphore(%arg20 : memref<!tpu.dma_semaphore, #tpu.memory_space<semaphore_mem>>)
    %jit3A_75 = arith.constant 8 : i32
    %div3A_76 = arith.divsi %add3A_65, %jit3A_75 : i32
    %sign3A_77 = arith.constant 0 : i32
    %sign3A_78 = arith.cmpi sgt, %add3A_65, %sign3A_77 : i32
    %sign3A_79 = arith.extui %sign3A_78 : i1 to i32
    %sign3A_80 = arith.constant 0 : i32
    %sign3A_81 = arith.cmpi slt, %add3A_65, %sign3A_80 : i32
    %sign3A_82 = arith.extui %sign3A_81 : i1 to i32
    %sign3A_83 = arith.subi %sign3A_79, %sign3A_82 : i32
    %sign3A_84 = arith.constant 0 : i32
    %sign3A_85 = arith.cmpi sgt, %jit3A_75, %sign3A_84 : i32
    %sign3A_86 = arith.extui %sign3A_85 : i1 to i32
    %sign3A_87 = arith.constant 0 : i32
    %sign3A_88 = arith.cmpi slt, %jit3A_75, %sign3A_87 : i32
    %sign3A_89 = arith.extui %sign3A_88 : i1 to i32
    %sign3A_90 = arith.subi %sign3A_86, %sign3A_89 : i32
    %ne3A_91 = arith.cmpi ne, %sign3A_83, %sign3A_90 : i32
    %rem3A_92 = arith.remsi %add3A_65, %jit3A_75 : i32
    %ne3A_93 = arith.constant 0 : i32
    %ne3A_94 = arith.cmpi ne, %rem3A_92, %ne3A_93 : i32
    %and3A_95 = arith.andi %ne3A_91, %ne3A_94 : i1
    %sub3A_96 = arith.constant 1 : i32
    %sub3A_97 = arith.subi %div3A_76, %sub3A_96 : i32
    %select_n3A_98 = arith.select %and3A_95, %sub3A_97, %div3A_76 : i32
    %mul3A_99 = arith.constant 128 : i32
    %mul3A_100 = arith.muli %select_n3A_98, %mul3A_99 : i32
    %dma_start3A_101 = tpu.memref_slice %arg5[%mul3A_100] : memref<5120000xf32, #tpu.memory_space<hbm>> -> memref<1280xf32, #tpu.memory_space<hbm>>
    %dma_start3A_102 = tpu.memref_slice %arg5[%mul3A_100] : memref<5120000xf32, #tpu.memory_space<hbm>> -> memref<1280xf32, #tpu.memory_space<hbm>>
    tpu.enqueue_dma source(%dma_start3A_102 : memref<1280xf32, #tpu.memory_space<hbm>>) target(%arg14 : memref<1280xf32, #tpu.memory_space<vmem>>) target_semaphore(%arg21 : memref<!tpu.dma_semaphore, #tpu.memory_space<semaphore_mem>>)
    %add3A_103 = arith.constant 0 : i32
    %add3A_104 = arith.addi %mul3A_2, %add3A_103 : i32
    %dma_wait3A = arith.constant 0 : i32
    %dma_wait3A_105 = tpu.memref_slice %arg6[%dma_wait3A, %add3A_104] : memref<2x320000xi32, #tpu.memory_space<hbm>> -> memref<1x80xi32, #tpu.memory_space<hbm>>
    %dma_wait3A_106 = tpu.memref_squeeze %dma_wait3A_105 : memref<1x80xi32, #tpu.memory_space<hbm>> -> memref<80xi32, #tpu.memory_space<hbm>>
    %dma_wait3A_107 = tpu.memref_slice %arg6[%dma_wait3A, %add3A_104] : memref<2x320000xi32, #tpu.memory_space<hbm>> -> memref<1x80xi32, #tpu.memory_space<hbm>>
    %dma_wait3A_108 = tpu.memref_squeeze %dma_wait3A_107 : memref<1x80xi32, #tpu.memory_space<hbm>> -> memref<80xi32, #tpu.memory_space<hbm>>
    tpu.wait_dma2 semaphore(%arg19 : memref<!tpu.dma_semaphore, #tpu.memory_space<semaphore_mem>>) src(%dma_wait3A_108 : memref<80xi32, #tpu.memory_space<hbm>>) dst(%arg12 : memref<80xi32, #tpu.memory_space<vmem>>)
    %dma_wait3A_109 = arith.constant 1 : i32
    %dma_wait3A_110 = tpu.memref_slice %arg6[%dma_wait3A_109, %add3A_104] : memref<2x320000xi32, #tpu.memory_space<hbm>> -> memref<1x80xi32, #tpu.memory_space<hbm>>
    %dma_wait3A_111 = tpu.memref_squeeze %dma_wait3A_110 : memref<1x80xi32, #tpu.memory_space<hbm>> -> memref<80xi32, #tpu.memory_space<hbm>>
    %dma_wait3A_112 = tpu.memref_slice %arg6[%dma_wait3A_109, %add3A_104] : memref<2x320000xi32, #tpu.memory_space<hbm>> -> memref<1x80xi32, #tpu.memory_space<hbm>>
    %dma_wait3A_113 = tpu.memref_squeeze %dma_wait3A_112 : memref<1x80xi32, #tpu.memory_space<hbm>> -> memref<80xi32, #tpu.memory_space<hbm>>
    tpu.wait_dma2 semaphore(%arg20 : memref<!tpu.dma_semaphore, #tpu.memory_space<semaphore_mem>>) src(%dma_wait3A_113 : memref<80xi32, #tpu.memory_space<hbm>>) dst(%arg13 : memref<80xi32, #tpu.memory_space<vmem>>)
    %jit3A_114 = arith.constant 8 : i32
    %div3A_115 = arith.divsi %add3A_104, %jit3A_114 : i32
    %sign3A_116 = arith.constant 0 : i32
    %sign3A_117 = arith.cmpi sgt, %add3A_104, %sign3A_116 : i32
    %sign3A_118 = arith.extui %sign3A_117 : i1 to i32
    %sign3A_119 = arith.constant 0 : i32
    %sign3A_120 = arith.cmpi slt, %add3A_104, %sign3A_119 : i32
    %sign3A_121 = arith.extui %sign3A_120 : i1 to i32
    %sign3A_122 = arith.subi %sign3A_118, %sign3A_121 : i32
    %sign3A_123 = arith.constant 0 : i32
    %sign3A_124 = arith.cmpi sgt, %jit3A_114, %sign3A_123 : i32
    %sign3A_125 = arith.extui %sign3A_124 : i1 to i32
    %sign3A_126 = arith.constant 0 : i32
    %sign3A_127 = arith.cmpi slt, %jit3A_114, %sign3A_126 : i32
    %sign3A_128 = arith.extui %sign3A_127 : i1 to i32
    %sign3A_129 = arith.subi %sign3A_125, %sign3A_128 : i32
    %ne3A_130 = arith.cmpi ne, %sign3A_122, %sign3A_129 : i32
    %rem3A_131 = arith.remsi %add3A_104, %jit3A_114 : i32
    %ne3A_132 = arith.constant 0 : i32
    %ne3A_133 = arith.cmpi ne, %rem3A_131, %ne3A_132 : i32
    %and3A_134 = arith.andi %ne3A_130, %ne3A_133 : i1
    %sub3A_135 = arith.constant 1 : i32
    %sub3A_136 = arith.subi %div3A_115, %sub3A_135 : i32
    %select_n3A_137 = arith.select %and3A_134, %sub3A_136, %div3A_115 : i32
    %mul3A_138 = arith.constant 128 : i32
    %mul3A_139 = arith.muli %select_n3A_137, %mul3A_138 : i32
    %dma_wait3A_140 = tpu.memref_slice %arg5[%mul3A_139] : memref<5120000xf32, #tpu.memory_space<hbm>> -> memref<1280xf32, #tpu.memory_space<hbm>>
    %dma_wait3A_141 = tpu.memref_slice %arg5[%mul3A_139] : memref<5120000xf32, #tpu.memory_space<hbm>> -> memref<1280xf32, #tpu.memory_space<hbm>>
    tpu.wait_dma2 semaphore(%arg21 : memref<!tpu.dma_semaphore, #tpu.memory_space<semaphore_mem>>) src(%dma_wait3A_141 : memref<1280xf32, #tpu.memory_space<hbm>>) dst(%arg14 : memref<1280xf32, #tpu.memory_space<vmem>>)
    %dma_start3A_142 = arith.constant 0 : i32
    %dma_start3A_143 = arith.constant 0 : i32
    %dma_start3A_144 = tpu.memref_slice %arg2[%dma_start3A_142, %dma_start3A_143] : memref<10000x136xf32, #tpu.memory_space<hbm>> -> memref<10000x136xf32, #tpu.memory_space<hbm>>
    tpu.enqueue_indirect_dma source(%dma_start3A_144 : memref<10000x136xf32, #tpu.memory_space<hbm>>) target(%arg18 : memref<80x136xf32, #tpu.memory_space<vmem>>) offsets(%arg13 : memref<80xi32, #tpu.memory_space<vmem>>) semaphore(%arg22 : memref<!tpu.dma_semaphore, #tpu.memory_space<semaphore_mem>>)
    %add3A_145 = arith.constant 80 : i32
    %add3A_146 = arith.addi %mul3A_2, %add3A_145 : i32
    %dma_start3A_147 = arith.constant 0 : i32
    %dma_start3A_148 = tpu.memref_slice %arg6[%dma_start3A_147, %add3A_146] : memref<2x320000xi32, #tpu.memory_space<hbm>> -> memref<1x80xi32, #tpu.memory_space<hbm>>
    %dma_start3A_149 = tpu.memref_squeeze %dma_start3A_148 : memref<1x80xi32, #tpu.memory_space<hbm>> -> memref<80xi32, #tpu.memory_space<hbm>>
    %dma_start3A_150 = tpu.memref_slice %arg6[%dma_start3A_147, %add3A_146] : memref<2x320000xi32, #tpu.memory_space<hbm>> -> memref<1x80xi32, #tpu.memory_space<hbm>>
    %dma_start3A_151 = tpu.memref_squeeze %dma_start3A_150 : memref<1x80xi32, #tpu.memory_space<hbm>> -> memref<80xi32, #tpu.memory_space<hbm>>
    tpu.enqueue_dma source(%dma_start3A_151 : memref<80xi32, #tpu.memory_space<hbm>>) target(%arg24 : memref<80xi32, #tpu.memory_space<vmem>>) target_semaphore(%arg31 : memref<!tpu.dma_semaphore, #tpu.memory_space<semaphore_mem>>)
    %dma_start3A_152 = arith.constant 1 : i32
    %dma_start3A_153 = tpu.memref_slice %arg6[%dma_start3A_152, %add3A_146] : memref<2x320000xi32, #tpu.memory_space<hbm>> -> memref<1x80xi32, #tpu.memory_space<hbm>>
    %dma_start3A_154 = tpu.memref_squeeze %dma_start3A_153 : memref<1x80xi32, #tpu.memory_space<hbm>> -> memref<80xi32, #tpu.memory_space<hbm>>
    %dma_start3A_155 = tpu.memref_slice %arg6[%dma_start3A_152, %add3A_146] : memref<2x320000xi32, #tpu.memory_space<hbm>> -> memref<1x80xi32, #tpu.memory_space<hbm>>
    %dma_start3A_156 = tpu.memref_squeeze %dma_start3A_155 : memref<1x80xi32, #tpu.memory_space<hbm>> -> memref<80xi32, #tpu.memory_space<hbm>>
    tpu.enqueue_dma source(%dma_start3A_156 : memref<80xi32, #tpu.memory_space<hbm>>) target(%arg25 : memref<80xi32, #tpu.memory_space<vmem>>) target_semaphore(%arg32 : memref<!tpu.dma_semaphore, #tpu.memory_space<semaphore_mem>>)
    %jit3A_157 = arith.constant 8 : i32
    %div3A_158 = arith.divsi %add3A_146, %jit3A_157 : i32
    %sign3A_159 = arith.constant 0 : i32
    %sign3A_160 = arith.cmpi sgt, %add3A_146, %sign3A_159 : i32
    %sign3A_161 = arith.extui %sign3A_160 : i1 to i32
    %sign3A_162 = arith.constant 0 : i32
    %sign3A_163 = arith.cmpi slt, %add3A_146, %sign3A_162 : i32
    %sign3A_164 = arith.extui %sign3A_163 : i1 to i32
    %sign3A_165 = arith.subi %sign3A_161, %sign3A_164 : i32
    %sign3A_166 = arith.constant 0 : i32
    %sign3A_167 = arith.cmpi sgt, %jit3A_157, %sign3A_166 : i32
    %sign3A_168 = arith.extui %sign3A_167 : i1 to i32
    %sign3A_169 = arith.constant 0 : i32
    %sign3A_170 = arith.cmpi slt, %jit3A_157, %sign3A_169 : i32
    %sign3A_171 = arith.extui %sign3A_170 : i1 to i32
    %sign3A_172 = arith.subi %sign3A_168, %sign3A_171 : i32
    %ne3A_173 = arith.cmpi ne, %sign3A_165, %sign3A_172 : i32
    %rem3A_174 = arith.remsi %add3A_146, %jit3A_157 : i32
    %ne3A_175 = arith.constant 0 : i32
    %ne3A_176 = arith.cmpi ne, %rem3A_174, %ne3A_175 : i32
    %and3A_177 = arith.andi %ne3A_173, %ne3A_176 : i1
    %sub3A_178 = arith.constant 1 : i32
    %sub3A_179 = arith.subi %div3A_158, %sub3A_178 : i32
    %select_n3A_180 = arith.select %and3A_177, %sub3A_179, %div3A_158 : i32
    %mul3A_181 = arith.constant 128 : i32
    %mul3A_182 = arith.muli %select_n3A_180, %mul3A_181 : i32
    %dma_start3A_183 = tpu.memref_slice %arg5[%mul3A_182] : memref<5120000xf32, #tpu.memory_space<hbm>> -> memref<1280xf32, #tpu.memory_space<hbm>>
    %dma_start3A_184 = tpu.memref_slice %arg5[%mul3A_182] : memref<5120000xf32, #tpu.memory_space<hbm>> -> memref<1280xf32, #tpu.memory_space<hbm>>
    tpu.enqueue_dma source(%dma_start3A_184 : memref<1280xf32, #tpu.memory_space<hbm>>) target(%arg26 : memref<1280xf32, #tpu.memory_space<vmem>>) target_semaphore(%arg33 : memref<!tpu.dma_semaphore, #tpu.memory_space<semaphore_mem>>)
    %get3A = arith.constant 0 : index
    %get3A_185 = tpu.vector_load %arg12[%get3A] {strides = array<i32>} : memref<80xi32, #tpu.memory_space<vmem>>, vector<16xi32>,
    %get3A_186 = arith.constant 0 : index
    %get3A_187 = tpu.vector_load %arg13[%get3A_186] {strides = array<i32>} : memref<80xi32, #tpu.memory_space<vmem>>, vector<16xi32>,
    %add3A_188 = arith.constant 0 : i32
    %add3A_189 = vector.broadcast %add3A_188 : i32 to vector<16xi32>
    %add3A_190 = arith.addi %add3A_51, %add3A_189 : vector<16xi32>
    %gather3A = tpu.vector_load_idx %arg14[%add3A_190] : memref<1280xf32, #tpu.memory_space<vmem>>[vector<16xi32>], vector<16xf32>,
    %gather3A_191 = tpu.vector_load_idx %arg9[%get3A_185] : memref<10000xf32, #tpu.memory_space<vmem>>[vector<16xi32>], vector<16xf32>,
    %gather3A_192 = tpu.vector_load_idx %arg10[%get3A_187] : memref<10000xf32, #tpu.memory_space<vmem>>[vector<16xi32>], vector<16xf32>,
    %add3A_193 = arith.addf %gather3A_191, %gather3A_192 : vector<16xf32>
    %add3A_194 = arith.addf %add3A_193, %gather3A : vector<16xf32>
    %gt3A = arith.constant 0.000000e+00 : f32
    %gt3A_195 = vector.broadcast %gt3A : f32 to vector<16xf32>
    %gt3A_196 = arith.cmpf ogt, %add3A_194, %gt3A_195 : vector<16xf32>
    %mul3A_197 = arith.constant 0.00999999977 : f32
    %mul3A_198 = vector.broadcast %mul3A_197 : f32 to vector<16xf32>
    %mul3A_199 = arith.mulf %add3A_194, %mul3A_198 : vector<16xf32>
    %select_n3A_200 = arith.select %gt3A_196, %add3A_194, %mul3A_199 : vector<16xi1>, vector<16xf32>
    %exp3A = math.exp %select_n3A_200 : vector<16xf32>
    %swap3A = arith.constant 0 : index
    %swap3A_201 = tpu.vector_load %arg15[%swap3A] {strides = array<i32>} : memref<80xf32, #tpu.memory_space<vmem>>, vector<16xf32>,
    tpu.vector_store %arg15[%swap3A], %exp3A {strides = array<i32>} : memref<80xf32, #tpu.memory_space<vmem>>, vector<16xf32>,
    %get3A_202 = arith.constant 16 : index
    %get3A_203 = tpu.vector_load %arg12[%get3A_202] {strides = array<i32>} : memref<80xi32, #tpu.memory_space<vmem>>, vector<16xi32>,
    %get3A_204 = arith.constant 16 : index
    %get3A_205 = tpu.vector_load %arg13[%get3A_204] {strides = array<i32>} : memref<80xi32, #tpu.memory_space<vmem>>, vector<16xi32>,
    %add3A_206 = arith.constant 256 : i32
    %add3A_207 = vector.broadcast %add3A_206 : i32 to vector<16xi32>
    %add3A_208 = arith.addi %add3A_51, %add3A_207 : vector<16xi32>
    %gather3A_209 = tpu.vector_load_idx %arg14[%add3A_208] : memref<1280xf32, #tpu.memory_space<vmem>>[vector<16xi32>], vector<16xf32>,
    %gather3A_210 = tpu.vector_load_idx %arg9[%get3A_203] : memref<10000xf32, #tpu.memory_space<vmem>>[vector<16xi32>], vector<16xf32>,
    %gather3A_211 = tpu.vector_load_idx %arg10[%get3A_205] : memref<10000xf32, #tpu.memory_space<vmem>>[vector<16xi32>], vector<16xf32>,
    %add3A_212 = arith.addf %gather3A_210, %gather3A_211 : vector<16xf32>
    %add3A_213 = arith.addf %add3A_212, %gather3A_209 : vector<16xf32>
    %gt3A_214 = arith.constant 0.000000e+00 : f32
    %gt3A_215 = vector.broadcast %gt3A_214 : f32 to vector<16xf32>
    %gt3A_216 = arith.cmpf ogt, %add3A_213, %gt3A_215 : vector<16xf32>
    %mul3A_217 = arith.constant 0.00999999977 : f32
    %mul3A_218 = vector.broadcast %mul3A_217 : f32 to vector<16xf32>
    %mul3A_219 = arith.mulf %add3A_213, %mul3A_218 : vector<16xf32>
    %select_n3A_220 = arith.select %gt3A_216, %add3A_213, %mul3A_219 : vector<16xi1>, vector<16xf32>
    %exp3A_221 = math.exp %select_n3A_220 : vector<16xf32>
    %swap3A_222 = arith.constant 16 : index
    %swap3A_223 = tpu.vector_load %arg15[%swap3A_222] {strides = array<i32>} : memref<80xf32, #tpu.memory_space<vmem>>, vector<16xf32>,
    tpu.vector_store %arg15[%swap3A_222], %exp3A_221 {strides = array<i32>} : memref<80xf32, #tpu.memory_space<vmem>>, vector<16xf32>,
    %get3A_224 = arith.constant 32 : index
    %get3A_225 = tpu.vector_load %arg12[%get3A_224] {strides = array<i32>} : memref<80xi32, #tpu.memory_space<vmem>>, vector<16xi32>,
    %get3A_226 = arith.constant 32 : index
    %get3A_227 = tpu.vector_load %arg13[%get3A_226] {strides = array<i32>} : memref<80xi32, #tpu.memory_space<vmem>>, vector<16xi32>,
    %add3A_228 = arith.constant 512 : i32
    %add3A_229 = vector.broadcast %add3A_228 : i32 to vector<16xi32>
    %add3A_230 = arith.addi %add3A_51, %add3A_229 : vector<16xi32>
    %gather3A_231 = tpu.vector_load_idx %arg14[%add3A_230] : memref<1280xf32, #tpu.memory_space<vmem>>[vector<16xi32>], vector<16xf32>,
    %gather3A_232 = tpu.vector_load_idx %arg9[%get3A_225] : memref<10000xf32, #tpu.memory_space<vmem>>[vector<16xi32>], vector<16xf32>,
    %gather3A_233 = tpu.vector_load_idx %arg10[%get3A_227] : memref<10000xf32, #tpu.memory_space<vmem>>[vector<16xi32>], vector<16xf32>,
    %add3A_234 = arith.addf %gather3A_232, %gather3A_233 : vector<16xf32>
    %add3A_235 = arith.addf %add3A_234, %gather3A_231 : vector<16xf32>
    %gt3A_236 = arith.constant 0.000000e+00 : f32
    %gt3A_237 = vector.broadcast %gt3A_236 : f32 to vector<16xf32>
    %gt3A_238 = arith.cmpf ogt, %add3A_235, %gt3A_237 : vector<16xf32>
    %mul3A_239 = arith.constant 0.00999999977 : f32
    %mul3A_240 = vector.broadcast %mul3A_239 : f32 to vector<16xf32>
    %mul3A_241 = arith.mulf %add3A_235, %mul3A_240 : vector<16xf32>
    %select_n3A_242 = arith.select %gt3A_238, %add3A_235, %mul3A_241 : vector<16xi1>, vector<16xf32>
    %exp3A_243 = math.exp %select_n3A_242 : vector<16xf32>
    %swap3A_244 = arith.constant 32 : index
    %swap3A_245 = tpu.vector_load %arg15[%swap3A_244] {strides = array<i32>} : memref<80xf32, #tpu.memory_space<vmem>>, vector<16xf32>,
    tpu.vector_store %arg15[%swap3A_244], %exp3A_243 {strides = array<i32>} : memref<80xf32, #tpu.memory_space<vmem>>, vector<16xf32>,
    %get3A_246 = arith.constant 48 : index
    %get3A_247 = tpu.vector_load %arg12[%get3A_246] {strides = array<i32>} : memref<80xi32, #tpu.memory_space<vmem>>, vector<16xi32>,
    %get3A_248 = arith.constant 48 : index
    %get3A_249 = tpu.vector_load %arg13[%get3A_248] {strides = array<i32>} : memref<80xi32, #tpu.memory_space<vmem>>, vector<16xi32>,
    %add3A_250 = arith.constant 768 : i32
    %add3A_251 = vector.broadcast %add3A_250 : i32 to vector<16xi32>
    %add3A_252 = arith.addi %add3A_51, %add3A_251 : vector<16xi32>
    %gather3A_253 = tpu.vector_load_idx %arg14[%add3A_252] : memref<1280xf32, #tpu.memory_space<vmem>>[vector<16xi32>], vector<16xf32>,
    %gather3A_254 = tpu.vector_load_idx %arg9[%get3A_247] : memref<10000xf32, #tpu.memory_space<vmem>>[vector<16xi32>], vector<16xf32>,
    %gather3A_255 = tpu.vector_load_idx %arg10[%get3A_249] : memref<10000xf32, #tpu.memory_space<vmem>>[vector<16xi32>], vector<16xf32>,
    %add3A_256 = arith.addf %gather3A_254, %gather3A_255 : vector<16xf32>
    %add3A_257 = arith.addf %add3A_256, %gather3A_253 : vector<16xf32>
    %gt3A_258 = arith.constant 0.000000e+00 : f32
    %gt3A_259 = vector.broadcast %gt3A_258 : f32 to vector<16xf32>
    %gt3A_260 = arith.cmpf ogt, %add3A_257, %gt3A_259 : vector<16xf32>
    %mul3A_261 = arith.constant 0.00999999977 : f32
    %mul3A_262 = vector.broadcast %mul3A_261 : f32 to vector<16xf32>
    %mul3A_263 = arith.mulf %add3A_257, %mul3A_262 : vector<16xf32>
    %select_n3A_264 = arith.select %gt3A_260, %add3A_257, %mul3A_263 : vector<16xi1>, vector<16xf32>
    %exp3A_265 = math.exp %select_n3A_264 : vector<16xf32>
    %swap3A_266 = arith.constant 48 : index
    %swap3A_267 = tpu.vector_load %arg15[%swap3A_266] {strides = array<i32>} : memref<80xf32, #tpu.memory_space<vmem>>, vector<16xf32>,
    tpu.vector_store %arg15[%swap3A_266], %exp3A_265 {strides = array<i32>} : memref<80xf32, #tpu.memory_space<vmem>>, vector<16xf32>,
    %get3A_268 = arith.constant 64 : index
    %get3A_269 = tpu.vector_load %arg12[%get3A_268] {strides = array<i32>} : memref<80xi32, #tpu.memory_space<vmem>>, vector<16xi32>,
    %get3A_270 = arith.constant 64 : index
    %get3A_271 = tpu.vector_load %arg13[%get3A_270] {strides = array<i32>} : memref<80xi32, #tpu.memory_space<vmem>>, vector<16xi32>,
    %add3A_272 = arith.constant 1024 : i32
    %add3A_273 = vector.broadcast %add3A_272 : i32 to vector<16xi32>
    %add3A_274 = arith.addi %add3A_51, %add3A_273 : vector<16xi32>
    %gather3A_275 = tpu.vector_load_idx %arg14[%add3A_274] : memref<1280xf32, #tpu.memory_space<vmem>>[vector<16xi32>], vector<16xf32>,
    %gather3A_276 = tpu.vector_load_idx %arg9[%get3A_269] : memref<10000xf32, #tpu.memory_space<vmem>>[vector<16xi32>], vector<16xf32>,
    %gather3A_277 = tpu.vector_load_idx %arg10[%get3A_271] : memref<10000xf32, #tpu.memory_space<vmem>>[vector<16xi32>], vector<16xf32>,
    %add3A_278 = arith.addf %gather3A_276, %gather3A_277 : vector<16xf32>
    %add3A_279 = arith.addf %add3A_278, %gather3A_275 : vector<16xf32>
    %gt3A_280 = arith.constant 0.000000e+00 : f32
    %gt3A_281 = vector.broadcast %gt3A_280 : f32 to vector<16xf32>
    %gt3A_282 = arith.cmpf ogt, %add3A_279, %gt3A_281 : vector<16xf32>
    %mul3A_283 = arith.constant 0.00999999977 : f32
    %mul3A_284 = vector.broadcast %mul3A_283 : f32 to vector<16xf32>
    %mul3A_285 = arith.mulf %add3A_279, %mul3A_284 : vector<16xf32>
    %select_n3A_286 = arith.select %gt3A_282, %add3A_279, %mul3A_285 : vector<16xi1>, vector<16xf32>
    %exp3A_287 = math.exp %select_n3A_286 : vector<16xf32>
    %swap3A_288 = arith.constant 64 : index
    %swap3A_289 = tpu.vector_load %arg15[%swap3A_288] {strides = array<i32>} : memref<80xf32, #tpu.memory_space<vmem>>, vector<16xf32>,
    tpu.vector_store %arg15[%swap3A_288], %exp3A_287 {strides = array<i32>} : memref<80xf32, #tpu.memory_space<vmem>>, vector<16xf32>,
    %dma_wait3A_290 = arith.constant 0 : i32
    %dma_wait3A_291 = arith.constant 0 : i32
    %dma_wait3A_292 = tpu.memref_slice %arg2[%dma_wait3A_290, %dma_wait3A_291] : memref<10000x136xf32, #tpu.memory_space<hbm>> -> memref<10000x136xf32, #tpu.memory_space<hbm>>
    tpu.wait_indirect_dma semaphore(%arg22 : memref<!tpu.dma_semaphore, #tpu.memory_space<semaphore_mem>>) src(%dma_wait3A_292 : memref<10000x136xf32, #tpu.memory_space<hbm>>) dst(%arg18 : memref<80x136xf32, #tpu.memory_space<vmem>>)
    %add3A_293 = arith.constant 80 : i32
    %add3A_294 = arith.addi %mul3A_2, %add3A_293 : i32
    %dma_wait3A_295 = arith.constant 0 : i32
    %dma_wait3A_296 = tpu.memref_slice %arg6[%dma_wait3A_295, %add3A_294] : memref<2x320000xi32, #tpu.memory_space<hbm>> -> memref<1x80xi32, #tpu.memory_space<hbm>>
    %dma_wait3A_297 = tpu.memref_squeeze %dma_wait3A_296 : memref<1x80xi32, #tpu.memory_space<hbm>> -> memref<80xi32, #tpu.memory_space<hbm>>
    %dma_wait3A_298 = tpu.memref_slice %arg6[%dma_wait3A_295, %add3A_294] : memref<2x320000xi32, #tpu.memory_space<hbm>> -> memref<1x80xi32, #tpu.memory_space<hbm>>
    %dma_wait3A_299 = tpu.memref_squeeze %dma_wait3A_298 : memref<1x80xi32, #tpu.memory_space<hbm>> -> memref<80xi32, #tpu.memory_space<hbm>>
    tpu.wait_dma2 semaphore(%arg31 : memref<!tpu.dma_semaphore, #tpu.memory_space<semaphore_mem>>) src(%dma_wait3A_299 : memref<80xi32, #tpu.memory_space<hbm>>) dst(%arg24 : memref<80xi32, #tpu.memory_space<vmem>>)
    %dma_wait3A_300 = arith.constant 1 : i32
    %dma_wait3A_301 = tpu.memref_slice %arg6[%dma_wait3A_300, %add3A_294] : memref<2x320000xi32, #tpu.memory_space<hbm>> -> memref<1x80xi32, #tpu.memory_space<hbm>>
    %dma_wait3A_302 = tpu.memref_squeeze %dma_wait3A_301 : memref<1x80xi32, #tpu.memory_space<hbm>> -> memref<80xi32, #tpu.memory_space<hbm>>
    %dma_wait3A_303 = tpu.memref_slice %arg6[%dma_wait3A_300, %add3A_294] : memref<2x320000xi32, #tpu.memory_space<hbm>> -> memref<1x80xi32, #tpu.memory_space<hbm>>
    %dma_wait3A_304 = tpu.memref_squeeze %dma_wait3A_303 : memref<1x80xi32, #tpu.memory_space<hbm>> -> memref<80xi32, #tpu.memory_space<hbm>>
    tpu.wait_dma2 semaphore(%arg32 : memref<!tpu.dma_semaphore, #tpu.memory_space<semaphore_mem>>) src(%dma_wait3A_304 : memref<80xi32, #tpu.memory_space<hbm>>) dst(%arg25 : memref<80xi32, #tpu.memory_space<vmem>>)
    %jit3A_305 = arith.constant 8 : i32
    %div3A_306 = arith.divsi %add3A_294, %jit3A_305 : i32
    %sign3A_307 = arith.constant 0 : i32
    %sign3A_308 = arith.cmpi sgt, %add3A_294, %sign3A_307 : i32
    %sign3A_309 = arith.extui %sign3A_308 : i1 to i32
    %sign3A_310 = arith.constant 0 : i32
    %sign3A_311 = arith.cmpi slt, %add3A_294, %sign3A_310 : i32
    %sign3A_312 = arith.extui %sign3A_311 : i1 to i32
    %sign3A_313 = arith.subi %sign3A_309, %sign3A_312 : i32
    %sign3A_314 = arith.constant 0 : i32
    %sign3A_315 = arith.cmpi sgt, %jit3A_305, %sign3A_314 : i32
    %sign3A_316 = arith.extui %sign3A_315 : i1 to i32
    %sign3A_317 = arith.constant 0 : i32
    %sign3A_318 = arith.cmpi slt, %jit3A_305, %sign3A_317 : i32
    %sign3A_319 = arith.extui %sign3A_318 : i1 to i32
    %sign3A_320 = arith.subi %sign3A_316, %sign3A_319 : i32
    %ne3A_321 = arith.cmpi ne, %sign3A_313, %sign3A_320 : i32
    %rem3A_322 = arith.remsi %add3A_294, %jit3A_305 : i32
    %ne3A_323 = arith.constant 0 : i32
    %ne3A_324 = arith.cmpi ne, %rem3A_322, %ne3A_323 : i32
    %and3A_325 = arith.andi %ne3A_321, %ne3A_324 : i1
    %sub3A_326 = arith.constant 1 : i32
    %sub3A_327 = arith.subi %div3A_306, %sub3A_326 : i32
    %select_n3A_328 = arith.select %and3A_325, %sub3A_327, %div3A_306 : i32
    %mul3A_329 = arith.constant 128 : i32
    %mul3A_330 = arith.muli %select_n3A_328, %mul3A_329 : i32
    %dma_wait3A_331 = tpu.memref_slice %arg5[%mul3A_330] : memref<5120000xf32, #tpu.memory_space<hbm>> -> memref<1280xf32, #tpu.memory_space<hbm>>
    %dma_wait3A_332 = tpu.memref_slice %arg5[%mul3A_330] : memref<5120000xf32, #tpu.memory_space<hbm>> -> memref<1280xf32, #tpu.memory_space<hbm>>
    tpu.wait_dma2 semaphore(%arg33 : memref<!tpu.dma_semaphore, #tpu.memory_space<semaphore_mem>>) src(%dma_wait3A_332 : memref<1280xf32, #tpu.memory_space<hbm>>) dst(%arg26 : memref<1280xf32, #tpu.memory_space<vmem>>)
    %dma_start3A_333 = arith.constant 0 : i32
    %dma_start3A_334 = arith.constant 0 : i32
    %dma_start3A_335 = tpu.memref_slice %arg2[%dma_start3A_333, %dma_start3A_334] : memref<10000x136xf32, #tpu.memory_space<hbm>> -> memref<10000x136xf32, #tpu.memory_space<hbm>>
    tpu.enqueue_indirect_dma source(%dma_start3A_335 : memref<10000x136xf32, #tpu.memory_space<hbm>>) target(%arg30 : memref<80x136xf32, #tpu.memory_space<vmem>>) offsets(%arg25 : memref<80xi32, #tpu.memory_space<vmem>>) semaphore(%arg34 : memref<!tpu.dma_semaphore, #tpu.memory_space<semaphore_mem>>)
    %parallel_loop3A = arith.constant 0 : i32
    %parallel_loop3A_336 = arith.constant 80 : i32
    %parallel_loop3A_337 = arith.constant 1 : i32
    scf.for %parallel_loop3A_744 = %parallel_loop3A to %parallel_loop3A_336 step %parallel_loop3A_337  : i32 {
      %parallel_loop3A_745 = arith.constant 0 : i32
      %parallel_loop3A_746 = vector.broadcast %parallel_loop3A_745 : i32 to vector<16xi32>
      %parallel_loop3A_747 = vector.broadcast %parallel_loop3A_744 : i32 to vector<16xi32>
      %parallel_loop3A_748 = arith.addi %parallel_loop3A_746, %parallel_loop3A_747 : vector<16xi32>
      %parallel_loop3A_749 = tpu.vector_load_idx %arg15[%parallel_loop3A_748] : memref<80xf32, #tpu.memory_space<vmem>>[vector<16xi32>], vector<16xf32>,
      %parallel_loop3A_750 = arith.index_cast %parallel_loop3A_744 : i32 to index
      %parallel_loop3A_751 = arith.constant 0 : index
      %parallel_loop3A_752 = tpu.vector_load %arg18[%parallel_loop3A_750, %parallel_loop3A_751] {strides = array<i32>} : memref<80x136xf32, #tpu.memory_space<vmem>>, vector<16xf32>,
      %parallel_loop3A_753 = arith.mulf %parallel_loop3A_752, %parallel_loop3A_749 : vector<16xf32>
      %parallel_loop3A_754 = arith.index_cast %parallel_loop3A_744 : i32 to index
      %parallel_loop3A_755 = arith.constant 0 : index
      %parallel_loop3A_756 = tpu.vector_load %arg18[%parallel_loop3A_754, %parallel_loop3A_755] {strides = array<i32>} : memref<80x136xf32, #tpu.memory_space<vmem>>, vector<16xf32>,
      tpu.vector_store %arg18[%parallel_loop3A_754, %parallel_loop3A_755], %parallel_loop3A_753 {strides = array<i32>} : memref<80x136xf32, #tpu.memory_space<vmem>>, vector<16xf32>,
      %parallel_loop3A_757 = arith.index_cast %parallel_loop3A_744 : i32 to index
      %parallel_loop3A_758 = arith.constant 16 : index
      %parallel_loop3A_759 = tpu.vector_load %arg18[%parallel_loop3A_757, %parallel_loop3A_758] {strides = array<i32>} : memref<80x136xf32, #tpu.memory_space<vmem>>, vector<16xf32>,
      %parallel_loop3A_760 = arith.mulf %parallel_loop3A_759, %parallel_loop3A_749 : vector<16xf32>
      %parallel_loop3A_761 = arith.index_cast %parallel_loop3A_744 : i32 to index
      %parallel_loop3A_762 = arith.constant 16 : index
      %parallel_loop3A_763 = tpu.vector_load %arg18[%parallel_loop3A_761, %parallel_loop3A_762] {strides = array<i32>} : memref<80x136xf32, #tpu.memory_space<vmem>>, vector<16xf32>,
      tpu.vector_store %arg18[%parallel_loop3A_761, %parallel_loop3A_762], %parallel_loop3A_760 {strides = array<i32>} : memref<80x136xf32, #tpu.memory_space<vmem>>, vector<16xf32>,
      %parallel_loop3A_764 = arith.index_cast %parallel_loop3A_744 : i32 to index
      %parallel_loop3A_765 = arith.constant 32 : index
      %parallel_loop3A_766 = tpu.vector_load %arg18[%parallel_loop3A_764, %parallel_loop3A_765] {strides = array<i32>} : memref<80x136xf32, #tpu.memory_space<vmem>>, vector<16xf32>,
      %parallel_loop3A_767 = arith.mulf %parallel_loop3A_766, %parallel_loop3A_749 : vector<16xf32>
      %parallel_loop3A_768 = arith.index_cast %parallel_loop3A_744 : i32 to index
      %parallel_loop3A_769 = arith.constant 32 : index
      %parallel_loop3A_770 = tpu.vector_load %arg18[%parallel_loop3A_768, %parallel_loop3A_769] {strides = array<i32>} : memref<80x136xf32, #tpu.memory_space<vmem>>, vector<16xf32>,
      tpu.vector_store %arg18[%parallel_loop3A_768, %parallel_loop3A_769], %parallel_loop3A_767 {strides = array<i32>} : memref<80x136xf32, #tpu.memory_space<vmem>>, vector<16xf32>,
      %parallel_loop3A_771 = arith.index_cast %parallel_loop3A_744 : i32 to index
      %parallel_loop3A_772 = arith.constant 48 : index
      %parallel_loop3A_773 = tpu.vector_load %arg18[%parallel_loop3A_771, %parallel_loop3A_772] {strides = array<i32>} : memref<80x136xf32, #tpu.memory_space<vmem>>, vector<16xf32>,
      %parallel_loop3A_774 = arith.mulf %parallel_loop3A_773, %parallel_loop3A_749 : vector<16xf32>
      %parallel_loop3A_775 = arith.index_cast %parallel_loop3A_744 : i32 to index
      %parallel_loop3A_776 = arith.constant 48 : index
      %parallel_loop3A_777 = tpu.vector_load %arg18[%parallel_loop3A_775, %parallel_loop3A_776] {strides = array<i32>} : memref<80x136xf32, #tpu.memory_space<vmem>>, vector<16xf32>,
      tpu.vector_store %arg18[%parallel_loop3A_775, %parallel_loop3A_776], %parallel_loop3A_774 {strides = array<i32>} : memref<80x136xf32, #tpu.memory_space<vmem>>, vector<16xf32>,
      %parallel_loop3A_778 = arith.index_cast %parallel_loop3A_744 : i32 to index
      %parallel_loop3A_779 = arith.constant 64 : index
      %parallel_loop3A_780 = tpu.vector_load %arg18[%parallel_loop3A_778, %parallel_loop3A_779] {strides = array<i32>} : memref<80x136xf32, #tpu.memory_space<vmem>>, vector<16xf32>,
      %parallel_loop3A_781 = arith.mulf %parallel_loop3A_780, %parallel_loop3A_749 : vector<16xf32>
      %parallel_loop3A_782 = arith.index_cast %parallel_loop3A_744 : i32 to index
      %parallel_loop3A_783 = arith.constant 64 : index
      %parallel_loop3A_784 = tpu.vector_load %arg18[%parallel_loop3A_782, %parallel_loop3A_783] {strides = array<i32>} : memref<80x136xf32, #tpu.memory_space<vmem>>, vector<16xf32>,
      tpu.vector_store %arg18[%parallel_loop3A_782, %parallel_loop3A_783], %parallel_loop3A_781 {strides = array<i32>} : memref<80x136xf32, #tpu.memory_space<vmem>>, vector<16xf32>,
      %parallel_loop3A_785 = arith.index_cast %parallel_loop3A_744 : i32 to index
      %parallel_loop3A_786 = arith.constant 80 : index
      %parallel_loop3A_787 = tpu.vector_load %arg18[%parallel_loop3A_785, %parallel_loop3A_786] {strides = array<i32>} : memref<80x136xf32, #tpu.memory_space<vmem>>, vector<16xf32>,
      %parallel_loop3A_788 = arith.mulf %parallel_loop3A_787, %parallel_loop3A_749 : vector<16xf32>
      %parallel_loop3A_789 = arith.index_cast %parallel_loop3A_744 : i32 to index
      %parallel_loop3A_790 = arith.constant 80 : index
      %parallel_loop3A_791 = tpu.vector_load %arg18[%parallel_loop3A_789, %parallel_loop3A_790] {strides = array<i32>} : memref<80x136xf32, #tpu.memory_space<vmem>>, vector<16xf32>,
      tpu.vector_store %arg18[%parallel_loop3A_789, %parallel_loop3A_790], %parallel_loop3A_788 {strides = array<i32>} : memref<80x136xf32, #tpu.memory_space<vmem>>, vector<16xf32>,
      %parallel_loop3A_792 = arith.index_cast %parallel_loop3A_744 : i32 to index
      %parallel_loop3A_793 = arith.constant 96 : index
      %parallel_loop3A_794 = tpu.vector_load %arg18[%parallel_loop3A_792, %parallel_loop3A_793] {strides = array<i32>} : memref<80x136xf32, #tpu.memory_space<vmem>>, vector<16xf32>,
      %parallel_loop3A_795 = arith.mulf %parallel_loop3A_794, %parallel_loop3A_749 : vector<16xf32>
      %parallel_loop3A_796 = arith.index_cast %parallel_loop3A_744 : i32 to index
      %parallel_loop3A_797 = arith.constant 96 : index
      %parallel_loop3A_798 = tpu.vector_load %arg18[%parallel_loop3A_796, %parallel_loop3A_797] {strides = array<i32>} : memref<80x136xf32, #tpu.memory_space<vmem>>, vector<16xf32>,
      tpu.vector_store %arg18[%parallel_loop3A_796, %parallel_loop3A_797], %parallel_loop3A_795 {strides = array<i32>} : memref<80x136xf32, #tpu.memory_space<vmem>>, vector<16xf32>,
      %parallel_loop3A_799 = arith.index_cast %parallel_loop3A_744 : i32 to index
      %parallel_loop3A_800 = arith.constant 112 : index
      %parallel_loop3A_801 = tpu.vector_load %arg18[%parallel_loop3A_799, %parallel_loop3A_800] {strides = array<i32>} : memref<80x136xf32, #tpu.memory_space<vmem>>, vector<16xf32>,
      %parallel_loop3A_802 = arith.mulf %parallel_loop3A_801, %parallel_loop3A_749 : vector<16xf32>
      %parallel_loop3A_803 = arith.index_cast %parallel_loop3A_744 : i32 to index
      %parallel_loop3A_804 = arith.constant 112 : index
      %parallel_loop3A_805 = tpu.vector_load %arg18[%parallel_loop3A_803, %parallel_loop3A_804] {strides = array<i32>} : memref<80x136xf32, #tpu.memory_space<vmem>>, vector<16xf32>,
      tpu.vector_store %arg18[%parallel_loop3A_803, %parallel_loop3A_804], %parallel_loop3A_802 {strides = array<i32>} : memref<80x136xf32, #tpu.memory_space<vmem>>, vector<16xf32>,
      %parallel_loop3A_806 = arith.index_cast %parallel_loop3A_744 : i32 to index
      %parallel_loop3A_807 = arith.constant 120 : index
      %parallel_loop3A_808 = tpu.vector_load %arg18[%parallel_loop3A_806, %parallel_loop3A_807] {strides = array<i32>} : memref<80x136xf32, #tpu.memory_space<vmem>>, vector<16xf32>,
      %parallel_loop3A_809 = arith.constant 8 : i32
      %parallel_loop3A_810 = vector.broadcast %parallel_loop3A_809 : i32 to vector<16xi32>
      %parallel_loop3A_811 = arith.cmpi slt, %iota3A, %parallel_loop3A_810 : vector<16xi32>
      %parallel_loop3A_812 = arith.mulf %parallel_loop3A_808, %parallel_loop3A_749 : vector<16xf32>
      %parallel_loop3A_813 = arith.select %parallel_loop3A_811, %parallel_loop3A_808, %parallel_loop3A_812 : vector<16xi1>, vector<16xf32>
      %parallel_loop3A_814 = arith.index_cast %parallel_loop3A_744 : i32 to index
      %parallel_loop3A_815 = arith.constant 120 : index
      %parallel_loop3A_816 = tpu.vector_load %arg18[%parallel_loop3A_814, %parallel_loop3A_815] {strides = array<i32>} : memref<80x136xf32, #tpu.memory_space<vmem>>, vector<16xf32>,
      tpu.vector_store %arg18[%parallel_loop3A_814, %parallel_loop3A_815], %parallel_loop3A_813 {strides = array<i32>} : memref<80x136xf32, #tpu.memory_space<vmem>>, vector<16xf32>,
    } {sc.loop_unroll_factor = 4 : i64, sc.parallel_access}
    %get3A_338 = arith.constant 0 : index
    %get3A_339 = tpu.vector_load %arg12[%get3A_338] {strides = array<i32>} : memref<80xi32, #tpu.memory_space<vmem>>, vector<16xi32>,
    %swap3A_340 = arith.constant 0 : index
    %swap3A_341 = tpu.vector_load %arg16[%swap3A_340] {strides = array<i32>} : memref<80xi32, #tpu.memory_space<vmem>>, vector<16xi32>,
    tpu.vector_store %arg16[%swap3A_340], %get3A_339 {strides = array<i32>} : memref<80xi32, #tpu.memory_space<vmem>>, vector<16xi32>,
    %get3A_342 = arith.constant 16 : index
    %get3A_343 = tpu.vector_load %arg12[%get3A_342] {strides = array<i32>} : memref<80xi32, #tpu.memory_space<vmem>>, vector<16xi32>,
    %swap3A_344 = arith.constant 16 : index
    %swap3A_345 = tpu.vector_load %arg16[%swap3A_344] {strides = array<i32>} : memref<80xi32, #tpu.memory_space<vmem>>, vector<16xi32>,
    tpu.vector_store %arg16[%swap3A_344], %get3A_343 {strides = array<i32>} : memref<80xi32, #tpu.memory_space<vmem>>, vector<16xi32>,
    %get3A_346 = arith.constant 32 : index
    %get3A_347 = tpu.vector_load %arg12[%get3A_346] {strides = array<i32>} : memref<80xi32, #tpu.memory_space<vmem>>, vector<16xi32>,
    %swap3A_348 = arith.constant 32 : index
    %swap3A_349 = tpu.vector_load %arg16[%swap3A_348] {strides = array<i32>} : memref<80xi32, #tpu.memory_space<vmem>>, vector<16xi32>,
    tpu.vector_store %arg16[%swap3A_348], %get3A_347 {strides = array<i32>} : memref<80xi32, #tpu.memory_space<vmem>>, vector<16xi32>,
    %get3A_350 = arith.constant 48 : index
    %get3A_351 = tpu.vector_load %arg12[%get3A_350] {strides = array<i32>} : memref<80xi32, #tpu.memory_space<vmem>>, vector<16xi32>,
    %swap3A_352 = arith.constant 48 : index
    %swap3A_353 = tpu.vector_load %arg16[%swap3A_352] {strides = array<i32>} : memref<80xi32, #tpu.memory_space<vmem>>, vector<16xi32>,
    tpu.vector_store %arg16[%swap3A_352], %get3A_351 {strides = array<i32>} : memref<80xi32, #tpu.memory_space<vmem>>, vector<16xi32>,
    %get3A_354 = arith.constant 64 : index
    %get3A_355 = tpu.vector_load %arg12[%get3A_354] {strides = array<i32>} : memref<80xi32, #tpu.memory_space<vmem>>, vector<16xi32>,
    %swap3A_356 = arith.constant 64 : index
    %swap3A_357 = tpu.vector_load %arg16[%swap3A_356] {strides = array<i32>} : memref<80xi32, #tpu.memory_space<vmem>>, vector<16xi32>,
    tpu.vector_store %arg16[%swap3A_356], %get3A_355 {strides = array<i32>} : memref<80xi32, #tpu.memory_space<vmem>>, vector<16xi32>,
    %dma_start3A_358 = arith.constant 0 : i32
    %dma_start3A_359 = arith.constant 0 : i32
    %dma_start3A_360 = tpu.memref_slice %arg11[%dma_start3A_358, %dma_start3A_359] : memref<10000x136xf32, #tpu.memory_space<vmem_shared>> -> memref<10000x136xf32, #tpu.memory_space<vmem_shared>>
    tpu.enqueue_indirect_dma source(%arg18 : memref<80x136xf32, #tpu.memory_space<vmem>>) target(%dma_start3A_360 : memref<10000x136xf32, #tpu.memory_space<vmem_shared>>) offsets(%arg16 : memref<80xi32, #tpu.memory_space<vmem>>) semaphore(%arg23 : memref<!tpu.dma_semaphore, #tpu.memory_space<semaphore_mem>>) {add = true}
    %scan3A_361 = arith.constant 0 : i32
    %scan3A_362 = arith.constant 61 : i32
    %scan3A_363 = arith.addi %scan3A_361, %scan3A_362 : i32
    %scan3A_364 = arith.constant 1 : i32
    scf.for %scan3A_744 = %scan3A_361 to %scan3A_363 step %scan3A_364  : i32 {
      %mul3A_745 = arith.constant 1 : i32
      %mul3A_746 = arith.muli %scan3A_744, %mul3A_745 : i32
      %add3A_747 = arith.constant 0 : i32
      %add3A_748 = arith.addi %add3A_747, %mul3A_746 : i32
      %mul3A_749 = arith.constant 2 : i32
      %mul3A_750 = arith.muli %mul3A_749, %add3A_748 : i32
      %add3A_751 = arith.constant 1 : i32
      %add3A_752 = arith.addi %add3A_751, %mul3A_750 : i32
      %add3A_753 = arith.constant 1 : i32
      %add3A_754 = arith.addi %add3A_752, %add3A_753 : i32
      %mul3A_755 = arith.constant 80 : i32
      %mul3A_756 = arith.muli %add3A_754, %mul3A_755 : i32
      %add3A_757 = arith.addi %mul3A_2, %mul3A_756 : i32
      %dma_start3A_758 = arith.constant 0 : i32
      %dma_start3A_759 = tpu.memref_slice %arg6[%dma_start3A_758, %add3A_757] : memref<2x320000xi32, #tpu.memory_space<hbm>> -> memref<1x80xi32, #tpu.memory_space<hbm>>
      %dma_start3A_760 = tpu.memref_squeeze %dma_start3A_759 : memref<1x80xi32, #tpu.memory_space<hbm>> -> memref<80xi32, #tpu.memory_space<hbm>>
      %dma_start3A_761 = tpu.memref_slice %arg6[%dma_start3A_758, %add3A_757] : memref<2x320000xi32, #tpu.memory_space<hbm>> -> memref<1x80xi32, #tpu.memory_space<hbm>>
      %dma_start3A_762 = tpu.memref_squeeze %dma_start3A_761 : memref<1x80xi32, #tpu.memory_space<hbm>> -> memref<80xi32, #tpu.memory_space<hbm>>
      tpu.enqueue_dma source(%dma_start3A_762 : memref<80xi32, #tpu.memory_space<hbm>>) target(%arg12 : memref<80xi32, #tpu.memory_space<vmem>>) target_semaphore(%arg19 : memref<!tpu.dma_semaphore, #tpu.memory_space<semaphore_mem>>)
      %dma_start3A_763 = arith.constant 1 : i32
      %dma_start3A_764 = tpu.memref_slice %arg6[%dma_start3A_763, %add3A_757] : memref<2x320000xi32, #tpu.memory_space<hbm>> -> memref<1x80xi32, #tpu.memory_space<hbm>>
      %dma_start3A_765 = tpu.memref_squeeze %dma_start3A_764 : memref<1x80xi32, #tpu.memory_space<hbm>> -> memref<80xi32, #tpu.memory_space<hbm>>
      %dma_start3A_766 = tpu.memref_slice %arg6[%dma_start3A_763, %add3A_757] : memref<2x320000xi32, #tpu.memory_space<hbm>> -> memref<1x80xi32, #tpu.memory_space<hbm>>
      %dma_start3A_767 = tpu.memref_squeeze %dma_start3A_766 : memref<1x80xi32, #tpu.memory_space<hbm>> -> memref<80xi32, #tpu.memory_space<hbm>>
      tpu.enqueue_dma source(%dma_start3A_767 : memref<80xi32, #tpu.memory_space<hbm>>) target(%arg13 : memref<80xi32, #tpu.memory_space<vmem>>) target_semaphore(%arg20 : memref<!tpu.dma_semaphore, #tpu.memory_space<semaphore_mem>>)
      %jit3A_768 = arith.constant 8 : i32
      %div3A_769 = arith.divsi %add3A_757, %jit3A_768 : i32
      %sign3A_770 = arith.constant 0 : i32
      %sign3A_771 = arith.cmpi sgt, %add3A_757, %sign3A_770 : i32
      %sign3A_772 = arith.extui %sign3A_771 : i1 to i32
      %sign3A_773 = arith.constant 0 : i32
      %sign3A_774 = arith.cmpi slt, %add3A_757, %sign3A_773 : i32
      %sign3A_775 = arith.extui %sign3A_774 : i1 to i32
      %sign3A_776 = arith.subi %sign3A_772, %sign3A_775 : i32
      %sign3A_777 = arith.constant 0 : i32
      %sign3A_778 = arith.cmpi sgt, %jit3A_768, %sign3A_777 : i32
      %sign3A_779 = arith.extui %sign3A_778 : i1 to i32
      %sign3A_780 = arith.constant 0 : i32
      %sign3A_781 = arith.cmpi slt, %jit3A_768, %sign3A_780 : i32
      %sign3A_782 = arith.extui %sign3A_781 : i1 to i32
      %sign3A_783 = arith.subi %sign3A_779, %sign3A_782 : i32
      %ne3A_784 = arith.cmpi ne, %sign3A_776, %sign3A_783 : i32
      %rem3A_785 = arith.remsi %add3A_757, %jit3A_768 : i32
      %ne3A_786 = arith.constant 0 : i32
      %ne3A_787 = arith.cmpi ne, %rem3A_785, %ne3A_786 : i32
      %and3A_788 = arith.andi %ne3A_784, %ne3A_787 : i1
      %sub3A_789 = arith.constant 1 : i32
      %sub3A_790 = arith.subi %div3A_769, %sub3A_789 : i32
      %select_n3A_791 = arith.select %and3A_788, %sub3A_790, %div3A_769 : i32
      %mul3A_792 = arith.constant 128 : i32
      %mul3A_793 = arith.muli %select_n3A_791, %mul3A_792 : i32
      %dma_start3A_794 = tpu.memref_slice %arg5[%mul3A_793] : memref<5120000xf32, #tpu.memory_space<hbm>> -> memref<1280xf32, #tpu.memory_space<hbm>>
      %dma_start3A_795 = tpu.memref_slice %arg5[%mul3A_793] : memref<5120000xf32, #tpu.memory_space<hbm>> -> memref<1280xf32, #tpu.memory_space<hbm>>
      tpu.enqueue_dma source(%dma_start3A_795 : memref<1280xf32, #tpu.memory_space<hbm>>) target(%arg14 : memref<1280xf32, #tpu.memory_space<vmem>>) target_semaphore(%arg21 : memref<!tpu.dma_semaphore, #tpu.memory_space<semaphore_mem>>)
      %get3A_796 = arith.constant 0 : index
      %get3A_797 = tpu.vector_load %arg24[%get3A_796] {strides = array<i32>} : memref<80xi32, #tpu.memory_space<vmem>>, vector<16xi32>,
      %get3A_798 = arith.constant 0 : index
      %get3A_799 = tpu.vector_load %arg25[%get3A_798] {strides = array<i32>} : memref<80xi32, #tpu.memory_space<vmem>>, vector<16xi32>,
      %add3A_800 = arith.constant 0 : i32
      %add3A_801 = vector.broadcast %add3A_800 : i32 to vector<16xi32>
      %add3A_802 = arith.addi %add3A_51, %add3A_801 : vector<16xi32>
      %gather3A_803 = tpu.vector_load_idx %arg26[%add3A_802] : memref<1280xf32, #tpu.memory_space<vmem>>[vector<16xi32>], vector<16xf32>,
      %gather3A_804 = tpu.vector_load_idx %arg9[%get3A_797] : memref<10000xf32, #tpu.memory_space<vmem>>[vector<16xi32>], vector<16xf32>,
      %gather3A_805 = tpu.vector_load_idx %arg10[%get3A_799] : memref<10000xf32, #tpu.memory_space<vmem>>[vector<16xi32>], vector<16xf32>,
      %add3A_806 = arith.addf %gather3A_804, %gather3A_805 : vector<16xf32>
      %add3A_807 = arith.addf %add3A_806, %gather3A_803 : vector<16xf32>
      %gt3A_808 = arith.constant 0.000000e+00 : f32
      %gt3A_809 = vector.broadcast %gt3A_808 : f32 to vector<16xf32>
      %gt3A_810 = arith.cmpf ogt, %add3A_807, %gt3A_809 : vector<16xf32>
      %mul3A_811 = arith.constant 0.00999999977 : f32
      %mul3A_812 = vector.broadcast %mul3A_811 : f32 to vector<16xf32>
      %mul3A_813 = arith.mulf %add3A_807, %mul3A_812 : vector<16xf32>
      %select_n3A_814 = arith.select %gt3A_810, %add3A_807, %mul3A_813 : vector<16xi1>, vector<16xf32>
      %exp3A_815 = math.exp %select_n3A_814 : vector<16xf32>
      %swap3A_816 = arith.constant 0 : index
      %swap3A_817 = tpu.vector_load %arg27[%swap3A_816] {strides = array<i32>} : memref<80xf32, #tpu.memory_space<vmem>>, vector<16xf32>,
      tpu.vector_store %arg27[%swap3A_816], %exp3A_815 {strides = array<i32>} : memref<80xf32, #tpu.memory_space<vmem>>, vector<16xf32>,
      %get3A_818 = arith.constant 16 : index
      %get3A_819 = tpu.vector_load %arg24[%get3A_818] {strides = array<i32>} : memref<80xi32, #tpu.memory_space<vmem>>, vector<16xi32>,
      %get3A_820 = arith.constant 16 : index
      %get3A_821 = tpu.vector_load %arg25[%get3A_820] {strides = array<i32>} : memref<80xi32, #tpu.memory_space<vmem>>, vector<16xi32>,
      %add3A_822 = arith.constant 256 : i32
      %add3A_823 = vector.broadcast %add3A_822 : i32 to vector<16xi32>
      %add3A_824 = arith.addi %add3A_51, %add3A_823 : vector<16xi32>
      %gather3A_825 = tpu.vector_load_idx %arg26[%add3A_824] : memref<1280xf32, #tpu.memory_space<vmem>>[vector<16xi32>], vector<16xf32>,
      %gather3A_826 = tpu.vector_load_idx %arg9[%get3A_819] : memref<10000xf32, #tpu.memory_space<vmem>>[vector<16xi32>], vector<16xf32>,
      %gather3A_827 = tpu.vector_load_idx %arg10[%get3A_821] : memref<10000xf32, #tpu.memory_space<vmem>>[vector<16xi32>], vector<16xf32>,
      %add3A_828 = arith.addf %gather3A_826, %gather3A_827 : vector<16xf32>
      %add3A_829 = arith.addf %add3A_828, %gather3A_825 : vector<16xf32>
      %gt3A_830 = arith.constant 0.000000e+00 : f32
      %gt3A_831 = vector.broadcast %gt3A_830 : f32 to vector<16xf32>
      %gt3A_832 = arith.cmpf ogt, %add3A_829, %gt3A_831 : vector<16xf32>
      %mul3A_833 = arith.constant 0.00999999977 : f32
      %mul3A_834 = vector.broadcast %mul3A_833 : f32 to vector<16xf32>
      %mul3A_835 = arith.mulf %add3A_829, %mul3A_834 : vector<16xf32>
      %select_n3A_836 = arith.select %gt3A_832, %add3A_829, %mul3A_835 : vector<16xi1>, vector<16xf32>
      %exp3A_837 = math.exp %select_n3A_836 : vector<16xf32>
      %swap3A_838 = arith.constant 16 : index
      %swap3A_839 = tpu.vector_load %arg27[%swap3A_838] {strides = array<i32>} : memref<80xf32, #tpu.memory_space<vmem>>, vector<16xf32>,
      tpu.vector_store %arg27[%swap3A_838], %exp3A_837 {strides = array<i32>} : memref<80xf32, #tpu.memory_space<vmem>>, vector<16xf32>,
      %get3A_840 = arith.constant 32 : index
      %get3A_841 = tpu.vector_load %arg24[%get3A_840] {strides = array<i32>} : memref<80xi32, #tpu.memory_space<vmem>>, vector<16xi32>,
      %get3A_842 = arith.constant 32 : index
      %get3A_843 = tpu.vector_load %arg25[%get3A_842] {strides = array<i32>} : memref<80xi32, #tpu.memory_space<vmem>>, vector<16xi32>,
      %add3A_844 = arith.constant 512 : i32
      %add3A_845 = vector.broadcast %add3A_844 : i32 to vector<16xi32>
      %add3A_846 = arith.addi %add3A_51, %add3A_845 : vector<16xi32>
      %gather3A_847 = tpu.vector_load_idx %arg26[%add3A_846] : memref<1280xf32, #tpu.memory_space<vmem>>[vector<16xi32>], vector<16xf32>,
      %gather3A_848 = tpu.vector_load_idx %arg9[%get3A_841] : memref<10000xf32, #tpu.memory_space<vmem>>[vector<16xi32>], vector<16xf32>,
      %gather3A_849 = tpu.vector_load_idx %arg10[%get3A_843] : memref<10000xf32, #tpu.memory_space<vmem>>[vector<16xi32>], vector<16xf32>,
      %add3A_850 = arith.addf %gather3A_848, %gather3A_849 : vector<16xf32>
      %add3A_851 = arith.addf %add3A_850, %gather3A_847 : vector<16xf32>
      %gt3A_852 = arith.constant 0.000000e+00 : f32
      %gt3A_853 = vector.broadcast %gt3A_852 : f32 to vector<16xf32>
      %gt3A_854 = arith.cmpf ogt, %add3A_851, %gt3A_853 : vector<16xf32>
      %mul3A_855 = arith.constant 0.00999999977 : f32
      %mul3A_856 = vector.broadcast %mul3A_855 : f32 to vector<16xf32>
      %mul3A_857 = arith.mulf %add3A_851, %mul3A_856 : vector<16xf32>
      %select_n3A_858 = arith.select %gt3A_854, %add3A_851, %mul3A_857 : vector<16xi1>, vector<16xf32>
      %exp3A_859 = math.exp %select_n3A_858 : vector<16xf32>
      %swap3A_860 = arith.constant 32 : index
      %swap3A_861 = tpu.vector_load %arg27[%swap3A_860] {strides = array<i32>} : memref<80xf32, #tpu.memory_space<vmem>>, vector<16xf32>,
      tpu.vector_store %arg27[%swap3A_860], %exp3A_859 {strides = array<i32>} : memref<80xf32, #tpu.memory_space<vmem>>, vector<16xf32>,
      %get3A_862 = arith.constant 48 : index
      %get3A_863 = tpu.vector_load %arg24[%get3A_862] {strides = array<i32>} : memref<80xi32, #tpu.memory_space<vmem>>, vector<16xi32>,
      %get3A_864 = arith.constant 48 : index
      %get3A_865 = tpu.vector_load %arg25[%get3A_864] {strides = array<i32>} : memref<80xi32, #tpu.memory_space<vmem>>, vector<16xi32>,
      %add3A_866 = arith.constant 768 : i32
      %add3A_867 = vector.broadcast %add3A_866 : i32 to vector<16xi32>
      %add3A_868 = arith.addi %add3A_51, %add3A_867 : vector<16xi32>
      %gather3A_869 = tpu.vector_load_idx %arg26[%add3A_868] : memref<1280xf32, #tpu.memory_space<vmem>>[vector<16xi32>], vector<16xf32>,
      %gather3A_870 = tpu.vector_load_idx %arg9[%get3A_863] : memref<10000xf32, #tpu.memory_space<vmem>>[vector<16xi32>], vector<16xf32>,
      %gather3A_871 = tpu.vector_load_idx %arg10[%get3A_865] : memref<10000xf32, #tpu.memory_space<vmem>>[vector<16xi32>], vector<16xf32>,
      %add3A_872 = arith.addf %gather3A_870, %gather3A_871 : vector<16xf32>
      %add3A_873 = arith.addf %add3A_872, %gather3A_869 : vector<16xf32>
      %gt3A_874 = arith.constant 0.000000e+00 : f32
      %gt3A_875 = vector.broadcast %gt3A_874 : f32 to vector<16xf32>
      %gt3A_876 = arith.cmpf ogt, %add3A_873, %gt3A_875 : vector<16xf32>
      %mul3A_877 = arith.constant 0.00999999977 : f32
      %mul3A_878 = vector.broadcast %mul3A_877 : f32 to vector<16xf32>
      %mul3A_879 = arith.mulf %add3A_873, %mul3A_878 : vector<16xf32>
      %select_n3A_880 = arith.select %gt3A_876, %add3A_873, %mul3A_879 : vector<16xi1>, vector<16xf32>
      %exp3A_881 = math.exp %select_n3A_880 : vector<16xf32>
      %swap3A_882 = arith.constant 48 : index
      %swap3A_883 = tpu.vector_load %arg27[%swap3A_882] {strides = array<i32>} : memref<80xf32, #tpu.memory_space<vmem>>, vector<16xf32>,
      tpu.vector_store %arg27[%swap3A_882], %exp3A_881 {strides = array<i32>} : memref<80xf32, #tpu.memory_space<vmem>>, vector<16xf32>,
      %get3A_884 = arith.constant 64 : index
      %get3A_885 = tpu.vector_load %arg24[%get3A_884] {strides = array<i32>} : memref<80xi32, #tpu.memory_space<vmem>>, vector<16xi32>,
      %get3A_886 = arith.constant 64 : index
      %get3A_887 = tpu.vector_load %arg25[%get3A_886] {strides = array<i32>} : memref<80xi32, #tpu.memory_space<vmem>>, vector<16xi32>,
      %add3A_888 = arith.constant 1024 : i32
      %add3A_889 = vector.broadcast %add3A_888 : i32 to vector<16xi32>
      %add3A_890 = arith.addi %add3A_51, %add3A_889 : vector<16xi32>
      %gather3A_891 = tpu.vector_load_idx %arg26[%add3A_890] : memref<1280xf32, #tpu.memory_space<vmem>>[vector<16xi32>], vector<16xf32>,
      %gather3A_892 = tpu.vector_load_idx %arg9[%get3A_885] : memref<10000xf32, #tpu.memory_space<vmem>>[vector<16xi32>], vector<16xf32>,
      %gather3A_893 = tpu.vector_load_idx %arg10[%get3A_887] : memref<10000xf32, #tpu.memory_space<vmem>>[vector<16xi32>], vector<16xf32>,
      %add3A_894 = arith.addf %gather3A_892, %gather3A_893 : vector<16xf32>
      %add3A_895 = arith.addf %add3A_894, %gather3A_891 : vector<16xf32>
      %gt3A_896 = arith.constant 0.000000e+00 : f32
      %gt3A_897 = vector.broadcast %gt3A_896 : f32 to vector<16xf32>
      %gt3A_898 = arith.cmpf ogt, %add3A_895, %gt3A_897 : vector<16xf32>
      %mul3A_899 = arith.constant 0.00999999977 : f32
      %mul3A_900 = vector.broadcast %mul3A_899 : f32 to vector<16xf32>
      %mul3A_901 = arith.mulf %add3A_895, %mul3A_900 : vector<16xf32>
      %select_n3A_902 = arith.select %gt3A_898, %add3A_895, %mul3A_901 : vector<16xi1>, vector<16xf32>
      %exp3A_903 = math.exp %select_n3A_902 : vector<16xf32>
      %swap3A_904 = arith.constant 64 : index
      %swap3A_905 = tpu.vector_load %arg27[%swap3A_904] {strides = array<i32>} : memref<80xf32, #tpu.memory_space<vmem>>, vector<16xf32>,
      tpu.vector_store %arg27[%swap3A_904], %exp3A_903 {strides = array<i32>} : memref<80xf32, #tpu.memory_space<vmem>>, vector<16xf32>,
      %dma_wait3A_906 = arith.constant 0 : i32
      %dma_wait3A_907 = arith.constant 0 : i32
      %dma_wait3A_908 = tpu.memref_slice %arg2[%dma_wait3A_906, %dma_wait3A_907] : memref<10000x136xf32, #tpu.memory_space<hbm>> -> memref<10000x136xf32, #tpu.memory_space<hbm>>
      tpu.wait_indirect_dma semaphore(%arg34 : memref<!tpu.dma_semaphore, #tpu.memory_space<semaphore_mem>>) src(%dma_wait3A_908 : memref<10000x136xf32, #tpu.memory_space<hbm>>) dst(%arg30 : memref<80x136xf32, #tpu.memory_space<vmem>>)
      %dma_wait3A_909 = arith.constant 0 : i32
      %dma_wait3A_910 = arith.constant 0 : i32
      %dma_wait3A_911 = tpu.memref_slice %arg11[%dma_wait3A_909, %dma_wait3A_910] : memref<10000x136xf32, #tpu.memory_space<vmem_shared>> -> memref<10000x136xf32, #tpu.memory_space<vmem_shared>>
      tpu.wait_indirect_dma semaphore(%arg23 : memref<!tpu.dma_semaphore, #tpu.memory_space<semaphore_mem>>) src(%arg18 : memref<80x136xf32, #tpu.memory_space<vmem>>) dst(%dma_wait3A_911 : memref<10000x136xf32, #tpu.memory_space<vmem_shared>>)
      %add3A_912 = arith.constant 1 : i32
      %add3A_913 = arith.addi %add3A_752, %add3A_912 : i32
      %mul3A_914 = arith.constant 80 : i32
      %mul3A_915 = arith.muli %add3A_913, %mul3A_914 : i32
      %add3A_916 = arith.addi %mul3A_2, %mul3A_915 : i32
      %dma_wait3A_917 = arith.constant 0 : i32
      %dma_wait3A_918 = tpu.memref_slice %arg6[%dma_wait3A_917, %add3A_916] : memref<2x320000xi32, #tpu.memory_space<hbm>> -> memref<1x80xi32, #tpu.memory_space<hbm>>
      %dma_wait3A_919 = tpu.memref_squeeze %dma_wait3A_918 : memref<1x80xi32, #tpu.memory_space<hbm>> -> memref<80xi32, #tpu.memory_space<hbm>>
      %dma_wait3A_920 = tpu.memref_slice %arg6[%dma_wait3A_917, %add3A_916] : memref<2x320000xi32, #tpu.memory_space<hbm>> -> memref<1x80xi32, #tpu.memory_space<hbm>>
      %dma_wait3A_921 = tpu.memref_squeeze %dma_wait3A_920 : memref<1x80xi32, #tpu.memory_space<hbm>> -> memref<80xi32, #tpu.memory_space<hbm>>
      tpu.wait_dma2 semaphore(%arg19 : memref<!tpu.dma_semaphore, #tpu.memory_space<semaphore_mem>>) src(%dma_wait3A_921 : memref<80xi32, #tpu.memory_space<hbm>>) dst(%arg12 : memref<80xi32, #tpu.memory_space<vmem>>)
      %dma_wait3A_922 = arith.constant 1 : i32
      %dma_wait3A_923 = tpu.memref_slice %arg6[%dma_wait3A_922, %add3A_916] : memref<2x320000xi32, #tpu.memory_space<hbm>> -> memref<1x80xi32, #tpu.memory_space<hbm>>
      %dma_wait3A_924 = tpu.memref_squeeze %dma_wait3A_923 : memref<1x80xi32, #tpu.memory_space<hbm>> -> memref<80xi32, #tpu.memory_space<hbm>>
      %dma_wait3A_925 = tpu.memref_slice %arg6[%dma_wait3A_922, %add3A_916] : memref<2x320000xi32, #tpu.memory_space<hbm>> -> memref<1x80xi32, #tpu.memory_space<hbm>>
      %dma_wait3A_926 = tpu.memref_squeeze %dma_wait3A_925 : memref<1x80xi32, #tpu.memory_space<hbm>> -> memref<80xi32, #tpu.memory_space<hbm>>
      tpu.wait_dma2 semaphore(%arg20 : memref<!tpu.dma_semaphore, #tpu.memory_space<semaphore_mem>>) src(%dma_wait3A_926 : memref<80xi32, #tpu.memory_space<hbm>>) dst(%arg13 : memref<80xi32, #tpu.memory_space<vmem>>)
      %jit3A_927 = arith.constant 8 : i32
      %div3A_928 = arith.divsi %add3A_916, %jit3A_927 : i32
      %sign3A_929 = arith.constant 0 : i32
      %sign3A_930 = arith.cmpi sgt, %add3A_916, %sign3A_929 : i32
      %sign3A_931 = arith.extui %sign3A_930 : i1 to i32
      %sign3A_932 = arith.constant 0 : i32
      %sign3A_933 = arith.cmpi slt, %add3A_916, %sign3A_932 : i32
      %sign3A_934 = arith.extui %sign3A_933 : i1 to i32
      %sign3A_935 = arith.subi %sign3A_931, %sign3A_934 : i32
      %sign3A_936 = arith.constant 0 : i32
      %sign3A_937 = arith.cmpi sgt, %jit3A_927, %sign3A_936 : i32
      %sign3A_938 = arith.extui %sign3A_937 : i1 to i32
      %sign3A_939 = arith.constant 0 : i32
      %sign3A_940 = arith.cmpi slt, %jit3A_927, %sign3A_939 : i32
      %sign3A_941 = arith.extui %sign3A_940 : i1 to i32
      %sign3A_942 = arith.subi %sign3A_938, %sign3A_941 : i32
      %ne3A_943 = arith.cmpi ne, %sign3A_935, %sign3A_942 : i32
      %rem3A_944 = arith.remsi %add3A_916, %jit3A_927 : i32
      %ne3A_945 = arith.constant 0 : i32
      %ne3A_946 = arith.cmpi ne, %rem3A_944, %ne3A_945 : i32
      %and3A_947 = arith.andi %ne3A_943, %ne3A_946 : i1
      %sub3A_948 = arith.constant 1 : i32
      %sub3A_949 = arith.subi %div3A_928, %sub3A_948 : i32
      %select_n3A_950 = arith.select %and3A_947, %sub3A_949, %div3A_928 : i32
      %mul3A_951 = arith.constant 128 : i32
      %mul3A_952 = arith.muli %select_n3A_950, %mul3A_951 : i32
      %dma_wait3A_953 = tpu.memref_slice %arg5[%mul3A_952] : memref<5120000xf32, #tpu.memory_space<hbm>> -> memref<1280xf32, #tpu.memory_space<hbm>>
      %dma_wait3A_954 = tpu.memref_slice %arg5[%mul3A_952] : memref<5120000xf32, #tpu.memory_space<hbm>> -> memref<1280xf32, #tpu.memory_space<hbm>>
      tpu.wait_dma2 semaphore(%arg21 : memref<!tpu.dma_semaphore, #tpu.memory_space<semaphore_mem>>) src(%dma_wait3A_954 : memref<1280xf32, #tpu.memory_space<hbm>>) dst(%arg14 : memref<1280xf32, #tpu.memory_space<vmem>>)
      %dma_start3A_955 = arith.constant 0 : i32
      %dma_start3A_956 = arith.constant 0 : i32
      %dma_start3A_957 = tpu.memref_slice %arg2[%dma_start3A_955, %dma_start3A_956] : memref<10000x136xf32, #tpu.memory_space<hbm>> -> memref<10000x136xf32, #tpu.memory_space<hbm>>
      tpu.enqueue_indirect_dma source(%dma_start3A_957 : memref<10000x136xf32, #tpu.memory_space<hbm>>) target(%arg18 : memref<80x136xf32, #tpu.memory_space<vmem>>) offsets(%arg13 : memref<80xi32, #tpu.memory_space<vmem>>) semaphore(%arg22 : memref<!tpu.dma_semaphore, #tpu.memory_space<semaphore_mem>>)
      %parallel_loop3A_958 = arith.constant 0 : i32
      %parallel_loop3A_959 = arith.constant 80 : i32
      %parallel_loop3A_960 = arith.constant 1 : i32
      scf.for %parallel_loop3A_1217 = %parallel_loop3A_958 to %parallel_loop3A_959 step %parallel_loop3A_960  : i32 {
        %parallel_loop3A_1218 = arith.constant 0 : i32
        %parallel_loop3A_1219 = vector.broadcast %parallel_loop3A_1218 : i32 to vector<16xi32>
        %parallel_loop3A_1220 = vector.broadcast %parallel_loop3A_1217 : i32 to vector<16xi32>
        %parallel_loop3A_1221 = arith.addi %parallel_loop3A_1219, %parallel_loop3A_1220 : vector<16xi32>
        %parallel_loop3A_1222 = tpu.vector_load_idx %arg27[%parallel_loop3A_1221] : memref<80xf32, #tpu.memory_space<vmem>>[vector<16xi32>], vector<16xf32>,
        %parallel_loop3A_1223 = arith.index_cast %parallel_loop3A_1217 : i32 to index
        %parallel_loop3A_1224 = arith.constant 0 : index
        %parallel_loop3A_1225 = tpu.vector_load %arg30[%parallel_loop3A_1223, %parallel_loop3A_1224] {strides = array<i32>} : memref<80x136xf32, #tpu.memory_space<vmem>>, vector<16xf32>,
        %parallel_loop3A_1226 = arith.mulf %parallel_loop3A_1225, %parallel_loop3A_1222 : vector<16xf32>
        %parallel_loop3A_1227 = arith.index_cast %parallel_loop3A_1217 : i32 to index
        %parallel_loop3A_1228 = arith.constant 0 : index
        %parallel_loop3A_1229 = tpu.vector_load %arg30[%parallel_loop3A_1227, %parallel_loop3A_1228] {strides = array<i32>} : memref<80x136xf32, #tpu.memory_space<vmem>>, vector<16xf32>,
        tpu.vector_store %arg30[%parallel_loop3A_1227, %parallel_loop3A_1228], %parallel_loop3A_1226 {strides = array<i32>} : memref<80x136xf32, #tpu.memory_space<vmem>>, vector<16xf32>,
        %parallel_loop3A_1230 = arith.index_cast %parallel_loop3A_1217 : i32 to index
        %parallel_loop3A_1231 = arith.constant 16 : index
        %parallel_loop3A_1232 = tpu.vector_load %arg30[%parallel_loop3A_1230, %parallel_loop3A_1231] {strides = array<i32>} : memref<80x136xf32, #tpu.memory_space<vmem>>, vector<16xf32>,
        %parallel_loop3A_1233 = arith.mulf %parallel_loop3A_1232, %parallel_loop3A_1222 : vector<16xf32>
        %parallel_loop3A_1234 = arith.index_cast %parallel_loop3A_1217 : i32 to index
        %parallel_loop3A_1235 = arith.constant 16 : index
        %parallel_loop3A_1236 = tpu.vector_load %arg30[%parallel_loop3A_1234, %parallel_loop3A_1235] {strides = array<i32>} : memref<80x136xf32, #tpu.memory_space<vmem>>, vector<16xf32>,
        tpu.vector_store %arg30[%parallel_loop3A_1234, %parallel_loop3A_1235], %parallel_loop3A_1233 {strides = array<i32>} : memref<80x136xf32, #tpu.memory_space<vmem>>, vector<16xf32>,
        %parallel_loop3A_1237 = arith.index_cast %parallel_loop3A_1217 : i32 to index
        %parallel_loop3A_1238 = arith.constant 32 : index
        %parallel_loop3A_1239 = tpu.vector_load %arg30[%parallel_loop3A_1237, %parallel_loop3A_1238] {strides = array<i32>} : memref<80x136xf32, #tpu.memory_space<vmem>>, vector<16xf32>,
        %parallel_loop3A_1240 = arith.mulf %parallel_loop3A_1239, %parallel_loop3A_1222 : vector<16xf32>
        %parallel_loop3A_1241 = arith.index_cast %parallel_loop3A_1217 : i32 to index
        %parallel_loop3A_1242 = arith.constant 32 : index
        %parallel_loop3A_1243 = tpu.vector_load %arg30[%parallel_loop3A_1241, %parallel_loop3A_1242] {strides = array<i32>} : memref<80x136xf32, #tpu.memory_space<vmem>>, vector<16xf32>,
        tpu.vector_store %arg30[%parallel_loop3A_1241, %parallel_loop3A_1242], %parallel_loop3A_1240 {strides = array<i32>} : memref<80x136xf32, #tpu.memory_space<vmem>>, vector<16xf32>,
        %parallel_loop3A_1244 = arith.index_cast %parallel_loop3A_1217 : i32 to index
        %parallel_loop3A_1245 = arith.constant 48 : index
        %parallel_loop3A_1246 = tpu.vector_load %arg30[%parallel_loop3A_1244, %parallel_loop3A_1245] {strides = array<i32>} : memref<80x136xf32, #tpu.memory_space<vmem>>, vector<16xf32>,
        %parallel_loop3A_1247 = arith.mulf %parallel_loop3A_1246, %parallel_loop3A_1222 : vector<16xf32>
        %parallel_loop3A_1248 = arith.index_cast %parallel_loop3A_1217 : i32 to index
        %parallel_loop3A_1249 = arith.constant 48 : index
        %parallel_loop3A_1250 = tpu.vector_load %arg30[%parallel_loop3A_1248, %parallel_loop3A_1249] {strides = array<i32>} : memref<80x136xf32, #tpu.memory_space<vmem>>, vector<16xf32>,
        tpu.vector_store %arg30[%parallel_loop3A_1248, %parallel_loop3A_1249], %parallel_loop3A_1247 {strides = array<i32>} : memref<80x136xf32, #tpu.memory_space<vmem>>, vector<16xf32>,
        %parallel_loop3A_1251 = arith.index_cast %parallel_loop3A_1217 : i32 to index
        %parallel_loop3A_1252 = arith.constant 64 : index
        %parallel_loop3A_1253 = tpu.vector_load %arg30[%parallel_loop3A_1251, %parallel_loop3A_1252] {strides = array<i32>} : memref<80x136xf32, #tpu.memory_space<vmem>>, vector<16xf32>,
        %parallel_loop3A_1254 = arith.mulf %parallel_loop3A_1253, %parallel_loop3A_1222 : vector<16xf32>
        %parallel_loop3A_1255 = arith.index_cast %parallel_loop3A_1217 : i32 to index
        %parallel_loop3A_1256 = arith.constant 64 : index
        %parallel_loop3A_1257 = tpu.vector_load %arg30[%parallel_loop3A_1255, %parallel_loop3A_1256] {strides = array<i32>} : memref<80x136xf32, #tpu.memory_space<vmem>>, vector<16xf32>,
        tpu.vector_store %arg30[%parallel_loop3A_1255, %parallel_loop3A_1256], %parallel_loop3A_1254 {strides = array<i32>} : memref<80x136xf32, #tpu.memory_space<vmem>>, vector<16xf32>,
        %parallel_loop3A_1258 = arith.index_cast %parallel_loop3A_1217 : i32 to index
        %parallel_loop3A_1259 = arith.constant 80 : index
        %parallel_loop3A_1260 = tpu.vector_load %arg30[%parallel_loop3A_1258, %parallel_loop3A_1259] {strides = array<i32>} : memref<80x136xf32, #tpu.memory_space<vmem>>, vector<16xf32>,
        %parallel_loop3A_1261 = arith.mulf %parallel_loop3A_1260, %parallel_loop3A_1222 : vector<16xf32>
        %parallel_loop3A_1262 = arith.index_cast %parallel_loop3A_1217 : i32 to index
        %parallel_loop3A_1263 = arith.constant 80 : index
        %parallel_loop3A_1264 = tpu.vector_load %arg30[%parallel_loop3A_1262, %parallel_loop3A_1263] {strides = array<i32>} : memref<80x136xf32, #tpu.memory_space<vmem>>, vector<16xf32>,
        tpu.vector_store %arg30[%parallel_loop3A_1262, %parallel_loop3A_1263], %parallel_loop3A_1261 {strides = array<i32>} : memref<80x136xf32, #tpu.memory_space<vmem>>, vector<16xf32>,
        %parallel_loop3A_1265 = arith.index_cast %parallel_loop3A_1217 : i32 to index
        %parallel_loop3A_1266 = arith.constant 96 : index
        %parallel_loop3A_1267 = tpu.vector_load %arg30[%parallel_loop3A_1265, %parallel_loop3A_1266] {strides = array<i32>} : memref<80x136xf32, #tpu.memory_space<vmem>>, vector<16xf32>,
        %parallel_loop3A_1268 = arith.mulf %parallel_loop3A_1267, %parallel_loop3A_1222 : vector<16xf32>
        %parallel_loop3A_1269 = arith.index_cast %parallel_loop3A_1217 : i32 to index
        %parallel_loop3A_1270 = arith.constant 96 : index
        %parallel_loop3A_1271 = tpu.vector_load %arg30[%parallel_loop3A_1269, %parallel_loop3A_1270] {strides = array<i32>} : memref<80x136xf32, #tpu.memory_space<vmem>>, vector<16xf32>,
        tpu.vector_store %arg30[%parallel_loop3A_1269, %parallel_loop3A_1270], %parallel_loop3A_1268 {strides = array<i32>} : memref<80x136xf32, #tpu.memory_space<vmem>>, vector<16xf32>,
        %parallel_loop3A_1272 = arith.index_cast %parallel_loop3A_1217 : i32 to index
        %parallel_loop3A_1273 = arith.constant 112 : index
        %parallel_loop3A_1274 = tpu.vector_load %arg30[%parallel_loop3A_1272, %parallel_loop3A_1273] {strides = array<i32>} : memref<80x136xf32, #tpu.memory_space<vmem>>, vector<16xf32>,
        %parallel_loop3A_1275 = arith.mulf %parallel_loop3A_1274, %parallel_loop3A_1222 : vector<16xf32>
        %parallel_loop3A_1276 = arith.index_cast %parallel_loop3A_1217 : i32 to index
        %parallel_loop3A_1277 = arith.constant 112 : index
        %parallel_loop3A_1278 = tpu.vector_load %arg30[%parallel_loop3A_1276, %parallel_loop3A_1277] {strides = array<i32>} : memref<80x136xf32, #tpu.memory_space<vmem>>, vector<16xf32>,
        tpu.vector_store %arg30[%parallel_loop3A_1276, %parallel_loop3A_1277], %parallel_loop3A_1275 {strides = array<i32>} : memref<80x136xf32, #tpu.memory_space<vmem>>, vector<16xf32>,
        %parallel_loop3A_1279 = arith.index_cast %parallel_loop3A_1217 : i32 to index
        %parallel_loop3A_1280 = arith.constant 120 : index
        %parallel_loop3A_1281 = tpu.vector_load %arg30[%parallel_loop3A_1279, %parallel_loop3A_1280] {strides = array<i32>} : memref<80x136xf32, #tpu.memory_space<vmem>>, vector<16xf32>,
        %parallel_loop3A_1282 = arith.constant 8 : i32
        %parallel_loop3A_1283 = vector.broadcast %parallel_loop3A_1282 : i32 to vector<16xi32>
        %parallel_loop3A_1284 = arith.cmpi slt, %iota3A, %parallel_loop3A_1283 : vector<16xi32>
        %parallel_loop3A_1285 = arith.mulf %parallel_loop3A_1281, %parallel_loop3A_1222 : vector<16xf32>
        %parallel_loop3A_1286 = arith.select %parallel_loop3A_1284, %parallel_loop3A_1281, %parallel_loop3A_1285 : vector<16xi1>, vector<16xf32>
        %parallel_loop3A_1287 = arith.index_cast %parallel_loop3A_1217 : i32 to index
        %parallel_loop3A_1288 = arith.constant 120 : index
        %parallel_loop3A_1289 = tpu.vector_load %arg30[%parallel_loop3A_1287, %parallel_loop3A_1288] {strides = array<i32>} : memref<80x136xf32, #tpu.memory_space<vmem>>, vector<16xf32>,
        tpu.vector_store %arg30[%parallel_loop3A_1287, %parallel_loop3A_1288], %parallel_loop3A_1286 {strides = array<i32>} : memref<80x136xf32, #tpu.memory_space<vmem>>, vector<16xf32>,
      } {sc.loop_unroll_factor = 4 : i64, sc.parallel_access}
      %get3A_961 = arith.constant 0 : index
      %get3A_962 = tpu.vector_load %arg24[%get3A_961] {strides = array<i32>} : memref<80xi32, #tpu.memory_space<vmem>>, vector<16xi32>,
      %swap3A_963 = arith.constant 0 : index
      %swap3A_964 = tpu.vector_load %arg28[%swap3A_963] {strides = array<i32>} : memref<80xi32, #tpu.memory_space<vmem>>, vector<16xi32>,
      tpu.vector_store %arg28[%swap3A_963], %get3A_962 {strides = array<i32>} : memref<80xi32, #tpu.memory_space<vmem>>, vector<16xi32>,
      %get3A_965 = arith.constant 16 : index
      %get3A_966 = tpu.vector_load %arg24[%get3A_965] {strides = array<i32>} : memref<80xi32, #tpu.memory_space<vmem>>, vector<16xi32>,
      %swap3A_967 = arith.constant 16 : index
      %swap3A_968 = tpu.vector_load %arg28[%swap3A_967] {strides = array<i32>} : memref<80xi32, #tpu.memory_space<vmem>>, vector<16xi32>,
      tpu.vector_store %arg28[%swap3A_967], %get3A_966 {strides = array<i32>} : memref<80xi32, #tpu.memory_space<vmem>>, vector<16xi32>,
      %get3A_969 = arith.constant 32 : index
      %get3A_970 = tpu.vector_load %arg24[%get3A_969] {strides = array<i32>} : memref<80xi32, #tpu.memory_space<vmem>>, vector<16xi32>,
      %swap3A_971 = arith.constant 32 : index
      %swap3A_972 = tpu.vector_load %arg28[%swap3A_971] {strides = array<i32>} : memref<80xi32, #tpu.memory_space<vmem>>, vector<16xi32>,
      tpu.vector_store %arg28[%swap3A_971], %get3A_970 {strides = array<i32>} : memref<80xi32, #tpu.memory_space<vmem>>, vector<16xi32>,
      %get3A_973 = arith.constant 48 : index
      %get3A_974 = tpu.vector_load %arg24[%get3A_973] {strides = array<i32>} : memref<80xi32, #tpu.memory_space<vmem>>, vector<16xi32>,
      %swap3A_975 = arith.constant 48 : index
      %swap3A_976 = tpu.vector_load %arg28[%swap3A_975] {strides = array<i32>} : memref<80xi32, #tpu.memory_space<vmem>>, vector<16xi32>,
      tpu.vector_store %arg28[%swap3A_975], %get3A_974 {strides = array<i32>} : memref<80xi32, #tpu.memory_space<vmem>>, vector<16xi32>,
      %get3A_977 = arith.constant 64 : index
      %get3A_978 = tpu.vector_load %arg24[%get3A_977] {strides = array<i32>} : memref<80xi32, #tpu.memory_space<vmem>>, vector<16xi32>,
      %swap3A_979 = arith.constant 64 : index
      %swap3A_980 = tpu.vector_load %arg28[%swap3A_979] {strides = array<i32>} : memref<80xi32, #tpu.memory_space<vmem>>, vector<16xi32>,
      tpu.vector_store %arg28[%swap3A_979], %get3A_978 {strides = array<i32>} : memref<80xi32, #tpu.memory_space<vmem>>, vector<16xi32>,
      %dma_start3A_981 = arith.constant 0 : i32
      %dma_start3A_982 = arith.constant 0 : i32
      %dma_start3A_983 = tpu.memref_slice %arg11[%dma_start3A_981, %dma_start3A_982] : memref<10000x136xf32, #tpu.memory_space<vmem_shared>> -> memref<10000x136xf32, #tpu.memory_space<vmem_shared>>
      tpu.enqueue_indirect_dma source(%arg30 : memref<80x136xf32, #tpu.memory_space<vmem>>) target(%dma_start3A_983 : memref<10000x136xf32, #tpu.memory_space<vmem_shared>>) offsets(%arg28 : memref<80xi32, #tpu.memory_space<vmem>>) semaphore(%arg35 : memref<!tpu.dma_semaphore, #tpu.memory_space<semaphore_mem>>) {add = true}
      %add3A_984 = arith.constant 1 : i32
      %add3A_985 = arith.addi %add3A_752, %add3A_984 : i32
      %add3A_986 = arith.constant 1 : i32
      %add3A_987 = arith.addi %add3A_985, %add3A_986 : i32
      %mul3A_988 = arith.constant 80 : i32
      %mul3A_989 = arith.muli %add3A_987, %mul3A_988 : i32
      %add3A_990 = arith.addi %mul3A_2, %mul3A_989 : i32
      %dma_start3A_991 = arith.constant 0 : i32
      %dma_start3A_992 = tpu.memref_slice %arg6[%dma_start3A_991, %add3A_990] : memref<2x320000xi32, #tpu.memory_space<hbm>> -> memref<1x80xi32, #tpu.memory_space<hbm>>
      %dma_start3A_993 = tpu.memref_squeeze %dma_start3A_992 : memref<1x80xi32, #tpu.memory_space<hbm>> -> memref<80xi32, #tpu.memory_space<hbm>>
      %dma_start3A_994 = tpu.memref_slice %arg6[%dma_start3A_991, %add3A_990] : memref<2x320000xi32, #tpu.memory_space<hbm>> -> memref<1x80xi32, #tpu.memory_space<hbm>>
      %dma_start3A_995 = tpu.memref_squeeze %dma_start3A_994 : memref<1x80xi32, #tpu.memory_space<hbm>> -> memref<80xi32, #tpu.memory_space<hbm>>
      tpu.enqueue_dma source(%dma_start3A_995 : memref<80xi32, #tpu.memory_space<hbm>>) target(%arg24 : memref<80xi32, #tpu.memory_space<vmem>>) target_semaphore(%arg31 : memref<!tpu.dma_semaphore, #tpu.memory_space<semaphore_mem>>)
      %dma_start3A_996 = arith.constant 1 : i32
      %dma_start3A_997 = tpu.memref_slice %arg6[%dma_start3A_996, %add3A_990] : memref<2x320000xi32, #tpu.memory_space<hbm>> -> memref<1x80xi32, #tpu.memory_space<hbm>>
      %dma_start3A_998 = tpu.memref_squeeze %dma_start3A_997 : memref<1x80xi32, #tpu.memory_space<hbm>> -> memref<80xi32, #tpu.memory_space<hbm>>
      %dma_start3A_999 = tpu.memref_slice %arg6[%dma_start3A_996, %add3A_990] : memref<2x320000xi32, #tpu.memory_space<hbm>> -> memref<1x80xi32, #tpu.memory_space<hbm>>
      %dma_start3A_1000 = tpu.memref_squeeze %dma_start3A_999 : memref<1x80xi32, #tpu.memory_space<hbm>> -> memref<80xi32, #tpu.memory_space<hbm>>
      tpu.enqueue_dma source(%dma_start3A_1000 : memref<80xi32, #tpu.memory_space<hbm>>) target(%arg25 : memref<80xi32, #tpu.memory_space<vmem>>) target_semaphore(%arg32 : memref<!tpu.dma_semaphore, #tpu.memory_space<semaphore_mem>>)
      %jit3A_1001 = arith.constant 8 : i32
      %div3A_1002 = arith.divsi %add3A_990, %jit3A_1001 : i32
      %sign3A_1003 = arith.constant 0 : i32
      %sign3A_1004 = arith.cmpi sgt, %add3A_990, %sign3A_1003 : i32
      %sign3A_1005 = arith.extui %sign3A_1004 : i1 to i32
      %sign3A_1006 = arith.constant 0 : i32
      %sign3A_1007 = arith.cmpi slt, %add3A_990, %sign3A_1006 : i32
      %sign3A_1008 = arith.extui %sign3A_1007 : i1 to i32
      %sign3A_1009 = arith.subi %sign3A_1005, %sign3A_1008 : i32
      %sign3A_1010 = arith.constant 0 : i32
      %sign3A_1011 = arith.cmpi sgt, %jit3A_1001, %sign3A_1010 : i32
      %sign3A_1012 = arith.extui %sign3A_1011 : i1 to i32
      %sign3A_1013 = arith.constant 0 : i32
      %sign3A_1014 = arith.cmpi slt, %jit3A_1001, %sign3A_1013 : i32
      %sign3A_1015 = arith.extui %sign3A_1014 : i1 to i32
      %sign3A_1016 = arith.subi %sign3A_1012, %sign3A_1015 : i32
      %ne3A_1017 = arith.cmpi ne, %sign3A_1009, %sign3A_1016 : i32
      %rem3A_1018 = arith.remsi %add3A_990, %jit3A_1001 : i32
      %ne3A_1019 = arith.constant 0 : i32
      %ne3A_1020 = arith.cmpi ne, %rem3A_1018, %ne3A_1019 : i32
      %and3A_1021 = arith.andi %ne3A_1017, %ne3A_1020 : i1
      %sub3A_1022 = arith.constant 1 : i32
      %sub3A_1023 = arith.subi %div3A_1002, %sub3A_1022 : i32
      %select_n3A_1024 = arith.select %and3A_1021, %sub3A_1023, %div3A_1002 : i32
      %mul3A_1025 = arith.constant 128 : i32
      %mul3A_1026 = arith.muli %select_n3A_1024, %mul3A_1025 : i32
      %dma_start3A_1027 = tpu.memref_slice %arg5[%mul3A_1026] : memref<5120000xf32, #tpu.memory_space<hbm>> -> memref<1280xf32, #tpu.memory_space<hbm>>
      %dma_start3A_1028 = tpu.memref_slice %arg5[%mul3A_1026] : memref<5120000xf32, #tpu.memory_space<hbm>> -> memref<1280xf32, #tpu.memory_space<hbm>>
      tpu.enqueue_dma source(%dma_start3A_1028 : memref<1280xf32, #tpu.memory_space<hbm>>) target(%arg26 : memref<1280xf32, #tpu.memory_space<vmem>>) target_semaphore(%arg33 : memref<!tpu.dma_semaphore, #tpu.memory_space<semaphore_mem>>)
      %get3A_1029 = arith.constant 0 : index
      %get3A_1030 = tpu.vector_load %arg12[%get3A_1029] {strides = array<i32>} : memref<80xi32, #tpu.memory_space<vmem>>, vector<16xi32>,
      %get3A_1031 = arith.constant 0 : index
      %get3A_1032 = tpu.vector_load %arg13[%get3A_1031] {strides = array<i32>} : memref<80xi32, #tpu.memory_space<vmem>>, vector<16xi32>,
      %add3A_1033 = arith.constant 0 : i32
      %add3A_1034 = vector.broadcast %add3A_1033 : i32 to vector<16xi32>
      %add3A_1035 = arith.addi %add3A_51, %add3A_1034 : vector<16xi32>
      %gather3A_1036 = tpu.vector_load_idx %arg14[%add3A_1035] : memref<1280xf32, #tpu.memory_space<vmem>>[vector<16xi32>], vector<16xf32>,
      %gather3A_1037 = tpu.vector_load_idx %arg9[%get3A_1030] : memref<10000xf32, #tpu.memory_space<vmem>>[vector<16xi32>], vector<16xf32>,
      %gather3A_1038 = tpu.vector_load_idx %arg10[%get3A_1032] : memref<10000xf32, #tpu.memory_space<vmem>>[vector<16xi32>], vector<16xf32>,
      %add3A_1039 = arith.addf %gather3A_1037, %gather3A_1038 : vector<16xf32>
      %add3A_1040 = arith.addf %add3A_1039, %gather3A_1036 : vector<16xf32>
      %gt3A_1041 = arith.constant 0.000000e+00 : f32
      %gt3A_1042 = vector.broadcast %gt3A_1041 : f32 to vector<16xf32>
      %gt3A_1043 = arith.cmpf ogt, %add3A_1040, %gt3A_1042 : vector<16xf32>
      %mul3A_1044 = arith.constant 0.00999999977 : f32
      %mul3A_1045 = vector.broadcast %mul3A_1044 : f32 to vector<16xf32>
      %mul3A_1046 = arith.mulf %add3A_1040, %mul3A_1045 : vector<16xf32>
      %select_n3A_1047 = arith.select %gt3A_1043, %add3A_1040, %mul3A_1046 : vector<16xi1>, vector<16xf32>
      %exp3A_1048 = math.exp %select_n3A_1047 : vector<16xf32>
      %swap3A_1049 = arith.constant 0 : index
      %swap3A_1050 = tpu.vector_load %arg15[%swap3A_1049] {strides = array<i32>} : memref<80xf32, #tpu.memory_space<vmem>>, vector<16xf32>,
      tpu.vector_store %arg15[%swap3A_1049], %exp3A_1048 {strides = array<i32>} : memref<80xf32, #tpu.memory_space<vmem>>, vector<16xf32>,
      %get3A_1051 = arith.constant 16 : index
      %get3A_1052 = tpu.vector_load %arg12[%get3A_1051] {strides = array<i32>} : memref<80xi32, #tpu.memory_space<vmem>>, vector<16xi32>,
      %get3A_1053 = arith.constant 16 : index
      %get3A_1054 = tpu.vector_load %arg13[%get3A_1053] {strides = array<i32>} : memref<80xi32, #tpu.memory_space<vmem>>, vector<16xi32>,
      %add3A_1055 = arith.constant 256 : i32
      %add3A_1056 = vector.broadcast %add3A_1055 : i32 to vector<16xi32>
      %add3A_1057 = arith.addi %add3A_51, %add3A_1056 : vector<16xi32>
      %gather3A_1058 = tpu.vector_load_idx %arg14[%add3A_1057] : memref<1280xf32, #tpu.memory_space<vmem>>[vector<16xi32>], vector<16xf32>,
      %gather3A_1059 = tpu.vector_load_idx %arg9[%get3A_1052] : memref<10000xf32, #tpu.memory_space<vmem>>[vector<16xi32>], vector<16xf32>,
      %gather3A_1060 = tpu.vector_load_idx %arg10[%get3A_1054] : memref<10000xf32, #tpu.memory_space<vmem>>[vector<16xi32>], vector<16xf32>,
      %add3A_1061 = arith.addf %gather3A_1059, %gather3A_1060 : vector<16xf32>
      %add3A_1062 = arith.addf %add3A_1061, %gather3A_1058 : vector<16xf32>
      %gt3A_1063 = arith.constant 0.000000e+00 : f32
      %gt3A_1064 = vector.broadcast %gt3A_1063 : f32 to vector<16xf32>
      %gt3A_1065 = arith.cmpf ogt, %add3A_1062, %gt3A_1064 : vector<16xf32>
      %mul3A_1066 = arith.constant 0.00999999977 : f32
      %mul3A_1067 = vector.broadcast %mul3A_1066 : f32 to vector<16xf32>
      %mul3A_1068 = arith.mulf %add3A_1062, %mul3A_1067 : vector<16xf32>
      %select_n3A_1069 = arith.select %gt3A_1065, %add3A_1062, %mul3A_1068 : vector<16xi1>, vector<16xf32>
      %exp3A_1070 = math.exp %select_n3A_1069 : vector<16xf32>
      %swap3A_1071 = arith.constant 16 : index
      %swap3A_1072 = tpu.vector_load %arg15[%swap3A_1071] {strides = array<i32>} : memref<80xf32, #tpu.memory_space<vmem>>, vector<16xf32>,
      tpu.vector_store %arg15[%swap3A_1071], %exp3A_1070 {strides = array<i32>} : memref<80xf32, #tpu.memory_space<vmem>>, vector<16xf32>,
      %get3A_1073 = arith.constant 32 : index
      %get3A_1074 = tpu.vector_load %arg12[%get3A_1073] {strides = array<i32>} : memref<80xi32, #tpu.memory_space<vmem>>, vector<16xi32>,
      %get3A_1075 = arith.constant 32 : index
      %get3A_1076 = tpu.vector_load %arg13[%get3A_1075] {strides = array<i32>} : memref<80xi32, #tpu.memory_space<vmem>>, vector<16xi32>,
      %add3A_1077 = arith.constant 512 : i32
      %add3A_1078 = vector.broadcast %add3A_1077 : i32 to vector<16xi32>
      %add3A_1079 = arith.addi %add3A_51, %add3A_1078 : vector<16xi32>
      %gather3A_1080 = tpu.vector_load_idx %arg14[%add3A_1079] : memref<1280xf32, #tpu.memory_space<vmem>>[vector<16xi32>], vector<16xf32>,
      %gather3A_1081 = tpu.vector_load_idx %arg9[%get3A_1074] : memref<10000xf32, #tpu.memory_space<vmem>>[vector<16xi32>], vector<16xf32>,
      %gather3A_1082 = tpu.vector_load_idx %arg10[%get3A_1076] : memref<10000xf32, #tpu.memory_space<vmem>>[vector<16xi32>], vector<16xf32>,
      %add3A_1083 = arith.addf %gather3A_1081, %gather3A_1082 : vector<16xf32>
      %add3A_1084 = arith.addf %add3A_1083, %gather3A_1080 : vector<16xf32>
      %gt3A_1085 = arith.constant 0.000000e+00 : f32
      %gt3A_1086 = vector.broadcast %gt3A_1085 : f32 to vector<16xf32>
      %gt3A_1087 = arith.cmpf ogt, %add3A_1084, %gt3A_1086 : vector<16xf32>
      %mul3A_1088 = arith.constant 0.00999999977 : f32
      %mul3A_1089 = vector.broadcast %mul3A_1088 : f32 to vector<16xf32>
      %mul3A_1090 = arith.mulf %add3A_1084, %mul3A_1089 : vector<16xf32>
      %select_n3A_1091 = arith.select %gt3A_1087, %add3A_1084, %mul3A_1090 : vector<16xi1>, vector<16xf32>
      %exp3A_1092 = math.exp %select_n3A_1091 : vector<16xf32>
      %swap3A_1093 = arith.constant 32 : index
      %swap3A_1094 = tpu.vector_load %arg15[%swap3A_1093] {strides = array<i32>} : memref<80xf32, #tpu.memory_space<vmem>>, vector<16xf32>,
      tpu.vector_store %arg15[%swap3A_1093], %exp3A_1092 {strides = array<i32>} : memref<80xf32, #tpu.memory_space<vmem>>, vector<16xf32>,
      %get3A_1095 = arith.constant 48 : index
      %get3A_1096 = tpu.vector_load %arg12[%get3A_1095] {strides = array<i32>} : memref<80xi32, #tpu.memory_space<vmem>>, vector<16xi32>,
      %get3A_1097 = arith.constant 48 : index
      %get3A_1098 = tpu.vector_load %arg13[%get3A_1097] {strides = array<i32>} : memref<80xi32, #tpu.memory_space<vmem>>, vector<16xi32>,
      %add3A_1099 = arith.constant 768 : i32
      %add3A_1100 = vector.broadcast %add3A_1099 : i32 to vector<16xi32>
      %add3A_1101 = arith.addi %add3A_51, %add3A_1100 : vector<16xi32>
      %gather3A_1102 = tpu.vector_load_idx %arg14[%add3A_1101] : memref<1280xf32, #tpu.memory_space<vmem>>[vector<16xi32>], vector<16xf32>,
      %gather3A_1103 = tpu.vector_load_idx %arg9[%get3A_1096] : memref<10000xf32, #tpu.memory_space<vmem>>[vector<16xi32>], vector<16xf32>,
      %gather3A_1104 = tpu.vector_load_idx %arg10[%get3A_1098] : memref<10000xf32, #tpu.memory_space<vmem>>[vector<16xi32>], vector<16xf32>,
      %add3A_1105 = arith.addf %gather3A_1103, %gather3A_1104 : vector<16xf32>
      %add3A_1106 = arith.addf %add3A_1105, %gather3A_1102 : vector<16xf32>
      %gt3A_1107 = arith.constant 0.000000e+00 : f32
      %gt3A_1108 = vector.broadcast %gt3A_1107 : f32 to vector<16xf32>
      %gt3A_1109 = arith.cmpf ogt, %add3A_1106, %gt3A_1108 : vector<16xf32>
      %mul3A_1110 = arith.constant 0.00999999977 : f32
      %mul3A_1111 = vector.broadcast %mul3A_1110 : f32 to vector<16xf32>
      %mul3A_1112 = arith.mulf %add3A_1106, %mul3A_1111 : vector<16xf32>
      %select_n3A_1113 = arith.select %gt3A_1109, %add3A_1106, %mul3A_1112 : vector<16xi1>, vector<16xf32>
      %exp3A_1114 = math.exp %select_n3A_1113 : vector<16xf32>
      %swap3A_1115 = arith.constant 48 : index
      %swap3A_1116 = tpu.vector_load %arg15[%swap3A_1115] {strides = array<i32>} : memref<80xf32, #tpu.memory_space<vmem>>, vector<16xf32>,
      tpu.vector_store %arg15[%swap3A_1115], %exp3A_1114 {strides = array<i32>} : memref<80xf32, #tpu.memory_space<vmem>>, vector<16xf32>,
      %get3A_1117 = arith.constant 64 : index
      %get3A_1118 = tpu.vector_load %arg12[%get3A_1117] {strides = array<i32>} : memref<80xi32, #tpu.memory_space<vmem>>, vector<16xi32>,
      %get3A_1119 = arith.constant 64 : index
      %get3A_1120 = tpu.vector_load %arg13[%get3A_1119] {strides = array<i32>} : memref<80xi32, #tpu.memory_space<vmem>>, vector<16xi32>,
      %add3A_1121 = arith.constant 1024 : i32
      %add3A_1122 = vector.broadcast %add3A_1121 : i32 to vector<16xi32>
      %add3A_1123 = arith.addi %add3A_51, %add3A_1122 : vector<16xi32>
      %gather3A_1124 = tpu.vector_load_idx %arg14[%add3A_1123] : memref<1280xf32, #tpu.memory_space<vmem>>[vector<16xi32>], vector<16xf32>,
      %gather3A_1125 = tpu.vector_load_idx %arg9[%get3A_1118] : memref<10000xf32, #tpu.memory_space<vmem>>[vector<16xi32>], vector<16xf32>,
      %gather3A_1126 = tpu.vector_load_idx %arg10[%get3A_1120] : memref<10000xf32, #tpu.memory_space<vmem>>[vector<16xi32>], vector<16xf32>,
      %add3A_1127 = arith.addf %gather3A_1125, %gather3A_1126 : vector<16xf32>
      %add3A_1128 = arith.addf %add3A_1127, %gather3A_1124 : vector<16xf32>
      %gt3A_1129 = arith.constant 0.000000e+00 : f32
      %gt3A_1130 = vector.broadcast %gt3A_1129 : f32 to vector<16xf32>
      %gt3A_1131 = arith.cmpf ogt, %add3A_1128, %gt3A_1130 : vector<16xf32>
      %mul3A_1132 = arith.constant 0.00999999977 : f32
      %mul3A_1133 = vector.broadcast %mul3A_1132 : f32 to vector<16xf32>
      %mul3A_1134 = arith.mulf %add3A_1128, %mul3A_1133 : vector<16xf32>
      %select_n3A_1135 = arith.select %gt3A_1131, %add3A_1128, %mul3A_1134 : vector<16xi1>, vector<16xf32>
      %exp3A_1136 = math.exp %select_n3A_1135 : vector<16xf32>
      %swap3A_1137 = arith.constant 64 : index
      %swap3A_1138 = tpu.vector_load %arg15[%swap3A_1137] {strides = array<i32>} : memref<80xf32, #tpu.memory_space<vmem>>, vector<16xf32>,
      tpu.vector_store %arg15[%swap3A_1137], %exp3A_1136 {strides = array<i32>} : memref<80xf32, #tpu.memory_space<vmem>>, vector<16xf32>,
      %dma_wait3A_1139 = arith.constant 0 : i32
      %dma_wait3A_1140 = arith.constant 0 : i32
      %dma_wait3A_1141 = tpu.memref_slice %arg2[%dma_wait3A_1139, %dma_wait3A_1140] : memref<10000x136xf32, #tpu.memory_space<hbm>> -> memref<10000x136xf32, #tpu.memory_space<hbm>>
      tpu.wait_indirect_dma semaphore(%arg22 : memref<!tpu.dma_semaphore, #tpu.memory_space<semaphore_mem>>) src(%dma_wait3A_1141 : memref<10000x136xf32, #tpu.memory_space<hbm>>) dst(%arg18 : memref<80x136xf32, #tpu.memory_space<vmem>>)
      %dma_wait3A_1142 = arith.constant 0 : i32
      %dma_wait3A_1143 = arith.constant 0 : i32
      %dma_wait3A_1144 = tpu.memref_slice %arg11[%dma_wait3A_1142, %dma_wait3A_1143] : memref<10000x136xf32, #tpu.memory_space<vmem_shared>> -> memref<10000x136xf32, #tpu.memory_space<vmem_shared>>
      tpu.wait_indirect_dma semaphore(%arg35 : memref<!tpu.dma_semaphore, #tpu.memory_space<semaphore_mem>>) src(%arg30 : memref<80x136xf32, #tpu.memory_space<vmem>>) dst(%dma_wait3A_1144 : memref<10000x136xf32, #tpu.memory_space<vmem_shared>>)
      %add3A_1145 = arith.constant 1 : i32
      %add3A_1146 = arith.addi %add3A_985, %add3A_1145 : i32
      %mul3A_1147 = arith.constant 80 : i32
      %mul3A_1148 = arith.muli %add3A_1146, %mul3A_1147 : i32
      %add3A_1149 = arith.addi %mul3A_2, %mul3A_1148 : i32
      %dma_wait3A_1150 = arith.constant 0 : i32
      %dma_wait3A_1151 = tpu.memref_slice %arg6[%dma_wait3A_1150, %add3A_1149] : memref<2x320000xi32, #tpu.memory_space<hbm>> -> memref<1x80xi32, #tpu.memory_space<hbm>>
      %dma_wait3A_1152 = tpu.memref_squeeze %dma_wait3A_1151 : memref<1x80xi32, #tpu.memory_space<hbm>> -> memref<80xi32, #tpu.memory_space<hbm>>
      %dma_wait3A_1153 = tpu.memref_slice %arg6[%dma_wait3A_1150, %add3A_1149] : memref<2x320000xi32, #tpu.memory_space<hbm>> -> memref<1x80xi32, #tpu.memory_space<hbm>>
      %dma_wait3A_1154 = tpu.memref_squeeze %dma_wait3A_1153 : memref<1x80xi32, #tpu.memory_space<hbm>> -> memref<80xi32, #tpu.memory_space<hbm>>
      tpu.wait_dma2 semaphore(%arg31 : memref<!tpu.dma_semaphore, #tpu.memory_space<semaphore_mem>>) src(%dma_wait3A_1154 : memref<80xi32, #tpu.memory_space<hbm>>) dst(%arg24 : memref<80xi32, #tpu.memory_space<vmem>>)
      %dma_wait3A_1155 = arith.constant 1 : i32
      %dma_wait3A_1156 = tpu.memref_slice %arg6[%dma_wait3A_1155, %add3A_1149] : memref<2x320000xi32, #tpu.memory_space<hbm>> -> memref<1x80xi32, #tpu.memory_space<hbm>>
      %dma_wait3A_1157 = tpu.memref_squeeze %dma_wait3A_1156 : memref<1x80xi32, #tpu.memory_space<hbm>> -> memref<80xi32, #tpu.memory_space<hbm>>
      %dma_wait3A_1158 = tpu.memref_slice %arg6[%dma_wait3A_1155, %add3A_1149] : memref<2x320000xi32, #tpu.memory_space<hbm>> -> memref<1x80xi32, #tpu.memory_space<hbm>>
      %dma_wait3A_1159 = tpu.memref_squeeze %dma_wait3A_1158 : memref<1x80xi32, #tpu.memory_space<hbm>> -> memref<80xi32, #tpu.memory_space<hbm>>
      tpu.wait_dma2 semaphore(%arg32 : memref<!tpu.dma_semaphore, #tpu.memory_space<semaphore_mem>>) src(%dma_wait3A_1159 : memref<80xi32, #tpu.memory_space<hbm>>) dst(%arg25 : memref<80xi32, #tpu.memory_space<vmem>>)
      %jit3A_1160 = arith.constant 8 : i32
      %div3A_1161 = arith.divsi %add3A_1149, %jit3A_1160 : i32
      %sign3A_1162 = arith.constant 0 : i32
      %sign3A_1163 = arith.cmpi sgt, %add3A_1149, %sign3A_1162 : i32
      %sign3A_1164 = arith.extui %sign3A_1163 : i1 to i32
      %sign3A_1165 = arith.constant 0 : i32
      %sign3A_1166 = arith.cmpi slt, %add3A_1149, %sign3A_1165 : i32
      %sign3A_1167 = arith.extui %sign3A_1166 : i1 to i32
      %sign3A_1168 = arith.subi %sign3A_1164, %sign3A_1167 : i32
      %sign3A_1169 = arith.constant 0 : i32
      %sign3A_1170 = arith.cmpi sgt, %jit3A_1160, %sign3A_1169 : i32
      %sign3A_1171 = arith.extui %sign3A_1170 : i1 to i32
      %sign3A_1172 = arith.constant 0 : i32
      %sign3A_1173 = arith.cmpi slt, %jit3A_1160, %sign3A_1172 : i32
      %sign3A_1174 = arith.extui %sign3A_1173 : i1 to i32
      %sign3A_1175 = arith.subi %sign3A_1171, %sign3A_1174 : i32
      %ne3A_1176 = arith.cmpi ne, %sign3A_1168, %sign3A_1175 : i32
      %rem3A_1177 = arith.remsi %add3A_1149, %jit3A_1160 : i32
      %ne3A_1178 = arith.constant 0 : i32
      %ne3A_1179 = arith.cmpi ne, %rem3A_1177, %ne3A_1178 : i32
      %and3A_1180 = arith.andi %ne3A_1176, %ne3A_1179 : i1
      %sub3A_1181 = arith.constant 1 : i32
      %sub3A_1182 = arith.subi %div3A_1161, %sub3A_1181 : i32
      %select_n3A_1183 = arith.select %and3A_1180, %sub3A_1182, %div3A_1161 : i32
      %mul3A_1184 = arith.constant 128 : i32
      %mul3A_1185 = arith.muli %select_n3A_1183, %mul3A_1184 : i32
      %dma_wait3A_1186 = tpu.memref_slice %arg5[%mul3A_1185] : memref<5120000xf32, #tpu.memory_space<hbm>> -> memref<1280xf32, #tpu.memory_space<hbm>>
      %dma_wait3A_1187 = tpu.memref_slice %arg5[%mul3A_1185] : memref<5120000xf32, #tpu.memory_space<hbm>> -> memref<1280xf32, #tpu.memory_space<hbm>>
      tpu.wait_dma2 semaphore(%arg33 : memref<!tpu.dma_semaphore, #tpu.memory_space<semaphore_mem>>) src(%dma_wait3A_1187 : memref<1280xf32, #tpu.memory_space<hbm>>) dst(%arg26 : memref<1280xf32, #tpu.memory_space<vmem>>)
      %dma_start3A_1188 = arith.constant 0 : i32
      %dma_start3A_1189 = arith.constant 0 : i32
      %dma_start3A_1190 = tpu.memref_slice %arg2[%dma_start3A_1188, %dma_start3A_1189] : memref<10000x136xf32, #tpu.memory_space<hbm>> -> memref<10000x136xf32, #tpu.memory_space<hbm>>
      tpu.enqueue_indirect_dma source(%dma_start3A_1190 : memref<10000x136xf32, #tpu.memory_space<hbm>>) target(%arg30 : memref<80x136xf32, #tpu.memory_space<vmem>>) offsets(%arg25 : memref<80xi32, #tpu.memory_space<vmem>>) semaphore(%arg34 : memref<!tpu.dma_semaphore, #tpu.memory_space<semaphore_mem>>)
      %parallel_loop3A_1191 = arith.constant 0 : i32
      %parallel_loop3A_1192 = arith.constant 80 : i32
      %parallel_loop3A_1193 = arith.constant 1 : i32
      scf.for %parallel_loop3A_1217 = %parallel_loop3A_1191 to %parallel_loop3A_1192 step %parallel_loop3A_1193  : i32 {
        %parallel_loop3A_1218 = arith.constant 0 : i32
        %parallel_loop3A_1219 = vector.broadcast %parallel_loop3A_1218 : i32 to vector<16xi32>
        %parallel_loop3A_1220 = vector.broadcast %parallel_loop3A_1217 : i32 to vector<16xi32>
        %parallel_loop3A_1221 = arith.addi %parallel_loop3A_1219, %parallel_loop3A_1220 : vector<16xi32>
        %parallel_loop3A_1222 = tpu.vector_load_idx %arg15[%parallel_loop3A_1221] : memref<80xf32, #tpu.memory_space<vmem>>[vector<16xi32>], vector<16xf32>,
        %parallel_loop3A_1223 = arith.index_cast %parallel_loop3A_1217 : i32 to index
        %parallel_loop3A_1224 = arith.constant 0 : index
        %parallel_loop3A_1225 = tpu.vector_load %arg18[%parallel_loop3A_1223, %parallel_loop3A_1224] {strides = array<i32>} : memref<80x136xf32, #tpu.memory_space<vmem>>, vector<16xf32>,
        %parallel_loop3A_1226 = arith.mulf %parallel_loop3A_1225, %parallel_loop3A_1222 : vector<16xf32>
        %parallel_loop3A_1227 = arith.index_cast %parallel_loop3A_1217 : i32 to index
        %parallel_loop3A_1228 = arith.constant 0 : index
        %parallel_loop3A_1229 = tpu.vector_load %arg18[%parallel_loop3A_1227, %parallel_loop3A_1228] {strides = array<i32>} : memref<80x136xf32, #tpu.memory_space<vmem>>, vector<16xf32>,
        tpu.vector_store %arg18[%parallel_loop3A_1227, %parallel_loop3A_1228], %parallel_loop3A_1226 {strides = array<i32>} : memref<80x136xf32, #tpu.memory_space<vmem>>, vector<16xf32>,
        %parallel_loop3A_1230 = arith.index_cast %parallel_loop3A_1217 : i32 to index
        %parallel_loop3A_1231 = arith.constant 16 : index
        %parallel_loop3A_1232 = tpu.vector_load %arg18[%parallel_loop3A_1230, %parallel_loop3A_1231] {strides = array<i32>} : memref<80x136xf32, #tpu.memory_space<vmem>>, vector<16xf32>,
        %parallel_loop3A_1233 = arith.mulf %parallel_loop3A_1232, %parallel_loop3A_1222 : vector<16xf32>
        %parallel_loop3A_1234 = arith.index_cast %parallel_loop3A_1217 : i32 to index
        %parallel_loop3A_1235 = arith.constant 16 : index
        %parallel_loop3A_1236 = tpu.vector_load %arg18[%parallel_loop3A_1234, %parallel_loop3A_1235] {strides = array<i32>} : memref<80x136xf32, #tpu.memory_space<vmem>>, vector<16xf32>,
        tpu.vector_store %arg18[%parallel_loop3A_1234, %parallel_loop3A_1235], %parallel_loop3A_1233 {strides = array<i32>} : memref<80x136xf32, #tpu.memory_space<vmem>>, vector<16xf32>,
        %parallel_loop3A_1237 = arith.index_cast %parallel_loop3A_1217 : i32 to index
        %parallel_loop3A_1238 = arith.constant 32 : index
        %parallel_loop3A_1239 = tpu.vector_load %arg18[%parallel_loop3A_1237, %parallel_loop3A_1238] {strides = array<i32>} : memref<80x136xf32, #tpu.memory_space<vmem>>, vector<16xf32>,
        %parallel_loop3A_1240 = arith.mulf %parallel_loop3A_1239, %parallel_loop3A_1222 : vector<16xf32>
        %parallel_loop3A_1241 = arith.index_cast %parallel_loop3A_1217 : i32 to index
        %parallel_loop3A_1242 = arith.constant 32 : index
        %parallel_loop3A_1243 = tpu.vector_load %arg18[%parallel_loop3A_1241, %parallel_loop3A_1242] {strides = array<i32>} : memref<80x136xf32, #tpu.memory_space<vmem>>, vector<16xf32>,
        tpu.vector_store %arg18[%parallel_loop3A_1241, %parallel_loop3A_1242], %parallel_loop3A_1240 {strides = array<i32>} : memref<80x136xf32, #tpu.memory_space<vmem>>, vector<16xf32>,
        %parallel_loop3A_1244 = arith.index_cast %parallel_loop3A_1217 : i32 to index
        %parallel_loop3A_1245 = arith.constant 48 : index
        %parallel_loop3A_1246 = tpu.vector_load %arg18[%parallel_loop3A_1244, %parallel_loop3A_1245] {strides = array<i32>} : memref<80x136xf32, #tpu.memory_space<vmem>>, vector<16xf32>,
        %parallel_loop3A_1247 = arith.mulf %parallel_loop3A_1246, %parallel_loop3A_1222 : vector<16xf32>
        %parallel_loop3A_1248 = arith.index_cast %parallel_loop3A_1217 : i32 to index
        %parallel_loop3A_1249 = arith.constant 48 : index
        %parallel_loop3A_1250 = tpu.vector_load %arg18[%parallel_loop3A_1248, %parallel_loop3A_1249] {strides = array<i32>} : memref<80x136xf32, #tpu.memory_space<vmem>>, vector<16xf32>,
        tpu.vector_store %arg18[%parallel_loop3A_1248, %parallel_loop3A_1249], %parallel_loop3A_1247 {strides = array<i32>} : memref<80x136xf32, #tpu.memory_space<vmem>>, vector<16xf32>,
        %parallel_loop3A_1251 = arith.index_cast %parallel_loop3A_1217 : i32 to index
        %parallel_loop3A_1252 = arith.constant 64 : index
        %parallel_loop3A_1253 = tpu.vector_load %arg18[%parallel_loop3A_1251, %parallel_loop3A_1252] {strides = array<i32>} : memref<80x136xf32, #tpu.memory_space<vmem>>, vector<16xf32>,
        %parallel_loop3A_1254 = arith.mulf %parallel_loop3A_1253, %parallel_loop3A_1222 : vector<16xf32>
        %parallel_loop3A_1255 = arith.index_cast %parallel_loop3A_1217 : i32 to index
        %parallel_loop3A_1256 = arith.constant 64 : index
        %parallel_loop3A_1257 = tpu.vector_load %arg18[%parallel_loop3A_1255, %parallel_loop3A_1256] {strides = array<i32>} : memref<80x136xf32, #tpu.memory_space<vmem>>, vector<16xf32>,
        tpu.vector_store %arg18[%parallel_loop3A_1255, %parallel_loop3A_1256], %parallel_loop3A_1254 {strides = array<i32>} : memref<80x136xf32, #tpu.memory_space<vmem>>, vector<16xf32>,
        %parallel_loop3A_1258 = arith.index_cast %parallel_loop3A_1217 : i32 to index
        %parallel_loop3A_1259 = arith.constant 80 : index
        %parallel_loop3A_1260 = tpu.vector_load %arg18[%parallel_loop3A_1258, %parallel_loop3A_1259] {strides = array<i32>} : memref<80x136xf32, #tpu.memory_space<vmem>>, vector<16xf32>,
        %parallel_loop3A_1261 = arith.mulf %parallel_loop3A_1260, %parallel_loop3A_1222 : vector<16xf32>
        %parallel_loop3A_1262 = arith.index_cast %parallel_loop3A_1217 : i32 to index
        %parallel_loop3A_1263 = arith.constant 80 : index
        %parallel_loop3A_1264 = tpu.vector_load %arg18[%parallel_loop3A_1262, %parallel_loop3A_1263] {strides = array<i32>} : memref<80x136xf32, #tpu.memory_space<vmem>>, vector<16xf32>,
        tpu.vector_store %arg18[%parallel_loop3A_1262, %parallel_loop3A_1263], %parallel_loop3A_1261 {strides = array<i32>} : memref<80x136xf32, #tpu.memory_space<vmem>>, vector<16xf32>,
        %parallel_loop3A_1265 = arith.index_cast %parallel_loop3A_1217 : i32 to index
        %parallel_loop3A_1266 = arith.constant 96 : index
        %parallel_loop3A_1267 = tpu.vector_load %arg18[%parallel_loop3A_1265, %parallel_loop3A_1266] {strides = array<i32>} : memref<80x136xf32, #tpu.memory_space<vmem>>, vector<16xf32>,
        %parallel_loop3A_1268 = arith.mulf %parallel_loop3A_1267, %parallel_loop3A_1222 : vector<16xf32>
        %parallel_loop3A_1269 = arith.index_cast %parallel_loop3A_1217 : i32 to index
        %parallel_loop3A_1270 = arith.constant 96 : index
        %parallel_loop3A_1271 = tpu.vector_load %arg18[%parallel_loop3A_1269, %parallel_loop3A_1270] {strides = array<i32>} : memref<80x136xf32, #tpu.memory_space<vmem>>, vector<16xf32>,
        tpu.vector_store %arg18[%parallel_loop3A_1269, %parallel_loop3A_1270], %parallel_loop3A_1268 {strides = array<i32>} : memref<80x136xf32, #tpu.memory_space<vmem>>, vector<16xf32>,
        %parallel_loop3A_1272 = arith.index_cast %parallel_loop3A_1217 : i32 to index
        %parallel_loop3A_1273 = arith.constant 112 : index
        %parallel_loop3A_1274 = tpu.vector_load %arg18[%parallel_loop3A_1272, %parallel_loop3A_1273] {strides = array<i32>} : memref<80x136xf32, #tpu.memory_space<vmem>>, vector<16xf32>,
        %parallel_loop3A_1275 = arith.mulf %parallel_loop3A_1274, %parallel_loop3A_1222 : vector<16xf32>
        %parallel_loop3A_1276 = arith.index_cast %parallel_loop3A_1217 : i32 to index
        %parallel_loop3A_1277 = arith.constant 112 : index
        %parallel_loop3A_1278 = tpu.vector_load %arg18[%parallel_loop3A_1276, %parallel_loop3A_1277] {strides = array<i32>} : memref<80x136xf32, #tpu.memory_space<vmem>>, vector<16xf32>,
        tpu.vector_store %arg18[%parallel_loop3A_1276, %parallel_loop3A_1277], %parallel_loop3A_1275 {strides = array<i32>} : memref<80x136xf32, #tpu.memory_space<vmem>>, vector<16xf32>,
        %parallel_loop3A_1279 = arith.index_cast %parallel_loop3A_1217 : i32 to index
        %parallel_loop3A_1280 = arith.constant 120 : index
        %parallel_loop3A_1281 = tpu.vector_load %arg18[%parallel_loop3A_1279, %parallel_loop3A_1280] {strides = array<i32>} : memref<80x136xf32, #tpu.memory_space<vmem>>, vector<16xf32>,
        %parallel_loop3A_1282 = arith.constant 8 : i32
        %parallel_loop3A_1283 = vector.broadcast %parallel_loop3A_1282 : i32 to vector<16xi32>
        %parallel_loop3A_1284 = arith.cmpi slt, %iota3A, %parallel_loop3A_1283 : vector<16xi32>
        %parallel_loop3A_1285 = arith.mulf %parallel_loop3A_1281, %parallel_loop3A_1222 : vector<16xf32>
        %parallel_loop3A_1286 = arith.select %parallel_loop3A_1284, %parallel_loop3A_1281, %parallel_loop3A_1285 : vector<16xi1>, vector<16xf32>
        %parallel_loop3A_1287 = arith.index_cast %parallel_loop3A_1217 : i32 to index
        %parallel_loop3A_1288 = arith.constant 120 : index
        %parallel_loop3A_1289 = tpu.vector_load %arg18[%parallel_loop3A_1287, %parallel_loop3A_1288] {strides = array<i32>} : memref<80x136xf32, #tpu.memory_space<vmem>>, vector<16xf32>,
        tpu.vector_store %arg18[%parallel_loop3A_1287, %parallel_loop3A_1288], %parallel_loop3A_1286 {strides = array<i32>} : memref<80x136xf32, #tpu.memory_space<vmem>>, vector<16xf32>,
      } {sc.loop_unroll_factor = 4 : i64, sc.parallel_access}
      %get3A_1194 = arith.constant 0 : index
      %get3A_1195 = tpu.vector_load %arg12[%get3A_1194] {strides = array<i32>} : memref<80xi32, #tpu.memory_space<vmem>>, vector<16xi32>,
      %swap3A_1196 = arith.constant 0 : index
      %swap3A_1197 = tpu.vector_load %arg16[%swap3A_1196] {strides = array<i32>} : memref<80xi32, #tpu.memory_space<vmem>>, vector<16xi32>,
      tpu.vector_store %arg16[%swap3A_1196], %get3A_1195 {strides = array<i32>} : memref<80xi32, #tpu.memory_space<vmem>>, vector<16xi32>,
      %get3A_1198 = arith.constant 16 : index
      %get3A_1199 = tpu.vector_load %arg12[%get3A_1198] {strides = array<i32>} : memref<80xi32, #tpu.memory_space<vmem>>, vector<16xi32>,
      %swap3A_1200 = arith.constant 16 : index
      %swap3A_1201 = tpu.vector_load %arg16[%swap3A_1200] {strides = array<i32>} : memref<80xi32, #tpu.memory_space<vmem>>, vector<16xi32>,
      tpu.vector_store %arg16[%swap3A_1200], %get3A_1199 {strides = array<i32>} : memref<80xi32, #tpu.memory_space<vmem>>, vector<16xi32>,
      %get3A_1202 = arith.constant 32 : index
      %get3A_1203 = tpu.vector_load %arg12[%get3A_1202] {strides = array<i32>} : memref<80xi32, #tpu.memory_space<vmem>>, vector<16xi32>,
      %swap3A_1204 = arith.constant 32 : index
      %swap3A_1205 = tpu.vector_load %arg16[%swap3A_1204] {strides = array<i32>} : memref<80xi32, #tpu.memory_space<vmem>>, vector<16xi32>,
      tpu.vector_store %arg16[%swap3A_1204], %get3A_1203 {strides = array<i32>} : memref<80xi32, #tpu.memory_space<vmem>>, vector<16xi32>,
      %get3A_1206 = arith.constant 48 : index
      %get3A_1207 = tpu.vector_load %arg12[%get3A_1206] {strides = array<i32>} : memref<80xi32, #tpu.memory_space<vmem>>, vector<16xi32>,
      %swap3A_1208 = arith.constant 48 : index
      %swap3A_1209 = tpu.vector_load %arg16[%swap3A_1208] {strides = array<i32>} : memref<80xi32, #tpu.memory_space<vmem>>, vector<16xi32>,
      tpu.vector_store %arg16[%swap3A_1208], %get3A_1207 {strides = array<i32>} : memref<80xi32, #tpu.memory_space<vmem>>, vector<16xi32>,
      %get3A_1210 = arith.constant 64 : index
      %get3A_1211 = tpu.vector_load %arg12[%get3A_1210] {strides = array<i32>} : memref<80xi32, #tpu.memory_space<vmem>>, vector<16xi32>,
      %swap3A_1212 = arith.constant 64 : index
      %swap3A_1213 = tpu.vector_load %arg16[%swap3A_1212] {strides = array<i32>} : memref<80xi32, #tpu.memory_space<vmem>>, vector<16xi32>,
      tpu.vector_store %arg16[%swap3A_1212], %get3A_1211 {strides = array<i32>} : memref<80xi32, #tpu.memory_space<vmem>>, vector<16xi32>,
      %dma_start3A_1214 = arith.constant 0 : i32
      %dma_start3A_1215 = arith.constant 0 : i32
      %dma_start3A_1216 = tpu.memref_slice %arg11[%dma_start3A_1214, %dma_start3A_1215] : memref<10000x136xf32, #tpu.memory_space<vmem_shared>> -> memref<10000x136xf32, #tpu.memory_space<vmem_shared>>
      tpu.enqueue_indirect_dma source(%arg18 : memref<80x136xf32, #tpu.memory_space<vmem>>) target(%dma_start3A_1216 : memref<10000x136xf32, #tpu.memory_space<vmem_shared>>) offsets(%arg16 : memref<80xi32, #tpu.memory_space<vmem>>) semaphore(%arg23 : memref<!tpu.dma_semaphore, #tpu.memory_space<semaphore_mem>>) {add = true}
    }
    %scan3A_365 = arith.constant 61 : i32
    %add3A_366 = arith.constant 9920 : i32
    %add3A_367 = arith.addi %mul3A_2, %add3A_366 : i32
    %dma_start3A_368 = arith.constant 0 : i32
    %dma_start3A_369 = tpu.memref_slice %arg6[%dma_start3A_368, %add3A_367] : memref<2x320000xi32, #tpu.memory_space<hbm>> -> memref<1x80xi32, #tpu.memory_space<hbm>>
    %dma_start3A_370 = tpu.memref_squeeze %dma_start3A_369 : memref<1x80xi32, #tpu.memory_space<hbm>> -> memref<80xi32, #tpu.memory_space<hbm>>
    %dma_start3A_371 = tpu.memref_slice %arg6[%dma_start3A_368, %add3A_367] : memref<2x320000xi32, #tpu.memory_space<hbm>> -> memref<1x80xi32, #tpu.memory_space<hbm>>
    %dma_start3A_372 = tpu.memref_squeeze %dma_start3A_371 : memref<1x80xi32, #tpu.memory_space<hbm>> -> memref<80xi32, #tpu.memory_space<hbm>>
    tpu.enqueue_dma source(%dma_start3A_372 : memref<80xi32, #tpu.memory_space<hbm>>) target(%arg12 : memref<80xi32, #tpu.memory_space<vmem>>) target_semaphore(%arg19 : memref<!tpu.dma_semaphore, #tpu.memory_space<semaphore_mem>>)
    %dma_start3A_373 = arith.constant 1 : i32
    %dma_start3A_374 = tpu.memref_slice %arg6[%dma_start3A_373, %add3A_367] : memref<2x320000xi32, #tpu.memory_space<hbm>> -> memref<1x80xi32, #tpu.memory_space<hbm>>
    %dma_start3A_375 = tpu.memref_squeeze %dma_start3A_374 : memref<1x80xi32, #tpu.memory_space<hbm>> -> memref<80xi32, #tpu.memory_space<hbm>>
    %dma_start3A_376 = tpu.memref_slice %arg6[%dma_start3A_373, %add3A_367] : memref<2x320000xi32, #tpu.memory_space<hbm>> -> memref<1x80xi32, #tpu.memory_space<hbm>>
    %dma_start3A_377 = tpu.memref_squeeze %dma_start3A_376 : memref<1x80xi32, #tpu.memory_space<hbm>> -> memref<80xi32, #tpu.memory_space<hbm>>
    tpu.enqueue_dma source(%dma_start3A_377 : memref<80xi32, #tpu.memory_space<hbm>>) target(%arg13 : memref<80xi32, #tpu.memory_space<vmem>>) target_semaphore(%arg20 : memref<!tpu.dma_semaphore, #tpu.memory_space<semaphore_mem>>)
    %jit3A_378 = arith.constant 8 : i32
    %div3A_379 = arith.divsi %add3A_367, %jit3A_378 : i32
    %sign3A_380 = arith.constant 0 : i32
    %sign3A_381 = arith.cmpi sgt, %add3A_367, %sign3A_380 : i32
    %sign3A_382 = arith.extui %sign3A_381 : i1 to i32
    %sign3A_383 = arith.constant 0 : i32
    %sign3A_384 = arith.cmpi slt, %add3A_367, %sign3A_383 : i32
    %sign3A_385 = arith.extui %sign3A_384 : i1 to i32
    %sign3A_386 = arith.subi %sign3A_382, %sign3A_385 : i32
    %sign3A_387 = arith.constant 0 : i32
    %sign3A_388 = arith.cmpi sgt, %jit3A_378, %sign3A_387 : i32
    %sign3A_389 = arith.extui %sign3A_388 : i1 to i32
    %sign3A_390 = arith.constant 0 : i32
    %sign3A_391 = arith.cmpi slt, %jit3A_378, %sign3A_390 : i32
    %sign3A_392 = arith.extui %sign3A_391 : i1 to i32
    %sign3A_393 = arith.subi %sign3A_389, %sign3A_392 : i32
    %ne3A_394 = arith.cmpi ne, %sign3A_386, %sign3A_393 : i32
    %rem3A_395 = arith.remsi %add3A_367, %jit3A_378 : i32
    %ne3A_396 = arith.constant 0 : i32
    %ne3A_397 = arith.cmpi ne, %rem3A_395, %ne3A_396 : i32
    %and3A_398 = arith.andi %ne3A_394, %ne3A_397 : i1
    %sub3A_399 = arith.constant 1 : i32
    %sub3A_400 = arith.subi %div3A_379, %sub3A_399 : i32
    %select_n3A_401 = arith.select %and3A_398, %sub3A_400, %div3A_379 : i32
    %mul3A_402 = arith.constant 128 : i32
    %mul3A_403 = arith.muli %select_n3A_401, %mul3A_402 : i32
    %dma_start3A_404 = tpu.memref_slice %arg5[%mul3A_403] : memref<5120000xf32, #tpu.memory_space<hbm>> -> memref<1280xf32, #tpu.memory_space<hbm>>
    %dma_start3A_405 = tpu.memref_slice %arg5[%mul3A_403] : memref<5120000xf32, #tpu.memory_space<hbm>> -> memref<1280xf32, #tpu.memory_space<hbm>>
    tpu.enqueue_dma source(%dma_start3A_405 : memref<1280xf32, #tpu.memory_space<hbm>>) target(%arg14 : memref<1280xf32, #tpu.memory_space<vmem>>) target_semaphore(%arg21 : memref<!tpu.dma_semaphore, #tpu.memory_space<semaphore_mem>>)
    %get3A_406 = arith.constant 0 : index
    %get3A_407 = tpu.vector_load %arg24[%get3A_406] {strides = array<i32>} : memref<80xi32, #tpu.memory_space<vmem>>, vector<16xi32>,
    %get3A_408 = arith.constant 0 : index
    %get3A_409 = tpu.vector_load %arg25[%get3A_408] {strides = array<i32>} : memref<80xi32, #tpu.memory_space<vmem>>, vector<16xi32>,
    %add3A_410 = arith.constant 0 : i32
    %add3A_411 = vector.broadcast %add3A_410 : i32 to vector<16xi32>
    %add3A_412 = arith.addi %add3A_51, %add3A_411 : vector<16xi32>
    %gather3A_413 = tpu.vector_load_idx %arg26[%add3A_412] : memref<1280xf32, #tpu.memory_space<vmem>>[vector<16xi32>], vector<16xf32>,
    %gather3A_414 = tpu.vector_load_idx %arg9[%get3A_407] : memref<10000xf32, #tpu.memory_space<vmem>>[vector<16xi32>], vector<16xf32>,
    %gather3A_415 = tpu.vector_load_idx %arg10[%get3A_409] : memref<10000xf32, #tpu.memory_space<vmem>>[vector<16xi32>], vector<16xf32>,
    %add3A_416 = arith.addf %gather3A_414, %gather3A_415 : vector<16xf32>
    %add3A_417 = arith.addf %add3A_416, %gather3A_413 : vector<16xf32>
    %gt3A_418 = arith.constant 0.000000e+00 : f32
    %gt3A_419 = vector.broadcast %gt3A_418 : f32 to vector<16xf32>
    %gt3A_420 = arith.cmpf ogt, %add3A_417, %gt3A_419 : vector<16xf32>
    %mul3A_421 = arith.constant 0.00999999977 : f32
    %mul3A_422 = vector.broadcast %mul3A_421 : f32 to vector<16xf32>
    %mul3A_423 = arith.mulf %add3A_417, %mul3A_422 : vector<16xf32>
    %select_n3A_424 = arith.select %gt3A_420, %add3A_417, %mul3A_423 : vector<16xi1>, vector<16xf32>
    %exp3A_425 = math.exp %select_n3A_424 : vector<16xf32>
    %swap3A_426 = arith.constant 0 : index
    %swap3A_427 = tpu.vector_load %arg27[%swap3A_426] {strides = array<i32>} : memref<80xf32, #tpu.memory_space<vmem>>, vector<16xf32>,
    tpu.vector_store %arg27[%swap3A_426], %exp3A_425 {strides = array<i32>} : memref<80xf32, #tpu.memory_space<vmem>>, vector<16xf32>,
    %get3A_428 = arith.constant 16 : index
    %get3A_429 = tpu.vector_load %arg24[%get3A_428] {strides = array<i32>} : memref<80xi32, #tpu.memory_space<vmem>>, vector<16xi32>,
    %get3A_430 = arith.constant 16 : index
    %get3A_431 = tpu.vector_load %arg25[%get3A_430] {strides = array<i32>} : memref<80xi32, #tpu.memory_space<vmem>>, vector<16xi32>,
    %add3A_432 = arith.constant 256 : i32
    %add3A_433 = vector.broadcast %add3A_432 : i32 to vector<16xi32>
    %add3A_434 = arith.addi %add3A_51, %add3A_433 : vector<16xi32>
    %gather3A_435 = tpu.vector_load_idx %arg26[%add3A_434] : memref<1280xf32, #tpu.memory_space<vmem>>[vector<16xi32>], vector<16xf32>,
    %gather3A_436 = tpu.vector_load_idx %arg9[%get3A_429] : memref<10000xf32, #tpu.memory_space<vmem>>[vector<16xi32>], vector<16xf32>,
    %gather3A_437 = tpu.vector_load_idx %arg10[%get3A_431] : memref<10000xf32, #tpu.memory_space<vmem>>[vector<16xi32>], vector<16xf32>,
    %add3A_438 = arith.addf %gather3A_436, %gather3A_437 : vector<16xf32>
    %add3A_439 = arith.addf %add3A_438, %gather3A_435 : vector<16xf32>
    %gt3A_440 = arith.constant 0.000000e+00 : f32
    %gt3A_441 = vector.broadcast %gt3A_440 : f32 to vector<16xf32>
    %gt3A_442 = arith.cmpf ogt, %add3A_439, %gt3A_441 : vector<16xf32>
    %mul3A_443 = arith.constant 0.00999999977 : f32
    %mul3A_444 = vector.broadcast %mul3A_443 : f32 to vector<16xf32>
    %mul3A_445 = arith.mulf %add3A_439, %mul3A_444 : vector<16xf32>
    %select_n3A_446 = arith.select %gt3A_442, %add3A_439, %mul3A_445 : vector<16xi1>, vector<16xf32>
    %exp3A_447 = math.exp %select_n3A_446 : vector<16xf32>
    %swap3A_448 = arith.constant 16 : index
    %swap3A_449 = tpu.vector_load %arg27[%swap3A_448] {strides = array<i32>} : memref<80xf32, #tpu.memory_space<vmem>>, vector<16xf32>,
    tpu.vector_store %arg27[%swap3A_448], %exp3A_447 {strides = array<i32>} : memref<80xf32, #tpu.memory_space<vmem>>, vector<16xf32>,
    %get3A_450 = arith.constant 32 : index
    %get3A_451 = tpu.vector_load %arg24[%get3A_450] {strides = array<i32>} : memref<80xi32, #tpu.memory_space<vmem>>, vector<16xi32>,
    %get3A_452 = arith.constant 32 : index
    %get3A_453 = tpu.vector_load %arg25[%get3A_452] {strides = array<i32>} : memref<80xi32, #tpu.memory_space<vmem>>, vector<16xi32>,
    %add3A_454 = arith.constant 512 : i32
    %add3A_455 = vector.broadcast %add3A_454 : i32 to vector<16xi32>
    %add3A_456 = arith.addi %add3A_51, %add3A_455 : vector<16xi32>
    %gather3A_457 = tpu.vector_load_idx %arg26[%add3A_456] : memref<1280xf32, #tpu.memory_space<vmem>>[vector<16xi32>], vector<16xf32>,
    %gather3A_458 = tpu.vector_load_idx %arg9[%get3A_451] : memref<10000xf32, #tpu.memory_space<vmem>>[vector<16xi32>], vector<16xf32>,
    %gather3A_459 = tpu.vector_load_idx %arg10[%get3A_453] : memref<10000xf32, #tpu.memory_space<vmem>>[vector<16xi32>], vector<16xf32>,
    %add3A_460 = arith.addf %gather3A_458, %gather3A_459 : vector<16xf32>
    %add3A_461 = arith.addf %add3A_460, %gather3A_457 : vector<16xf32>
    %gt3A_462 = arith.constant 0.000000e+00 : f32
    %gt3A_463 = vector.broadcast %gt3A_462 : f32 to vector<16xf32>
    %gt3A_464 = arith.cmpf ogt, %add3A_461, %gt3A_463 : vector<16xf32>
    %mul3A_465 = arith.constant 0.00999999977 : f32
    %mul3A_466 = vector.broadcast %mul3A_465 : f32 to vector<16xf32>
    %mul3A_467 = arith.mulf %add3A_461, %mul3A_466 : vector<16xf32>
    %select_n3A_468 = arith.select %gt3A_464, %add3A_461, %mul3A_467 : vector<16xi1>, vector<16xf32>
    %exp3A_469 = math.exp %select_n3A_468 : vector<16xf32>
    %swap3A_470 = arith.constant 32 : index
    %swap3A_471 = tpu.vector_load %arg27[%swap3A_470] {strides = array<i32>} : memref<80xf32, #tpu.memory_space<vmem>>, vector<16xf32>,
    tpu.vector_store %arg27[%swap3A_470], %exp3A_469 {strides = array<i32>} : memref<80xf32, #tpu.memory_space<vmem>>, vector<16xf32>,
    %get3A_472 = arith.constant 48 : index
    %get3A_473 = tpu.vector_load %arg24[%get3A_472] {strides = array<i32>} : memref<80xi32, #tpu.memory_space<vmem>>, vector<16xi32>,
    %get3A_474 = arith.constant 48 : index
    %get3A_475 = tpu.vector_load %arg25[%get3A_474] {strides = array<i32>} : memref<80xi32, #tpu.memory_space<vmem>>, vector<16xi32>,
    %add3A_476 = arith.constant 768 : i32
    %add3A_477 = vector.broadcast %add3A_476 : i32 to vector<16xi32>
    %add3A_478 = arith.addi %add3A_51, %add3A_477 : vector<16xi32>
    %gather3A_479 = tpu.vector_load_idx %arg26[%add3A_478] : memref<1280xf32, #tpu.memory_space<vmem>>[vector<16xi32>], vector<16xf32>,
    %gather3A_480 = tpu.vector_load_idx %arg9[%get3A_473] : memref<10000xf32, #tpu.memory_space<vmem>>[vector<16xi32>], vector<16xf32>,
    %gather3A_481 = tpu.vector_load_idx %arg10[%get3A_475] : memref<10000xf32, #tpu.memory_space<vmem>>[vector<16xi32>], vector<16xf32>,
    %add3A_482 = arith.addf %gather3A_480, %gather3A_481 : vector<16xf32>
    %add3A_483 = arith.addf %add3A_482, %gather3A_479 : vector<16xf32>
    %gt3A_484 = arith.constant 0.000000e+00 : f32
    %gt3A_485 = vector.broadcast %gt3A_484 : f32 to vector<16xf32>
    %gt3A_486 = arith.cmpf ogt, %add3A_483, %gt3A_485 : vector<16xf32>
    %mul3A_487 = arith.constant 0.00999999977 : f32
    %mul3A_488 = vector.broadcast %mul3A_487 : f32 to vector<16xf32>
    %mul3A_489 = arith.mulf %add3A_483, %mul3A_488 : vector<16xf32>
    %select_n3A_490 = arith.select %gt3A_486, %add3A_483, %mul3A_489 : vector<16xi1>, vector<16xf32>
    %exp3A_491 = math.exp %select_n3A_490 : vector<16xf32>
    %swap3A_492 = arith.constant 48 : index
    %swap3A_493 = tpu.vector_load %arg27[%swap3A_492] {strides = array<i32>} : memref<80xf32, #tpu.memory_space<vmem>>, vector<16xf32>,
    tpu.vector_store %arg27[%swap3A_492], %exp3A_491 {strides = array<i32>} : memref<80xf32, #tpu.memory_space<vmem>>, vector<16xf32>,
    %get3A_494 = arith.constant 64 : index
    %get3A_495 = tpu.vector_load %arg24[%get3A_494] {strides = array<i32>} : memref<80xi32, #tpu.memory_space<vmem>>, vector<16xi32>,
    %get3A_496 = arith.constant 64 : index
    %get3A_497 = tpu.vector_load %arg25[%get3A_496] {strides = array<i32>} : memref<80xi32, #tpu.memory_space<vmem>>, vector<16xi32>,
    %add3A_498 = arith.constant 1024 : i32
    %add3A_499 = vector.broadcast %add3A_498 : i32 to vector<16xi32>
    %add3A_500 = arith.addi %add3A_51, %add3A_499 : vector<16xi32>
    %gather3A_501 = tpu.vector_load_idx %arg26[%add3A_500] : memref<1280xf32, #tpu.memory_space<vmem>>[vector<16xi32>], vector<16xf32>,
    %gather3A_502 = tpu.vector_load_idx %arg9[%get3A_495] : memref<10000xf32, #tpu.memory_space<vmem>>[vector<16xi32>], vector<16xf32>,
    %gather3A_503 = tpu.vector_load_idx %arg10[%get3A_497] : memref<10000xf32, #tpu.memory_space<vmem>>[vector<16xi32>], vector<16xf32>,
    %add3A_504 = arith.addf %gather3A_502, %gather3A_503 : vector<16xf32>
    %add3A_505 = arith.addf %add3A_504, %gather3A_501 : vector<16xf32>
    %gt3A_506 = arith.constant 0.000000e+00 : f32
    %gt3A_507 = vector.broadcast %gt3A_506 : f32 to vector<16xf32>
    %gt3A_508 = arith.cmpf ogt, %add3A_505, %gt3A_507 : vector<16xf32>
    %mul3A_509 = arith.constant 0.00999999977 : f32
    %mul3A_510 = vector.broadcast %mul3A_509 : f32 to vector<16xf32>
    %mul3A_511 = arith.mulf %add3A_505, %mul3A_510 : vector<16xf32>
    %select_n3A_512 = arith.select %gt3A_508, %add3A_505, %mul3A_511 : vector<16xi1>, vector<16xf32>
    %exp3A_513 = math.exp %select_n3A_512 : vector<16xf32>
    %swap3A_514 = arith.constant 64 : index
    %swap3A_515 = tpu.vector_load %arg27[%swap3A_514] {strides = array<i32>} : memref<80xf32, #tpu.memory_space<vmem>>, vector<16xf32>,
    tpu.vector_store %arg27[%swap3A_514], %exp3A_513 {strides = array<i32>} : memref<80xf32, #tpu.memory_space<vmem>>, vector<16xf32>,
    %dma_wait3A_516 = arith.constant 0 : i32
    %dma_wait3A_517 = arith.constant 0 : i32
    %dma_wait3A_518 = tpu.memref_slice %arg2[%dma_wait3A_516, %dma_wait3A_517] : memref<10000x136xf32, #tpu.memory_space<hbm>> -> memref<10000x136xf32, #tpu.memory_space<hbm>>
    tpu.wait_indirect_dma semaphore(%arg34 : memref<!tpu.dma_semaphore, #tpu.memory_space<semaphore_mem>>) src(%dma_wait3A_518 : memref<10000x136xf32, #tpu.memory_space<hbm>>) dst(%arg30 : memref<80x136xf32, #tpu.memory_space<vmem>>)
    %dma_wait3A_519 = arith.constant 0 : i32
    %dma_wait3A_520 = arith.constant 0 : i32
    %dma_wait3A_521 = tpu.memref_slice %arg11[%dma_wait3A_519, %dma_wait3A_520] : memref<10000x136xf32, #tpu.memory_space<vmem_shared>> -> memref<10000x136xf32, #tpu.memory_space<vmem_shared>>
    tpu.wait_indirect_dma semaphore(%arg23 : memref<!tpu.dma_semaphore, #tpu.memory_space<semaphore_mem>>) src(%arg18 : memref<80x136xf32, #tpu.memory_space<vmem>>) dst(%dma_wait3A_521 : memref<10000x136xf32, #tpu.memory_space<vmem_shared>>)
    %add3A_522 = arith.constant 9920 : i32
    %add3A_523 = arith.addi %mul3A_2, %add3A_522 : i32
    %dma_wait3A_524 = arith.constant 0 : i32
    %dma_wait3A_525 = tpu.memref_slice %arg6[%dma_wait3A_524, %add3A_523] : memref<2x320000xi32, #tpu.memory_space<hbm>> -> memref<1x80xi32, #tpu.memory_space<hbm>>
    %dma_wait3A_526 = tpu.memref_squeeze %dma_wait3A_525 : memref<1x80xi32, #tpu.memory_space<hbm>> -> memref<80xi32, #tpu.memory_space<hbm>>
    %dma_wait3A_527 = tpu.memref_slice %arg6[%dma_wait3A_524, %add3A_523] : memref<2x320000xi32, #tpu.memory_space<hbm>> -> memref<1x80xi32, #tpu.memory_space<hbm>>
    %dma_wait3A_528 = tpu.memref_squeeze %dma_wait3A_527 : memref<1x80xi32, #tpu.memory_space<hbm>> -> memref<80xi32, #tpu.memory_space<hbm>>
    tpu.wait_dma2 semaphore(%arg19 : memref<!tpu.dma_semaphore, #tpu.memory_space<semaphore_mem>>) src(%dma_wait3A_528 : memref<80xi32, #tpu.memory_space<hbm>>) dst(%arg12 : memref<80xi32, #tpu.memory_space<vmem>>)
    %dma_wait3A_529 = arith.constant 1 : i32
    %dma_wait3A_530 = tpu.memref_slice %arg6[%dma_wait3A_529, %add3A_523] : memref<2x320000xi32, #tpu.memory_space<hbm>> -> memref<1x80xi32, #tpu.memory_space<hbm>>
    %dma_wait3A_531 = tpu.memref_squeeze %dma_wait3A_530 : memref<1x80xi32, #tpu.memory_space<hbm>> -> memref<80xi32, #tpu.memory_space<hbm>>
    %dma_wait3A_532 = tpu.memref_slice %arg6[%dma_wait3A_529, %add3A_523] : memref<2x320000xi32, #tpu.memory_space<hbm>> -> memref<1x80xi32, #tpu.memory_space<hbm>>
    %dma_wait3A_533 = tpu.memref_squeeze %dma_wait3A_532 : memref<1x80xi32, #tpu.memory_space<hbm>> -> memref<80xi32, #tpu.memory_space<hbm>>
    tpu.wait_dma2 semaphore(%arg20 : memref<!tpu.dma_semaphore, #tpu.memory_space<semaphore_mem>>) src(%dma_wait3A_533 : memref<80xi32, #tpu.memory_space<hbm>>) dst(%arg13 : memref<80xi32, #tpu.memory_space<vmem>>)
    %jit3A_534 = arith.constant 8 : i32
    %div3A_535 = arith.divsi %add3A_523, %jit3A_534 : i32
    %sign3A_536 = arith.constant 0 : i32
    %sign3A_537 = arith.cmpi sgt, %add3A_523, %sign3A_536 : i32
    %sign3A_538 = arith.extui %sign3A_537 : i1 to i32
    %sign3A_539 = arith.constant 0 : i32
    %sign3A_540 = arith.cmpi slt, %add3A_523, %sign3A_539 : i32
    %sign3A_541 = arith.extui %sign3A_540 : i1 to i32
    %sign3A_542 = arith.subi %sign3A_538, %sign3A_541 : i32
    %sign3A_543 = arith.constant 0 : i32
    %sign3A_544 = arith.cmpi sgt, %jit3A_534, %sign3A_543 : i32
    %sign3A_545 = arith.extui %sign3A_544 : i1 to i32
    %sign3A_546 = arith.constant 0 : i32
    %sign3A_547 = arith.cmpi slt, %jit3A_534, %sign3A_546 : i32
    %sign3A_548 = arith.extui %sign3A_547 : i1 to i32
    %sign3A_549 = arith.subi %sign3A_545, %sign3A_548 : i32
    %ne3A_550 = arith.cmpi ne, %sign3A_542, %sign3A_549 : i32
    %rem3A_551 = arith.remsi %add3A_523, %jit3A_534 : i32
    %ne3A_552 = arith.constant 0 : i32
    %ne3A_553 = arith.cmpi ne, %rem3A_551, %ne3A_552 : i32
    %and3A_554 = arith.andi %ne3A_550, %ne3A_553 : i1
    %sub3A_555 = arith.constant 1 : i32
    %sub3A_556 = arith.subi %div3A_535, %sub3A_555 : i32
    %select_n3A_557 = arith.select %and3A_554, %sub3A_556, %div3A_535 : i32
    %mul3A_558 = arith.constant 128 : i32
    %mul3A_559 = arith.muli %select_n3A_557, %mul3A_558 : i32
    %dma_wait3A_560 = tpu.memref_slice %arg5[%mul3A_559] : memref<5120000xf32, #tpu.memory_space<hbm>> -> memref<1280xf32, #tpu.memory_space<hbm>>
    %dma_wait3A_561 = tpu.memref_slice %arg5[%mul3A_559] : memref<5120000xf32, #tpu.memory_space<hbm>> -> memref<1280xf32, #tpu.memory_space<hbm>>
    tpu.wait_dma2 semaphore(%arg21 : memref<!tpu.dma_semaphore, #tpu.memory_space<semaphore_mem>>) src(%dma_wait3A_561 : memref<1280xf32, #tpu.memory_space<hbm>>) dst(%arg14 : memref<1280xf32, #tpu.memory_space<vmem>>)
    %dma_start3A_562 = arith.constant 0 : i32
    %dma_start3A_563 = arith.constant 0 : i32
    %dma_start3A_564 = tpu.memref_slice %arg2[%dma_start3A_562, %dma_start3A_563] : memref<10000x136xf32, #tpu.memory_space<hbm>> -> memref<10000x136xf32, #tpu.memory_space<hbm>>
    tpu.enqueue_indirect_dma source(%dma_start3A_564 : memref<10000x136xf32, #tpu.memory_space<hbm>>) target(%arg18 : memref<80x136xf32, #tpu.memory_space<vmem>>) offsets(%arg13 : memref<80xi32, #tpu.memory_space<vmem>>) semaphore(%arg22 : memref<!tpu.dma_semaphore, #tpu.memory_space<semaphore_mem>>)
    %parallel_loop3A_565 = arith.constant 0 : i32
    %parallel_loop3A_566 = arith.constant 80 : i32
    %parallel_loop3A_567 = arith.constant 1 : i32
    scf.for %parallel_loop3A_744 = %parallel_loop3A_565 to %parallel_loop3A_566 step %parallel_loop3A_567  : i32 {
      %parallel_loop3A_745 = arith.constant 0 : i32
      %parallel_loop3A_746 = vector.broadcast %parallel_loop3A_745 : i32 to vector<16xi32>
      %parallel_loop3A_747 = vector.broadcast %parallel_loop3A_744 : i32 to vector<16xi32>
      %parallel_loop3A_748 = arith.addi %parallel_loop3A_746, %parallel_loop3A_747 : vector<16xi32>
      %parallel_loop3A_749 = tpu.vector_load_idx %arg27[%parallel_loop3A_748] : memref<80xf32, #tpu.memory_space<vmem>>[vector<16xi32>], vector<16xf32>,
      %parallel_loop3A_750 = arith.index_cast %parallel_loop3A_744 : i32 to index
      %parallel_loop3A_751 = arith.constant 0 : index
      %parallel_loop3A_752 = tpu.vector_load %arg30[%parallel_loop3A_750, %parallel_loop3A_751] {strides = array<i32>} : memref<80x136xf32, #tpu.memory_space<vmem>>, vector<16xf32>,
      %parallel_loop3A_753 = arith.mulf %parallel_loop3A_752, %parallel_loop3A_749 : vector<16xf32>
      %parallel_loop3A_754 = arith.index_cast %parallel_loop3A_744 : i32 to index
      %parallel_loop3A_755 = arith.constant 0 : index
      %parallel_loop3A_756 = tpu.vector_load %arg30[%parallel_loop3A_754, %parallel_loop3A_755] {strides = array<i32>} : memref<80x136xf32, #tpu.memory_space<vmem>>, vector<16xf32>,
      tpu.vector_store %arg30[%parallel_loop3A_754, %parallel_loop3A_755], %parallel_loop3A_753 {strides = array<i32>} : memref<80x136xf32, #tpu.memory_space<vmem>>, vector<16xf32>,
      %parallel_loop3A_757 = arith.index_cast %parallel_loop3A_744 : i32 to index
      %parallel_loop3A_758 = arith.constant 16 : index
      %parallel_loop3A_759 = tpu.vector_load %arg30[%parallel_loop3A_757, %parallel_loop3A_758] {strides = array<i32>} : memref<80x136xf32, #tpu.memory_space<vmem>>, vector<16xf32>,
      %parallel_loop3A_760 = arith.mulf %parallel_loop3A_759, %parallel_loop3A_749 : vector<16xf32>
      %parallel_loop3A_761 = arith.index_cast %parallel_loop3A_744 : i32 to index
      %parallel_loop3A_762 = arith.constant 16 : index
      %parallel_loop3A_763 = tpu.vector_load %arg30[%parallel_loop3A_761, %parallel_loop3A_762] {strides = array<i32>} : memref<80x136xf32, #tpu.memory_space<vmem>>, vector<16xf32>,
      tpu.vector_store %arg30[%parallel_loop3A_761, %parallel_loop3A_762], %parallel_loop3A_760 {strides = array<i32>} : memref<80x136xf32, #tpu.memory_space<vmem>>, vector<16xf32>,
      %parallel_loop3A_764 = arith.index_cast %parallel_loop3A_744 : i32 to index
      %parallel_loop3A_765 = arith.constant 32 : index
      %parallel_loop3A_766 = tpu.vector_load %arg30[%parallel_loop3A_764, %parallel_loop3A_765] {strides = array<i32>} : memref<80x136xf32, #tpu.memory_space<vmem>>, vector<16xf32>,
      %parallel_loop3A_767 = arith.mulf %parallel_loop3A_766, %parallel_loop3A_749 : vector<16xf32>
      %parallel_loop3A_768 = arith.index_cast %parallel_loop3A_744 : i32 to index
      %parallel_loop3A_769 = arith.constant 32 : index
      %parallel_loop3A_770 = tpu.vector_load %arg30[%parallel_loop3A_768, %parallel_loop3A_769] {strides = array<i32>} : memref<80x136xf32, #tpu.memory_space<vmem>>, vector<16xf32>,
      tpu.vector_store %arg30[%parallel_loop3A_768, %parallel_loop3A_769], %parallel_loop3A_767 {strides = array<i32>} : memref<80x136xf32, #tpu.memory_space<vmem>>, vector<16xf32>,
      %parallel_loop3A_771 = arith.index_cast %parallel_loop3A_744 : i32 to index
      %parallel_loop3A_772 = arith.constant 48 : index
      %parallel_loop3A_773 = tpu.vector_load %arg30[%parallel_loop3A_771, %parallel_loop3A_772] {strides = array<i32>} : memref<80x136xf32, #tpu.memory_space<vmem>>, vector<16xf32>,
      %parallel_loop3A_774 = arith.mulf %parallel_loop3A_773, %parallel_loop3A_749 : vector<16xf32>
      %parallel_loop3A_775 = arith.index_cast %parallel_loop3A_744 : i32 to index
      %parallel_loop3A_776 = arith.constant 48 : index
      %parallel_loop3A_777 = tpu.vector_load %arg30[%parallel_loop3A_775, %parallel_loop3A_776] {strides = array<i32>} : memref<80x136xf32, #tpu.memory_space<vmem>>, vector<16xf32>,
      tpu.vector_store %arg30[%parallel_loop3A_775, %parallel_loop3A_776], %parallel_loop3A_774 {strides = array<i32>} : memref<80x136xf32, #tpu.memory_space<vmem>>, vector<16xf32>,
      %parallel_loop3A_778 = arith.index_cast %parallel_loop3A_744 : i32 to index
      %parallel_loop3A_779 = arith.constant 64 : index
      %parallel_loop3A_780 = tpu.vector_load %arg30[%parallel_loop3A_778, %parallel_loop3A_779] {strides = array<i32>} : memref<80x136xf32, #tpu.memory_space<vmem>>, vector<16xf32>,
      %parallel_loop3A_781 = arith.mulf %parallel_loop3A_780, %parallel_loop3A_749 : vector<16xf32>
      %parallel_loop3A_782 = arith.index_cast %parallel_loop3A_744 : i32 to index
      %parallel_loop3A_783 = arith.constant 64 : index
      %parallel_loop3A_784 = tpu.vector_load %arg30[%parallel_loop3A_782, %parallel_loop3A_783] {strides = array<i32>} : memref<80x136xf32, #tpu.memory_space<vmem>>, vector<16xf32>,
      tpu.vector_store %arg30[%parallel_loop3A_782, %parallel_loop3A_783], %parallel_loop3A_781 {strides = array<i32>} : memref<80x136xf32, #tpu.memory_space<vmem>>, vector<16xf32>,
      %parallel_loop3A_785 = arith.index_cast %parallel_loop3A_744 : i32 to index
      %parallel_loop3A_786 = arith.constant 80 : index
      %parallel_loop3A_787 = tpu.vector_load %arg30[%parallel_loop3A_785, %parallel_loop3A_786] {strides = array<i32>} : memref<80x136xf32, #tpu.memory_space<vmem>>, vector<16xf32>,
      %parallel_loop3A_788 = arith.mulf %parallel_loop3A_787, %parallel_loop3A_749 : vector<16xf32>
      %parallel_loop3A_789 = arith.index_cast %parallel_loop3A_744 : i32 to index
      %parallel_loop3A_790 = arith.constant 80 : index
      %parallel_loop3A_791 = tpu.vector_load %arg30[%parallel_loop3A_789, %parallel_loop3A_790] {strides = array<i32>} : memref<80x136xf32, #tpu.memory_space<vmem>>, vector<16xf32>,
      tpu.vector_store %arg30[%parallel_loop3A_789, %parallel_loop3A_790], %parallel_loop3A_788 {strides = array<i32>} : memref<80x136xf32, #tpu.memory_space<vmem>>, vector<16xf32>,
      %parallel_loop3A_792 = arith.index_cast %parallel_loop3A_744 : i32 to index
      %parallel_loop3A_793 = arith.constant 96 : index
      %parallel_loop3A_794 = tpu.vector_load %arg30[%parallel_loop3A_792, %parallel_loop3A_793] {strides = array<i32>} : memref<80x136xf32, #tpu.memory_space<vmem>>, vector<16xf32>,
      %parallel_loop3A_795 = arith.mulf %parallel_loop3A_794, %parallel_loop3A_749 : vector<16xf32>
      %parallel_loop3A_796 = arith.index_cast %parallel_loop3A_744 : i32 to index
      %parallel_loop3A_797 = arith.constant 96 : index
      %parallel_loop3A_798 = tpu.vector_load %arg30[%parallel_loop3A_796, %parallel_loop3A_797] {strides = array<i32>} : memref<80x136xf32, #tpu.memory_space<vmem>>, vector<16xf32>,
      tpu.vector_store %arg30[%parallel_loop3A_796, %parallel_loop3A_797], %parallel_loop3A_795 {strides = array<i32>} : memref<80x136xf32, #tpu.memory_space<vmem>>, vector<16xf32>,
      %parallel_loop3A_799 = arith.index_cast %parallel_loop3A_744 : i32 to index
      %parallel_loop3A_800 = arith.constant 112 : index
      %parallel_loop3A_801 = tpu.vector_load %arg30[%parallel_loop3A_799, %parallel_loop3A_800] {strides = array<i32>} : memref<80x136xf32, #tpu.memory_space<vmem>>, vector<16xf32>,
      %parallel_loop3A_802 = arith.mulf %parallel_loop3A_801, %parallel_loop3A_749 : vector<16xf32>
      %parallel_loop3A_803 = arith.index_cast %parallel_loop3A_744 : i32 to index
      %parallel_loop3A_804 = arith.constant 112 : index
      %parallel_loop3A_805 = tpu.vector_load %arg30[%parallel_loop3A_803, %parallel_loop3A_804] {strides = array<i32>} : memref<80x136xf32, #tpu.memory_space<vmem>>, vector<16xf32>,
      tpu.vector_store %arg30[%parallel_loop3A_803, %parallel_loop3A_804], %parallel_loop3A_802 {strides = array<i32>} : memref<80x136xf32, #tpu.memory_space<vmem>>, vector<16xf32>,
      %parallel_loop3A_806 = arith.index_cast %parallel_loop3A_744 : i32 to index
      %parallel_loop3A_807 = arith.constant 120 : index
      %parallel_loop3A_808 = tpu.vector_load %arg30[%parallel_loop3A_806, %parallel_loop3A_807] {strides = array<i32>} : memref<80x136xf32, #tpu.memory_space<vmem>>, vector<16xf32>,
      %parallel_loop3A_809 = arith.constant 8 : i32
      %parallel_loop3A_810 = vector.broadcast %parallel_loop3A_809 : i32 to vector<16xi32>
      %parallel_loop3A_811 = arith.cmpi slt, %iota3A, %parallel_loop3A_810 : vector<16xi32>
      %parallel_loop3A_812 = arith.mulf %parallel_loop3A_808, %parallel_loop3A_749 : vector<16xf32>
      %parallel_loop3A_813 = arith.select %parallel_loop3A_811, %parallel_loop3A_808, %parallel_loop3A_812 : vector<16xi1>, vector<16xf32>
      %parallel_loop3A_814 = arith.index_cast %parallel_loop3A_744 : i32 to index
      %parallel_loop3A_815 = arith.constant 120 : index
      %parallel_loop3A_816 = tpu.vector_load %arg30[%parallel_loop3A_814, %parallel_loop3A_815] {strides = array<i32>} : memref<80x136xf32, #tpu.memory_space<vmem>>, vector<16xf32>,
      tpu.vector_store %arg30[%parallel_loop3A_814, %parallel_loop3A_815], %parallel_loop3A_813 {strides = array<i32>} : memref<80x136xf32, #tpu.memory_space<vmem>>, vector<16xf32>,
    } {sc.loop_unroll_factor = 4 : i64, sc.parallel_access}
    %get3A_568 = arith.constant 0 : index
    %get3A_569 = tpu.vector_load %arg24[%get3A_568] {strides = array<i32>} : memref<80xi32, #tpu.memory_space<vmem>>, vector<16xi32>,
    %swap3A_570 = arith.constant 0 : index
    %swap3A_571 = tpu.vector_load %arg28[%swap3A_570] {strides = array<i32>} : memref<80xi32, #tpu.memory_space<vmem>>, vector<16xi32>,
    tpu.vector_store %arg28[%swap3A_570], %get3A_569 {strides = array<i32>} : memref<80xi32, #tpu.memory_space<vmem>>, vector<16xi32>,
    %get3A_572 = arith.constant 16 : index
    %get3A_573 = tpu.vector_load %arg24[%get3A_572] {strides = array<i32>} : memref<80xi32, #tpu.memory_space<vmem>>, vector<16xi32>,
    %swap3A_574 = arith.constant 16 : index
    %swap3A_575 = tpu.vector_load %arg28[%swap3A_574] {strides = array<i32>} : memref<80xi32, #tpu.memory_space<vmem>>, vector<16xi32>,
    tpu.vector_store %arg28[%swap3A_574], %get3A_573 {strides = array<i32>} : memref<80xi32, #tpu.memory_space<vmem>>, vector<16xi32>,
    %get3A_576 = arith.constant 32 : index
    %get3A_577 = tpu.vector_load %arg24[%get3A_576] {strides = array<i32>} : memref<80xi32, #tpu.memory_space<vmem>>, vector<16xi32>,
    %swap3A_578 = arith.constant 32 : index
    %swap3A_579 = tpu.vector_load %arg28[%swap3A_578] {strides = array<i32>} : memref<80xi32, #tpu.memory_space<vmem>>, vector<16xi32>,
    tpu.vector_store %arg28[%swap3A_578], %get3A_577 {strides = array<i32>} : memref<80xi32, #tpu.memory_space<vmem>>, vector<16xi32>,
    %get3A_580 = arith.constant 48 : index
    %get3A_581 = tpu.vector_load %arg24[%get3A_580] {strides = array<i32>} : memref<80xi32, #tpu.memory_space<vmem>>, vector<16xi32>,
    %swap3A_582 = arith.constant 48 : index
    %swap3A_583 = tpu.vector_load %arg28[%swap3A_582] {strides = array<i32>} : memref<80xi32, #tpu.memory_space<vmem>>, vector<16xi32>,
    tpu.vector_store %arg28[%swap3A_582], %get3A_581 {strides = array<i32>} : memref<80xi32, #tpu.memory_space<vmem>>, vector<16xi32>,
    %get3A_584 = arith.constant 64 : index
    %get3A_585 = tpu.vector_load %arg24[%get3A_584] {strides = array<i32>} : memref<80xi32, #tpu.memory_space<vmem>>, vector<16xi32>,
    %swap3A_586 = arith.constant 64 : index
    %swap3A_587 = tpu.vector_load %arg28[%swap3A_586] {strides = array<i32>} : memref<80xi32, #tpu.memory_space<vmem>>, vector<16xi32>,
    tpu.vector_store %arg28[%swap3A_586], %get3A_585 {strides = array<i32>} : memref<80xi32, #tpu.memory_space<vmem>>, vector<16xi32>,
    %dma_start3A_588 = arith.constant 0 : i32
    %dma_start3A_589 = arith.constant 0 : i32
    %dma_start3A_590 = tpu.memref_slice %arg11[%dma_start3A_588, %dma_start3A_589] : memref<10000x136xf32, #tpu.memory_space<vmem_shared>> -> memref<10000x136xf32, #tpu.memory_space<vmem_shared>>
    tpu.enqueue_indirect_dma source(%arg30 : memref<80x136xf32, #tpu.memory_space<vmem>>) target(%dma_start3A_590 : memref<10000x136xf32, #tpu.memory_space<vmem_shared>>) offsets(%arg28 : memref<80xi32, #tpu.memory_space<vmem>>) semaphore(%arg35 : memref<!tpu.dma_semaphore, #tpu.memory_space<semaphore_mem>>) {add = true}
    %get3A_591 = arith.constant 0 : index
    %get3A_592 = tpu.vector_load %arg12[%get3A_591] {strides = array<i32>} : memref<80xi32, #tpu.memory_space<vmem>>, vector<16xi32>,
    %get3A_593 = arith.constant 0 : index
    %get3A_594 = tpu.vector_load %arg13[%get3A_593] {strides = array<i32>} : memref<80xi32, #tpu.memory_space<vmem>>, vector<16xi32>,
    %add3A_595 = arith.constant 0 : i32
    %add3A_596 = vector.broadcast %add3A_595 : i32 to vector<16xi32>
    %add3A_597 = arith.addi %add3A_51, %add3A_596 : vector<16xi32>
    %gather3A_598 = tpu.vector_load_idx %arg14[%add3A_597] : memref<1280xf32, #tpu.memory_space<vmem>>[vector<16xi32>], vector<16xf32>,
    %gather3A_599 = tpu.vector_load_idx %arg9[%get3A_592] : memref<10000xf32, #tpu.memory_space<vmem>>[vector<16xi32>], vector<16xf32>,
    %gather3A_600 = tpu.vector_load_idx %arg10[%get3A_594] : memref<10000xf32, #tpu.memory_space<vmem>>[vector<16xi32>], vector<16xf32>,
    %add3A_601 = arith.addf %gather3A_599, %gather3A_600 : vector<16xf32>
    %add3A_602 = arith.addf %add3A_601, %gather3A_598 : vector<16xf32>
    %gt3A_603 = arith.constant 0.000000e+00 : f32
    %gt3A_604 = vector.broadcast %gt3A_603 : f32 to vector<16xf32>
    %gt3A_605 = arith.cmpf ogt, %add3A_602, %gt3A_604 : vector<16xf32>
    %mul3A_606 = arith.constant 0.00999999977 : f32
    %mul3A_607 = vector.broadcast %mul3A_606 : f32 to vector<16xf32>
    %mul3A_608 = arith.mulf %add3A_602, %mul3A_607 : vector<16xf32>
    %select_n3A_609 = arith.select %gt3A_605, %add3A_602, %mul3A_608 : vector<16xi1>, vector<16xf32>
    %exp3A_610 = math.exp %select_n3A_609 : vector<16xf32>
    %swap3A_611 = arith.constant 0 : index
    %swap3A_612 = tpu.vector_load %arg15[%swap3A_611] {strides = array<i32>} : memref<80xf32, #tpu.memory_space<vmem>>, vector<16xf32>,
    tpu.vector_store %arg15[%swap3A_611], %exp3A_610 {strides = array<i32>} : memref<80xf32, #tpu.memory_space<vmem>>, vector<16xf32>,
    %get3A_613 = arith.constant 16 : index
    %get3A_614 = tpu.vector_load %arg12[%get3A_613] {strides = array<i32>} : memref<80xi32, #tpu.memory_space<vmem>>, vector<16xi32>,
    %get3A_615 = arith.constant 16 : index
    %get3A_616 = tpu.vector_load %arg13[%get3A_615] {strides = array<i32>} : memref<80xi32, #tpu.memory_space<vmem>>, vector<16xi32>,
    %add3A_617 = arith.constant 256 : i32
    %add3A_618 = vector.broadcast %add3A_617 : i32 to vector<16xi32>
    %add3A_619 = arith.addi %add3A_51, %add3A_618 : vector<16xi32>
    %gather3A_620 = tpu.vector_load_idx %arg14[%add3A_619] : memref<1280xf32, #tpu.memory_space<vmem>>[vector<16xi32>], vector<16xf32>,
    %gather3A_621 = tpu.vector_load_idx %arg9[%get3A_614] : memref<10000xf32, #tpu.memory_space<vmem>>[vector<16xi32>], vector<16xf32>,
    %gather3A_622 = tpu.vector_load_idx %arg10[%get3A_616] : memref<10000xf32, #tpu.memory_space<vmem>>[vector<16xi32>], vector<16xf32>,
    %add3A_623 = arith.addf %gather3A_621, %gather3A_622 : vector<16xf32>
    %add3A_624 = arith.addf %add3A_623, %gather3A_620 : vector<16xf32>
    %gt3A_625 = arith.constant 0.000000e+00 : f32
    %gt3A_626 = vector.broadcast %gt3A_625 : f32 to vector<16xf32>
    %gt3A_627 = arith.cmpf ogt, %add3A_624, %gt3A_626 : vector<16xf32>
    %mul3A_628 = arith.constant 0.00999999977 : f32
    %mul3A_629 = vector.broadcast %mul3A_628 : f32 to vector<16xf32>
    %mul3A_630 = arith.mulf %add3A_624, %mul3A_629 : vector<16xf32>
    %select_n3A_631 = arith.select %gt3A_627, %add3A_624, %mul3A_630 : vector<16xi1>, vector<16xf32>
    %exp3A_632 = math.exp %select_n3A_631 : vector<16xf32>
    %swap3A_633 = arith.constant 16 : index
    %swap3A_634 = tpu.vector_load %arg15[%swap3A_633] {strides = array<i32>} : memref<80xf32, #tpu.memory_space<vmem>>, vector<16xf32>,
    tpu.vector_store %arg15[%swap3A_633], %exp3A_632 {strides = array<i32>} : memref<80xf32, #tpu.memory_space<vmem>>, vector<16xf32>,
    %get3A_635 = arith.constant 32 : index
    %get3A_636 = tpu.vector_load %arg12[%get3A_635] {strides = array<i32>} : memref<80xi32, #tpu.memory_space<vmem>>, vector<16xi32>,
    %get3A_637 = arith.constant 32 : index
    %get3A_638 = tpu.vector_load %arg13[%get3A_637] {strides = array<i32>} : memref<80xi32, #tpu.memory_space<vmem>>, vector<16xi32>,
    %add3A_639 = arith.constant 512 : i32
    %add3A_640 = vector.broadcast %add3A_639 : i32 to vector<16xi32>
    %add3A_641 = arith.addi %add3A_51, %add3A_640 : vector<16xi32>
    %gather3A_642 = tpu.vector_load_idx %arg14[%add3A_641] : memref<1280xf32, #tpu.memory_space<vmem>>[vector<16xi32>], vector<16xf32>,
    %gather3A_643 = tpu.vector_load_idx %arg9[%get3A_636] : memref<10000xf32, #tpu.memory_space<vmem>>[vector<16xi32>], vector<16xf32>,
    %gather3A_644 = tpu.vector_load_idx %arg10[%get3A_638] : memref<10000xf32, #tpu.memory_space<vmem>>[vector<16xi32>], vector<16xf32>,
    %add3A_645 = arith.addf %gather3A_643, %gather3A_644 : vector<16xf32>
    %add3A_646 = arith.addf %add3A_645, %gather3A_642 : vector<16xf32>
    %gt3A_647 = arith.constant 0.000000e+00 : f32
    %gt3A_648 = vector.broadcast %gt3A_647 : f32 to vector<16xf32>
    %gt3A_649 = arith.cmpf ogt, %add3A_646, %gt3A_648 : vector<16xf32>
    %mul3A_650 = arith.constant 0.00999999977 : f32
    %mul3A_651 = vector.broadcast %mul3A_650 : f32 to vector<16xf32>
    %mul3A_652 = arith.mulf %add3A_646, %mul3A_651 : vector<16xf32>
    %select_n3A_653 = arith.select %gt3A_649, %add3A_646, %mul3A_652 : vector<16xi1>, vector<16xf32>
    %exp3A_654 = math.exp %select_n3A_653 : vector<16xf32>
    %swap3A_655 = arith.constant 32 : index
    %swap3A_656 = tpu.vector_load %arg15[%swap3A_655] {strides = array<i32>} : memref<80xf32, #tpu.memory_space<vmem>>, vector<16xf32>,
    tpu.vector_store %arg15[%swap3A_655], %exp3A_654 {strides = array<i32>} : memref<80xf32, #tpu.memory_space<vmem>>, vector<16xf32>,
    %get3A_657 = arith.constant 48 : index
    %get3A_658 = tpu.vector_load %arg12[%get3A_657] {strides = array<i32>} : memref<80xi32, #tpu.memory_space<vmem>>, vector<16xi32>,
    %get3A_659 = arith.constant 48 : index
    %get3A_660 = tpu.vector_load %arg13[%get3A_659] {strides = array<i32>} : memref<80xi32, #tpu.memory_space<vmem>>, vector<16xi32>,
    %add3A_661 = arith.constant 768 : i32
    %add3A_662 = vector.broadcast %add3A_661 : i32 to vector<16xi32>
    %add3A_663 = arith.addi %add3A_51, %add3A_662 : vector<16xi32>
    %gather3A_664 = tpu.vector_load_idx %arg14[%add3A_663] : memref<1280xf32, #tpu.memory_space<vmem>>[vector<16xi32>], vector<16xf32>,
    %gather3A_665 = tpu.vector_load_idx %arg9[%get3A_658] : memref<10000xf32, #tpu.memory_space<vmem>>[vector<16xi32>], vector<16xf32>,
    %gather3A_666 = tpu.vector_load_idx %arg10[%get3A_660] : memref<10000xf32, #tpu.memory_space<vmem>>[vector<16xi32>], vector<16xf32>,
    %add3A_667 = arith.addf %gather3A_665, %gather3A_666 : vector<16xf32>
    %add3A_668 = arith.addf %add3A_667, %gather3A_664 : vector<16xf32>
    %gt3A_669 = arith.constant 0.000000e+00 : f32
    %gt3A_670 = vector.broadcast %gt3A_669 : f32 to vector<16xf32>
    %gt3A_671 = arith.cmpf ogt, %add3A_668, %gt3A_670 : vector<16xf32>
    %mul3A_672 = arith.constant 0.00999999977 : f32
    %mul3A_673 = vector.broadcast %mul3A_672 : f32 to vector<16xf32>
    %mul3A_674 = arith.mulf %add3A_668, %mul3A_673 : vector<16xf32>
    %select_n3A_675 = arith.select %gt3A_671, %add3A_668, %mul3A_674 : vector<16xi1>, vector<16xf32>
    %exp3A_676 = math.exp %select_n3A_675 : vector<16xf32>
    %swap3A_677 = arith.constant 48 : index
    %swap3A_678 = tpu.vector_load %arg15[%swap3A_677] {strides = array<i32>} : memref<80xf32, #tpu.memory_space<vmem>>, vector<16xf32>,
    tpu.vector_store %arg15[%swap3A_677], %exp3A_676 {strides = array<i32>} : memref<80xf32, #tpu.memory_space<vmem>>, vector<16xf32>,
    %get3A_679 = arith.constant 64 : index
    %get3A_680 = tpu.vector_load %arg12[%get3A_679] {strides = array<i32>} : memref<80xi32, #tpu.memory_space<vmem>>, vector<16xi32>,
    %get3A_681 = arith.constant 64 : index
    %get3A_682 = tpu.vector_load %arg13[%get3A_681] {strides = array<i32>} : memref<80xi32, #tpu.memory_space<vmem>>, vector<16xi32>,
    %add3A_683 = arith.constant 1024 : i32
    %add3A_684 = vector.broadcast %add3A_683 : i32 to vector<16xi32>
    %add3A_685 = arith.addi %add3A_51, %add3A_684 : vector<16xi32>
    %gather3A_686 = tpu.vector_load_idx %arg14[%add3A_685] : memref<1280xf32, #tpu.memory_space<vmem>>[vector<16xi32>], vector<16xf32>,
    %gather3A_687 = tpu.vector_load_idx %arg9[%get3A_680] : memref<10000xf32, #tpu.memory_space<vmem>>[vector<16xi32>], vector<16xf32>,
    %gather3A_688 = tpu.vector_load_idx %arg10[%get3A_682] : memref<10000xf32, #tpu.memory_space<vmem>>[vector<16xi32>], vector<16xf32>,
    %add3A_689 = arith.addf %gather3A_687, %gather3A_688 : vector<16xf32>
    %add3A_690 = arith.addf %add3A_689, %gather3A_686 : vector<16xf32>
    %gt3A_691 = arith.constant 0.000000e+00 : f32
    %gt3A_692 = vector.broadcast %gt3A_691 : f32 to vector<16xf32>
    %gt3A_693 = arith.cmpf ogt, %add3A_690, %gt3A_692 : vector<16xf32>
    %mul3A_694 = arith.constant 0.00999999977 : f32
    %mul3A_695 = vector.broadcast %mul3A_694 : f32 to vector<16xf32>
    %mul3A_696 = arith.mulf %add3A_690, %mul3A_695 : vector<16xf32>
    %select_n3A_697 = arith.select %gt3A_693, %add3A_690, %mul3A_696 : vector<16xi1>, vector<16xf32>
    %exp3A_698 = math.exp %select_n3A_697 : vector<16xf32>
    %swap3A_699 = arith.constant 64 : index
    %swap3A_700 = tpu.vector_load %arg15[%swap3A_699] {strides = array<i32>} : memref<80xf32, #tpu.memory_space<vmem>>, vector<16xf32>,
    tpu.vector_store %arg15[%swap3A_699], %exp3A_698 {strides = array<i32>} : memref<80xf32, #tpu.memory_space<vmem>>, vector<16xf32>,
    %dma_wait3A_701 = arith.constant 0 : i32
    %dma_wait3A_702 = arith.constant 0 : i32
    %dma_wait3A_703 = tpu.memref_slice %arg2[%dma_wait3A_701, %dma_wait3A_702] : memref<10000x136xf32, #tpu.memory_space<hbm>> -> memref<10000x136xf32, #tpu.memory_space<hbm>>
    tpu.wait_indirect_dma semaphore(%arg22 : memref<!tpu.dma_semaphore, #tpu.memory_space<semaphore_mem>>) src(%dma_wait3A_703 : memref<10000x136xf32, #tpu.memory_space<hbm>>) dst(%arg18 : memref<80x136xf32, #tpu.memory_space<vmem>>)
    %dma_wait3A_704 = arith.constant 0 : i32
    %dma_wait3A_705 = arith.constant 0 : i32
    %dma_wait3A_706 = tpu.memref_slice %arg11[%dma_wait3A_704, %dma_wait3A_705] : memref<10000x136xf32, #tpu.memory_space<vmem_shared>> -> memref<10000x136xf32, #tpu.memory_space<vmem_shared>>
    tpu.wait_indirect_dma semaphore(%arg35 : memref<!tpu.dma_semaphore, #tpu.memory_space<semaphore_mem>>) src(%arg30 : memref<80x136xf32, #tpu.memory_space<vmem>>) dst(%dma_wait3A_706 : memref<10000x136xf32, #tpu.memory_space<vmem_shared>>)
    %parallel_loop3A_707 = arith.constant 0 : i32
    %parallel_loop3A_708 = arith.constant 80 : i32
    %parallel_loop3A_709 = arith.constant 1 : i32
    scf.for %parallel_loop3A_744 = %parallel_loop3A_707 to %parallel_loop3A_708 step %parallel_loop3A_709  : i32 {
      %parallel_loop3A_745 = arith.constant 0 : i32
      %parallel_loop3A_746 = vector.broadcast %parallel_loop3A_745 : i32 to vector<16xi32>
      %parallel_loop3A_747 = vector.broadcast %parallel_loop3A_744 : i32 to vector<16xi32>
      %parallel_loop3A_748 = arith.addi %parallel_loop3A_746, %parallel_loop3A_747 : vector<16xi32>
      %parallel_loop3A_749 = tpu.vector_load_idx %arg15[%parallel_loop3A_748] : memref<80xf32, #tpu.memory_space<vmem>>[vector<16xi32>], vector<16xf32>,
      %parallel_loop3A_750 = arith.index_cast %parallel_loop3A_744 : i32 to index
      %parallel_loop3A_751 = arith.constant 0 : index
      %parallel_loop3A_752 = tpu.vector_load %arg18[%parallel_loop3A_750, %parallel_loop3A_751] {strides = array<i32>} : memref<80x136xf32, #tpu.memory_space<vmem>>, vector<16xf32>,
      %parallel_loop3A_753 = arith.mulf %parallel_loop3A_752, %parallel_loop3A_749 : vector<16xf32>
      %parallel_loop3A_754 = arith.index_cast %parallel_loop3A_744 : i32 to index
      %parallel_loop3A_755 = arith.constant 0 : index
      %parallel_loop3A_756 = tpu.vector_load %arg18[%parallel_loop3A_754, %parallel_loop3A_755] {strides = array<i32>} : memref<80x136xf32, #tpu.memory_space<vmem>>, vector<16xf32>,
      tpu.vector_store %arg18[%parallel_loop3A_754, %parallel_loop3A_755], %parallel_loop3A_753 {strides = array<i32>} : memref<80x136xf32, #tpu.memory_space<vmem>>, vector<16xf32>,
      %parallel_loop3A_757 = arith.index_cast %parallel_loop3A_744 : i32 to index
      %parallel_loop3A_758 = arith.constant 16 : index
      %parallel_loop3A_759 = tpu.vector_load %arg18[%parallel_loop3A_757, %parallel_loop3A_758] {strides = array<i32>} : memref<80x136xf32, #tpu.memory_space<vmem>>, vector<16xf32>,
      %parallel_loop3A_760 = arith.mulf %parallel_loop3A_759, %parallel_loop3A_749 : vector<16xf32>
      %parallel_loop3A_761 = arith.index_cast %parallel_loop3A_744 : i32 to index
      %parallel_loop3A_762 = arith.constant 16 : index
      %parallel_loop3A_763 = tpu.vector_load %arg18[%parallel_loop3A_761, %parallel_loop3A_762] {strides = array<i32>} : memref<80x136xf32, #tpu.memory_space<vmem>>, vector<16xf32>,
      tpu.vector_store %arg18[%parallel_loop3A_761, %parallel_loop3A_762], %parallel_loop3A_760 {strides = array<i32>} : memref<80x136xf32, #tpu.memory_space<vmem>>, vector<16xf32>,
      %parallel_loop3A_764 = arith.index_cast %parallel_loop3A_744 : i32 to index
      %parallel_loop3A_765 = arith.constant 32 : index
      %parallel_loop3A_766 = tpu.vector_load %arg18[%parallel_loop3A_764, %parallel_loop3A_765] {strides = array<i32>} : memref<80x136xf32, #tpu.memory_space<vmem>>, vector<16xf32>,
      %parallel_loop3A_767 = arith.mulf %parallel_loop3A_766, %parallel_loop3A_749 : vector<16xf32>
      %parallel_loop3A_768 = arith.index_cast %parallel_loop3A_744 : i32 to index
      %parallel_loop3A_769 = arith.constant 32 : index
      %parallel_loop3A_770 = tpu.vector_load %arg18[%parallel_loop3A_768, %parallel_loop3A_769] {strides = array<i32>} : memref<80x136xf32, #tpu.memory_space<vmem>>, vector<16xf32>,
      tpu.vector_store %arg18[%parallel_loop3A_768, %parallel_loop3A_769], %parallel_loop3A_767 {strides = array<i32>} : memref<80x136xf32, #tpu.memory_space<vmem>>, vector<16xf32>,
      %parallel_loop3A_771 = arith.index_cast %parallel_loop3A_744 : i32 to index
      %parallel_loop3A_772 = arith.constant 48 : index
      %parallel_loop3A_773 = tpu.vector_load %arg18[%parallel_loop3A_771, %parallel_loop3A_772] {strides = array<i32>} : memref<80x136xf32, #tpu.memory_space<vmem>>, vector<16xf32>,
      %parallel_loop3A_774 = arith.mulf %parallel_loop3A_773, %parallel_loop3A_749 : vector<16xf32>
      %parallel_loop3A_775 = arith.index_cast %parallel_loop3A_744 : i32 to index
      %parallel_loop3A_776 = arith.constant 48 : index
      %parallel_loop3A_777 = tpu.vector_load %arg18[%parallel_loop3A_775, %parallel_loop3A_776] {strides = array<i32>} : memref<80x136xf32, #tpu.memory_space<vmem>>, vector<16xf32>,
      tpu.vector_store %arg18[%parallel_loop3A_775, %parallel_loop3A_776], %parallel_loop3A_774 {strides = array<i32>} : memref<80x136xf32, #tpu.memory_space<vmem>>, vector<16xf32>,
      %parallel_loop3A_778 = arith.index_cast %parallel_loop3A_744 : i32 to index
      %parallel_loop3A_779 = arith.constant 64 : index
      %parallel_loop3A_780 = tpu.vector_load %arg18[%parallel_loop3A_778, %parallel_loop3A_779] {strides = array<i32>} : memref<80x136xf32, #tpu.memory_space<vmem>>, vector<16xf32>,
      %parallel_loop3A_781 = arith.mulf %parallel_loop3A_780, %parallel_loop3A_749 : vector<16xf32>
      %parallel_loop3A_782 = arith.index_cast %parallel_loop3A_744 : i32 to index
      %parallel_loop3A_783 = arith.constant 64 : index
      %parallel_loop3A_784 = tpu.vector_load %arg18[%parallel_loop3A_782, %parallel_loop3A_783] {strides = array<i32>} : memref<80x136xf32, #tpu.memory_space<vmem>>, vector<16xf32>,
      tpu.vector_store %arg18[%parallel_loop3A_782, %parallel_loop3A_783], %parallel_loop3A_781 {strides = array<i32>} : memref<80x136xf32, #tpu.memory_space<vmem>>, vector<16xf32>,
      %parallel_loop3A_785 = arith.index_cast %parallel_loop3A_744 : i32 to index
      %parallel_loop3A_786 = arith.constant 80 : index
      %parallel_loop3A_787 = tpu.vector_load %arg18[%parallel_loop3A_785, %parallel_loop3A_786] {strides = array<i32>} : memref<80x136xf32, #tpu.memory_space<vmem>>, vector<16xf32>,
      %parallel_loop3A_788 = arith.mulf %parallel_loop3A_787, %parallel_loop3A_749 : vector<16xf32>
      %parallel_loop3A_789 = arith.index_cast %parallel_loop3A_744 : i32 to index
      %parallel_loop3A_790 = arith.constant 80 : index
      %parallel_loop3A_791 = tpu.vector_load %arg18[%parallel_loop3A_789, %parallel_loop3A_790] {strides = array<i32>} : memref<80x136xf32, #tpu.memory_space<vmem>>, vector<16xf32>,
      tpu.vector_store %arg18[%parallel_loop3A_789, %parallel_loop3A_790], %parallel_loop3A_788 {strides = array<i32>} : memref<80x136xf32, #tpu.memory_space<vmem>>, vector<16xf32>,
      %parallel_loop3A_792 = arith.index_cast %parallel_loop3A_744 : i32 to index
      %parallel_loop3A_793 = arith.constant 96 : index
      %parallel_loop3A_794 = tpu.vector_load %arg18[%parallel_loop3A_792, %parallel_loop3A_793] {strides = array<i32>} : memref<80x136xf32, #tpu.memory_space<vmem>>, vector<16xf32>,
      %parallel_loop3A_795 = arith.mulf %parallel_loop3A_794, %parallel_loop3A_749 : vector<16xf32>
      %parallel_loop3A_796 = arith.index_cast %parallel_loop3A_744 : i32 to index
      %parallel_loop3A_797 = arith.constant 96 : index
      %parallel_loop3A_798 = tpu.vector_load %arg18[%parallel_loop3A_796, %parallel_loop3A_797] {strides = array<i32>} : memref<80x136xf32, #tpu.memory_space<vmem>>, vector<16xf32>,
      tpu.vector_store %arg18[%parallel_loop3A_796, %parallel_loop3A_797], %parallel_loop3A_795 {strides = array<i32>} : memref<80x136xf32, #tpu.memory_space<vmem>>, vector<16xf32>,
      %parallel_loop3A_799 = arith.index_cast %parallel_loop3A_744 : i32 to index
      %parallel_loop3A_800 = arith.constant 112 : index
      %parallel_loop3A_801 = tpu.vector_load %arg18[%parallel_loop3A_799, %parallel_loop3A_800] {strides = array<i32>} : memref<80x136xf32, #tpu.memory_space<vmem>>, vector<16xf32>,
      %parallel_loop3A_802 = arith.mulf %parallel_loop3A_801, %parallel_loop3A_749 : vector<16xf32>
      %parallel_loop3A_803 = arith.index_cast %parallel_loop3A_744 : i32 to index
      %parallel_loop3A_804 = arith.constant 112 : index
      %parallel_loop3A_805 = tpu.vector_load %arg18[%parallel_loop3A_803, %parallel_loop3A_804] {strides = array<i32>} : memref<80x136xf32, #tpu.memory_space<vmem>>, vector<16xf32>,
      tpu.vector_store %arg18[%parallel_loop3A_803, %parallel_loop3A_804], %parallel_loop3A_802 {strides = array<i32>} : memref<80x136xf32, #tpu.memory_space<vmem>>, vector<16xf32>,
      %parallel_loop3A_806 = arith.index_cast %parallel_loop3A_744 : i32 to index
      %parallel_loop3A_807 = arith.constant 120 : index
      %parallel_loop3A_808 = tpu.vector_load %arg18[%parallel_loop3A_806, %parallel_loop3A_807] {strides = array<i32>} : memref<80x136xf32, #tpu.memory_space<vmem>>, vector<16xf32>,
      %parallel_loop3A_809 = arith.constant 8 : i32
      %parallel_loop3A_810 = vector.broadcast %parallel_loop3A_809 : i32 to vector<16xi32>
      %parallel_loop3A_811 = arith.cmpi slt, %iota3A, %parallel_loop3A_810 : vector<16xi32>
      %parallel_loop3A_812 = arith.mulf %parallel_loop3A_808, %parallel_loop3A_749 : vector<16xf32>
      %parallel_loop3A_813 = arith.select %parallel_loop3A_811, %parallel_loop3A_808, %parallel_loop3A_812 : vector<16xi1>, vector<16xf32>
      %parallel_loop3A_814 = arith.index_cast %parallel_loop3A_744 : i32 to index
      %parallel_loop3A_815 = arith.constant 120 : index
      %parallel_loop3A_816 = tpu.vector_load %arg18[%parallel_loop3A_814, %parallel_loop3A_815] {strides = array<i32>} : memref<80x136xf32, #tpu.memory_space<vmem>>, vector<16xf32>,
      tpu.vector_store %arg18[%parallel_loop3A_814, %parallel_loop3A_815], %parallel_loop3A_813 {strides = array<i32>} : memref<80x136xf32, #tpu.memory_space<vmem>>, vector<16xf32>,
    } {sc.loop_unroll_factor = 4 : i64, sc.parallel_access}
    %get3A_710 = arith.constant 0 : index
    %get3A_711 = tpu.vector_load %arg12[%get3A_710] {strides = array<i32>} : memref<80xi32, #tpu.memory_space<vmem>>, vector<16xi32>,
    %swap3A_712 = arith.constant 0 : index
    %swap3A_713 = tpu.vector_load %arg16[%swap3A_712] {strides = array<i32>} : memref<80xi32, #tpu.memory_space<vmem>>, vector<16xi32>,
    tpu.vector_store %arg16[%swap3A_712], %get3A_711 {strides = array<i32>} : memref<80xi32, #tpu.memory_space<vmem>>, vector<16xi32>,
    %get3A_714 = arith.constant 16 : index
    %get3A_715 = tpu.vector_load %arg12[%get3A_714] {strides = array<i32>} : memref<80xi32, #tpu.memory_space<vmem>>, vector<16xi32>,
    %swap3A_716 = arith.constant 16 : index
    %swap3A_717 = tpu.vector_load %arg16[%swap3A_716] {strides = array<i32>} : memref<80xi32, #tpu.memory_space<vmem>>, vector<16xi32>,
    tpu.vector_store %arg16[%swap3A_716], %get3A_715 {strides = array<i32>} : memref<80xi32, #tpu.memory_space<vmem>>, vector<16xi32>,
    %get3A_718 = arith.constant 32 : index
    %get3A_719 = tpu.vector_load %arg12[%get3A_718] {strides = array<i32>} : memref<80xi32, #tpu.memory_space<vmem>>, vector<16xi32>,
    %swap3A_720 = arith.constant 32 : index
    %swap3A_721 = tpu.vector_load %arg16[%swap3A_720] {strides = array<i32>} : memref<80xi32, #tpu.memory_space<vmem>>, vector<16xi32>,
    tpu.vector_store %arg16[%swap3A_720], %get3A_719 {strides = array<i32>} : memref<80xi32, #tpu.memory_space<vmem>>, vector<16xi32>,
    %get3A_722 = arith.constant 48 : index
    %get3A_723 = tpu.vector_load %arg12[%get3A_722] {strides = array<i32>} : memref<80xi32, #tpu.memory_space<vmem>>, vector<16xi32>,
    %swap3A_724 = arith.constant 48 : index
    %swap3A_725 = tpu.vector_load %arg16[%swap3A_724] {strides = array<i32>} : memref<80xi32, #tpu.memory_space<vmem>>, vector<16xi32>,
    tpu.vector_store %arg16[%swap3A_724], %get3A_723 {strides = array<i32>} : memref<80xi32, #tpu.memory_space<vmem>>, vector<16xi32>,
    %get3A_726 = arith.constant 64 : index
    %get3A_727 = tpu.vector_load %arg12[%get3A_726] {strides = array<i32>} : memref<80xi32, #tpu.memory_space<vmem>>, vector<16xi32>,
    %swap3A_728 = arith.constant 64 : index
    %swap3A_729 = tpu.vector_load %arg16[%swap3A_728] {strides = array<i32>} : memref<80xi32, #tpu.memory_space<vmem>>, vector<16xi32>,
    tpu.vector_store %arg16[%swap3A_728], %get3A_727 {strides = array<i32>} : memref<80xi32, #tpu.memory_space<vmem>>, vector<16xi32>,
    %dma_start3A_730 = arith.constant 0 : i32
    %dma_start3A_731 = arith.constant 0 : i32
    %dma_start3A_732 = tpu.memref_slice %arg11[%dma_start3A_730, %dma_start3A_731] : memref<10000x136xf32, #tpu.memory_space<vmem_shared>> -> memref<10000x136xf32, #tpu.memory_space<vmem_shared>>
    tpu.enqueue_indirect_dma source(%arg18 : memref<80x136xf32, #tpu.memory_space<vmem>>) target(%dma_start3A_732 : memref<10000x136xf32, #tpu.memory_space<vmem_shared>>) offsets(%arg16 : memref<80xi32, #tpu.memory_space<vmem>>) semaphore(%arg23 : memref<!tpu.dma_semaphore, #tpu.memory_space<semaphore_mem>>) {add = true}
    %dma_wait3A_733 = arith.constant 0 : i32
    %dma_wait3A_734 = arith.constant 0 : i32
    %dma_wait3A_735 = tpu.memref_slice %arg11[%dma_wait3A_733, %dma_wait3A_734] : memref<10000x136xf32, #tpu.memory_space<vmem_shared>> -> memref<10000x136xf32, #tpu.memory_space<vmem_shared>>
    tpu.wait_indirect_dma semaphore(%arg23 : memref<!tpu.dma_semaphore, #tpu.memory_space<semaphore_mem>>) src(%arg18 : memref<80x136xf32, #tpu.memory_space<vmem>>) dst(%dma_wait3A_735 : memref<10000x136xf32, #tpu.memory_space<vmem_shared>>)
    %barrier3A_736 = arith.constant 0 : index
    tpu.barrier barrier_id(%barrier3A_736)
    "tpu.region"() ({
      %run_scoped3A = tpu.sem_alloc : memref<!tpu.dma_semaphore, #tpu.memory_space<semaphore_mem>>
      %dma_start3A_744 = arith.constant 0 : i32
      %dma_start3A_745 = arith.constant 0 : i32
      %dma_start3A_746 = tpu.memref_slice %arg7[%arg0, %dma_start3A_744, %dma_start3A_745] : memref<2x10000x128xf32, #tpu.memory_space<hbm>> -> memref<1x10000x128xf32, #tpu.memory_space<hbm>>
      %dma_start3A_747 = tpu.memref_squeeze %dma_start3A_746 : memref<1x10000x128xf32, #tpu.memory_space<hbm>> -> memref<10000x128xf32, #tpu.memory_space<hbm>>
      %dma_start3A_748 = arith.constant 0 : i32
      %dma_start3A_749 = tpu.memref_slice %dma_start3A_747[%mul3A_4, %dma_start3A_748] : memref<10000x128xf32, #tpu.memory_space<hbm>> -> memref<625x128xf32, #tpu.memory_space<hbm>>
      %dma_start3A_750 = arith.constant 0 : i32
      %dma_start3A_751 = tpu.memref_slice %arg11[%mul3A_4, %dma_start3A_750] : memref<10000x136xf32, #tpu.memory_space<vmem_shared>> -> memref<625x128xf32, #tpu.memory_space<vmem_shared>>
      tpu.enqueue_dma source(%dma_start3A_751 : memref<625x128xf32, #tpu.memory_space<vmem_shared>>) target(%dma_start3A_749 : memref<625x128xf32, #tpu.memory_space<hbm>>) target_semaphore(%run_scoped3A : memref<!tpu.dma_semaphore, #tpu.memory_space<semaphore_mem>>)
      %dma_wait3A_752 = arith.constant 0 : i32
      %dma_wait3A_753 = arith.constant 0 : i32
      %dma_wait3A_754 = tpu.memref_slice %arg7[%arg0, %dma_wait3A_752, %dma_wait3A_753] : memref<2x10000x128xf32, #tpu.memory_space<hbm>> -> memref<1x10000x128xf32, #tpu.memory_space<hbm>>
      %dma_wait3A_755 = tpu.memref_squeeze %dma_wait3A_754 : memref<1x10000x128xf32, #tpu.memory_space<hbm>> -> memref<10000x128xf32, #tpu.memory_space<hbm>>
      %dma_wait3A_756 = arith.constant 0 : i32
      %dma_wait3A_757 = tpu.memref_slice %dma_wait3A_755[%mul3A_4, %dma_wait3A_756] : memref<10000x128xf32, #tpu.memory_space<hbm>> -> memref<625x128xf32, #tpu.memory_space<hbm>>
      %dma_wait3A_758 = arith.constant 0 : i32
      %dma_wait3A_759 = tpu.memref_slice %arg11[%mul3A_4, %dma_wait3A_758] : memref<10000x136xf32, #tpu.memory_space<vmem_shared>> -> memref<625x128xf32, #tpu.memory_space<vmem_shared>>
      tpu.wait_dma2 semaphore(%run_scoped3A : memref<!tpu.dma_semaphore, #tpu.memory_space<semaphore_mem>>) src(%dma_wait3A_759 : memref<625x128xf32, #tpu.memory_space<vmem_shared>>) dst(%dma_wait3A_757 : memref<625x128xf32, #tpu.memory_space<hbm>>)
      tpu.yield
    }) : () -> ()
    %scan3A_737 = arith.constant 0 : i32
    %scan3A_738 = arith.constant 7 : i32
    %scan3A_739 = arith.addi %scan3A_737, %scan3A_738 : i32
    %scan3A_740 = arith.constant 1 : i32
    scf.for %scan3A_744 = %scan3A_737 to %scan3A_739 step %scan3A_740  : i32 {
      %mul3A_745 = arith.constant 1 : i32
      %mul3A_746 = arith.muli %scan3A_744, %mul3A_745 : i32
      %add3A_747 = arith.constant 0 : i32
      %add3A_748 = arith.addi %add3A_747, %mul3A_746 : i32
      %mul3A_749 = arith.constant 80 : i32
      %mul3A_750 = arith.muli %add3A_748, %mul3A_749 : i32
      %add3A_751 = arith.addi %mul3A_4, %mul3A_750 : i32
      "tpu.region"() ({
        %run_scoped3A = tpu.sem_alloc : memref<!tpu.dma_semaphore, #tpu.memory_space<semaphore_mem>>
        %dma_start3A_752 = arith.constant 128 : i32
        %dma_start3A_753 = tpu.memref_slice %arg11[%add3A_751, %dma_start3A_752] : memref<10000x136xf32, #tpu.memory_space<vmem_shared>> -> memref<80x8xf32, #tpu.memory_space<vmem_shared>>
        %dma_start3A_754 = arith.constant 128 : i32
        %dma_start3A_755 = tpu.memref_slice %arg11[%add3A_751, %dma_start3A_754] : memref<10000x136xf32, #tpu.memory_space<vmem_shared>> -> memref<80x8xf32, #tpu.memory_space<vmem_shared>>
        tpu.enqueue_dma source(%dma_start3A_755 : memref<80x8xf32, #tpu.memory_space<vmem_shared>>) target(%arg17 : memref<80x8xf32, #tpu.memory_space<vmem>>) target_semaphore(%run_scoped3A : memref<!tpu.dma_semaphore, #tpu.memory_space<semaphore_mem>>)
        %dma_wait3A_756 = arith.constant 128 : i32
        %dma_wait3A_757 = tpu.memref_slice %arg11[%add3A_751, %dma_wait3A_756] : memref<10000x136xf32, #tpu.memory_space<vmem_shared>> -> memref<80x8xf32, #tpu.memory_space<vmem_shared>>
        %dma_wait3A_758 = arith.constant 128 : i32
        %dma_wait3A_759 = tpu.memref_slice %arg11[%add3A_751, %dma_wait3A_758] : memref<10000x136xf32, #tpu.memory_space<vmem_shared>> -> memref<80x8xf32, #tpu.memory_space<vmem_shared>>
        tpu.wait_dma2 semaphore(%run_scoped3A : memref<!tpu.dma_semaphore, #tpu.memory_space<semaphore_mem>>) src(%dma_wait3A_759 : memref<80x8xf32, #tpu.memory_space<vmem_shared>>) dst(%arg17 : memref<80x8xf32, #tpu.memory_space<vmem>>)
        tpu.yield
      }) : () -> ()
      "tpu.region"() ({
        %run_scoped3A = tpu.sem_alloc : memref<!tpu.dma_semaphore, #tpu.memory_space<semaphore_mem>>
        %dma_start3A_752 = arith.constant 0 : i32
        %dma_start3A_753 = arith.constant 0 : i32
        %dma_start3A_754 = tpu.memref_slice %arg8[%arg0, %dma_start3A_752, %dma_start3A_753] : memref<2x10000x8xf32, #tpu.memory_space<hbm>> -> memref<1x10000x8xf32, #tpu.memory_space<hbm>>
        %dma_start3A_755 = tpu.memref_squeeze %dma_start3A_754 : memref<1x10000x8xf32, #tpu.memory_space<hbm>> -> memref<10000x8xf32, #tpu.memory_space<hbm>>
        %dma_start3A_756 = arith.constant 0 : i32
        %dma_start3A_757 = tpu.memref_slice %dma_start3A_755[%add3A_751, %dma_start3A_756] : memref<10000x8xf32, #tpu.memory_space<hbm>> -> memref<80x8xf32, #tpu.memory_space<hbm>>
        %dma_start3A_758 = arith.constant 0 : i32
        %dma_start3A_759 = arith.constant 0 : i32
        %dma_start3A_760 = tpu.memref_slice %arg8[%arg0, %dma_start3A_758, %dma_start3A_759] : memref<2x10000x8xf32, #tpu.memory_space<hbm>> -> memref<1x10000x8xf32, #tpu.memory_space<hbm>>
        %dma_start3A_761 = tpu.memref_squeeze %dma_start3A_760 : memref<1x10000x8xf32, #tpu.memory_space<hbm>> -> memref<10000x8xf32, #tpu.memory_space<hbm>>
        %dma_start3A_762 = arith.constant 0 : i32
        %dma_start3A_763 = tpu.memref_slice %dma_start3A_761[%add3A_751, %dma_start3A_762] : memref<10000x8xf32, #tpu.memory_space<hbm>> -> memref<80x8xf32, #tpu.memory_space<hbm>>
        tpu.enqueue_dma source(%arg17 : memref<80x8xf32, #tpu.memory_space<vmem>>) target(%dma_start3A_763 : memref<80x8xf32, #tpu.memory_space<hbm>>) target_semaphore(%run_scoped3A : memref<!tpu.dma_semaphore, #tpu.memory_space<semaphore_mem>>)
        %dma_wait3A_764 = arith.constant 0 : i32
        %dma_wait3A_765 = arith.constant 0 : i32
        %dma_wait3A_766 = tpu.memref_slice %arg8[%arg0, %dma_wait3A_764, %dma_wait3A_765] : memref<2x10000x8xf32, #tpu.memory_space<hbm>> -> memref<1x10000x8xf32, #tpu.memory_space<hbm>>
        %dma_wait3A_767 = tpu.memref_squeeze %dma_wait3A_766 : memref<1x10000x8xf32, #tpu.memory_space<hbm>> -> memref<10000x8xf32, #tpu.memory_space<hbm>>
        %dma_wait3A_768 = arith.constant 0 : i32
        %dma_wait3A_769 = tpu.memref_slice %dma_wait3A_767[%add3A_751, %dma_wait3A_768] : memref<10000x8xf32, #tpu.memory_space<hbm>> -> memref<80x8xf32, #tpu.memory_space<hbm>>
        %dma_wait3A_770 = arith.constant 0 : i32
        %dma_wait3A_771 = arith.constant 0 : i32
        %dma_wait3A_772 = tpu.memref_slice %arg8[%arg0, %dma_wait3A_770, %dma_wait3A_771] : memref<2x10000x8xf32, #tpu.memory_space<hbm>> -> memref<1x10000x8xf32, #tpu.memory_space<hbm>>
        %dma_wait3A_773 = tpu.memref_squeeze %dma_wait3A_772 : memref<1x10000x8xf32, #tpu.memory_space<hbm>> -> memref<10000x8xf32, #tpu.memory_space<hbm>>
        %dma_wait3A_774 = arith.constant 0 : i32
        %dma_wait3A_775 = tpu.memref_slice %dma_wait3A_773[%add3A_751, %dma_wait3A_774] : memref<10000x8xf32, #tpu.memory_space<hbm>> -> memref<80x8xf32, #tpu.memory_space<hbm>>
        tpu.wait_dma2 semaphore(%run_scoped3A : memref<!tpu.dma_semaphore, #tpu.memory_space<semaphore_mem>>) src(%arg17 : memref<80x8xf32, #tpu.memory_space<vmem>>) dst(%dma_wait3A_775 : memref<80x8xf32, #tpu.memory_space<hbm>>)
        tpu.yield
      }) : () -> ()
    }
    %scan3A_741 = arith.constant 7 : i32
    %add3A_742 = arith.constant 560 : i32
    %add3A_743 = arith.addi %mul3A_4, %add3A_742 : i32
    "tpu.region"() ({
      %run_scoped3A = tpu.sem_alloc : memref<!tpu.dma_semaphore, #tpu.memory_space<semaphore_mem>>
      %dma_start3A_744 = arith.constant 0 : i32
      %dma_start3A_745 = arith.constant 0 : i32
      %dma_start3A_746 = tpu.memref_slice %arg17[%dma_start3A_744, %dma_start3A_745] : memref<80x8xf32, #tpu.memory_space<vmem>> -> memref<65x8xf32, #tpu.memory_space<vmem>>
      %dma_start3A_747 = arith.constant 128 : i32
      %dma_start3A_748 = tpu.memref_slice %arg11[%add3A_743, %dma_start3A_747] : memref<10000x136xf32, #tpu.memory_space<vmem_shared>> -> memref<65x8xf32, #tpu.memory_space<vmem_shared>>
      %dma_start3A_749 = arith.constant 0 : i32
      %dma_start3A_750 = arith.constant 0 : i32
      %dma_start3A_751 = tpu.memref_slice %arg17[%dma_start3A_749, %dma_start3A_750] : memref<80x8xf32, #tpu.memory_space<vmem>> -> memref<65x8xf32, #tpu.memory_space<vmem>>
      %dma_start3A_752 = arith.constant 128 : i32
      %dma_start3A_753 = tpu.memref_slice %arg11[%add3A_743, %dma_start3A_752] : memref<10000x136xf32, #tpu.memory_space<vmem_shared>> -> memref<65x8xf32, #tpu.memory_space<vmem_shared>>
      tpu.enqueue_dma source(%dma_start3A_753 : memref<65x8xf32, #tpu.memory_space<vmem_shared>>) target(%dma_start3A_751 : memref<65x8xf32, #tpu.memory_space<vmem>>) target_semaphore(%run_scoped3A : memref<!tpu.dma_semaphore, #tpu.memory_space<semaphore_mem>>)
      %dma_wait3A_754 = arith.constant 0 : i32
      %dma_wait3A_755 = arith.constant 0 : i32
      %dma_wait3A_756 = tpu.memref_slice %arg17[%dma_wait3A_754, %dma_wait3A_755] : memref<80x8xf32, #tpu.memory_space<vmem>> -> memref<65x8xf32, #tpu.memory_space<vmem>>
      %dma_wait3A_757 = arith.constant 128 : i32
      %dma_wait3A_758 = tpu.memref_slice %arg11[%add3A_743, %dma_wait3A_757] : memref<10000x136xf32, #tpu.memory_space<vmem_shared>> -> memref<65x8xf32, #tpu.memory_space<vmem_shared>>
      %dma_wait3A_759 = arith.constant 0 : i32
      %dma_wait3A_760 = arith.constant 0 : i32
      %dma_wait3A_761 = tpu.memref_slice %arg17[%dma_wait3A_759, %dma_wait3A_760] : memref<80x8xf32, #tpu.memory_space<vmem>> -> memref<65x8xf32, #tpu.memory_space<vmem>>
      %dma_wait3A_762 = arith.constant 128 : i32
      %dma_wait3A_763 = tpu.memref_slice %arg11[%add3A_743, %dma_wait3A_762] : memref<10000x136xf32, #tpu.memory_space<vmem_shared>> -> memref<65x8xf32, #tpu.memory_space<vmem_shared>>
      tpu.wait_dma2 semaphore(%run_scoped3A : memref<!tpu.dma_semaphore, #tpu.memory_space<semaphore_mem>>) src(%dma_wait3A_763 : memref<65x8xf32, #tpu.memory_space<vmem_shared>>) dst(%dma_wait3A_761 : memref<65x8xf32, #tpu.memory_space<vmem>>)
      tpu.yield
    }) : () -> ()
    "tpu.region"() ({
      %run_scoped3A = tpu.sem_alloc : memref<!tpu.dma_semaphore, #tpu.memory_space<semaphore_mem>>
      %dma_start3A_744 = arith.constant 0 : i32
      %dma_start3A_745 = arith.constant 0 : i32
      %dma_start3A_746 = tpu.memref_slice %arg17[%dma_start3A_744, %dma_start3A_745] : memref<80x8xf32, #tpu.memory_space<vmem>> -> memref<65x8xf32, #tpu.memory_space<vmem>>
      %dma_start3A_747 = arith.constant 0 : i32
      %dma_start3A_748 = arith.constant 0 : i32
      %dma_start3A_749 = tpu.memref_slice %arg8[%arg0, %dma_start3A_747, %dma_start3A_748] : memref<2x10000x8xf32, #tpu.memory_space<hbm>> -> memref<1x10000x8xf32, #tpu.memory_space<hbm>>
      %dma_start3A_750 = tpu.memref_squeeze %dma_start3A_749 : memref<1x10000x8xf32, #tpu.memory_space<hbm>> -> memref<10000x8xf32, #tpu.memory_space<hbm>>
      %dma_start3A_751 = arith.constant 0 : i32
      %dma_start3A_752 = tpu.memref_slice %dma_start3A_750[%add3A_743, %dma_start3A_751] : memref<10000x8xf32, #tpu.memory_space<hbm>> -> memref<65x8xf32, #tpu.memory_space<hbm>>
      %dma_start3A_753 = arith.constant 0 : i32
      %dma_start3A_754 = arith.constant 0 : i32
      %dma_start3A_755 = tpu.memref_slice %arg8[%arg0, %dma_start3A_753, %dma_start3A_754] : memref<2x10000x8xf32, #tpu.memory_space<hbm>> -> memref<1x10000x8xf32, #tpu.memory_space<hbm>>
      %dma_start3A_756 = tpu.memref_squeeze %dma_start3A_755 : memref<1x10000x8xf32, #tpu.memory_space<hbm>> -> memref<10000x8xf32, #tpu.memory_space<hbm>>
      %dma_start3A_757 = arith.constant 0 : i32
      %dma_start3A_758 = tpu.memref_slice %dma_start3A_756[%add3A_743, %dma_start3A_757] : memref<10000x8xf32, #tpu.memory_space<hbm>> -> memref<65x8xf32, #tpu.memory_space<hbm>>
      %dma_start3A_759 = arith.constant 0 : i32
      %dma_start3A_760 = arith.constant 0 : i32
      %dma_start3A_761 = tpu.memref_slice %arg17[%dma_start3A_759, %dma_start3A_760] : memref<80x8xf32, #tpu.memory_space<vmem>> -> memref<65x8xf32, #tpu.memory_space<vmem>>
      tpu.enqueue_dma source(%dma_start3A_761 : memref<65x8xf32, #tpu.memory_space<vmem>>) target(%dma_start3A_758 : memref<65x8xf32, #tpu.memory_space<hbm>>) target_semaphore(%run_scoped3A : memref<!tpu.dma_semaphore, #tpu.memory_space<semaphore_mem>>)
      %dma_wait3A_762 = arith.constant 0 : i32
      %dma_wait3A_763 = arith.constant 0 : i32
      %dma_wait3A_764 = tpu.memref_slice %arg17[%dma_wait3A_762, %dma_wait3A_763] : memref<80x8xf32, #tpu.memory_space<vmem>> -> memref<65x8xf32, #tpu.memory_space<vmem>>
      %dma_wait3A_765 = arith.constant 0 : i32
      %dma_wait3A_766 = arith.constant 0 : i32
      %dma_wait3A_767 = tpu.memref_slice %arg8[%arg0, %dma_wait3A_765, %dma_wait3A_766] : memref<2x10000x8xf32, #tpu.memory_space<hbm>> -> memref<1x10000x8xf32, #tpu.memory_space<hbm>>
      %dma_wait3A_768 = tpu.memref_squeeze %dma_wait3A_767 : memref<1x10000x8xf32, #tpu.memory_space<hbm>> -> memref<10000x8xf32, #tpu.memory_space<hbm>>
      %dma_wait3A_769 = arith.constant 0 : i32
      %dma_wait3A_770 = tpu.memref_slice %dma_wait3A_768[%add3A_743, %dma_wait3A_769] : memref<10000x8xf32, #tpu.memory_space<hbm>> -> memref<65x8xf32, #tpu.memory_space<hbm>>
      %dma_wait3A_771 = arith.constant 0 : i32
      %dma_wait3A_772 = arith.constant 0 : i32
      %dma_wait3A_773 = tpu.memref_slice %arg8[%arg0, %dma_wait3A_771, %dma_wait3A_772] : memref<2x10000x8xf32, #tpu.memory_space<hbm>> -> memref<1x10000x8xf32, #tpu.memory_space<hbm>>
      %dma_wait3A_774 = tpu.memref_squeeze %dma_wait3A_773 : memref<1x10000x8xf32, #tpu.memory_space<hbm>> -> memref<10000x8xf32, #tpu.memory_space<hbm>>
      %dma_wait3A_775 = arith.constant 0 : i32
      %dma_wait3A_776 = tpu.memref_slice %dma_wait3A_774[%add3A_743, %dma_wait3A_775] : memref<10000x8xf32, #tpu.memory_space<hbm>> -> memref<65x8xf32, #tpu.memory_space<hbm>>
      %dma_wait3A_777 = arith.constant 0 : i32
      %dma_wait3A_778 = arith.constant 0 : i32
      %dma_wait3A_779 = tpu.memref_slice %arg17[%dma_wait3A_777, %dma_wait3A_778] : memref<80x8xf32, #tpu.memory_space<vmem>> -> memref<65x8xf32, #tpu.memory_space<vmem>>
      tpu.wait_dma2 semaphore(%run_scoped3A : memref<!tpu.dma_semaphore, #tpu.memory_space<semaphore_mem>>) src(%dma_wait3A_779 : memref<65x8xf32, #tpu.memory_space<vmem>>) dst(%dma_wait3A_776 : memref<65x8xf32, #tpu.memory_space<hbm>>)
      tpu.yield
    }) : () -> ()
    return
  }
}

module attributes {stable_mosaic.version = 14 : i64} {
  func.func @_prep_body(%arg0: memref<10000x128xf32, #tpu.memory_space<vmem>>, %arg1: memref<128x128xf32, #tpu.memory_space<vmem>>, %arg2: memref<128xf32, #tpu.memory_space<vmem>>, %arg3: memref<1x272xf32, #tpu.memory_space<vmem>>, %arg4: memref<10000x128xf32, #tpu.memory_space<vmem>>, %arg5: memref<10000xf32, #tpu.memory_space<vmem>>, %arg6: memref<10000xf32, #tpu.memory_space<vmem>>) attributes {dimension_semantics = [], scalar_prefetch = 0 : i64, scratch_operands = 0 : i64, tpu.core_type = #tpu.core_type<tc>} {
    %get3A = arith.constant 0 : index
    %get3A_0 = arith.constant 0 : index
    %get3A_1 = vector.load %arg0[%get3A, %get3A_0] : memref<10000x128xf32, #tpu.memory_space<vmem>>, vector<10000x128xf32>
    %get3A_2 = arith.constant 0 : index
    %get3A_3 = arith.constant 0 : index
    %get3A_4 = vector.load %arg1[%get3A_2, %get3A_3] : memref<128x128xf32, #tpu.memory_space<vmem>>, vector<128x128xf32>
    %dot_general3A = arith.constant dense<0.000000e+00> : vector<10000x128xf32>
    %dot_general3A_5 = tpu.matmul %get3A_1, %get3A_4, %dot_general3A {dimension_numbers = #tpu.dot_dimension_numbers<[1], [1], [0], [0], [0, 0, 1, 0], [], []>, precision = #tpu.contract_precision<fp32>, transpose_lhs_hint = false} : vector<10000x128xf32>, vector<128x128xf32>, vector<10000x128xf32> -> vector<10000x128xf32>
    %get3A_6 = arith.constant 0 : index
    %get3A_7 = vector.load %arg2[%get3A_6] : memref<128xf32, #tpu.memory_space<vmem>>, vector<128xf32>
    %reshape3A = vector.shape_cast %get3A_7 : vector<128xf32> to vector<1x128xf32>
    %add3A = vector.broadcast %reshape3A : vector<1x128xf32> to vector<10000x128xf32>
    %add3A_8 = arith.addf %dot_general3A_5, %add3A : vector<10000x128xf32>
    %swap3A = arith.constant 0 : index
    %swap3A_9 = arith.constant 0 : index
    %swap3A_10 = vector.load %arg4[%swap3A, %swap3A_9] : memref<10000x128xf32, #tpu.memory_space<vmem>>, vector<10000x128xf32>
    tpu.vector_store %arg4[%swap3A, %swap3A_9], %add3A_8 {strides = array<i32>} : memref<10000x128xf32, #tpu.memory_space<vmem>>, vector<10000x128xf32>,
    %get3A_11 = arith.constant 0 : index
    %get3A_12 = arith.constant 0 : index
    %get3A_13 = vector.load %arg3[%get3A_11, %get3A_12] : memref<1x272xf32, #tpu.memory_space<vmem>>, vector<1x128xf32>
    %get3A_14 = arith.constant 0 : index
    %get3A_15 = arith.constant 128 : index
    %get3A_16 = vector.load %arg3[%get3A_14, %get3A_15] : memref<1x272xf32, #tpu.memory_space<vmem>>, vector<1x128xf32>
    %mul3A = vector.broadcast %get3A_13 : vector<1x128xf32> to vector<10000x128xf32>
    %mul3A_17 = arith.mulf %add3A_8, %mul3A : vector<10000x128xf32>
    %reduce_sum3A = arith.constant dense<0.000000e+00> : vector<10000xf32>
    %reduce_sum3A_18 = vector.multi_reduction <add>, %mul3A_17, %reduce_sum3A [1] : vector<10000x128xf32> to vector<10000xf32>
    %swap3A_19 = arith.constant 0 : index
    %swap3A_20 = vector.load %arg5[%swap3A_19] : memref<10000xf32, #tpu.memory_space<vmem>>, vector<10000xf32>
    tpu.vector_store %arg5[%swap3A_19], %reduce_sum3A_18 {strides = array<i32>} : memref<10000xf32, #tpu.memory_space<vmem>>, vector<10000xf32>,
    %mul3A_21 = vector.broadcast %get3A_16 : vector<1x128xf32> to vector<10000x128xf32>
    %mul3A_22 = arith.mulf %add3A_8, %mul3A_21 : vector<10000x128xf32>
    %reduce_sum3A_23 = arith.constant dense<0.000000e+00> : vector<10000xf32>
    %reduce_sum3A_24 = vector.multi_reduction <add>, %mul3A_22, %reduce_sum3A_23 [1] : vector<10000x128xf32> to vector<10000xf32>
    %swap3A_25 = arith.constant 0 : index
    %swap3A_26 = vector.load %arg6[%swap3A_25] : memref<10000xf32, #tpu.memory_space<vmem>>, vector<10000xf32>
    tpu.vector_store %arg6[%swap3A_25], %reduce_sum3A_24 {strides = array<i32>} : memref<10000xf32, #tpu.memory_space<vmem>>, vector<10000xf32>,
    return
  }
}

module attributes {stable_mosaic.version = 14 : i64} {
  func.func @_se_body(%arg0: i32, %arg1: memref<512000xf32, #tpu.memory_space<vmem>>, %arg2: memref<1x272xf32, #tpu.memory_space<vmem>>, %arg3: memref<1xf32, #tpu.memory_space<vmem>>, %arg4: memref<4000x128xf32, #tpu.memory_space<vmem>>) attributes {dimension_semantics = [#tpu.dimension_semantics<arbitrary>], iteration_bounds = array<i64: 10>, scalar_prefetch = 0 : i64, scratch_operands = 0 : i64, tpu.core_type = #tpu.core_type<tc>, window_params = [{transform_indices = @transform_0, window_bounds = array<i64: 512000>}, {pipeline_mode = #tpu.pipeline_mode<synchronous>, transform_indices = @transform_1, window_bounds = array<i64: 1, 272>}, {pipeline_mode = #tpu.pipeline_mode<synchronous>, transform_indices = @transform_2, window_bounds = array<i64: 1>}, {transform_indices = @transform_3, window_bounds = array<i64: 4000, 128>}]} {
    %get3A = arith.constant 0 : index
    %get3A_0 = vector.load %arg1[%get3A] : memref<512000xf32, #tpu.memory_space<vmem>>, vector<512000xf32>
    %reshape3A = vector.shape_cast %get3A_0 : vector<512000xf32> to vector<4000x128xf32>
    %get3A_1 = arith.constant 0 : index
    %get3A_2 = arith.constant 256 : index
    %get3A_3 = vector.load %arg2[%get3A_1, %get3A_2] : memref<1x272xf32, #tpu.memory_space<vmem>>, vector<1x16xf32>
    %concatenate3A = tpu.concatenate %get3A_3, %get3A_3, %get3A_3, %get3A_3, %get3A_3, %get3A_3, %get3A_3, %get3A_3 in 1 : vector<1x16xf32>, vector<1x16xf32>, vector<1x16xf32>, vector<1x16xf32>, vector<1x16xf32>, vector<1x16xf32>, vector<1x16xf32>, vector<1x16xf32> -> vector<1x128xf32>
    %iota3A = tpu.iota {dimensions = array<i32: 0>} : vector<128x128xi32>
    %iota3A_4 = tpu.iota {dimensions = array<i32: 1>} : vector<128x128xi32>
    %jit3A = arith.constant 16 : i32
    %div3A = vector.broadcast %jit3A : i32 to vector<128x128xi32>
    %div3A_5 = arith.divsi %iota3A, %div3A : vector<128x128xi32>
    %sign3A = arith.constant 0 : i32
    %sign3A_6 = vector.broadcast %sign3A : i32 to vector<128x128xi32>
    %sign3A_7 = arith.cmpi sgt, %iota3A, %sign3A_6 : vector<128x128xi32>
    %sign3A_8 = arith.extui %sign3A_7 : vector<128x128xi1> to vector<128x128xi32>
    %sign3A_9 = arith.constant 0 : i32
    %sign3A_10 = vector.broadcast %sign3A_9 : i32 to vector<128x128xi32>
    %sign3A_11 = arith.cmpi slt, %iota3A, %sign3A_10 : vector<128x128xi32>
    %sign3A_12 = arith.extui %sign3A_11 : vector<128x128xi1> to vector<128x128xi32>
    %sign3A_13 = arith.subi %sign3A_8, %sign3A_12 : vector<128x128xi32>
    %sign3A_14 = arith.constant 0 : i32
    %sign3A_15 = arith.cmpi sgt, %jit3A, %sign3A_14 : i32
    %sign3A_16 = arith.extui %sign3A_15 : i1 to i32
    %sign3A_17 = arith.constant 0 : i32
    %sign3A_18 = arith.cmpi slt, %jit3A, %sign3A_17 : i32
    %sign3A_19 = arith.extui %sign3A_18 : i1 to i32
    %sign3A_20 = arith.subi %sign3A_16, %sign3A_19 : i32
    %ne3A = vector.broadcast %sign3A_20 : i32 to vector<128x128xi32>
    %ne3A_21 = arith.cmpi ne, %sign3A_13, %ne3A : vector<128x128xi32>
    %rem3A = vector.broadcast %jit3A : i32 to vector<128x128xi32>
    %rem3A_22 = arith.remsi %iota3A, %rem3A : vector<128x128xi32>
    %ne3A_23 = arith.constant 0 : i32
    %ne3A_24 = vector.broadcast %ne3A_23 : i32 to vector<128x128xi32>
    %ne3A_25 = arith.cmpi ne, %rem3A_22, %ne3A_24 : vector<128x128xi32>
    %and3A = arith.andi %ne3A_21, %ne3A_25 : vector<128x128xi1>
    %sub3A = arith.constant 1 : i32
    %sub3A_26 = vector.broadcast %sub3A : i32 to vector<128x128xi32>
    %sub3A_27 = arith.subi %div3A_5, %sub3A_26 : vector<128x128xi32>
    %select_n3A = arith.select %and3A, %sub3A_27, %div3A_5 : vector<128x128xi1>, vector<128x128xi32>
    %eq3A = arith.cmpi eq, %select_n3A, %iota3A_4 : vector<128x128xi32>
    %jit3A_28 = arith.constant 1.000000e+00 : f32
    %jit3A_29 = arith.constant 0.000000e+00 : f32
    %broadcast_in_dim3A = vector.broadcast %jit3A_28 : f32 to vector<128x128xf32>
    %broadcast_in_dim3A_30 = vector.broadcast %jit3A_29 : f32 to vector<128x128xf32>
    %select_n3A_31 = arith.select %eq3A, %broadcast_in_dim3A, %broadcast_in_dim3A_30 : vector<128x128xi1>, vector<128x128xf32>
    %mul3A = vector.broadcast %concatenate3A : vector<1x128xf32> to vector<4000x128xf32>
    %mul3A_32 = arith.mulf %reshape3A, %mul3A : vector<4000x128xf32>
    %dot_general3A = arith.constant dense<0.000000e+00> : vector<4000x128xf32>
    %dot_general3A_33 = tpu.matmul %mul3A_32, %select_n3A_31, %dot_general3A {dimension_numbers = #tpu.dot_dimension_numbers<[1], [0], [0], [1], [0, 0, 1, 1], [], []>, precision = #tpu.contract_precision<fp32>, transpose_lhs_hint = false} : vector<4000x128xf32>, vector<128x128xf32>, vector<4000x128xf32> -> vector<4000x128xf32>
    %get3A_34 = arith.constant 0 : index
    %get3A_35 = vector.load %arg3[%get3A_34] : memref<1xf32, #tpu.memory_space<vmem>>, vector<1xf32>
    %reshape3A_36 = vector.shape_cast %get3A_35 : vector<1xf32> to vector<1x1xf32>
    %add3A = vector.broadcast %reshape3A_36 : vector<1x1xf32> to vector<4000x128xf32>
    %add3A_37 = arith.addf %dot_general3A_33, %add3A : vector<4000x128xf32>
    %swap3A = arith.constant 0 : index
    %swap3A_38 = arith.constant 0 : index
    %swap3A_39 = vector.load %arg4[%swap3A, %swap3A_38] : memref<4000x128xf32, #tpu.memory_space<vmem>>, vector<4000x128xf32>
    tpu.vector_store %arg4[%swap3A, %swap3A_38], %add3A_37 {strides = array<i32>} : memref<4000x128xf32, #tpu.memory_space<vmem>>, vector<4000x128xf32>,
    return
  }
  func.func @transform_0(%arg0: i32) -> i32 {
    %c0_i32 = arith.constant 0 : i32
    return %arg0 : i32
  }
  func.func @transform_1(%arg0: i32) -> (i32, i32) {
    %c0_i32 = arith.constant 0 : i32
    %c0_i32_0 = arith.constant 0 : i32
    %c0_i32_1 = arith.constant 0 : i32
    return %c0_i32, %c0_i32_0 : i32, i32
  }
  func.func @transform_2(%arg0: i32) -> i32 {
    %c0_i32 = arith.constant 0 : i32
    %c0_i32_0 = arith.constant 0 : i32
    return %c0_i32 : i32
  }
  func.func @transform_3(%arg0: i32) -> (i32, i32) {
    %c0_i32 = arith.constant 0 : i32
    %c0_i32_0 = arith.constant 0 : i32
    return %arg0, %c0_i32 : i32, i32
  }
}

module attributes {stable_mosaic.version = 14 : i64} {
  func.func @_fin_body(%arg0: memref<2x10000x128xf32, #tpu.memory_space<vmem>>, %arg1: memref<2x10000x8xf32, #tpu.memory_space<vmem>>, %arg2: memref<10000x128xf32, #tpu.memory_space<vmem>>) attributes {dimension_semantics = [], scalar_prefetch = 0 : i64, scratch_operands = 0 : i64, tpu.core_type = #tpu.core_type<tc>} {
    %get3A = arith.constant 0 : index
    %get3A_0 = arith.constant 0 : index
    %get3A_1 = arith.constant 0 : index
    %get3A_2 = vector.load %arg0[%get3A, %get3A_0, %get3A_1] : memref<2x10000x128xf32, #tpu.memory_space<vmem>>, vector<1x10000x128xf32>
    %get3A_3 = vector.shape_cast %get3A_2 : vector<1x10000x128xf32> to vector<10000x128xf32>
    %get3A_4 = arith.constant 1 : index
    %get3A_5 = arith.constant 0 : index
    %get3A_6 = arith.constant 0 : index
    %get3A_7 = vector.load %arg0[%get3A_4, %get3A_5, %get3A_6] : memref<2x10000x128xf32, #tpu.memory_space<vmem>>, vector<1x10000x128xf32>
    %get3A_8 = vector.shape_cast %get3A_7 : vector<1x10000x128xf32> to vector<10000x128xf32>
    %add3A = arith.addf %get3A_3, %get3A_8 : vector<10000x128xf32>
    %get3A_9 = arith.constant 0 : index
    %get3A_10 = arith.constant 0 : index
    %get3A_11 = arith.constant 0 : index
    %get3A_12 = vector.load %arg1[%get3A_9, %get3A_10, %get3A_11] : memref<2x10000x8xf32, #tpu.memory_space<vmem>>, vector<1x10000x1xf32>
    %get3A_13 = vector.shape_cast %get3A_12 : vector<1x10000x1xf32> to vector<10000x1xf32>
    %get3A_14 = arith.constant 1 : index
    %get3A_15 = arith.constant 0 : index
    %get3A_16 = arith.constant 0 : index
    %get3A_17 = vector.load %arg1[%get3A_14, %get3A_15, %get3A_16] : memref<2x10000x8xf32, #tpu.memory_space<vmem>>, vector<1x10000x1xf32>
    %get3A_18 = vector.shape_cast %get3A_17 : vector<1x10000x1xf32> to vector<10000x1xf32>
    %add3A_19 = arith.addf %get3A_13, %get3A_18 : vector<10000x1xf32>
    %add3A_20 = arith.constant 9.99999993E-9 : f32
    %add3A_21 = vector.broadcast %add3A_20 : f32 to vector<10000x1xf32>
    %add3A_22 = arith.addf %add3A_19, %add3A_21 : vector<10000x1xf32>
    %div3A = vector.broadcast %add3A_22 : vector<10000x1xf32> to vector<10000x128xf32>
    %div3A_23 = arith.divf %add3A, %div3A : vector<10000x128xf32>
    %swap3A = arith.constant 0 : index
    %swap3A_24 = arith.constant 0 : index
    %swap3A_25 = vector.load %arg2[%swap3A, %swap3A_24] : memref<10000x128xf32, #tpu.memory_space<vmem>>, vector<10000x128xf32>
    tpu.vector_store %arg2[%swap3A, %swap3A_24], %div3A_23 {strides = array<i32>} : memref<10000x128xf32, #tpu.memory_space<vmem>>, vector<10000x128xf32>,
    return
  }
}

</mosaic_0001>

<sc_bundles>
// kernel: kernel.6.cloned.1.call-start
scs
__scs_entry_jumppad:
0x0: {  	(pc) =	sbr.rel $0x88, $3  }
0x1: {  	(tag) =	ssettag $0x0;
	lr =	simm.s32 $0x1  }
0x2: {  	[smem:$0x3F9A] =	sst lr;
	_ =	strace $0xD0000000  }
0x3: {  	_ = 	snop  }
0x4: {  	_ = 	snop  }
0x5: {  	_ = 	snop  }
0x6: {  	_ = 	snop  }
0x7: {  	_ = 	snop  }
__scs_overlays_trampoline_lowered:
0x8: {  	[smem:$0x3FA9] =	sst s0  }
0x9: {  	[smem:$0x3FAA] =	sst s1  }
0xa: {  	[smem:$0x3FAB] =	sst s2  }
0xb: {  	[smem:$0x3FAC] =	sst s3  }
0xc: {  	[smem:$0x3FAD] =	sst s4  }
0xd: {  	[smem:$0x3FAE] =	sst s5  }
0xe: {  	[smem:$0x3FAF] =	sst s6  }
0xf: {  	[smem:$0x3FB0] =	sst s7  }
0x10: {  	[smem:$0x3FB1] =	sst s8  }
0x11: {  	[smem:$0x3FB2] =	sst s9;
	s0 =	simm.s32 @!p0 $0x0  }
0x12: {  	s1 =	sld [smem:$0x3F98];
	s0 =	simm.s32 @p0 $0x1  }
0x13: {  	[smem:$0x3FB3] =	sst s0;
	s0 =	simm.s32 @!p1 $0x0  }
0x14: {  	s2 =	sld [smem:$0x3F97];
	s0 =	simm.s32 @p1 $0x1  }
0x15: {  	[smem:$0x3FB4] =	sst s0;
	s0 =	simm.s32 @!p2 $0x0  }
0x16: {  	s3 =	sld [smem:$0x3FDB];
	s0 =	simm.s32 @p2 $0x1  }
0x17: {  	s4 =	simm.s32 $0x1BF5;
	[smem:$0x3FB6] =	sst s0  }
0x18: {  	s0 =	sld [smem:$0x3F99];
	_ =	swait.ge [sflag:s4], $0x0  }
0x19: {  	s7 =	sld [smem:$0x3F9A]  }
0x1a: {  	s8 =	sadd.s32 $0xFFFFE003, lr  }
0x1b: {  	s9 =	sadd.s32 $0xFFFFFEF7, lr;
	s5 =	simm.s32 $0xFFFFFFFF;
	p2 =	slt.u32 s8, $0xFFFFF086  }
0x1c: {  	p1 =	slt.u32 s9, $0xF7A;
	s5 =	simm.s32 @!p2 $0x0  }
0x1d: {  	s5 =	simm.s32 @p1 $0x1;
	p0 =	seq.s32 s7, s2  }
0x1e: {  	s7 =	smul.u32 @!p0 $0xF7A, s2;
	p2 =	seq.s32 @!p0 s5, $0x0  }
0x1f: {  	s9 =	smul.u32 $0xF7A, s1;
	s8 =	simm.s32 @!p0 $0x1BF5;
	p2 =	por !p2, p0  }
0x20: {  	[sflag:s8] =	ssyncset.s32 @!p0 $0xFFFFF086;
	s6 =	sadd.s32 @!p0 s3, s7;
	s7 =	simm.s32 @!p0 $0x108  }
0x21: {  	s3 =	sadd.s32 s3, s9;
	s6 =	sadd.s32 @!p0 $0x88, s6;
	s7 =	simm.s32 @p2 $0x1082  }
0x22: {  	[simem:s7], [sflag:s8] =	dma.local @!p0 [hbm:s6], $0xF7A  }
0x23: {  	s9 =	sor.u32 $0xD0000000, s2;
	s6 =	simm.s32 $0x108;
	_ =	swait.ge @!p0 [sflag:s8], $0x0  }
0x24: {  	s3 =	sadd.s32 $0x88, s3;
	s6 =	simm.s32 @!p1 $0x1082;
	[sflag:s4] =	ssyncset.s32 $0xFFFFF086  }
0x25: {  	[simem:s6], [sflag:s4] =	dma.local [hbm:s3], $0xF7A  }
0x26: {  	[smem:$0x3F9A] =	sst s1;
	(tag) =	ssettag s2;
	_ =	strace s9  }
0x27: {  	s1 =	sld [smem:$0x3FAA]  }
0x28: {  	s2 =	sld [smem:$0x3FAB]  }
0x29: {  	s4 =	sld [smem:$0x3FAD]  }
0x2a: {  	p0 =	seq.s32 s5, $0x0;
	s5 =	sld [smem:$0x3FAE]  }
0x2b: {  	s6 =	sld [smem:$0x3FAF]  }
0x2c: {  	s7 =	sld [smem:$0x3FB0]  }
0x2d: {  	s3 =	simm.s32 $0x108;
	s8 =	sld [smem:$0x3FB1]  }
0x2e: {  	s3 =	simm.s32 @!p0 $0x1082;
	s9 =	sld [smem:$0x3FB2]  }
0x2f: {  	lr =	sadd.s32 s0, s3;
	s0 =	sld [smem:$0x3FA9]  }
0x30: {  	s3 =	sld [smem:$0x3FAC]  }
0x31: {  	[smem:$0x3FB5] =	sst s10  }
0x32: {  	s10 =	sld [smem:$0x3FB3];
	_ =	sdelay $0x3  }
0x33: {  	p0 =	seq.s32 s10, $0x1;
	s10 =	sld [smem:$0x3FB5];
	_ =	sdelay $0x3  }
0x34: {  	[smem:$0x3FB5] =	sst s10  }
0x35: {  	s10 =	sld [smem:$0x3FB4];
	_ =	sdelay $0x3  }
0x36: {  	p1 =	seq.s32 s10, $0x1;
	s10 =	sld [smem:$0x3FB5];
	_ =	sdelay $0x3  }
0x37: {  	[smem:$0x3FB5] =	sst s10  }
0x38: {  	s10 =	sld [smem:$0x3FB6]  }
0x39: {  	_ = 	snop;
	(pc) =	sbr.ind lr, $3  }
0x3a: {  	_ = 	snop  }
0x3b: {  	_ = 	snop  }
0x3c: {  	p2 =	seq.s32 s10, $0x1;
	s10 =	sld [smem:$0x3FB5]  }
0x3d: {  	_ =	shalt  }
0x3e: {  	_ =	shalt  }
0x3f: {  	_ =	shalt  }
0x40: {  	_ =	shalt  }
0x41: {  	_ =	shalt  }
0x42: {  	_ =	shalt  }
0x43: {  	_ =	shalt  }
0x44: {  	_ =	shalt  }
0x45: {  	_ =	shalt  }
0x46: {  	_ =	shalt  }
0x47: {  	_ =	shalt  }
0x48: {  	_ =	shalt  }
0x49: {  	_ =	shalt  }
0x4a: {  	_ =	shalt  }
0x4b: {  	_ =	shalt  }
0x4c: {  	_ =	shalt  }
0x4d: {  	_ =	shalt  }
0x4e: {  	_ =	shalt  }
0x4f: {  	_ =	shalt  }
0x50: {  	_ =	shalt  }
0x51: {  	_ =	shalt  }
0x52: {  	_ =	shalt  }
0x53: {  	_ =	shalt  }
0x54: {  	_ =	shalt  }
0x55: {  	_ =	shalt  }
0x56: {  	_ =	shalt  }
0x57: {  	_ =	shalt  }
0x58: {  	_ =	shalt  }
0x59: {  	_ =	shalt  }
0x5a: {  	_ =	shalt  }
0x5b: {  	_ =	shalt  }
0x5c: {  	_ =	shalt  }
0x5d: {  	_ =	shalt  }
0x5e: {  	_ =	shalt  }
0x5f: {  	_ =	shalt  }
0x60: {  	_ =	shalt  }
0x61: {  	_ =	shalt  }
0x62: {  	_ =	shalt  }
0x63: {  	_ =	shalt  }
0x64: {  	_ =	shalt  }
0x65: {  	_ =	shalt  }
0x66: {  	_ =	shalt  }
0x67: {  	_ =	shalt  }
0x68: {  	_ =	shalt  }
0x69: {  	_ =	shalt  }
0x6a: {  	_ =	shalt  }
0x6b: {  	_ =	shalt  }
0x6c: {  	_ =	shalt  }
0x6d: {  	_ =	shalt  }
0x6e: {  	_ =	shalt  }
0x6f: {  	_ =	shalt  }
0x70: {  	_ =	shalt  }
0x71: {  	_ =	shalt  }
0x72: {  	_ =	shalt  }
0x73: {  	_ =	shalt  }
0x74: {  	_ =	shalt  }
0x75: {  	_ =	shalt  }
0x76: {  	_ =	shalt  }
0x77: {  	_ =	shalt  }
0x78: {  	_ =	shalt  }
0x79: {  	_ =	shalt  }
0x7a: {  	_ =	shalt  }
0x7b: {  	_ =	shalt  }
0x7c: {  	_ =	shalt  }
0x7d: {  	_ =	shalt  }
0x7e: {  	_ =	shalt  }
0x7f: {  	_ =	shalt  }
0x80: {  	_ =	shalt  }
0x81: {  	_ =	shalt  }
0x82: {  	_ =	shalt  }
0x83: {  	_ =	shalt  }
0x84: {  	_ =	shalt  }
0x85: {  	_ =	shalt  }
0x86: {  	_ =	shalt  }
0x87: {  	_ =	shalt  }
.Lfunc_end0:
.L_simem_size_0:
called_computation_lowered:
.L_overlay_start_0:
0x88: {  	s2 =	sld [smem:$0x3FD9]  }
0x89: {  	s3 =	sld [smem:$0x3FFE];
	_ =	sdelay $0x1  }
0x8a: {  	s1 =	srdreg.scid  }
0x8b: {  	s0 =	sand.u32 $0x1, s1  }
0x8c: {  	s17 =	sshll.u32 s0, $0xA;
	s2 =	sadd.s32 s3, s2  }
0x8d: {  	s2 =	sadd.s32 s2, s17  }
0x8e: {  	[smem:$0x3FC1] =	sst s2  }
0x8f: {  	_ = 	snop  }
0x90: {  	s2 =	sld [smem:$0x3FD0];
	(tm) =	ssettm $0x1  }
0x91: {  	s18 =	sld [smem:$0x3FFB];
	_ =	sdelay $0x3  }
0x92: {  	_ =	strace s18  }
0x93: {  	s3 =	sld [smem:$0x3FFC];
	_ =	sdelay $0x3  }
0x94: {  	_ =	strace s3  }
0x95: {  	s3 =	sld [smem:$0x3FFD];
	_ =	sdelay $0x3  }
0x96: {  	_ =	strace s3  }
0x97: {  	_ =	strace $0x8FFFFFFF  }
0x98: {  	s19 =	sld [smem:$0x3FDB];
	_ =	sdelay $0x1  }
0x99: {  	s4 =	simm.s32 $_scs_section_size  }
0x9a: {  	s5 =	simm.s32 $_size__tile_overlayer_lowered;
	s6 =	simm.s32 $_tile_overlayer_lowered  }
0x9b: {  	s22 =	simm.s32 $0x1BFF;
	s21 =	sshll.u32 s6, $0x1;
	s3 =	sadd.s32 s4, s19  }
0x9c: {  	s7 =	simm.s32 $0x0;
	s20 =	sshll.u32 s5, $0x1;
	s5 =	sadd.s32 s21, s3  }
0x9d: {  	[timem:s7], [sflag:s22] =	dma.local [hbm:s5], s20  }
0x9e: {  	_ =	swait.ge [sflag:s22], s20  }
0x9f: {  	s4 =	ssub.s32 $0x0, s20;
	[sflag:s22] =	ssyncset.done $0x0  }
0xa0: {  	[sflag:s22] =	ssyncadd.s32 s4;
	_ =	sdelay $0x1  }
0xa1: {  	s23 =	simm.s32 $0x1B8B  }
0xa2: {  	_ =	swait.ge [sflag:s23], $0x1  }
0xa3: {  	[sflag:s23] =	ssyncset.done $0x0  }
0xa4: {  	s25 =	simm.s32 $0x1B8E;
	s24 =	sld [smem:$0x3FFE];
	[sflag:s23] =	ssyncadd.s32 $0xFFFFFFFF  }
0xa5: {  	s26 =	simm.s32 $execute0_lowered;
	[smem:$0x3FD2] =	sst s25  }
0xa6: {  	s5 =	sshll.u32 s26, $0x1;
	_ =	strace $0x80000046;
	[dreg:$0x1] =	wrdreg $0xFFFFFFFF  }
0xa7: {  	s28 =	simm.s32 $_size_execute0_lowered;
	s3 =	sadd.s32 s3, s5;
	[dreg:$0x0] =	wrdreg $0x0  }
0xa8: {  	s5 =	sshll.u32 s28, $0x1;
	[dreg:$0x2] =	wrdreg s3  }
0xa9: {  	[dreg:$0x3] =	wrdreg s5  }
0xaa: {  	[dreg:$0x4] =	wrdreg $0xC0  }
0xab: {  	_ =	task [dreg:s7], $0x5FFFF  }
0xac: {  	[dreg:$0x1] =	wrdreg $0xFFFFFFFF  }
0xad: {  	[dreg:$0x0] =	wrdreg $0x60  }
0xae: {  	[dreg:$0x2] =	wrdreg s24  }
0xaf: {  	[dreg:$0x3] =	wrdreg s2  }
0xb0: {  	[dreg:$0x4] =	wrdreg $0x4E200  }
0xb1: {  	[dreg:$0x5] =	wrdreg $0x9  }
0xb2: {  	_ =	task.clear_ibuf [dreg:s7], $0x6FFFF;
	_ =	strace $0x90000046  }
0xb3: {  	s29 =	simm.s32 $0x9;
	_ =	strace $0x80000048  }
0xb4: {  	_ =	swait.ge [sflag:s29], $0x1  }
0xb5: {  	[sflag:s29] =	ssyncadd.s32 $0xFFFFFFFF  }
0xb6: {  	_ =	strace $0x90000048  }
0xb7: {  	_ =	sfence  }
0xb8: {  	s30 =	sld [smem:$0x0];
	_ =	sdelay $0x2  }
0xb9: {  	s31 =	sshll.u32 s1, $0xD;
	s1 =	sshrl.u32 s1, $0x2  }
0xba: {  	s3 =	sand.u32 $0x4000, s31;
	s1 =	sadd.s32 s1, s30  }
0xbb: {  	s0 =	sor.u32 s3, s0;
	s1 =	sshll.u32 s1, $0x11  }
0xbc: {  	s0 =	sor.u32 s1, s0  }
0xbd: {  	s0 =	sadd.s32 $0x8F2B, s0  }
0xbe: {  	[sflag:s0] =	ssyncadd.remote.s32 $0x1  }
0xbf: {  	_ =	sfence.sel $0xFFFF  }
0xc0: {  	[dreg:$0x0] =	wrdreg $0xFFFFFFFF;
	(pc) =	sbr.abs _section_cstart, $3  }
0xc1: {  	[dreg:$0x1] =	wrdreg $0xFFFFFFFF  }
0xc2: {  	_ =	task.clear_ibuf [dreg:s7], $0x2FFFF;
	_ =	strace $0x9FFFFFFF  }
0xc3: {  	(tm) =	ssettm $0x7FFFFFFF  }
tec
execute0_lowered:
.L_overlay_start_1:
0x0: {  	(tag) =	ssettag $0x1  }
0x1: {  	s0 =	rddreg [dreg:$0x0]  }
0x2: {  	s30 =	rddreg [dreg:$0x1]  }
0x3: {  	s2 =	rddreg [dreg:$0x2];
	s1 =	simm.s32 $0x0;
	s12 =	srdreg.scid  }
0x4: {  	s11 =	stileid.u32;
	s28 =	simm.s32 $0x1D3A8;
	s29 =	simm.s32 $0x19FC8  }
0x5: {  	[smem:$0x7FF] =	sst s1;
	s1 =	sand.u32 $0x1, s12;
	s12 =	smul.u32 $0x271, s11  }
0x6: {  	s31 =	simm.s32 $0x0;
	s5 =	sadd.s32 $0x2A00, s0;
	s23 =	smul.u32 $0x53020, s11  }
0x7: {  	s3 =	sadd.s32 $0x1E00, s0;
	s13 =	sadd.s32 $0x2400, s0;
	s25 =	smul.u32 $0x2710, s11  }
0x8: {  	_ =	strace $0x80000047;
	[dreg:$0x4] =	wrdreg s3;
	s14 =	smul.u32 $0x27100, s1  }
0x9: {  	s9 =	sadd.s32 $0x2C400, s0;
	[dreg:$0x6] =	wrdreg s13;
	s4 =	smul.u32 $0x2710, s1  }
0xa: {  	s6 =	sshll.u32 s1, $0x4;
	s1 =	ssub.s32 $0x2, s1;
	s7 =	sadd.s32 $0x230, s12  }
0xb: {  	s6 =	sor.u32 s11, s6;
	s8 =	sshrl.u32 s1, $0x1;
	s26 =	sshrl.u32 s23, $0x2  }
0xc: {  	s11 =	sadd.s32 $0x1FE00, s23;
	[dreg:$0x7] =	wrdreg s7;
	s7 =	smul.u32 $0x220, s7  }
0xd: {  	[dreg:$0x5] =	wrdreg s12;
	s3 =	sadd.s32 s14, s0;
	s10 =	smul.u32 $0x2710, s6  }
0xe: {  	s0 =	sadd.s32 s4, s0;
	s1 =	ssub.s32 s1, s8;
	s6 =	smul.u32 $0x4E20, s6  }
0xf: {  	s8 =	sadd.s32 $0xAA00, s23;
	s3 =	sadd.s32 $0xCD800, s3;
	s1 =	smax.u32 s1, $0x1  }
0x10: {  	s15 =	sshrl.u32 s7, $0x2;
	s16 =	sshrl.u32 s10, $0x3;
	s17 =	sadd.s32 $0x50, s10  }
0x11: {  	s6 =	sadd.s32 s9, s6;
	s20 =	sadd.s32 $0xA0, s10;
	s21 =	sadd.s32 $0x26C0, s10  }
0x12: {  	s24 =	sadd.s32 $0xF0, s10;
	[dreg:$0x13] =	wrdreg s1;
	s10 =	sadd.s32 $0x15400, s23  }
0x13: {  	s13 =	sadd.s32 s15, s2;
	s14 =	sadd.s32 s30, s16;
	[dreg:$0xa] =	wrdreg s6  }
0x14: {  	s18 =	sshrl.u32 s17, $0x3;
	s19 =	sshll.u32 s17, $0x1;
	[dreg:$0xd] =	wrdreg s20  }
0x15: {  	s22 =	sshrl.u32 s21, $0x3;
	[dreg:$0xe] =	wrdreg s24;
	s16 =	sadd.s32 s26, s2  }
0x16: {  	s1 =	sshrl.u32 s10, $0x2;
	s15 =	sshrl.u32 s11, $0x2;
	[dreg:$0x9] =	wrdreg s14  }
0x17: {  	v0 =	vimm.s32 $0x187;
	vm14 =	vcmask $0x300;
	s17 =	sadd.s32 $0x2A800, s23;
	s24 =	sadd.s32 $0xF0, s12;
	[dreg:$0x8] =	wrdreg s13  }
0x18: {  	vm13 =	vcmask $0x704;
	vm12 =	vcmask $0xB08;
	vm4 =	vcmask $0xF0C;
	s26 =	sadd.s32 $0x190, s12;
	s4 =	sadd.s32 s30, s18;
	[dreg:$0x11] =	wrdreg s16  }
0x19: {  	v1 =	vimm.s32 $0x83828180;
	vm5 =	vcmask $0x1310;
	vm6 =	vcmask $0x1714;
	s6 =	sadd.s32 s30, s22;
	s10 =	sadd.s32 s15, s2;
	[dreg:$0xb] =	wrdreg s4  }
0x1a: {  	v2 =	vimm.s32 $0x87868584;
	vm7 =	vcmask $0x1B18;
	vm8 =	vcmask $0x1F1C;
	s18 =	sadd.s32 $0x35200, s23;
	s15 =	sadd.s32 $0x9C40, s14;
	[dreg:$0xf] =	wrdreg s6  }
0x1b: {  	v3 =	vimm.s32 $0x76543210;
	vm1 =	vcmask $0x2320;
	vm2 =	vcmask $0x2724;
	s22 =	sadd.s32 $0xA0, s12;
	s4 =	sadd.s32 s9, s19;
	[smem:$0x7F3] =	sst s15  }
0x1c: {  	vm3 =	vcmask $0x1F10;
	vm9 =	vcmask $0x2B28;
	vm0 =	vcmask $0x2F2C;
	s6 =	sadd.s32 $0xC8800, s0;
	s0 =	sshrl.u32 s8, $0x2;
	[dreg:$0x17] =	wrdreg s10  }
0x1d: {  	vm10 =	vcmask $0x3330;
	vm11 =	vcmask $0x3734;
	v4 =	vimm.s32 $0x387;
	s8 =	sadd.s32 s1, s2;
	s1 =	sshrl.u32 s18, $0x2;
	[dreg:$0xc] =	wrdreg s4  }
0x1e: {  	v5 =	vimm.s32 $0x487;
	v0 =	vsel vm14, $0x100, v0;
	v1 =	vunpack.c.0.s8.s32 v1;
	s19 =	sadd.s32 $0x3FC00, s23;
	s18 =	sadd.s32 $0xA118, s14;
	[dreg:$0x12] =	wrdreg s6  }
0x1f: {  	v2 =	vunpack.c.0.s8.s32 v2;
	v3 =	vunpack.c.l.s4.s8 v3;
	v4 =	vsel vm14, $0x300, v4;
	s15 =	simm.s32 $0x19A78;
	s4 =	sshll.u32 s21, $0x1;
	[smem:$0x7F5] =	sst s18  }
0x20: {  	v5 =	vsel vm14, $0x400, v5;
	v0 =	vsel vm13, $0x101, v0;
	v4 =	vsel vm13, $0x301, v4;
	s11 =	sadd.s32 s1, s2;
	s23 =	sadd.s32 s22, s6;
	[dreg:$0x16] =	wrdreg s8  }
0x21: {  	v5 =	vsel vm13, $0x401, v5;
	v0 =	vsel vm12, $0x102, v0;
	v3 =	vunpack.c.0.s8.s32 v3;
	s20 =	sshrl.u32 s19, $0x2;
	s19 =	sadd.s32 $0x80, s13;
	[dreg:$0x1c] =	wrdreg s23  }
0x22: {  	v1 =	vsel vm3, v2, v1;
	vm3 =	vcmask $0x3B38;
	v4 =	vsel vm12, $0x302, v4;
	s21 =	sadd.s32 $0x50, s12;
	s22 =	sadd.s32 $0x80, s8;
	[smem:$0x7F6] =	sst s19  }
0x23: {  	v5 =	vsel vm12, $0x402, v5;
	v0 =	vsel vm4, $0x103, v0;
	v4 =	vsel vm4, $0x303, v4;
	s8 =	simm.s32 $0xB;
	s13 =	simm.s32 $0x2710;
	[smem:$0x7F9] =	sst s22  }
0x24: {  	v5 =	vsel vm4, $0x403, v5;
	v0 =	vsel vm5, $0x104, v0;
	v1 =	vcombine.low v3, v1;
	s18 =	simm.s32 $0x19AC8;
	s4 =	sadd.s32 s9, s4;
	[dreg:$0x19] =	wrdreg s11  }
0x25: {  	v3 =	vimm.s32 $0x287;
	v4 =	vsel vm5, $0x304, v4;
	v5 =	vsel vm5, $0x404, v5;
	s1 =	simm.s32 $0x0;
	s23 =	sadd.s32 $0x80, s10;
	[dreg:$0x10] =	wrdreg s4  }
0x26: {  	v0 =	vsel vm6, $0x105, v0;
	v3 =	vsel vm14, $0x200, v3;
	v4 =	vsel vm6, $0x305, v4;
	s19 =	simm.s32 $0x1;
	s4 =	sadd.s32 s25, s3;
	[smem:$0x7FA] =	sst s23  }
0x27: {  	v5 =	vsel vm6, $0x405, v5;
	v0 =	vsel vm7, $0x106, v0;
	v1 =	vand.u32 $0xFF, v1;
	s3 =	sadd.s32 s26, s6;
	[dreg:$0x14] =	wrdreg s4;
	s4 =	sadd.s32 s0, s2  }
0x28: {  	v3 =	vsel vm13, $0x201, v3;
	v4 =	vsel vm7, $0x306, v4;
	v5 =	vsel vm7, $0x406, v5;
	s0 =	sshrl.u32 s17, $0x2;
	[dreg:$0x1f] =	wrdreg s3;
	s17 =	sadd.s32 $0x9C4A, s14  }
0x29: {  	v0 =	vsel vm8, $0x107, v0;
	v3 =	vsel vm12, $0x202, v3;
	v4 =	vsel vm8, $0x307, v4;
	s22 =	simm.s32 $0x2;
	s10 =	simm.s32 $0x50;
	[smem:$0x7F4] =	sst s17  }
0x2a: {  	v5 =	vsel vm8, $0x407, v5;
	v0 =	vsel vm1, $0x180, v0;
	v3 =	vsel vm4, $0x203, v3;
	s7 =	sadd.s32 s0, s2;
	s0 =	sadd.s32 s21, s6;
	[dreg:$0x15] =	wrdreg s4  }
0x2b: {  	v4 =	vsel vm1, $0x380, v4;
	v5 =	vsel vm1, $0x480, v5;
	v3 =	vsel vm5, $0x204, v3;
	s2 =	sadd.s32 s20, s2;
	s20 =	sadd.s32 $0x80, s16;
	[dreg:$0x1b] =	wrdreg s0  }
0x2c: {  	v0 =	vsel vm2, $0x181, v0;
	v4 =	vsel vm2, $0x381, v4;
	v3 =	vsel vm6, $0x205, v3;
	s25 =	sadd.s32 $0x140, s12;
	s21 =	sadd.s32 $0x80, s4;
	[smem:$0x7F7] =	sst s20  }
0x2d: {  	v5 =	vsel vm2, $0x481, v5;
	v0 =	vsel vm9, $0x182, v0;
	s12 =	sadd.s32 $0x1E0, s12;
	v3 =	vsel vm7, $0x206, v3;
	s23 =	simm.s32 $0x3;
	[smem:$0x7F8] =	sst s21  }
0x2e: {  	v4 =	vsel vm9, $0x382, v4;
	v5 =	vsel vm9, $0x482, v5;
	v3 =	vsel vm8, $0x207, v3;
	s3 =	simm.s32 $0xA;
	s4 =	simm.s32 $0x1CE08;
	[dreg:$0x18] =	wrdreg s7  }
0x2f: {  	v0 =	vsel vm0, $0x183, v0;
	v4 =	vsel vm0, $0x383, v4;
	v3 =	vsel vm1, $0x280, v3;
	s0 =	sadd.s32 s24, s6;
	s24 =	sadd.s32 $0x80, s7;
	[dreg:$0x1a] =	wrdreg s2  }
0x30: {  	v5 =	vsel vm0, $0x483, v5;
	v2 =	vsel vm10, $0x184, v0;
	s26 =	sadd.s32 $0x80, s2;
	v3 =	vsel vm2, $0x281, v3;
	s7 =	simm.s32 $0x5;
	[dreg:$0x1d] =	wrdreg s0  }
0x31: {  	v0 =	vimm.f32 $0.0e+00;
	v4 =	vsel vm10, $0x384, v4;
	s20 =	simm.s32 $0x1D308;
	s0 =	sadd.s32 s25, s6;
	[smem:$0x7FB] =	sst s24;
	v3 =	vsel vm9, $0x282, v3  }
0x32: {  	v5 =	vsel vm10, $0x484, v5;
	v2 =	vsel vm11, $0x185, v2;
	s25 =	sadd.s32 $0x80, s11;
	[smem:$0x7FD] =	sst s26;
	s11 =	simm.s32 $0x4;
	v3 =	vsel vm0, $0x283, v3  }
0x33: {  	v4 =	vsel vm11, $0x385, v4;
	v5 =	vsel vm11, $0x485, v5;
	s24 =	simm.s32 $0x6;
	s26 =	simm.s32 $0x8;
	[dreg:$0x1e] =	wrdreg s0;
	v3 =	vsel vm10, $0x284, v3  }
0x34: {  	v2 =	vsel vm3, $0x186, v2;
	v4 =	vsel vm3, $0x386, v4;
	s0 =	sadd.s32 s12, s6;
	[smem:$0x7FC] =	sst s25;
	s6 =	simm.s32 $0x1A2E8;
	v3 =	vsel vm11, $0x285, v3  }
0x35: {  	v5 =	vsel vm3, $0x486, v5;
	s25 =	simm.s32 $0x7;
	s12 =	simm.s32 $0x9;
	vm0 =	vmmov $0xff;
	[smem:$0x7F2] =	sst s0;
	v3 =	vsel vm3, $0x286, v3  }
.LBB2_1:
0x36: {  	[smem:$0x7F1] =	sst s1;
	s1 =	simm.s32 $0x0  }
0x37: {  	s14 =	simm.s32 $0x220;
	[tilespmem:s1+$0x1A358] =	vst v0  }
.LBB2_2:
0x38: {  	p0 =	sne.s32 s14, $0xA7E0;
	[tilespmem:s1+$0x1A360] =	vst v0  }
0x39: {  	[tilespmem:s1+$0x1A2E8] =	vst v0  }
0x3a: {  	[tilespmem:s1+$0x1A2F8] =	vst v0  }
0x3b: {  	[tilespmem:s1+$0x1A308] =	vst v0  }
.Ltmp0:
0x3c: {  	[tilespmem:s1+$0x1A318] =	vst v0;
	(pc) =	sbr.rel @p0 .LBB2_2-.Ltmp0, $4  }
0x3d: {  	[tilespmem:s1+$0x1A328] =	vst v0  }
0x3e: {  	[tilespmem:s1+$0x1A338] =	vst v0  }
0x3f: {  	[tilespmem:s1+$0x1A348] =	vst v0;
	s1 =	sshra.s32 s14, $0x2  }
0x40: {  	s14 =	sadd.s32 $0x220, s14;
	[tilespmem:s1+$0x1A358] =	vst v0  }
0x41: {  	[tilespmem:s1+$0x1A360] =	vst v0  }
0x42: {  	[tilespmem:s1+$0x1A2E8] =	vst v0  }
0x43: {  	[tilespmem:s1+$0x1A2F8] =	vst v0  }
0x44: {  	[tilespmem:s1+$0x1A308] =	vst v0  }
0x45: {  	[tilespmem:s1+$0x1A318] =	vst v0  }
0x46: {  	[tilespmem:s1+$0x1A328] =	vst v0  }
0x47: {  	[tilespmem:s1+$0x1A338] =	vst v0  }
0x48: {  	[tilespmem:s1+$0x1A348] =	vst v0  }
0x49: {  	[spmem:s16] =	stream.linear.scatter [tilespmem:s6], [sflag:$0xB], $0x2A80, $0x38;
	[tilespmem:$0x1FE28] =	vst v63  }
0x4a: {  	_ =	swait.ge [sflag:s8], $0x2A80  }
0x4b: {  	[sflag:s8] =	ssyncset.done $0x0  }
0x4c: {  	s0 =	rddreg [dreg:$0x15];
	[sflag:s8] =	ssyncadd.s32 $0xFFFFD580  }
0x4d: {  	[spmem:s0] =	stream.linear.scatter [tilespmem:s6], [sflag:$0xB], $0x2A80, $0x38;
	[tilespmem:$0x1FE28] =	vst v63  }
0x4e: {  	_ =	swait.ge [sflag:s8], $0x2A80  }
0x4f: {  	[sflag:s8] =	ssyncset.done $0x0  }
0x50: {  	s2 =	rddreg [dreg:$0x16];
	[sflag:s8] =	ssyncadd.s32 $0xFFFFD580  }
0x51: {  	[spmem:s2] =	stream.linear.scatter [tilespmem:s6], [sflag:$0xB], $0x2A80, $0x38;
	[tilespmem:$0x1FE28] =	vst v63  }
0x52: {  	_ =	swait.ge [sflag:s8], $0x2A80  }
0x53: {  	[sflag:s8] =	ssyncset.done $0x0  }
0x54: {  	s14 =	rddreg [dreg:$0x17];
	[sflag:s8] =	ssyncadd.s32 $0xFFFFD580  }
0x55: {  	[spmem:s14] =	stream.linear.scatter [tilespmem:s6], [sflag:$0xB], $0x2A80, $0x38;
	[tilespmem:$0x1FE28] =	vst v63  }
0x56: {  	_ =	swait.ge [sflag:s8], $0x2A80  }
0x57: {  	[sflag:s8] =	ssyncset.done $0x0  }
0x58: {  	s16 =	rddreg [dreg:$0x18];
	[sflag:s8] =	ssyncadd.s32 $0xFFFFD580  }
0x59: {  	[spmem:s16] =	stream.linear.scatter [tilespmem:s6], [sflag:$0xB], $0x2A80, $0x38;
	[tilespmem:$0x1FE28] =	vst v63  }
0x5a: {  	_ =	swait.ge [sflag:s8], $0x2A80  }
0x5b: {  	[sflag:s8] =	ssyncset.done $0x0  }
0x5c: {  	s17 =	rddreg [dreg:$0x19];
	[sflag:s8] =	ssyncadd.s32 $0xFFFFD580  }
0x5d: {  	[spmem:s17] =	stream.linear.scatter [tilespmem:s6], [sflag:$0xB], $0x2A80, $0x38;
	[tilespmem:$0x1FE28] =	vst v63  }
0x5e: {  	_ =	swait.ge [sflag:s8], $0x2A80  }
0x5f: {  	[sflag:s8] =	ssyncset.done $0x0  }
0x60: {  	s21 =	rddreg [dreg:$0x1a];
	[sflag:s8] =	ssyncadd.s32 $0xFFFFD580  }
0x61: {  	[spmem:s21] =	stream.linear.scatter [tilespmem:s6], [sflag:$0xB], $0x2A80, $0x38;
	[tilespmem:$0x1FE28] =	vst v63  }
0x62: {  	_ =	swait.ge [sflag:s8], $0x2A80  }
0x63: {  	[sflag:s8] =	ssyncset.done $0x0  }
0x64: {  	s1 =	rddreg [dreg:$0x8];
	[sflag:s8] =	ssyncadd.s32 $0xFFFFD580  }
0x65: {  	[spmem:s1] =	stream.linear.scatter [tilespmem:s6], [sflag:$0xB], $0x2288, $0x38;
	[tilespmem:$0x1FE28] =	vst v63  }
0x66: {  	_ =	swait.ge [sflag:s8], $0x2288  }
0x67: {  	[sflag:s8] =	ssyncset.done $0x0  }
0x68: {  	s1 =	simm.s32 $0x0;
	s2 =	rddreg [dreg:$0x4];
	[sflag:s8] =	ssyncadd.s32 $0xFFFFDD78  }
0x69: {  	[tilespmem:s1], [sflag:$0xB] =	stream.linear.gather [hbm4b:s2+s1], $0x2710, $0x38;
	[tilespmem:$0x1FE28] =	vst v63  }
0x6a: {  	_ =	swait.ge [sflag:s8], $0x2710  }
0x6b: {  	[sflag:s8] =	ssyncset.done $0x0  }
0x6c: {  	s14 =	rddreg [dreg:$0x6];
	[sflag:s8] =	ssyncadd.s32 $0xFFFFD8F0  }
0x6d: {  	[tilespmem:s13], [sflag:$0xB] =	stream.linear.gather [hbm4b:s14+s1], $0x2710, $0x38;
	[tilespmem:$0x1FE28] =	vst v63  }
0x6e: {  	_ =	swait.ge [sflag:s8], $0x2710  }
0x6f: {  	[sflag:s8] =	ssyncset.done $0x0  }
0x70: {  	[sflag:s8] =	ssyncadd.s32 $0xFFFFD8F0  }
0x71: {  	[bflag:$0x0] =	sbarrier.arrive $0xFFFF  }
0x72: {  	s16 =	rddreg [dreg:$0x9]  }
0x73: {  	s2 =	simm.s32 $0x19A28;
	s17 =	sld [smem:$0x7F3]  }
0x74: {  	[tilespmem:s2], [sflag:$0x1] =	stream.linear.gather [hbm4b:s16+s1], $0x50, $0x38;
	[tilespmem:$0x1FE28] =	vst v63  }
0x75: {  	_ = 	snop  }
0x76: {  	[tilespmem:s15], [sflag:$0x2] =	stream.linear.gather [hbm4b:s17+s1], $0x50, $0x38;
	[tilespmem:$0x1FE28] =	vst v63  }
0x77: {  	s21 =	rddreg [dreg:$0xa]  }
0x78: {  	[tilespmem:s18], [sflag:$0x3] =	stream.linear.gather [hbm4b:s21+s1], $0x500, $0x38;
	[tilespmem:$0x1FE28] =	vst v63  }
0x79: {  	_ =	swait.ge [sflag:s19], $0x50  }
0x7a: {  	[sflag:s19] =	ssyncset.done $0x0  }
0x7b: {  	[sflag:s19] =	ssyncadd.s32 $0xFFFFFFB0  }
0x7c: {  	_ =	swait.ge [sflag:s22], $0x50  }
0x7d: {  	[sflag:s22] =	ssyncset.done $0x0  }
0x7e: {  	[sflag:s22] =	ssyncadd.s32 $0xFFFFFFB0  }
0x7f: {  	_ =	swait.ge [sflag:s23], $0x500  }
0x80: {  	[sflag:s23] =	ssyncset.done $0x0  }
0x81: {  	s2 =	rddreg [dreg:$0xb];
	[sflag:s23] =	ssyncadd.s32 $0xFFFFFB00  }
0x82: {  	[tilespmem:s6], [sflag:$0x4] =	stream.indirect.gather [hbm4b:s5+s10], $0x88, s15, s10, $0xb8;
	[tilespmem:$0x1FE28] =	vst v63  }
0x83: {  	s14 =	simm.s32 $0x1CD68;
	s16 =	sld [smem:$0x7F4]  }
0x84: {  	[tilespmem:s14], [sflag:$0x6] =	stream.linear.gather [hbm4b:s2+s1], $0x50, $0x38;
	[tilespmem:$0x1FE28] =	vst v63  }
0x85: {  	s17 =	simm.s32 $0x1CDB8  }
0x86: {  	[tilespmem:s17], [sflag:$0x7] =	stream.linear.gather [hbm4b:s16+s1], $0x50, $0x38;
	[tilespmem:$0x1FE28] =	vst v63  }
0x87: {  	s21 =	rddreg [dreg:$0xc]  }
0x88: {  	[tilespmem:s4], [sflag:$0x8] =	stream.linear.gather [hbm4b:s21+s1], $0x500, $0x38;
	[tilespmem:$0x1FE28] =	vst v63  }
0x89: {  	v6 =	vld [tilespmem:$0x19A28]  }
0x8a: {  	v7 =	vld [tilespmem:$0x19A78];
	_ =	sdelay $0x6  }
0x8b: {  	v6 =	vld.idx.msk [tilespmem:v6+s1+$0x0], $0xffff  }
0x8c: {  	v7 =	vld.idx.msk [tilespmem:v7+s13+$0x0], $0xffff;
	_ =	sdelay $0x1  }
0x8d: {  	v8 =	vld.idx.msk [tilespmem:v1+s18+$0x0], $0xffff;
	_ =	sdelay $0x2  }
0x8e: {  	v6 =	vadd.f32 v7, v6;
	_ =	sdelay $0x1  }
0x8f: {  	v6 =	vadd.f32 v6, v8;
	_ =	sdelay $0x1  }
0x90: {  	v7 =	vmul.f32 $9.999999770e-03, v6  }
0x91: {  	vm1 =	vgt.f32 v6, $0.0e+00  }
0x92: {  	v6 =	vsel vm1, v6, v7  }
0x93: {  	v6 =	vmul.f32 $1.442695020e+00, v6;
	_ =	sdelay $0x1  }
0x94: {  	(erf) = vpow2.f32 v6;
	_ =	sdelay $0x2  }
0x95: {  	v6 =	vld [tilespmem:$0x19A38]  }
0x96: {  	v7 =	vld [tilespmem:$0x19A88];
	_ =	sdelay $0x4  }
0x97: {  	v8 =	vpop (erf)  }
0x98: {  	[tilespmem:$0x19FC8] =	vst v8  }
0x99: {  	v6 =	vld.idx.msk [tilespmem:v6+s1+$0x0], $0xffff  }
0x9a: {  	v7 =	vld.idx.msk [tilespmem:v7+s13+$0x0], $0xffff;
	_ =	sdelay $0x1  }
0x9b: {  	v8 =	vld.idx.msk [tilespmem:v2+s18+$0x0], $0xffff;
	_ =	sdelay $0x2  }
0x9c: {  	v6 =	vadd.f32 v7, v6;
	_ =	sdelay $0x1  }
0x9d: {  	v6 =	vadd.f32 v6, v8;
	_ =	sdelay $0x1  }
0x9e: {  	v7 =	vmul.f32 $9.999999770e-03, v6  }
0x9f: {  	vm1 =	vgt.f32 v6, $0.0e+00  }
0xa0: {  	v6 =	vsel vm1, v6, v7  }
0xa1: {  	v6 =	vmul.f32 $1.442695020e+00, v6;
	_ =	sdelay $0x1  }
0xa2: {  	(erf) = vpow2.f32 v6;
	_ =	sdelay $0x2  }
0xa3: {  	v6 =	vld [tilespmem:$0x19A48]  }
0xa4: {  	v7 =	vld [tilespmem:$0x19A98];
	_ =	sdelay $0x4  }
0xa5: {  	v8 =	vpop (erf)  }
0xa6: {  	[tilespmem:$0x19FD8] =	vst v8  }
0xa7: {  	v6 =	vld.idx.msk [tilespmem:v6+s1+$0x0], $0xffff  }
0xa8: {  	v7 =	vld.idx.msk [tilespmem:v7+s13+$0x0], $0xffff;
	_ =	sdelay $0x1  }
0xa9: {  	v8 =	vld.idx.msk [tilespmem:v3+s18+$0x0], $0xffff;
	_ =	sdelay $0x2  }
0xaa: {  	v6 =	vadd.f32 v7, v6;
	_ =	sdelay $0x1  }
0xab: {  	v6 =	vadd.f32 v6, v8;
	_ =	sdelay $0x1  }
0xac: {  	v7 =	vmul.f32 $9.999999770e-03, v6  }
0xad: {  	vm1 =	vgt.f32 v6, $0.0e+00  }
0xae: {  	v6 =	vsel vm1, v6, v7  }
0xaf: {  	v6 =	vmul.f32 $1.442695020e+00, v6;
	_ =	sdelay $0x1  }
0xb0: {  	(erf) = vpow2.f32 v6;
	_ =	sdelay $0x2  }
0xb1: {  	v6 =	vld [tilespmem:$0x19A58]  }
0xb2: {  	v7 =	vld [tilespmem:$0x19AA8];
	_ =	sdelay $0x4  }
0xb3: {  	v8 =	vpop (erf)  }
0xb4: {  	[tilespmem:$0x19FE8] =	vst v8  }
0xb5: {  	v6 =	vld.idx.msk [tilespmem:v6+s1+$0x0], $0xffff  }
0xb6: {  	v7 =	vld.idx.msk [tilespmem:v7+s13+$0x0], $0xffff;
	_ =	sdelay $0x1  }
0xb7: {  	v8 =	vld.idx.msk [tilespmem:v4+s18+$0x0], $0xffff;
	_ =	sdelay $0x2  }
0xb8: {  	v6 =	vadd.f32 v7, v6;
	_ =	sdelay $0x1  }
0xb9: {  	v6 =	vadd.f32 v6, v8;
	_ =	sdelay $0x1  }
0xba: {  	v7 =	vmul.f32 $9.999999770e-03, v6  }
0xbb: {  	vm1 =	vgt.f32 v6, $0.0e+00  }
0xbc: {  	v6 =	vsel vm1, v6, v7  }
0xbd: {  	v6 =	vmul.f32 $1.442695020e+00, v6;
	_ =	sdelay $0x1  }
0xbe: {  	(erf) = vpow2.f32 v6;
	_ =	sdelay $0x2  }
0xbf: {  	v6 =	vld [tilespmem:$0x19A68]  }
0xc0: {  	v7 =	vld [tilespmem:$0x19AB8];
	_ =	sdelay $0x4  }
0xc1: {  	v8 =	vpop (erf)  }
0xc2: {  	[tilespmem:$0x19FF8] =	vst v8  }
0xc3: {  	v6 =	vld.idx.msk [tilespmem:v6+s1+$0x0], $0xffff  }
0xc4: {  	v7 =	vld.idx.msk [tilespmem:v7+s13+$0x0], $0xffff;
	_ =	sdelay $0x1  }
0xc5: {  	v8 =	vld.idx.msk [tilespmem:v5+s18+$0x0], $0xffff;
	_ =	sdelay $0x2  }
0xc6: {  	v6 =	vadd.f32 v7, v6;
	_ =	sdelay $0x1  }
0xc7: {  	v6 =	vadd.f32 v6, v8;
	_ =	sdelay $0x1  }
0xc8: {  	v7 =	vmul.f32 $9.999999770e-03, v6  }
0xc9: {  	vm1 =	vgt.f32 v6, $0.0e+00  }
0xca: {  	v6 =	vsel vm1, v6, v7  }
0xcb: {  	v6 =	vmul.f32 $1.442695020e+00, v6;
	_ =	sdelay $0x1  }
0xcc: {  	(erf) = vpow2.f32 v6;
	_ =	sdelay $0x8  }
0xcd: {  	v6 =	vpop (erf)  }
0xce: {  	[tilespmem:$0x1A008] =	vst v6  }
0xcf: {  	_ =	swait.ge [sflag:s11], $0x2A80  }
0xd0: {  	[sflag:s11] =	ssyncset.done $0x0  }
0xd1: {  	[sflag:s11] =	ssyncadd.s32 $0xFFFFD580  }
0xd2: {  	_ =	swait.ge [sflag:s24], $0x50  }
0xd3: {  	[sflag:s24] =	ssyncset.done $0x0  }
0xd4: {  	[sflag:s24] =	ssyncadd.s32 $0xFFFFFFB0  }
0xd5: {  	s0 =	simm.s32 $0x1;
	s14 =	simm.s32 $0x3;
	v6 =	vmov s1;
	_ =	swait.ge [sflag:s25], $0x50  }
0xd6: {  	v8 =	vmov s14;
	s14 =	simm.s32 $0x2;
	v7 =	vmov s0;
	v6 =	vand.u32 $0xFFFFFFFC, v6;
	[sflag:s25] =	ssyncset.done $0x0  }
0xd7: {  	v7 =	vand.u32 $0xFFFFFFFD, v7;
	v9 =	vbroadcast v6, $0x0;
	v6 =	vmov s14;
	[sflag:s25] =	ssyncadd.s32 $0xFFFFFFB0  }
0xd8: {  	v7 =	vbroadcast v7, $0x0;
	v6 =	vand.u32 $0xFFFFFFFE, v6;
	_ =	swait.ge [sflag:s26], $0x500  }
0xd9: {  	v10 =	vbroadcast v6, $0x0;
	[sflag:s26] =	ssyncset.done $0x0  }
0xda: {  	[sflag:s26] =	ssyncadd.s32 $0xFFFFFB00  }
0xdb: {  	[tilespmem:s28], [sflag:$0x9] =	stream.indirect.gather [hbm4b:s5+s10], $0x88, s17, s10, $0xb8;
	[tilespmem:$0x1FE28] =	vst v63  }
0xdc: {  	v6 =	vld.idx.msk [tilespmem:v8+s29+$0x0], $0xffff  }
0xdd: {  	v8 =	vld.idx.msk [tilespmem:v9+s29+$0x0], $0xffff  }
0xde: {  	v9 =	vld.idx.msk [tilespmem:v7+s29+$0x0], $0xffff  }
0xdf: {  	s14 =	simm.s32 $0x1A3F8;
	v7 =	vld.idx.msk [tilespmem:v10+s29+$0x0], $0xffff  }
0xe0: {  	v10 =	vld [tilespmem:s14+$0x70]  }
0xe1: {  	v11 =	vld [tilespmem:s14+$0xFFFFFF60]  }
0xe2: {  	v12 =	vld [tilespmem:s14+$0xF8]  }
0xe3: {  	v13 =	vld [tilespmem:s14+$0xFFFFFFF0]  }
0xe4: {  	v14 =	vld [tilespmem:s14+$0xFFFFFEF0]  }
0xe5: {  	v15 =	vld [tilespmem:s14+$0xFFFFFF00]  }
0xe6: {  	v10 =	vmul.f32 v10, v7  }
0xe7: {  	v16 =	vld [tilespmem:s14+$0xFFFFFF10];
	v11 =	vmul.f32 v11, v8  }
0xe8: {  	v17 =	vld [tilespmem:s14+$0xFFFFFF20];
	[tilespmem:s14+$0x70] =	vst v10  }
0xe9: {  	v18 =	vmul.f32 v13, v9;
	v10 =	vmul.f32 v12, v6;
	[tilespmem:s14+$0xFFFFFF60] =	vst v11;
	v11 =	vld [tilespmem:s14+$0x78]  }
0xea: {  	v15 =	vmul.f32 v15, v8;
	v12 =	vmul.f32 v14, v8;
	v14 =	vld [tilespmem:s14+$0xFFFFFF68]  }
0xeb: {  	[tilespmem:s14+$0xF8] =	vst v10;
	v10 =	vld [tilespmem:s14+$0xFFFFFF30]  }
0xec: {  	v13 =	vsel vm0, v13, v18;
	[tilespmem:s14+$0xFFFFFF00] =	vst v15;
	v19 =	vld [tilespmem:s14+$0x100]  }
0xed: {  	v20 =	vld [tilespmem:s14+$0xFFFFFF88];
	v15 =	vmul.f32 v16, v8;
	[tilespmem:s14+$0xFFFFFFF0] =	vst v13  }
0xee: {  	v16 =	vmul.f32 v17, v8;
	[tilespmem:s14+$0xFFFFFEF0] =	vst v12;
	v12 =	vld [tilespmem:s14+$0xFFFFFF40];
	v17 =	vmul.f32 v11, v7  }
0xef: {  	v18 =	vld [tilespmem:s14+$0xFFFFFF78];
	[tilespmem:s14+$0xFFFFFF10] =	vst v15;
	v15 =	vmul.f32 v14, v8  }
0xf0: {  	v13 =	vld [tilespmem:s14+$0xFFFFFF50];
	[tilespmem:s14+$0xFFFFFF20] =	vst v16;
	v11 =	vsel vm0, v11, v17  }
0xf1: {  	v10 =	vmul.f32 v10, v8;
	v16 =	vmul.f32 v19, v6;
	v17 =	vld [tilespmem:s14+$0xFFFFFF98];
	v14 =	vsel vm0, v14, v15;
	[tilespmem:s14+$0x78] =	vst v11  }
0xf2: {  	v11 =	vld [tilespmem:s14+$0xFFFFFFA8];
	[tilespmem:s14+$0xFFFFFF68] =	vst v14  }
0xf3: {  	v12 =	vmul.f32 v12, v8;
	v15 =	vld [tilespmem:s14+$0xFFFFFFB8];
	[tilespmem:s14+$0xFFFFFF30] =	vst v10;
	v14 =	vsel vm0, v19, v16  }
0xf4: {  	v16 =	vld [tilespmem:s14+$0xFFFFFFC8];
	[tilespmem:s14+$0x100] =	vst v14;
	v14 =	vmul.f32 v18, v9  }
0xf5: {  	v10 =	vld [tilespmem:s14+$0xFFFFFFD8];
	[tilespmem:s14+$0xFFFFFF40] =	vst v12;
	v18 =	vmul.f32 v20, v9  }
0xf6: {  	[tilespmem:s14+$0xFFFFFF78] =	vst v14;
	v12 =	vmul.f32 v17, v9;
	v14 =	vld [tilespmem:s14+$0xFFFFFFE8]  }
0xf7: {  	[tilespmem:s14+$0xFFFFFF88] =	vst v18;
	v17 =	vld [tilespmem:s14+$0x0];
	v11 =	vmul.f32 v11, v9  }
0xf8: {  	[tilespmem:s14+$0xFFFFFF98] =	vst v12;
	v12 =	vmul.f32 v15, v9;
	v15 =	vld [tilespmem:s14+$0x10]  }
0xf9: {  	[tilespmem:s14+$0xFFFFFFA8] =	vst v11;
	v11 =	vmul.f32 v16, v9;
	v16 =	vld [tilespmem:s14+$0x20]  }
0xfa: {  	v19 =	vld [tilespmem:s14+$0x30];
	[tilespmem:s14+$0xFFFFFFB8] =	vst v12;
	v12 =	vmul.f32 v10, v9  }
0xfb: {  	v10 =	vld [tilespmem:s14+$0x40];
	[tilespmem:s14+$0xFFFFFFC8] =	vst v11;
	v11 =	vmul.f32 v14, v9  }
0xfc: {  	s16 =	simm.s32 $0x4;
	s17 =	simm.s32 $0x5;
	v14 =	vmul.f32 v17, v7;
	v9 =	vld [tilespmem:s14+$0x50];
	[tilespmem:s14+$0xFFFFFFD8] =	vst v12  }
0xfd: {  	v21 =	vmov s17;
	v17 =	vmov s16;
	v12 =	vld [tilespmem:s14+$0x60];
	[tilespmem:s14+$0xFFFFFFE8] =	vst v11;
	v20 =	vmul.f32 v15, v7  }
0xfe: {  	s21 =	simm.s32 $0x7;
	v8 =	vmul.f32 v13, v8;
	v13 =	vld [tilespmem:s14+$0x88];
	v18 =	vand.u32 $0xFFFFFFFC, v17;
	[tilespmem:s14+$0x0] =	vst v14;
	v15 =	vmul.f32 v16, v7  }
0xff: {  	s1 =	simm.s32 $0x8;
	s16 =	simm.s32 $0x6;
	v17 =	vand.u32 $0xFFFFFFFD, v21;
	v11 =	vmov s21;
	v14 =	vld [tilespmem:s14+$0x98];
	s21 =	simm.s32 $0x1A3F8;
	v16 =	vmul.f32 v19, v7;
	[tilespmem:s14+$0x10] =	vst v20  }
.LBB2_4:
0x100: {  	p0 =	slt.u32 s1, $0x4C;
	v18 =	vbroadcast v18, $0x0;
	v19 =	vmov s16;
	[tilespmem:s14+$0x20] =	vst v15;
	v10 =	vmul.f32 v10, v7;
	v15 =	vld [tilespmem:s14+$0xA8]  }
0x101: {  	v17 =	vbroadcast v17, $0x0;
	v19 =	vand.u32 $0xFFFFFFFE, v19;
	[tilespmem:s14+$0x30] =	vst v16;
	v9 =	vmul.f32 v9, v7;
	v16 =	vld [tilespmem:s14+$0xB8]  }
0x102: {  	v19 =	vbroadcast v19, $0x0;
	[tilespmem:s14+$0x40] =	vst v10;
	v7 =	vmul.f32 v12, v7;
	v10 =	vld [tilespmem:s14+$0xC8]  }
0x103: {  	[tilespmem:s14+$0x50] =	vst v9;
	v9 =	vmul.f32 v13, v6;
	v12 =	vld [tilespmem:s14+$0xD8]  }
0x104: {  	[tilespmem:s14+$0x60] =	vst v7;
	v7 =	vmul.f32 v14, v6;
	v13 =	vld [tilespmem:s14+$0xE8]  }
0x105: {  	v11 =	vld.idx.msk [tilespmem:v11+s29+$0x0], $0xffff;
	[tilespmem:s14+$0xFFFFFF50] =	vst v8;
	v8 =	vmul.f32 v15, v6  }
0x106: {  	v14 =	vld.idx.msk [tilespmem:v18+s29+$0x0], $0xffff;
	[tilespmem:s14+$0x88] =	vst v9;
	v9 =	vmul.f32 v16, v6  }
0x107: {  	v15 =	vld.idx.msk [tilespmem:v17+s29+$0x0], $0xffff;
	[tilespmem:s14+$0x98] =	vst v7;
	v10 =	vmul.f32 v10, v6  }
0x108: {  	s14 =	sadd.s32 $0x220, s14;
	v7 =	vld.idx.msk [tilespmem:v19+s29+$0x0], $0xffff;
	[tilespmem:s21+$0xA8] =	vst v8;
	v8 =	vmul.f32 v12, v6  }
0x109: {  	v12 =	vld [tilespmem:s14+$0x70];
	[tilespmem:s21+$0xB8] =	vst v9;
	v9 =	vmul.f32 v13, v6  }
0x10a: {  	v13 =	vld [tilespmem:s14+$0xFFFFFF60];
	[tilespmem:s21+$0xC8] =	vst v10  }
0x10b: {  	v6 =	vmov v11;
	v10 =	vld [tilespmem:s14+$0xF8];
	[tilespmem:s21+$0xD8] =	vst v8  }
0x10c: {  	v8 =	vld [tilespmem:s14+$0xFFFFFFF0];
	[tilespmem:s21+$0xE8] =	vst v9;
	s21 =	smov.u32 s14  }
0x10d: {  	v9 =	vld [tilespmem:s14+$0xFFFFFEF0]  }
0x10e: {  	v11 =	vld [tilespmem:s14+$0xFFFFFF00];
	v12 =	vmul.f32 v12, v7  }
0x10f: {  	v16 =	vld [tilespmem:s14+$0xFFFFFF10];
	v13 =	vmul.f32 v13, v14  }
0x110: {  	v17 =	vld [tilespmem:s14+$0xFFFFFF20];
	[tilespmem:s14+$0x70] =	vst v12;
	v10 =	vmul.f32 v10, v6  }
0x111: {  	[tilespmem:s14+$0xFFFFFF60] =	vst v13;
	v12 =	vmul.f32 v8, v15;
	v13 =	vld [tilespmem:s14+$0x78]  }
0x112: {  	v9 =	vmul.f32 v9, v14;
	v18 =	vld [tilespmem:s14+$0xFFFFFF68];
	[tilespmem:s14+$0xF8] =	vst v10  }
0x113: {  	v10 =	vmul.f32 v11, v14;
	v8 =	vsel vm0, v8, v12;
	v11 =	vld [tilespmem:s14+$0x100]  }
0x114: {  	v12 =	vmul.f32 v16, v14;
	v16 =	vld [tilespmem:s14+$0xFFFFFF30];
	[tilespmem:s14+$0xFFFFFFF0] =	vst v8  }
0x115: {  	[tilespmem:s14+$0xFFFFFEF0] =	vst v9;
	v8 =	vmul.f32 v17, v14;
	v9 =	vld [tilespmem:s14+$0xFFFFFF40]  }
0x116: {  	[tilespmem:s14+$0xFFFFFF00] =	vst v10;
	v10 =	vld [tilespmem:s14+$0xFFFFFF50];
	v17 =	vmul.f32 v13, v7  }
0x117: {  	[tilespmem:s14+$0xFFFFFF10] =	vst v12;
	v12 =	vmul.f32 v18, v14;
	v19 =	vld [tilespmem:s14+$0xFFFFFF78]  }
0x118: {  	[tilespmem:s14+$0xFFFFFF20] =	vst v8;
	v20 =	vld [tilespmem:s14+$0xFFFFFF88];
	v8 =	vsel vm0, v13, v17;
	v13 =	vmul.f32 v11, v6  }
0x119: {  	v16 =	vmul.f32 v16, v14;
	v12 =	vsel vm0, v18, v12;
	v17 =	vld [tilespmem:s14+$0xFFFFFF98];
	[tilespmem:s14+$0x78] =	vst v8  }
0x11a: {  	v9 =	vmul.f32 v9, v14;
	[tilespmem:s14+$0xFFFFFF68] =	vst v12;
	v12 =	vld [tilespmem:s14+$0xFFFFFFA8];
	v11 =	vsel vm0, v11, v13  }
0x11b: {  	v8 =	vmul.f32 v10, v14;
	v10 =	vld [tilespmem:s14+$0xFFFFFFB8];
	[tilespmem:s14+$0x100] =	vst v11  }
0x11c: {  	[tilespmem:s14+$0xFFFFFF30] =	vst v16;
	v11 =	vmul.f32 v19, v15;
	v13 =	vld [tilespmem:s14+$0xFFFFFFC8]  }
0x11d: {  	[tilespmem:s14+$0xFFFFFF40] =	vst v9;
	v9 =	vmul.f32 v20, v15;
	v14 =	vld [tilespmem:s14+$0xFFFFFFD8]  }
0x11e: {  	[tilespmem:s14+$0xFFFFFF78] =	vst v11;
	v11 =	vmul.f32 v17, v15;
	v16 =	vld [tilespmem:s14+$0xFFFFFFE8]  }
0x11f: {  	[tilespmem:s14+$0xFFFFFF88] =	vst v9;
	v9 =	vmul.f32 v12, v15;
	v12 =	vld [tilespmem:s14+$0x0]  }
0x120: {  	[tilespmem:s14+$0xFFFFFF98] =	vst v11;
	v10 =	vmul.f32 v10, v15;
	v11 =	vld [tilespmem:s14+$0x10]  }
0x121: {  	[tilespmem:s14+$0xFFFFFFA8] =	vst v9;
	v9 =	vmul.f32 v13, v15;
	v13 =	vld [tilespmem:s14+$0x20]  }
0x122: {  	[tilespmem:s14+$0xFFFFFFB8] =	vst v10;
	v14 =	vmul.f32 v14, v15;
	v19 =	vld [tilespmem:s14+$0x30]  }
.Ltmp1:
0x123: {  	[tilespmem:s14+$0xFFFFFFC8] =	vst v9;
	v15 =	vmul.f32 v16, v15;
	v10 =	vld [tilespmem:s14+$0x40];
	(pc) =	sbr.rel @p0 .LBB2_4-.Ltmp1, $4  }
0x124: {  	[tilespmem:s14+$0xFFFFFFD8] =	vst v14;
	v14 =	vmul.f32 v12, v7;
	v9 =	vld [tilespmem:s14+$0x50]  }
0x125: {  	s16 =	sadd.s32 $0x1, s1;
	s17 =	sadd.s32 $0x3, s1;
	v16 =	vmov s1;
	[tilespmem:s14+$0xFFFFFFE8] =	vst v15;
	v20 =	vmul.f32 v11, v7;
	v12 =	vld [tilespmem:s14+$0x60]  }
0x126: {  	v17 =	vmov s16;
	v11 =	vmov s17;
	[tilespmem:s14+$0x0] =	vst v14;
	v15 =	vmul.f32 v13, v7;
	v13 =	vld [tilespmem:s14+$0x88]  }
0x127: {  	s16 =	sadd.s32 $0x2, s1;
	v17 =	vand.u32 $0xFFFFFFFD, v17;
	s1 =	sadd.s32 $0x4, s1;
	v18 =	vand.u32 $0xFFFFFFFC, v16;
	[tilespmem:s14+$0x10] =	vst v20;
	v16 =	vmul.f32 v19, v7;
	v14 =	vld [tilespmem:s14+$0x98]  }
0x128: {  	v20 =	vld [tilespmem:s14+$0xA8]  }
0x129: {  	v21 =	vld [tilespmem:s14+$0xB8]  }
0x12a: {  	v22 =	vld [tilespmem:s14+$0xC8]  }
0x12b: {  	v23 =	vld [tilespmem:s14+$0xD8]  }
0x12c: {  	v18 =	vbroadcast v18, $0x0;
	[tilespmem:s14+$0x20] =	vst v15;
	v44 =	vld [tilespmem:s14+$0xE8]  }
0x12d: {  	v10 =	vmul.f32 v10, v7;
	s1 =	sadd.s32 $0x220, s14;
	[tilespmem:s14+$0xFFFFFF50] =	vst v8;
	v45 =	vmul.f32 v9, v7;
	v9 =	vld.idx.msk [tilespmem:v11+s29+$0x0], $0xffff  }
0x12e: {  	[tilespmem:s14+$0x30] =	vst v16;
	v48 =	vld [tilespmem:s1+$0x70]  }
0x12f: {  	v50 =	vld [tilespmem:s1+$0xFFFFFF60];
	[tilespmem:s14+$0x40] =	vst v10;
	v7 =	vmul.f32 v12, v7  }
0x130: {  	v52 =	vld [tilespmem:s1+$0xF8];
	[tilespmem:s14+$0x50] =	vst v45;
	v46 =	vmul.f32 v13, v6  }
0x131: {  	v54 =	vld [tilespmem:s1+$0xFFFFFFF0];
	[tilespmem:s14+$0x60] =	vst v7;
	v47 =	vmul.f32 v14, v6  }
0x132: {  	v56 =	vld [tilespmem:s1+$0xFFFFFEF0];
	v49 =	vmul.f32 v20, v6;
	[tilespmem:s14+$0x88] =	vst v46  }
0x133: {  	v17 =	vbroadcast v17, $0x0;
	v51 =	vmul.f32 v21, v6;
	v10 =	vld.idx.msk [tilespmem:v18+s29+$0x0], $0xffff;
	[tilespmem:s14+$0x98] =	vst v47  }
0x134: {  	v57 =	vld [tilespmem:s1+$0xFFFFFF00];
	v53 =	vmul.f32 v22, v6;
	[tilespmem:s21+$0xA8] =	vst v49  }
0x135: {  	v58 =	vld [tilespmem:s1+$0xFFFFFF10];
	v55 =	vmul.f32 v23, v6;
	[tilespmem:s21+$0xB8] =	vst v51  }
0x136: {  	v24 =	vld [tilespmem:s1+$0xFFFFFF30];
	v6 =	vmul.f32 v44, v6;
	[tilespmem:s21+$0xC8] =	vst v53  }
0x137: {  	v25 =	vld [tilespmem:s1+$0xFFFFFF40];
	v60 =	vmul.f32 v52, v9;
	[tilespmem:s21+$0xD8] =	vst v55  }
0x138: {  	v19 =	vmov s16;
	v28 =	vld [tilespmem:s1+$0xFFFFFF78];
	[tilespmem:s21+$0xE8] =	vst v6;
	v12 =	vmul.f32 v50, v10  }
0x139: {  	v19 =	vand.u32 $0xFFFFFFFE, v19;
	v11 =	vld.idx.msk [tilespmem:v17+s29+$0x0], $0xffff;
	[tilespmem:s1+$0xF8] =	vst v60;
	v6 =	vmul.f32 v56, v10  }
0x13a: {  	v30 =	vld [tilespmem:s1+$0xFFFFFF98];
	v19 =	vbroadcast v19, $0x0;
	v22 =	vmul.f32 v57, v10;
	[tilespmem:s1+$0xFFFFFF60] =	vst v12  }
0x13b: {  	v34 =	vld [tilespmem:s1+$0xFFFFFFB8];
	v23 =	vmul.f32 v58, v10;
	[tilespmem:s1+$0xFFFFFEF0] =	vst v6  }
0x13c: {  	v59 =	vld [tilespmem:s1+$0xFFFFFF20];
	v31 =	vmul.f32 v24, v10;
	[tilespmem:s1+$0xFFFFFF00] =	vst v22  }
0x13d: {  	v37 =	vld [tilespmem:s1+$0xFFFFFFD8];
	v33 =	vmul.f32 v25, v10;
	[tilespmem:s1+$0xFFFFFF10] =	vst v23  }
0x13e: {  	v43 =	vld [tilespmem:s1+$0x20];
	v35 =	vmul.f32 v28, v11;
	[tilespmem:s1+$0xFFFFFF30] =	vst v31  }
0x13f: {  	v49 =	vld [tilespmem:s1+$0xFFFFFF50];
	v38 =	vmul.f32 v30, v11;
	[tilespmem:s1+$0xFFFFFF40] =	vst v33  }
0x140: {  	v7 =	vld.idx.msk [tilespmem:v19+s29+$0x0], $0xffff;
	v41 =	vmul.f32 v34, v11;
	[tilespmem:s1+$0xFFFFFF78] =	vst v35  }
0x141: {  	v46 =	vld [tilespmem:s1+$0x40];
	v6 =	vmul.f32 v59, v10;
	[tilespmem:s1+$0xFFFFFF98] =	vst v38  }
0x142: {  	v21 =	vld [tilespmem:s1+$0x100];
	v61 =	vmul.f32 v54, v11;
	v44 =	vmul.f32 v37, v11;
	[tilespmem:s1+$0xFFFFFFB8] =	vst v41  }
0x143: {  	[tilespmem:s1+$0xFFFFFF20] =	vst v6;
	v6 =	vld [tilespmem:s1+$0xFFFFFF88]  }
0x144: {  	v32 =	vld [tilespmem:s1+$0xFFFFFFA8];
	v56 =	vmul.f32 v49, v10;
	v20 =	vsel vm0, v54, v61;
	[tilespmem:s1+$0xFFFFFFD8] =	vst v44  }
0x145: {  	v36 =	vld [tilespmem:s1+$0xFFFFFFC8];
	v8 =	vmul.f32 v48, v7;
	[tilespmem:s1+$0xFFFFFFF0] =	vst v20  }
0x146: {  	v58 =	vld [tilespmem:s1+$0xD8];
	v50 =	vmul.f32 v43, v7;
	[tilespmem:s1+$0xFFFFFF50] =	vst v56  }
0x147: {  	v39 =	vld [tilespmem:s1+$0xFFFFFFE8];
	v53 =	vmul.f32 v46, v7;
	[tilespmem:s1+$0x70] =	vst v8  }
0x148: {  	v54 =	vld [tilespmem:s1+$0xA8];
	v29 =	vmul.f32 v21, v9;
	[tilespmem:s1+$0x20] =	vst v50;
	v6 =	vmul.f32 v6, v11  }
0x149: {  	v63 =	vld [tilespmem:s1+$0xFFFFFF68];
	[tilespmem:s1+$0x40] =	vst v53  }
0x14a: {  	v42 =	vld [tilespmem:s1+$0x10];
	v12 =	vsel vm0, v21, v29;
	[tilespmem:s1+$0xFFFFFF88] =	vst v6;
	v6 =	vmul.f32 v32, v11  }
0x14b: {  	v62 =	vld [tilespmem:s1+$0x78];
	v61 =	vmul.f32 v58, v9;
	[tilespmem:s1+$0x100] =	vst v12  }
0x14c: {  	[tilespmem:s1+$0xFFFFFFA8] =	vst v6;
	v6 =	vmul.f32 v36, v11  }
0x14d: {  	v45 =	vld [tilespmem:s1+$0x30];
	v60 =	vmul.f32 v54, v9;
	[tilespmem:s1+$0xD8] =	vst v61  }
0x14e: {  	v40 =	vld [tilespmem:s1+$0x0];
	v27 =	vmul.f32 v63, v10;
	[tilespmem:s1+$0xFFFFFFC8] =	vst v6;
	v6 =	vmul.f32 v39, v11  }
0x14f: {  	v47 =	vld [tilespmem:s1+$0x50];
	[tilespmem:s1+$0xA8] =	vst v60  }
0x150: {  	v48 =	vld [tilespmem:s1+$0x60];
	v26 =	vmul.f32 v62, v7;
	v8 =	vsel vm0, v63, v27;
	[tilespmem:s1+$0xFFFFFFE8] =	vst v6;
	v6 =	vmul.f32 v42, v7  }
0x151: {  	v51 =	vld [tilespmem:s1+$0x88];
	[tilespmem:s1+$0xFFFFFF68] =	vst v8  }
0x152: {  	v52 =	vld [tilespmem:s1+$0x98];
	v13 =	vsel vm0, v62, v26;
	[tilespmem:s1+$0x10] =	vst v6;
	v6 =	vmul.f32 v45, v7  }
0x153: {  	v55 =	vld [tilespmem:s1+$0xB8];
	v8 =	vmul.f32 v40, v7;
	[tilespmem:s1+$0x78] =	vst v13  }
0x154: {  	v57 =	vld [tilespmem:s1+$0xC8];
	[tilespmem:s1+$0x30] =	vst v6;
	v6 =	vmul.f32 v47, v7  }
0x155: {  	v59 =	vld [tilespmem:s1+$0xE8];
	[tilespmem:s1+$0x0] =	vst v8;
	v7 =	vmul.f32 v48, v7  }
0x156: {  	[tilespmem:s1+$0x50] =	vst v6;
	v6 =	vmul.f32 v51, v9  }
0x157: {  	[tilespmem:s1+$0x60] =	vst v7;
	v7 =	vmul.f32 v52, v9  }
0x158: {  	[tilespmem:s1+$0x88] =	vst v6;
	v6 =	vmul.f32 v55, v9  }
0x159: {  	[tilespmem:s1+$0x98] =	vst v7;
	v7 =	vmul.f32 v57, v9  }
0x15a: {  	[tilespmem:s1+$0xB8] =	vst v6;
	v6 =	vmul.f32 v59, v9  }
0x15b: {  	[tilespmem:s1+$0xC8] =	vst v7  }
0x15c: {  	[tilespmem:s1+$0xE8] =	vst v6  }
0x15d: {  	v6 =	vld [tilespmem:$0x19A28]  }
0x15e: {  	v7 =	vld [tilespmem:$0x19A38]  }
0x15f: {  	v8 =	vld [tilespmem:$0x19A48]  }
0x160: {  	v62 =	vld [tilespmem:$0x19A58]  }
0x161: {  	v63 =	vld [tilespmem:$0x19A68]  }
0x162: {  	[tilespmem:$0x1A018] =	vst v6  }
0x163: {  	[tilespmem:$0x1A028] =	vst v7  }
0x164: {  	[tilespmem:$0x1A038] =	vst v8  }
0x165: {  	[tilespmem:$0x1A048] =	vst v62  }
0x166: {  	s0 =	rddreg [dreg:$0x2];
	s21 =	simm.s32 $0x1A018;
	[tilespmem:$0x1A058] =	vst v63  }
0x167: {  	[spmem:s0] =	stream.indirect.scatter.add.f32 [tilespmem:s6], [sflag:$0x5], $0x88, s21, s10, $0xb8;
	[tilespmem:$0x1FE28] =	vst v63  }
0x168: {  	s21 =	simm.s32 $0x0  }
.LBB2_6:
0x169: {  	s14 =	smul.u32 $0xA0, s21  }
0x16a: {  	s0 =	rddreg [dreg:$0xd]  }
0x16b: {  	s1 =	sadd.s32 s14, s0  }
0x16c: {  	s16 =	sshrl.u32 s1, $0x3  }
0x16d: {  	s2 =	simm.s32 $0x19A28;
	s1 =	sshll.u32 s1, $0x1;
	s16 =	sadd.s32 s30, s16  }
0x16e: {  	[tilespmem:s2], [sflag:$0x1] =	stream.linear.gather [hbm4b:s16+s31], $0x50, $0x38;
	[tilespmem:$0x1FE28] =	vst v63  }
0x16f: {  	s1 =	sand.u32 $0x1FFFFFE0, s1;
	s16 =	sadd.s32 $0x9C40, s16  }
0x170: {  	[tilespmem:s15], [sflag:$0x2] =	stream.linear.gather [hbm4b:s16+s31], $0x50, $0x38;
	[tilespmem:$0x1FE28] =	vst v63  }
0x171: {  	s1 =	sadd.s32 s9, s1  }
0x172: {  	[tilespmem:s18], [sflag:$0x3] =	stream.linear.gather [hbm4b:s1+s31], $0x500, $0x38;
	[tilespmem:$0x1FE28] =	vst v63  }
0x173: {  	v6 =	vld [tilespmem:$0x1CD68]  }
0x174: {  	v7 =	vld [tilespmem:$0x1CDB8];
	_ =	sdelay $0x6  }
0x175: {  	v6 =	vld.idx.msk [tilespmem:v6+s31+$0x0], $0xffff  }
0x176: {  	v7 =	vld.idx.msk [tilespmem:v7+s13+$0x0], $0xffff;
	_ =	sdelay $0x1  }
0x177: {  	v8 =	vld.idx.msk [tilespmem:v1+s4+$0x0], $0xffff;
	_ =	sdelay $0x2  }
0x178: {  	v6 =	vadd.f32 v7, v6;
	_ =	sdelay $0x1  }
0x179: {  	v6 =	vadd.f32 v6, v8;
	_ =	sdelay $0x1  }
0x17a: {  	v7 =	vmul.f32 $9.999999770e-03, v6  }
0x17b: {  	vm1 =	vgt.f32 v6, $0.0e+00  }
0x17c: {  	v6 =	vsel vm1, v6, v7  }
0x17d: {  	v6 =	vmul.f32 $1.442695020e+00, v6;
	_ =	sdelay $0x1  }
0x17e: {  	(erf) = vpow2.f32 v6;
	_ =	sdelay $0x2  }
0x17f: {  	v6 =	vld [tilespmem:$0x1CD78]  }
0x180: {  	v7 =	vld [tilespmem:$0x1CDC8];
	_ =	sdelay $0x4  }
0x181: {  	v8 =	vpop (erf)  }
0x182: {  	[tilespmem:$0x1D308] =	vst v8  }
0x183: {  	v6 =	vld.idx.msk [tilespmem:v6+s31+$0x0], $0xffff  }
0x184: {  	v7 =	vld.idx.msk [tilespmem:v7+s13+$0x0], $0xffff;
	_ =	sdelay $0x1  }
0x185: {  	v8 =	vld.idx.msk [tilespmem:v2+s4+$0x0], $0xffff;
	_ =	sdelay $0x2  }
0x186: {  	v6 =	vadd.f32 v7, v6;
	_ =	sdelay $0x1  }
0x187: {  	v6 =	vadd.f32 v6, v8;
	_ =	sdelay $0x1  }
0x188: {  	v7 =	vmul.f32 $9.999999770e-03, v6  }
0x189: {  	vm1 =	vgt.f32 v6, $0.0e+00  }
0x18a: {  	v6 =	vsel vm1, v6, v7  }
0x18b: {  	v6 =	vmul.f32 $1.442695020e+00, v6;
	_ =	sdelay $0x1  }
0x18c: {  	(erf) = vpow2.f32 v6;
	_ =	sdelay $0x2  }
0x18d: {  	v6 =	vld [tilespmem:$0x1CD88]  }
0x18e: {  	v7 =	vld [tilespmem:$0x1CDD8];
	_ =	sdelay $0x4  }
0x18f: {  	v8 =	vpop (erf)  }
0x190: {  	[tilespmem:$0x1D318] =	vst v8  }
0x191: {  	v6 =	vld.idx.msk [tilespmem:v6+s31+$0x0], $0xffff  }
0x192: {  	v7 =	vld.idx.msk [tilespmem:v7+s13+$0x0], $0xffff;
	_ =	sdelay $0x1  }
0x193: {  	v8 =	vld.idx.msk [tilespmem:v3+s4+$0x0], $0xffff;
	_ =	sdelay $0x2  }
0x194: {  	v6 =	vadd.f32 v7, v6;
	_ =	sdelay $0x1  }
0x195: {  	v6 =	vadd.f32 v6, v8;
	_ =	sdelay $0x1  }
0x196: {  	v7 =	vmul.f32 $9.999999770e-03, v6  }
0x197: {  	vm1 =	vgt.f32 v6, $0.0e+00  }
0x198: {  	v6 =	vsel vm1, v6, v7  }
0x199: {  	v6 =	vmul.f32 $1.442695020e+00, v6;
	_ =	sdelay $0x1  }
0x19a: {  	(erf) = vpow2.f32 v6;
	_ =	sdelay $0x2  }
0x19b: {  	v6 =	vld [tilespmem:$0x1CD98]  }
0x19c: {  	v7 =	vld [tilespmem:$0x1CDE8];
	_ =	sdelay $0x4  }
0x19d: {  	v8 =	vpop (erf)  }
0x19e: {  	[tilespmem:$0x1D328] =	vst v8  }
0x19f: {  	v6 =	vld.idx.msk [tilespmem:v6+s31+$0x0], $0xffff  }
0x1a0: {  	v7 =	vld.idx.msk [tilespmem:v7+s13+$0x0], $0xffff;
	_ =	sdelay $0x1  }
0x1a1: {  	v8 =	vld.idx.msk [tilespmem:v4+s4+$0x0], $0xffff;
	_ =	sdelay $0x2  }
0x1a2: {  	v6 =	vadd.f32 v7, v6;
	_ =	sdelay $0x1  }
0x1a3: {  	v6 =	vadd.f32 v6, v8;
	_ =	sdelay $0x1  }
0x1a4: {  	v7 =	vmul.f32 $9.999999770e-03, v6  }
0x1a5: {  	vm1 =	vgt.f32 v6, $0.0e+00  }
0x1a6: {  	v6 =	vsel vm1, v6, v7  }
0x1a7: {  	v6 =	vmul.f32 $1.442695020e+00, v6;
	_ =	sdelay $0x1  }
0x1a8: {  	(erf) = vpow2.f32 v6;
	_ =	sdelay $0x2  }
0x1a9: {  	v6 =	vld [tilespmem:$0x1CDA8]  }
0x1aa: {  	v7 =	vld [tilespmem:$0x1CDF8];
	_ =	sdelay $0x4  }
0x1ab: {  	v8 =	vpop (erf)  }
0x1ac: {  	[tilespmem:$0x1D338] =	vst v8  }
0x1ad: {  	v6 =	vld.idx.msk [tilespmem:v6+s31+$0x0], $0xffff  }
0x1ae: {  	v7 =	vld.idx.msk [tilespmem:v7+s13+$0x0], $0xffff;
	_ =	sdelay $0x1  }
0x1af: {  	v8 =	vld.idx.msk [tilespmem:v5+s4+$0x0], $0xffff;
	_ =	sdelay $0x2  }
0x1b0: {  	v6 =	vadd.f32 v7, v6;
	_ =	sdelay $0x1  }
0x1b1: {  	v6 =	vadd.f32 v6, v8;
	_ =	sdelay $0x1  }
0x1b2: {  	v7 =	vmul.f32 $9.999999770e-03, v6  }
0x1b3: {  	vm1 =	vgt.f32 v6, $0.0e+00  }
0x1b4: {  	v6 =	vsel vm1, v6, v7  }
0x1b5: {  	v6 =	vmul.f32 $1.442695020e+00, v6;
	_ =	sdelay $0x1  }
0x1b6: {  	(erf) = vpow2.f32 v6;
	_ =	sdelay $0x8  }
0x1b7: {  	v6 =	vpop (erf)  }
0x1b8: {  	[tilespmem:$0x1D348] =	vst v6  }
0x1b9: {  	_ =	swait.ge [sflag:s12], $0x2A80  }
0x1ba: {  	[sflag:s12] =	ssyncset.done $0x0  }
0x1bb: {  	[sflag:s12] =	ssyncadd.s32 $0xFFFFD580  }
0x1bc: {  	_ =	swait.ge [sflag:s7], $0x2A80  }
0x1bd: {  	[sflag:s7] =	ssyncset.done $0x0  }
0x1be: {  	[sflag:s7] =	ssyncadd.s32 $0xFFFFD580  }
0x1bf: {  	_ =	swait.ge [sflag:s19], $0x50  }
0x1c0: {  	[sflag:s19] =	ssyncset.done $0x0  }
0x1c1: {  	[sflag:s19] =	ssyncadd.s32 $0xFFFFFFB0  }
0x1c2: {  	s17 =	simm.s32 $0x1;
	s2 =	simm.s32 $0x3;
	v6 =	vmov s31;
	_ =	swait.ge [sflag:s22], $0x50  }
0x1c3: {  	v8 =	vmov s2;
	v7 =	vmov s17;
	s17 =	simm.s32 $0x2;
	v6 =	vand.u32 $0xFFFFFFFC, v6;
	[sflag:s22] =	ssyncset.done $0x0  }
0x1c4: {  	v7 =	vand.u32 $0xFFFFFFFD, v7;
	v9 =	vbroadcast v6, $0x0;
	v6 =	vmov s17;
	[sflag:s22] =	ssyncadd.s32 $0xFFFFFFB0  }
0x1c5: {  	v7 =	vbroadcast v7, $0x0;
	v6 =	vand.u32 $0xFFFFFFFE, v6;
	_ =	swait.ge [sflag:s23], $0x500  }
0x1c6: {  	v10 =	vbroadcast v6, $0x0;
	[sflag:s23] =	ssyncset.done $0x0  }
0x1c7: {  	[sflag:s23] =	ssyncadd.s32 $0xFFFFFB00  }
0x1c8: {  	[tilespmem:s6], [sflag:$0x4] =	stream.indirect.gather [hbm4b:s5+s10], $0x88, s15, s10, $0xb8;
	[tilespmem:$0x1FE28] =	vst v63  }
0x1c9: {  	v6 =	vld.idx.msk [tilespmem:v8+s20+$0x0], $0xffff  }
0x1ca: {  	v8 =	vld.idx.msk [tilespmem:v9+s20+$0x0], $0xffff  }
0x1cb: {  	v9 =	vld.idx.msk [tilespmem:v7+s20+$0x0], $0xffff  }
0x1cc: {  	s0 =	smov.u32 s30;
	s30 =	simm.s32 $0x1D4B8;
	v7 =	vld.idx.msk [tilespmem:v10+s20+$0x0], $0xffff  }
0x1cd: {  	v10 =	vld [tilespmem:s30+$0x70]  }
0x1ce: {  	v11 =	vld [tilespmem:s30+$0xFFFFFF60]  }
0x1cf: {  	v12 =	vld [tilespmem:s30+$0xF8]  }
0x1d0: {  	v13 =	vld [tilespmem:s30+$0xFFFFFFF0]  }
0x1d1: {  	v14 =	vld [tilespmem:s30+$0xFFFFFEF0]  }
0x1d2: {  	v15 =	vld [tilespmem:s30+$0xFFFFFF00]  }
0x1d3: {  	v10 =	vmul.f32 v10, v7  }
0x1d4: {  	v16 =	vld [tilespmem:s30+$0xFFFFFF10];
	v11 =	vmul.f32 v11, v8  }
0x1d5: {  	v17 =	vld [tilespmem:s30+$0xFFFFFF20];
	[tilespmem:s30+$0x70] =	vst v10  }
0x1d6: {  	v18 =	vmul.f32 v13, v9;
	v10 =	vmul.f32 v12, v6;
	[tilespmem:s30+$0xFFFFFF60] =	vst v11;
	v11 =	vld [tilespmem:s30+$0x78]  }
0x1d7: {  	v15 =	vmul.f32 v15, v8;
	v12 =	vmul.f32 v14, v8;
	v14 =	vld [tilespmem:s30+$0xFFFFFF68]  }
0x1d8: {  	[tilespmem:s30+$0xF8] =	vst v10;
	v10 =	vld [tilespmem:s30+$0xFFFFFF30]  }
0x1d9: {  	v13 =	vsel vm0, v13, v18;
	[tilespmem:s30+$0xFFFFFF00] =	vst v15;
	v19 =	vld [tilespmem:s30+$0x100]  }
0x1da: {  	v20 =	vld [tilespmem:s30+$0xFFFFFF88];
	v15 =	vmul.f32 v16, v8;
	[tilespmem:s30+$0xFFFFFFF0] =	vst v13  }
0x1db: {  	v16 =	vmul.f32 v17, v8;
	[tilespmem:s30+$0xFFFFFEF0] =	vst v12;
	v12 =	vld [tilespmem:s30+$0xFFFFFF40];
	v17 =	vmul.f32 v11, v7  }
0x1dc: {  	v18 =	vld [tilespmem:s30+$0xFFFFFF78];
	[tilespmem:s30+$0xFFFFFF10] =	vst v15;
	v15 =	vmul.f32 v14, v8  }
0x1dd: {  	v13 =	vld [tilespmem:s30+$0xFFFFFF50];
	[tilespmem:s30+$0xFFFFFF20] =	vst v16;
	v11 =	vsel vm0, v11, v17  }
0x1de: {  	v10 =	vmul.f32 v10, v8;
	v16 =	vmul.f32 v19, v6;
	v17 =	vld [tilespmem:s30+$0xFFFFFF98];
	v14 =	vsel vm0, v14, v15;
	[tilespmem:s30+$0x78] =	vst v11  }
0x1df: {  	v11 =	vld [tilespmem:s30+$0xFFFFFFA8];
	[tilespmem:s30+$0xFFFFFF68] =	vst v14  }
0x1e0: {  	v12 =	vmul.f32 v12, v8;
	v15 =	vld [tilespmem:s30+$0xFFFFFFB8];
	[tilespmem:s30+$0xFFFFFF30] =	vst v10;
	v14 =	vsel vm0, v19, v16  }
0x1e1: {  	v16 =	vld [tilespmem:s30+$0xFFFFFFC8];
	[tilespmem:s30+$0x100] =	vst v14;
	v14 =	vmul.f32 v18, v9  }
0x1e2: {  	v10 =	vld [tilespmem:s30+$0xFFFFFFD8];
	[tilespmem:s30+$0xFFFFFF40] =	vst v12;
	v18 =	vmul.f32 v20, v9  }
0x1e3: {  	[tilespmem:s30+$0xFFFFFF78] =	vst v14;
	v12 =	vmul.f32 v17, v9;
	v14 =	vld [tilespmem:s30+$0xFFFFFFE8]  }
0x1e4: {  	[tilespmem:s30+$0xFFFFFF88] =	vst v18;
	v17 =	vld [tilespmem:s30+$0x0];
	v11 =	vmul.f32 v11, v9  }
0x1e5: {  	[tilespmem:s30+$0xFFFFFF98] =	vst v12;
	v12 =	vmul.f32 v15, v9;
	v15 =	vld [tilespmem:s30+$0x10]  }
0x1e6: {  	[tilespmem:s30+$0xFFFFFFA8] =	vst v11;
	v11 =	vmul.f32 v16, v9;
	v16 =	vld [tilespmem:s30+$0x20]  }
0x1e7: {  	v19 =	vld [tilespmem:s30+$0x30];
	[tilespmem:s30+$0xFFFFFFB8] =	vst v12;
	v12 =	vmul.f32 v10, v9  }
0x1e8: {  	v10 =	vld [tilespmem:s30+$0x40];
	[tilespmem:s30+$0xFFFFFFC8] =	vst v11;
	v11 =	vmul.f32 v14, v9  }
0x1e9: {  	s16 =	simm.s32 $0x5;
	s2 =	simm.s32 $0x4;
	v14 =	vmul.f32 v17, v7;
	v9 =	vld [tilespmem:s30+$0x50];
	[tilespmem:s30+$0xFFFFFFD8] =	vst v12  }
0x1ea: {  	v21 =	vmov s16;
	v17 =	vmov s2;
	v12 =	vld [tilespmem:s30+$0x60];
	[tilespmem:s30+$0xFFFFFFE8] =	vst v11;
	v20 =	vmul.f32 v15, v7  }
0x1eb: {  	s17 =	simm.s32 $0x7;
	v8 =	vmul.f32 v13, v8;
	v13 =	vld [tilespmem:s30+$0x88];
	v18 =	vand.u32 $0xFFFFFFFC, v17;
	[tilespmem:s30+$0x0] =	vst v14;
	v15 =	vmul.f32 v16, v7  }
0x1ec: {  	s16 =	simm.s32 $0x8;
	s1 =	simm.s32 $0x1D4B8;
	v17 =	vand.u32 $0xFFFFFFFD, v21;
	v11 =	vmov s17;
	s17 =	simm.s32 $0x6;
	v14 =	vld [tilespmem:s30+$0x98];
	v16 =	vmul.f32 v19, v7;
	[tilespmem:s30+$0x10] =	vst v20  }
.LBB2_7:
0x1ed: {  	p0 =	slt.u32 s16, $0x4C;
	v18 =	vbroadcast v18, $0x0;
	v19 =	vmov s17;
	[tilespmem:s30+$0x20] =	vst v15;
	v10 =	vmul.f32 v10, v7;
	v15 =	vld [tilespmem:s30+$0xA8]  }
0x1ee: {  	v17 =	vbroadcast v17, $0x0;
	v19 =	vand.u32 $0xFFFFFFFE, v19;
	[tilespmem:s30+$0x30] =	vst v16;
	v9 =	vmul.f32 v9, v7;
	v16 =	vld [tilespmem:s30+$0xB8]  }
0x1ef: {  	v19 =	vbroadcast v19, $0x0;
	[tilespmem:s30+$0x40] =	vst v10;
	v7 =	vmul.f32 v12, v7;
	v10 =	vld [tilespmem:s30+$0xC8]  }
0x1f0: {  	[tilespmem:s30+$0x50] =	vst v9;
	v9 =	vmul.f32 v13, v6;
	v12 =	vld [tilespmem:s30+$0xD8]  }
0x1f1: {  	[tilespmem:s30+$0x60] =	vst v7;
	v7 =	vmul.f32 v14, v6;
	v13 =	vld [tilespmem:s30+$0xE8]  }
0x1f2: {  	v11 =	vld.idx.msk [tilespmem:v11+s20+$0x0], $0xffff;
	[tilespmem:s30+$0xFFFFFF50] =	vst v8;
	v8 =	vmul.f32 v15, v6  }
0x1f3: {  	v14 =	vld.idx.msk [tilespmem:v18+s20+$0x0], $0xffff;
	[tilespmem:s30+$0x88] =	vst v9;
	v9 =	vmul.f32 v16, v6  }
0x1f4: {  	v15 =	vld.idx.msk [tilespmem:v17+s20+$0x0], $0xffff;
	[tilespmem:s30+$0x98] =	vst v7;
	v10 =	vmul.f32 v10, v6  }
0x1f5: {  	s30 =	sadd.s32 $0x220, s30;
	v7 =	vld.idx.msk [tilespmem:v19+s20+$0x0], $0xffff;
	[tilespmem:s1+$0xA8] =	vst v8;
	v8 =	vmul.f32 v12, v6  }
0x1f6: {  	v12 =	vld [tilespmem:s30+$0x70];
	[tilespmem:s1+$0xB8] =	vst v9;
	v9 =	vmul.f32 v13, v6  }
0x1f7: {  	v13 =	vld [tilespmem:s30+$0xFFFFFF60];
	[tilespmem:s1+$0xC8] =	vst v10  }
0x1f8: {  	v6 =	vmov v11;
	v10 =	vld [tilespmem:s30+$0xF8];
	[tilespmem:s1+$0xD8] =	vst v8  }
0x1f9: {  	v8 =	vld [tilespmem:s30+$0xFFFFFFF0];
	[tilespmem:s1+$0xE8] =	vst v9;
	s1 =	smov.u32 s30  }
0x1fa: {  	v9 =	vld [tilespmem:s30+$0xFFFFFEF0]  }
0x1fb: {  	v11 =	vld [tilespmem:s30+$0xFFFFFF00];
	v12 =	vmul.f32 v12, v7  }
0x1fc: {  	v16 =	vld [tilespmem:s30+$0xFFFFFF10];
	v13 =	vmul.f32 v13, v14  }
0x1fd: {  	v17 =	vld [tilespmem:s30+$0xFFFFFF20];
	[tilespmem:s30+$0x70] =	vst v12;
	v10 =	vmul.f32 v10, v6  }
0x1fe: {  	[tilespmem:s30+$0xFFFFFF60] =	vst v13;
	v12 =	vmul.f32 v8, v15;
	v13 =	vld [tilespmem:s30+$0x78]  }
0x1ff: {  	v9 =	vmul.f32 v9, v14;
	v18 =	vld [tilespmem:s30+$0xFFFFFF68];
	[tilespmem:s30+$0xF8] =	vst v10  }
0x200: {  	v10 =	vmul.f32 v11, v14;
	v8 =	vsel vm0, v8, v12;
	v11 =	vld [tilespmem:s30+$0x100]  }
0x201: {  	v12 =	vmul.f32 v16, v14;
	v16 =	vld [tilespmem:s30+$0xFFFFFF30];
	[tilespmem:s30+$0xFFFFFFF0] =	vst v8  }
0x202: {  	[tilespmem:s30+$0xFFFFFEF0] =	vst v9;
	v8 =	vmul.f32 v17, v14;
	v9 =	vld [tilespmem:s30+$0xFFFFFF40]  }
0x203: {  	[tilespmem:s30+$0xFFFFFF00] =	vst v10;
	v10 =	vld [tilespmem:s30+$0xFFFFFF50];
	v17 =	vmul.f32 v13, v7  }
0x204: {  	[tilespmem:s30+$0xFFFFFF10] =	vst v12;
	v12 =	vmul.f32 v18, v14;
	v19 =	vld [tilespmem:s30+$0xFFFFFF78]  }
0x205: {  	[tilespmem:s30+$0xFFFFFF20] =	vst v8;
	v20 =	vld [tilespmem:s30+$0xFFFFFF88];
	v8 =	vsel vm0, v13, v17;
	v13 =	vmul.f32 v11, v6  }
0x206: {  	v16 =	vmul.f32 v16, v14;
	v12 =	vsel vm0, v18, v12;
	v17 =	vld [tilespmem:s30+$0xFFFFFF98];
	[tilespmem:s30+$0x78] =	vst v8  }
0x207: {  	v9 =	vmul.f32 v9, v14;
	[tilespmem:s30+$0xFFFFFF68] =	vst v12;
	v12 =	vld [tilespmem:s30+$0xFFFFFFA8];
	v11 =	vsel vm0, v11, v13  }
0x208: {  	v8 =	vmul.f32 v10, v14;
	v10 =	vld [tilespmem:s30+$0xFFFFFFB8];
	[tilespmem:s30+$0x100] =	vst v11  }
0x209: {  	[tilespmem:s30+$0xFFFFFF30] =	vst v16;
	v11 =	vmul.f32 v19, v15;
	v13 =	vld [tilespmem:s30+$0xFFFFFFC8]  }
0x20a: {  	[tilespmem:s30+$0xFFFFFF40] =	vst v9;
	v9 =	vmul.f32 v20, v15;
	v14 =	vld [tilespmem:s30+$0xFFFFFFD8]  }
0x20b: {  	[tilespmem:s30+$0xFFFFFF78] =	vst v11;
	v11 =	vmul.f32 v17, v15;
	v16 =	vld [tilespmem:s30+$0xFFFFFFE8]  }
0x20c: {  	[tilespmem:s30+$0xFFFFFF88] =	vst v9;
	v9 =	vmul.f32 v12, v15;
	v12 =	vld [tilespmem:s30+$0x0]  }
0x20d: {  	[tilespmem:s30+$0xFFFFFF98] =	vst v11;
	v10 =	vmul.f32 v10, v15;
	v11 =	vld [tilespmem:s30+$0x10]  }
0x20e: {  	[tilespmem:s30+$0xFFFFFFA8] =	vst v9;
	v9 =	vmul.f32 v13, v15;
	v13 =	vld [tilespmem:s30+$0x20]  }
0x20f: {  	[tilespmem:s30+$0xFFFFFFB8] =	vst v10;
	v14 =	vmul.f32 v14, v15;
	v19 =	vld [tilespmem:s30+$0x30]  }
.Ltmp2:
0x210: {  	[tilespmem:s30+$0xFFFFFFC8] =	vst v9;
	v15 =	vmul.f32 v16, v15;
	v10 =	vld [tilespmem:s30+$0x40];
	(pc) =	sbr.rel @p0 .LBB2_7-.Ltmp2, $4  }
0x211: {  	[tilespmem:s30+$0xFFFFFFD8] =	vst v14;
	v14 =	vmul.f32 v12, v7;
	v9 =	vld [tilespmem:s30+$0x50]  }
0x212: {  	s17 =	sadd.s32 $0x1, s16;
	s2 =	sadd.s32 $0x3, s16;
	v16 =	vmov s16;
	[tilespmem:s30+$0xFFFFFFE8] =	vst v15;
	v20 =	vmul.f32 v11, v7;
	v12 =	vld [tilespmem:s30+$0x60]  }
0x213: {  	v17 =	vmov s17;
	v11 =	vmov s2;
	[tilespmem:s30+$0x0] =	vst v14;
	v15 =	vmul.f32 v13, v7;
	v13 =	vld [tilespmem:s30+$0x88]  }
0x214: {  	s17 =	sadd.s32 $0x2, s16;
	v17 =	vand.u32 $0xFFFFFFFD, v17;
	s16 =	sadd.s32 $0x4, s16;
	v18 =	vand.u32 $0xFFFFFFFC, v16;
	[tilespmem:s30+$0x10] =	vst v20;
	v16 =	vmul.f32 v19, v7;
	v14 =	vld [tilespmem:s30+$0x98]  }
0x215: {  	v20 =	vld [tilespmem:s30+$0xA8]  }
0x216: {  	v21 =	vld [tilespmem:s30+$0xB8]  }
0x217: {  	v18 =	vbroadcast v18, $0x0;
	v19 =	vmov s17;
	v22 =	vld [tilespmem:s30+$0xC8]  }
0x218: {  	v17 =	vbroadcast v17, $0x0;
	v23 =	vld [tilespmem:s30+$0xD8];
	[tilespmem:s30+$0x20] =	vst v15;
	v10 =	vmul.f32 v10, v7;
	v19 =	vand.u32 $0xFFFFFFFE, v19  }
0x219: {  	v15 =	vld [tilespmem:s30+$0xE8];
	[tilespmem:s30+$0x30] =	vst v16;
	v16 =	vmul.f32 v9, v7;
	v19 =	vbroadcast v19, $0x0  }
0x21a: {  	s16 =	sadd.s32 $0x220, s30;
	v9 =	vld.idx.msk [tilespmem:v11+s20+$0x0], $0xffff;
	v7 =	vmul.f32 v12, v7;
	v12 =	vmul.f32 v13, v6  }
0x21b: {  	[tilespmem:s30+$0xFFFFFF50] =	vst v8;
	v8 =	vld [tilespmem:s16+$0x70]  }
0x21c: {  	[tilespmem:s30+$0x88] =	vst v12;
	v12 =	vld [tilespmem:s16+$0xFFFFFF60]  }
0x21d: {  	[tilespmem:s30+$0x40] =	vst v10;
	v10 =	vld.idx.msk [tilespmem:v18+s20+$0x0], $0xffff  }
0x21e: {  	[tilespmem:s30+$0x50] =	vst v16;
	v13 =	vmul.f32 v14, v6;
	v11 =	vld.idx.msk [tilespmem:v17+s20+$0x0], $0xffff  }
0x21f: {  	[tilespmem:s30+$0x60] =	vst v7;
	v14 =	vmul.f32 v20, v6;
	v7 =	vld.idx.msk [tilespmem:v19+s20+$0x0], $0xffff  }
0x220: {  	v16 =	vmul.f32 v21, v6;
	[tilespmem:s30+$0x98] =	vst v13;
	v13 =	vld [tilespmem:s16+$0xF8]  }
0x221: {  	v17 =	vmul.f32 v22, v6;
	[tilespmem:s1+$0xA8] =	vst v14;
	v14 =	vld [tilespmem:s16+$0xFFFFFFF0]  }
0x222: {  	v18 =	vmul.f32 v23, v6;
	[tilespmem:s1+$0xB8] =	vst v16;
	v16 =	vld [tilespmem:s16+$0xFFFFFEF0]  }
0x223: {  	[tilespmem:s1+$0xC8] =	vst v17;
	v17 =	vld [tilespmem:s16+$0xFFFFFF00];
	v12 =	vmul.f32 v12, v10  }
0x224: {  	[tilespmem:s1+$0xD8] =	vst v18;
	v18 =	vld [tilespmem:s16+$0xFFFFFF10];
	v8 =	vmul.f32 v8, v7  }
0x225: {  	v6 =	vmul.f32 v15, v6;
	v19 =	vld [tilespmem:s16+$0xFFFFFF20];
	[tilespmem:s16+$0xFFFFFF60] =	vst v12  }
0x226: {  	v15 =	vld [tilespmem:s16+$0xFFFFFF68];
	[tilespmem:s16+$0x70] =	vst v8;
	v8 =	vmul.f32 v13, v9  }
0x227: {  	[tilespmem:s1+$0xE8] =	vst v6;
	v6 =	vmul.f32 v16, v10;
	v12 =	vmul.f32 v14, v11;
	v13 =	vld [tilespmem:s16+$0x78]  }
0x228: {  	[tilespmem:s16+$0xF8] =	vst v8  }
0x229: {  	[tilespmem:s16+$0xFFFFFEF0] =	vst v6;
	v8 =	vsel vm0, v14, v12;
	v14 =	vmul.f32 v17, v10;
	v12 =	vld [tilespmem:s16+$0x100]  }
0x22a: {  	[tilespmem:s16+$0xFFFFFFF0] =	vst v8;
	v8 =	vmul.f32 v18, v10  }
0x22b: {  	v16 =	vld [tilespmem:s16+$0xFFFFFF30];
	v6 =	vmul.f32 v19, v10;
	[tilespmem:s16+$0xFFFFFF00] =	vst v14  }
0x22c: {  	v17 =	vld [tilespmem:s16+$0xFFFFFF40];
	[tilespmem:s16+$0xFFFFFF10] =	vst v8;
	v8 =	vmul.f32 v15, v10;
	v14 =	vmul.f32 v13, v7  }
0x22d: {  	v18 =	vld [tilespmem:s16+$0xFFFFFF78]  }
0x22e: {  	[tilespmem:s16+$0xFFFFFF20] =	vst v6;
	v6 =	vld [tilespmem:s16+$0xFFFFFF88];
	v8 =	vsel vm0, v15, v8;
	v13 =	vsel vm0, v13, v14;
	v14 =	vmul.f32 v12, v9  }
0x22f: {  	v15 =	vld [tilespmem:s16+$0xFFFFFF98];
	[tilespmem:s16+$0xFFFFFF68] =	vst v8  }
0x230: {  	v8 =	vld [tilespmem:s16+$0xFFFFFFA8];
	[tilespmem:s16+$0x78] =	vst v13;
	v13 =	vmul.f32 v16, v10;
	v12 =	vsel vm0, v12, v14  }
0x231: {  	v16 =	vld [tilespmem:s16+$0xFFFFFFB8];
	v14 =	vmul.f32 v17, v10;
	[tilespmem:s16+$0x100] =	vst v12  }
0x232: {  	[tilespmem:s16+$0xFFFFFF30] =	vst v13;
	v12 =	vmul.f32 v18, v11;
	v13 =	vld [tilespmem:s16+$0xFFFFFFC8]  }
0x233: {  	v6 =	vmul.f32 v6, v11;
	[tilespmem:s16+$0xFFFFFF40] =	vst v14;
	v14 =	vld [tilespmem:s16+$0xFFFFFFD8]  }
0x234: {  	[tilespmem:s16+$0xFFFFFF78] =	vst v12;
	v12 =	vmul.f32 v15, v11;
	v15 =	vld [tilespmem:s16+$0xFFFFFFE8]  }
0x235: {  	[tilespmem:s16+$0xFFFFFF88] =	vst v6;
	v6 =	vmul.f32 v8, v11;
	v8 =	vld [tilespmem:s16+$0x0]  }
0x236: {  	[tilespmem:s16+$0xFFFFFF98] =	vst v12;
	v12 =	vmul.f32 v16, v11;
	v16 =	vld [tilespmem:s16+$0x10]  }
0x237: {  	[tilespmem:s16+$0xFFFFFFA8] =	vst v6;
	v6 =	vmul.f32 v13, v11;
	v13 =	vld [tilespmem:s16+$0x20]  }
0x238: {  	[tilespmem:s16+$0xFFFFFFB8] =	vst v12;
	v12 =	vmul.f32 v14, v11;
	v14 =	vld [tilespmem:s16+$0x30]  }
0x239: {  	[tilespmem:s16+$0xFFFFFFC8] =	vst v6;
	v6 =	vmul.f32 v15, v11;
	v11 =	vld [tilespmem:s16+$0x40]  }
0x23a: {  	v8 =	vmul.f32 v8, v7;
	[tilespmem:s16+$0xFFFFFFD8] =	vst v12;
	v12 =	vld [tilespmem:s16+$0x50]  }
0x23b: {  	v15 =	vld [tilespmem:s16+$0x60];
	[tilespmem:s16+$0xFFFFFFE8] =	vst v6;
	v6 =	vmul.f32 v16, v7  }
0x23c: {  	v16 =	vld [tilespmem:s16+$0xFFFFFF50];
	[tilespmem:s16+$0x0] =	vst v8;
	v8 =	vmul.f32 v13, v7  }
0x23d: {  	v13 =	vld [tilespmem:s16+$0x88];
	[tilespmem:s16+$0x10] =	vst v6;
	v6 =	vmul.f32 v14, v7  }
0x23e: {  	v14 =	vld [tilespmem:s16+$0x98];
	[tilespmem:s16+$0x20] =	vst v8;
	v8 =	vmul.f32 v11, v7  }
0x23f: {  	v11 =	vld [tilespmem:s16+$0xA8];
	[tilespmem:s16+$0x30] =	vst v6;
	v6 =	vmul.f32 v12, v7  }
0x240: {  	v12 =	vld [tilespmem:s16+$0xB8];
	v7 =	vmul.f32 v15, v7;
	[tilespmem:s16+$0x40] =	vst v8  }
0x241: {  	v8 =	vmul.f32 v16, v10;
	v10 =	vld [tilespmem:s16+$0xC8];
	[tilespmem:s16+$0x50] =	vst v6  }
0x242: {  	v6 =	vmul.f32 v13, v9;
	v13 =	vld [tilespmem:s16+$0xD8];
	[tilespmem:s16+$0x60] =	vst v7  }
0x243: {  	v7 =	vmul.f32 v14, v9;
	v14 =	vld [tilespmem:s16+$0xE8];
	[tilespmem:s16+$0xFFFFFF50] =	vst v8  }
0x244: {  	v8 =	vmul.f32 v11, v9;
	[tilespmem:s16+$0x88] =	vst v6  }
0x245: {  	v6 =	vmul.f32 v12, v9;
	[tilespmem:s16+$0x98] =	vst v7  }
0x246: {  	v7 =	vmul.f32 v10, v9;
	[tilespmem:s16+$0xA8] =	vst v8  }
0x247: {  	v8 =	vmul.f32 v13, v9;
	[tilespmem:s16+$0xB8] =	vst v6  }
0x248: {  	v6 =	vmul.f32 v14, v9;
	[tilespmem:s16+$0xC8] =	vst v7  }
0x249: {  	[tilespmem:s16+$0xD8] =	vst v8  }
0x24a: {  	[tilespmem:s16+$0xE8] =	vst v6  }
0x24b: {  	v6 =	vld [tilespmem:$0x1CD68]  }
0x24c: {  	v7 =	vld [tilespmem:$0x1CD78]  }
0x24d: {  	v8 =	vld [tilespmem:$0x1CD88]  }
0x24e: {  	v9 =	vld [tilespmem:$0x1CD98]  }
0x24f: {  	v10 =	vld [tilespmem:$0x1CDA8]  }
0x250: {  	[tilespmem:$0x1D358] =	vst v6  }
0x251: {  	[tilespmem:$0x1D368] =	vst v7  }
0x252: {  	[tilespmem:$0x1D378] =	vst v8  }
0x253: {  	s16 =	rddreg [dreg:$0x2];
	[tilespmem:$0x1D388] =	vst v9  }
0x254: {  	s2 =	simm.s32 $0x1D358;
	s17 =	rddreg [dreg:$0xe];
	[tilespmem:$0x1D398] =	vst v10  }
0x255: {  	[spmem:s16] =	stream.indirect.scatter.add.f32 [tilespmem:s28], [sflag:$0xA], $0x88, s2, s10, $0xb8;
	[tilespmem:$0x1FE28] =	vst v63  }
0x256: {  	s2 =	sadd.s32 s14, s17  }
0x257: {  	s30 =	smov.u32 s0;
	s16 =	simm.s32 $0x0;
	s1 =	sshrl.u32 s2, $0x3  }
0x258: {  	s17 =	simm.s32 $0x1CD68;
	s2 =	sshll.u32 s2, $0x1;
	s1 =	sadd.s32 s0, s1  }
0x259: {  	[tilespmem:s17], [sflag:$0x6] =	stream.linear.gather [hbm4b:s1+s16], $0x50, $0x38;
	[tilespmem:$0x1FE28] =	vst v63  }
0x25a: {  	s0 =	simm.s32 $0x1CDB8;
	s2 =	sand.u32 $0x1FFFFFE0, s2;
	s14 =	sadd.s32 $0x9C40, s1  }
0x25b: {  	[tilespmem:s0], [sflag:$0x7] =	stream.linear.gather [hbm4b:s14+s16], $0x50, $0x38;
	[tilespmem:$0x1FE28] =	vst v63  }
0x25c: {  	s2 =	sadd.s32 s9, s2  }
0x25d: {  	[tilespmem:s4], [sflag:$0x8] =	stream.linear.gather [hbm4b:s2+s16], $0x500, $0x38;
	[tilespmem:$0x1FE28] =	vst v63  }
0x25e: {  	v6 =	vld [tilespmem:$0x19A28]  }
0x25f: {  	v7 =	vld [tilespmem:$0x19A78];
	_ =	sdelay $0x6  }
0x260: {  	v6 =	vld.idx.msk [tilespmem:v6+s16+$0x0], $0xffff  }
0x261: {  	v7 =	vld.idx.msk [tilespmem:v7+s13+$0x0], $0xffff;
	_ =	sdelay $0x1  }
0x262: {  	v8 =	vld.idx.msk [tilespmem:v1+s18+$0x0], $0xffff;
	_ =	sdelay $0x2  }
0x263: {  	v6 =	vadd.f32 v7, v6;
	_ =	sdelay $0x1  }
0x264: {  	v6 =	vadd.f32 v6, v8;
	_ =	sdelay $0x1  }
0x265: {  	v7 =	vmul.f32 $9.999999770e-03, v6  }
0x266: {  	vm1 =	vgt.f32 v6, $0.0e+00  }
0x267: {  	v6 =	vsel vm1, v6, v7  }
0x268: {  	v6 =	vmul.f32 $1.442695020e+00, v6;
	_ =	sdelay $0x1  }
0x269: {  	(erf) = vpow2.f32 v6;
	_ =	sdelay $0x2  }
0x26a: {  	v6 =	vld [tilespmem:$0x19A38]  }
0x26b: {  	v7 =	vld [tilespmem:$0x19A88];
	_ =	sdelay $0x4  }
0x26c: {  	v8 =	vpop (erf)  }
0x26d: {  	[tilespmem:$0x19FC8] =	vst v8  }
0x26e: {  	v6 =	vld.idx.msk [tilespmem:v6+s16+$0x0], $0xffff  }
0x26f: {  	v7 =	vld.idx.msk [tilespmem:v7+s13+$0x0], $0xffff;
	_ =	sdelay $0x1  }
0x270: {  	v8 =	vld.idx.msk [tilespmem:v2+s18+$0x0], $0xffff;
	_ =	sdelay $0x2  }
0x271: {  	v6 =	vadd.f32 v7, v6;
	_ =	sdelay $0x1  }
0x272: {  	v6 =	vadd.f32 v6, v8;
	_ =	sdelay $0x1  }
0x273: {  	v7 =	vmul.f32 $9.999999770e-03, v6  }
0x274: {  	vm1 =	vgt.f32 v6, $0.0e+00  }
0x275: {  	v6 =	vsel vm1, v6, v7  }
0x276: {  	v6 =	vmul.f32 $1.442695020e+00, v6;
	_ =	sdelay $0x1  }
0x277: {  	(erf) = vpow2.f32 v6;
	_ =	sdelay $0x2  }
0x278: {  	v6 =	vld [tilespmem:$0x19A48]  }
0x279: {  	v7 =	vld [tilespmem:$0x19A98];
	_ =	sdelay $0x4  }
0x27a: {  	v8 =	vpop (erf)  }
0x27b: {  	[tilespmem:$0x19FD8] =	vst v8  }
0x27c: {  	v6 =	vld.idx.msk [tilespmem:v6+s16+$0x0], $0xffff  }
0x27d: {  	v7 =	vld.idx.msk [tilespmem:v7+s13+$0x0], $0xffff;
	_ =	sdelay $0x1  }
0x27e: {  	v8 =	vld.idx.msk [tilespmem:v3+s18+$0x0], $0xffff;
	_ =	sdelay $0x2  }
0x27f: {  	v6 =	vadd.f32 v7, v6;
	_ =	sdelay $0x1  }
0x280: {  	v6 =	vadd.f32 v6, v8;
	_ =	sdelay $0x1  }
0x281: {  	v7 =	vmul.f32 $9.999999770e-03, v6  }
0x282: {  	vm1 =	vgt.f32 v6, $0.0e+00  }
0x283: {  	v6 =	vsel vm1, v6, v7  }
0x284: {  	v6 =	vmul.f32 $1.442695020e+00, v6;
	_ =	sdelay $0x1  }
0x285: {  	(erf) = vpow2.f32 v6;
	_ =	sdelay $0x2  }
0x286: {  	v6 =	vld [tilespmem:$0x19A58]  }
0x287: {  	v7 =	vld [tilespmem:$0x19AA8];
	_ =	sdelay $0x4  }
0x288: {  	v8 =	vpop (erf)  }
0x289: {  	[tilespmem:$0x19FE8] =	vst v8  }
0x28a: {  	v6 =	vld.idx.msk [tilespmem:v6+s16+$0x0], $0xffff  }
0x28b: {  	v7 =	vld.idx.msk [tilespmem:v7+s13+$0x0], $0xffff;
	_ =	sdelay $0x1  }
0x28c: {  	v8 =	vld.idx.msk [tilespmem:v4+s18+$0x0], $0xffff;
	_ =	sdelay $0x2  }
0x28d: {  	v6 =	vadd.f32 v7, v6;
	_ =	sdelay $0x1  }
0x28e: {  	v6 =	vadd.f32 v6, v8;
	_ =	sdelay $0x1  }
0x28f: {  	v7 =	vmul.f32 $9.999999770e-03, v6  }
0x290: {  	vm1 =	vgt.f32 v6, $0.0e+00  }
0x291: {  	v6 =	vsel vm1, v6, v7  }
0x292: {  	v6 =	vmul.f32 $1.442695020e+00, v6;
	_ =	sdelay $0x1  }
0x293: {  	(erf) = vpow2.f32 v6;
	_ =	sdelay $0x2  }
0x294: {  	v6 =	vld [tilespmem:$0x19A68]  }
0x295: {  	v7 =	vld [tilespmem:$0x19AB8];
	_ =	sdelay $0x4  }
0x296: {  	v8 =	vpop (erf)  }
0x297: {  	[tilespmem:$0x19FF8] =	vst v8  }
0x298: {  	v6 =	vld.idx.msk [tilespmem:v6+s16+$0x0], $0xffff  }
0x299: {  	v7 =	vld.idx.msk [tilespmem:v7+s13+$0x0], $0xffff;
	_ =	sdelay $0x1  }
0x29a: {  	v8 =	vld.idx.msk [tilespmem:v5+s18+$0x0], $0xffff;
	_ =	sdelay $0x2  }
0x29b: {  	v6 =	vadd.f32 v7, v6;
	_ =	sdelay $0x1  }
0x29c: {  	v6 =	vadd.f32 v6, v8;
	_ =	sdelay $0x1  }
0x29d: {  	v7 =	vmul.f32 $9.999999770e-03, v6  }
0x29e: {  	vm1 =	vgt.f32 v6, $0.0e+00  }
0x29f: {  	v6 =	vsel vm1, v6, v7  }
0x2a0: {  	v6 =	vmul.f32 $1.442695020e+00, v6;
	_ =	sdelay $0x1  }
0x2a1: {  	(erf) = vpow2.f32 v6;
	_ =	sdelay $0x8  }
0x2a2: {  	v6 =	vpop (erf)  }
0x2a3: {  	[tilespmem:$0x1A008] =	vst v6  }
0x2a4: {  	_ =	swait.ge [sflag:s11], $0x2A80  }
0x2a5: {  	[sflag:s11] =	ssyncset.done $0x0  }
0x2a6: {  	[sflag:s11] =	ssyncadd.s32 $0xFFFFD580  }
0x2a7: {  	_ =	swait.ge [sflag:s3], $0x2A80  }
0x2a8: {  	[sflag:s3] =	ssyncset.done $0x0  }
0x2a9: {  	[sflag:s3] =	ssyncadd.s32 $0xFFFFD580  }
0x2aa: {  	_ =	swait.ge [sflag:s24], $0x50  }
0x2ab: {  	[sflag:s24] =	ssyncset.done $0x0  }
0x2ac: {  	s14 =	simm.s32 $0x1;
	[sflag:s24] =	ssyncadd.s32 $0xFFFFFFB0  }
0x2ad: {  	v7 =	vmov s14;
	v6 =	vmov s16;
	_ =	swait.ge [sflag:s25], $0x50  }
0x2ae: {  	s17 =	simm.s32 $0x2;
	v7 =	vand.u32 $0xFFFFFFFD, v7;
	s16 =	simm.s32 $0x3;
	v6 =	vand.u32 $0xFFFFFFFC, v6;
	[sflag:s25] =	ssyncset.done $0x0  }
0x2af: {  	v8 =	vmov s16;
	v9 =	vbroadcast v6, $0x0;
	v6 =	vmov s17;
	[sflag:s25] =	ssyncadd.s32 $0xFFFFFFB0  }
0x2b0: {  	v7 =	vbroadcast v7, $0x0;
	v6 =	vand.u32 $0xFFFFFFFE, v6;
	_ =	swait.ge [sflag:s26], $0x500  }
0x2b1: {  	v10 =	vbroadcast v6, $0x0;
	[sflag:s26] =	ssyncset.done $0x0  }
0x2b2: {  	[sflag:s26] =	ssyncadd.s32 $0xFFFFFB00  }
0x2b3: {  	[tilespmem:s28], [sflag:$0x9] =	stream.indirect.gather [hbm4b:s5+s10], $0x88, s0, s10, $0xb8;
	[tilespmem:$0x1FE28] =	vst v63  }
0x2b4: {  	v6 =	vld.idx.msk [tilespmem:v8+s29+$0x0], $0xffff  }
0x2b5: {  	v8 =	vld.idx.msk [tilespmem:v9+s29+$0x0], $0xffff  }
0x2b6: {  	v9 =	vld.idx.msk [tilespmem:v7+s29+$0x0], $0xffff  }
0x2b7: {  	s14 =	simm.s32 $0x1A3F8;
	v7 =	vld.idx.msk [tilespmem:v10+s29+$0x0], $0xffff  }
0x2b8: {  	v10 =	vld [tilespmem:s14+$0x70]  }
0x2b9: {  	v11 =	vld [tilespmem:s14+$0xFFFFFF60]  }
0x2ba: {  	v12 =	vld [tilespmem:s14+$0xF8]  }
0x2bb: {  	v13 =	vld [tilespmem:s14+$0xFFFFFFF0]  }
0x2bc: {  	v14 =	vld [tilespmem:s14+$0xFFFFFEF0]  }
0x2bd: {  	v15 =	vld [tilespmem:s14+$0xFFFFFF00]  }
0x2be: {  	v10 =	vmul.f32 v10, v7  }
0x2bf: {  	v16 =	vld [tilespmem:s14+$0xFFFFFF10];
	v11 =	vmul.f32 v11, v8  }
0x2c0: {  	v17 =	vld [tilespmem:s14+$0xFFFFFF20];
	[tilespmem:s14+$0x70] =	vst v10  }
0x2c1: {  	v18 =	vmul.f32 v13, v9;
	v10 =	vmul.f32 v12, v6;
	[tilespmem:s14+$0xFFFFFF60] =	vst v11;
	v11 =	vld [tilespmem:s14+$0x78]  }
0x2c2: {  	v15 =	vmul.f32 v15, v8;
	v12 =	vmul.f32 v14, v8;
	v14 =	vld [tilespmem:s14+$0xFFFFFF68]  }
0x2c3: {  	[tilespmem:s14+$0xF8] =	vst v10;
	v10 =	vld [tilespmem:s14+$0xFFFFFF30]  }
0x2c4: {  	v13 =	vsel vm0, v13, v18;
	[tilespmem:s14+$0xFFFFFF00] =	vst v15;
	v19 =	vld [tilespmem:s14+$0x100]  }
0x2c5: {  	v20 =	vld [tilespmem:s14+$0xFFFFFF88];
	v15 =	vmul.f32 v16, v8;
	[tilespmem:s14+$0xFFFFFFF0] =	vst v13  }
0x2c6: {  	v16 =	vmul.f32 v17, v8;
	[tilespmem:s14+$0xFFFFFEF0] =	vst v12;
	v12 =	vld [tilespmem:s14+$0xFFFFFF40];
	v17 =	vmul.f32 v11, v7  }
0x2c7: {  	v18 =	vld [tilespmem:s14+$0xFFFFFF78];
	[tilespmem:s14+$0xFFFFFF10] =	vst v15;
	v15 =	vmul.f32 v14, v8  }
0x2c8: {  	v13 =	vld [tilespmem:s14+$0xFFFFFF50];
	[tilespmem:s14+$0xFFFFFF20] =	vst v16;
	v11 =	vsel vm0, v11, v17  }
0x2c9: {  	v10 =	vmul.f32 v10, v8;
	v16 =	vmul.f32 v19, v6;
	v17 =	vld [tilespmem:s14+$0xFFFFFF98];
	v14 =	vsel vm0, v14, v15;
	[tilespmem:s14+$0x78] =	vst v11  }
0x2ca: {  	v11 =	vld [tilespmem:s14+$0xFFFFFFA8];
	[tilespmem:s14+$0xFFFFFF68] =	vst v14  }
0x2cb: {  	v12 =	vmul.f32 v12, v8;
	v15 =	vld [tilespmem:s14+$0xFFFFFFB8];
	[tilespmem:s14+$0xFFFFFF30] =	vst v10;
	v14 =	vsel vm0, v19, v16  }
0x2cc: {  	v16 =	vld [tilespmem:s14+$0xFFFFFFC8];
	[tilespmem:s14+$0x100] =	vst v14;
	v14 =	vmul.f32 v18, v9  }
0x2cd: {  	v10 =	vld [tilespmem:s14+$0xFFFFFFD8];
	[tilespmem:s14+$0xFFFFFF40] =	vst v12;
	v18 =	vmul.f32 v20, v9  }
0x2ce: {  	[tilespmem:s14+$0xFFFFFF78] =	vst v14;
	v12 =	vmul.f32 v17, v9;
	v14 =	vld [tilespmem:s14+$0xFFFFFFE8]  }
0x2cf: {  	[tilespmem:s14+$0xFFFFFF88] =	vst v18;
	v17 =	vld [tilespmem:s14+$0x0];
	v11 =	vmul.f32 v11, v9  }
0x2d0: {  	[tilespmem:s14+$0xFFFFFF98] =	vst v12;
	v12 =	vmul.f32 v15, v9;
	v15 =	vld [tilespmem:s14+$0x10]  }
0x2d1: {  	[tilespmem:s14+$0xFFFFFFA8] =	vst v11;
	v11 =	vmul.f32 v16, v9;
	v16 =	vld [tilespmem:s14+$0x20]  }
0x2d2: {  	v19 =	vld [tilespmem:s14+$0x30];
	[tilespmem:s14+$0xFFFFFFB8] =	vst v12;
	v12 =	vmul.f32 v10, v9  }
0x2d3: {  	v10 =	vld [tilespmem:s14+$0x40];
	[tilespmem:s14+$0xFFFFFFC8] =	vst v11;
	v11 =	vmul.f32 v14, v9  }
0x2d4: {  	s2 =	simm.s32 $0x4;
	s16 =	simm.s32 $0x5;
	v14 =	vmul.f32 v17, v7;
	v9 =	vld [tilespmem:s14+$0x50];
	[tilespmem:s14+$0xFFFFFFD8] =	vst v12  }
0x2d5: {  	v63 =	vmov s16;
	v17 =	vmov s2;
	v12 =	vld [tilespmem:s14+$0x60];
	[tilespmem:s14+$0xFFFFFFE8] =	vst v11;
	v20 =	vmul.f32 v15, v7  }
0x2d6: {  	s17 =	simm.s32 $0x7;
	v8 =	vmul.f32 v13, v8;
	v13 =	vld [tilespmem:s14+$0x88];
	v18 =	vand.u32 $0xFFFFFFFC, v17;
	[tilespmem:s14+$0x0] =	vst v14;
	v15 =	vmul.f32 v16, v7  }
0x2d7: {  	s1 =	simm.s32 $0x1A3F8;
	s16 =	simm.s32 $0x8;
	v17 =	vand.u32 $0xFFFFFFFD, v63;
	v11 =	vmov s17;
	s17 =	simm.s32 $0x6;
	v14 =	vld [tilespmem:s14+$0x98];
	v16 =	vmul.f32 v19, v7;
	[tilespmem:s14+$0x10] =	vst v20  }
.LBB2_9:
0x2d8: {  	p0 =	slt.u32 s16, $0x4C;
	v18 =	vbroadcast v18, $0x0;
	v19 =	vmov s17;
	[tilespmem:s14+$0x20] =	vst v15;
	v10 =	vmul.f32 v10, v7;
	v15 =	vld [tilespmem:s14+$0xA8]  }
0x2d9: {  	v17 =	vbroadcast v17, $0x0;
	v19 =	vand.u32 $0xFFFFFFFE, v19;
	[tilespmem:s14+$0x30] =	vst v16;
	v9 =	vmul.f32 v9, v7;
	v16 =	vld [tilespmem:s14+$0xB8]  }
0x2da: {  	v19 =	vbroadcast v19, $0x0;
	[tilespmem:s14+$0x40] =	vst v10;
	v7 =	vmul.f32 v12, v7;
	v10 =	vld [tilespmem:s14+$0xC8]  }
0x2db: {  	[tilespmem:s14+$0x50] =	vst v9;
	v9 =	vmul.f32 v13, v6;
	v12 =	vld [tilespmem:s14+$0xD8]  }
0x2dc: {  	[tilespmem:s14+$0x60] =	vst v7;
	v7 =	vmul.f32 v14, v6;
	v13 =	vld [tilespmem:s14+$0xE8]  }
0x2dd: {  	v11 =	vld.idx.msk [tilespmem:v11+s29+$0x0], $0xffff;
	[tilespmem:s14+$0xFFFFFF50] =	vst v8;
	v8 =	vmul.f32 v15, v6  }
0x2de: {  	v14 =	vld.idx.msk [tilespmem:v18+s29+$0x0], $0xffff;
	[tilespmem:s14+$0x88] =	vst v9;
	v9 =	vmul.f32 v16, v6  }
0x2df: {  	v15 =	vld.idx.msk [tilespmem:v17+s29+$0x0], $0xffff;
	[tilespmem:s14+$0x98] =	vst v7;
	v10 =	vmul.f32 v10, v6  }
0x2e0: {  	s14 =	sadd.s32 $0x220, s14;
	v7 =	vld.idx.msk [tilespmem:v19+s29+$0x0], $0xffff;
	[tilespmem:s1+$0xA8] =	vst v8;
	v8 =	vmul.f32 v12, v6  }
0x2e1: {  	v12 =	vld [tilespmem:s14+$0x70];
	[tilespmem:s1+$0xB8] =	vst v9;
	v9 =	vmul.f32 v13, v6  }
0x2e2: {  	v13 =	vld [tilespmem:s14+$0xFFFFFF60];
	[tilespmem:s1+$0xC8] =	vst v10  }
0x2e3: {  	v6 =	vmov v11;
	v10 =	vld [tilespmem:s14+$0xF8];
	[tilespmem:s1+$0xD8] =	vst v8  }
0x2e4: {  	v8 =	vld [tilespmem:s14+$0xFFFFFFF0];
	[tilespmem:s1+$0xE8] =	vst v9;
	s1 =	smov.u32 s14  }
0x2e5: {  	v9 =	vld [tilespmem:s14+$0xFFFFFEF0]  }
0x2e6: {  	v11 =	vld [tilespmem:s14+$0xFFFFFF00];
	v12 =	vmul.f32 v12, v7  }
0x2e7: {  	v16 =	vld [tilespmem:s14+$0xFFFFFF10];
	v13 =	vmul.f32 v13, v14  }
0x2e8: {  	v17 =	vld [tilespmem:s14+$0xFFFFFF20];
	[tilespmem:s14+$0x70] =	vst v12;
	v10 =	vmul.f32 v10, v6  }
0x2e9: {  	[tilespmem:s14+$0xFFFFFF60] =	vst v13;
	v12 =	vmul.f32 v8, v15;
	v13 =	vld [tilespmem:s14+$0x78]  }
0x2ea: {  	v9 =	vmul.f32 v9, v14;
	v18 =	vld [tilespmem:s14+$0xFFFFFF68];
	[tilespmem:s14+$0xF8] =	vst v10  }
0x2eb: {  	v10 =	vmul.f32 v11, v14;
	v8 =	vsel vm0, v8, v12;
	v11 =	vld [tilespmem:s14+$0x100]  }
0x2ec: {  	v12 =	vmul.f32 v16, v14;
	v16 =	vld [tilespmem:s14+$0xFFFFFF30];
	[tilespmem:s14+$0xFFFFFFF0] =	vst v8  }
0x2ed: {  	[tilespmem:s14+$0xFFFFFEF0] =	vst v9;
	v8 =	vmul.f32 v17, v14;
	v9 =	vld [tilespmem:s14+$0xFFFFFF40]  }
0x2ee: {  	[tilespmem:s14+$0xFFFFFF00] =	vst v10;
	v10 =	vld [tilespmem:s14+$0xFFFFFF50];
	v17 =	vmul.f32 v13, v7  }
0x2ef: {  	[tilespmem:s14+$0xFFFFFF10] =	vst v12;
	v12 =	vmul.f32 v18, v14;
	v19 =	vld [tilespmem:s14+$0xFFFFFF78]  }
0x2f0: {  	[tilespmem:s14+$0xFFFFFF20] =	vst v8;
	v20 =	vld [tilespmem:s14+$0xFFFFFF88];
	v8 =	vsel vm0, v13, v17;
	v13 =	vmul.f32 v11, v6  }
0x2f1: {  	v16 =	vmul.f32 v16, v14;
	v12 =	vsel vm0, v18, v12;
	v17 =	vld [tilespmem:s14+$0xFFFFFF98];
	[tilespmem:s14+$0x78] =	vst v8  }
0x2f2: {  	v9 =	vmul.f32 v9, v14;
	[tilespmem:s14+$0xFFFFFF68] =	vst v12;
	v12 =	vld [tilespmem:s14+$0xFFFFFFA8];
	v11 =	vsel vm0, v11, v13  }
0x2f3: {  	v8 =	vmul.f32 v10, v14;
	v10 =	vld [tilespmem:s14+$0xFFFFFFB8];
	[tilespmem:s14+$0x100] =	vst v11  }
0x2f4: {  	[tilespmem:s14+$0xFFFFFF30] =	vst v16;
	v11 =	vmul.f32 v19, v15;
	v13 =	vld [tilespmem:s14+$0xFFFFFFC8]  }
0x2f5: {  	[tilespmem:s14+$0xFFFFFF40] =	vst v9;
	v9 =	vmul.f32 v20, v15;
	v14 =	vld [tilespmem:s14+$0xFFFFFFD8]  }
0x2f6: {  	[tilespmem:s14+$0xFFFFFF78] =	vst v11;
	v11 =	vmul.f32 v17, v15;
	v16 =	vld [tilespmem:s14+$0xFFFFFFE8]  }
0x2f7: {  	[tilespmem:s14+$0xFFFFFF88] =	vst v9;
	v9 =	vmul.f32 v12, v15;
	v12 =	vld [tilespmem:s14+$0x0]  }
0x2f8: {  	[tilespmem:s14+$0xFFFFFF98] =	vst v11;
	v10 =	vmul.f32 v10, v15;
	v11 =	vld [tilespmem:s14+$0x10]  }
0x2f9: {  	[tilespmem:s14+$0xFFFFFFA8] =	vst v9;
	v9 =	vmul.f32 v13, v15;
	v13 =	vld [tilespmem:s14+$0x20]  }
0x2fa: {  	[tilespmem:s14+$0xFFFFFFB8] =	vst v10;
	v14 =	vmul.f32 v14, v15;
	v19 =	vld [tilespmem:s14+$0x30]  }
.Ltmp3:
0x2fb: {  	[tilespmem:s14+$0xFFFFFFC8] =	vst v9;
	v15 =	vmul.f32 v16, v15;
	v10 =	vld [tilespmem:s14+$0x40];
	(pc) =	sbr.rel @p0 .LBB2_9-.Ltmp3, $4  }
0x2fc: {  	[tilespmem:s14+$0xFFFFFFD8] =	vst v14;
	v14 =	vmul.f32 v12, v7;
	v9 =	vld [tilespmem:s14+$0x50]  }
0x2fd: {  	s2 =	sadd.s32 $0x1, s16;
	s17 =	sadd.s32 $0x3, s16;
	v16 =	vmov s16;
	[tilespmem:s14+$0xFFFFFFE8] =	vst v15;
	v20 =	vmul.f32 v11, v7;
	v12 =	vld [tilespmem:s14+$0x60]  }
0x2fe: {  	v17 =	vmov s2;
	v11 =	vmov s17;
	[tilespmem:s14+$0x0] =	vst v14;
	v15 =	vmul.f32 v13, v7;
	v13 =	vld [tilespmem:s14+$0x88]  }
0x2ff: {  	v17 =	vand.u32 $0xFFFFFFFD, v17;
	v18 =	vand.u32 $0xFFFFFFFC, v16;
	s17 =	sadd.s32 $0x2, s16;
	s16 =	sadd.s32 $0x4, s16;
	[tilespmem:s14+$0x10] =	vst v20;
	v16 =	vmul.f32 v19, v7;
	v14 =	vld [tilespmem:s14+$0x98]  }
0x300: {  	v20 =	vld [tilespmem:s14+$0xA8]  }
0x301: {  	v21 =	vld [tilespmem:s14+$0xB8]  }
0x302: {  	v22 =	vld [tilespmem:s14+$0xC8]  }
0x303: {  	v23 =	vld [tilespmem:s14+$0xD8]  }
0x304: {  	v18 =	vbroadcast v18, $0x0;
	[tilespmem:s14+$0x20] =	vst v15;
	v44 =	vld [tilespmem:s14+$0xE8]  }
0x305: {  	v10 =	vmul.f32 v10, v7;
	s16 =	sadd.s32 $0x220, s14;
	[tilespmem:s14+$0xFFFFFF50] =	vst v8;
	v45 =	vmul.f32 v9, v7;
	v9 =	vld.idx.msk [tilespmem:v11+s29+$0x0], $0xffff  }
0x306: {  	[tilespmem:s14+$0x30] =	vst v16;
	v48 =	vld [tilespmem:s16+$0x70]  }
0x307: {  	v50 =	vld [tilespmem:s16+$0xFFFFFF60];
	[tilespmem:s14+$0x40] =	vst v10;
	v7 =	vmul.f32 v12, v7  }
0x308: {  	v52 =	vld [tilespmem:s16+$0xF8];
	[tilespmem:s14+$0x50] =	vst v45;
	v46 =	vmul.f32 v13, v6  }
0x309: {  	v54 =	vld [tilespmem:s16+$0xFFFFFFF0];
	[tilespmem:s14+$0x60] =	vst v7;
	v47 =	vmul.f32 v14, v6  }
0x30a: {  	v56 =	vld [tilespmem:s16+$0xFFFFFEF0];
	v49 =	vmul.f32 v20, v6;
	[tilespmem:s14+$0x88] =	vst v46  }
0x30b: {  	v17 =	vbroadcast v17, $0x0;
	v51 =	vmul.f32 v21, v6;
	v10 =	vld.idx.msk [tilespmem:v18+s29+$0x0], $0xffff;
	[tilespmem:s14+$0x98] =	vst v47  }
0x30c: {  	v57 =	vld [tilespmem:s16+$0xFFFFFF00];
	v53 =	vmul.f32 v22, v6;
	[tilespmem:s1+$0xA8] =	vst v49  }
0x30d: {  	v58 =	vld [tilespmem:s16+$0xFFFFFF10];
	v55 =	vmul.f32 v23, v6;
	[tilespmem:s1+$0xB8] =	vst v51  }
0x30e: {  	v24 =	vld [tilespmem:s16+$0xFFFFFF30];
	v6 =	vmul.f32 v44, v6;
	[tilespmem:s1+$0xC8] =	vst v53  }
0x30f: {  	v25 =	vld [tilespmem:s16+$0xFFFFFF40];
	v60 =	vmul.f32 v52, v9;
	[tilespmem:s1+$0xD8] =	vst v55  }
0x310: {  	v19 =	vmov s17;
	v28 =	vld [tilespmem:s16+$0xFFFFFF78];
	[tilespmem:s1+$0xE8] =	vst v6;
	v12 =	vmul.f32 v50, v10  }
0x311: {  	v19 =	vand.u32 $0xFFFFFFFE, v19;
	v11 =	vld.idx.msk [tilespmem:v17+s29+$0x0], $0xffff;
	[tilespmem:s16+$0xF8] =	vst v60;
	v6 =	vmul.f32 v56, v10  }
0x312: {  	v30 =	vld [tilespmem:s16+$0xFFFFFF98];
	v19 =	vbroadcast v19, $0x0;
	v22 =	vmul.f32 v57, v10;
	[tilespmem:s16+$0xFFFFFF60] =	vst v12  }
0x313: {  	v34 =	vld [tilespmem:s16+$0xFFFFFFB8];
	v23 =	vmul.f32 v58, v10;
	[tilespmem:s16+$0xFFFFFEF0] =	vst v6  }
0x314: {  	v59 =	vld [tilespmem:s16+$0xFFFFFF20];
	v31 =	vmul.f32 v24, v10;
	[tilespmem:s16+$0xFFFFFF00] =	vst v22  }
0x315: {  	v37 =	vld [tilespmem:s16+$0xFFFFFFD8];
	v33 =	vmul.f32 v25, v10;
	[tilespmem:s16+$0xFFFFFF10] =	vst v23  }
0x316: {  	v43 =	vld [tilespmem:s16+$0x20];
	v35 =	vmul.f32 v28, v11;
	[tilespmem:s16+$0xFFFFFF30] =	vst v31  }
0x317: {  	v49 =	vld [tilespmem:s16+$0xFFFFFF50];
	v38 =	vmul.f32 v30, v11;
	[tilespmem:s16+$0xFFFFFF40] =	vst v33  }
0x318: {  	v7 =	vld.idx.msk [tilespmem:v19+s29+$0x0], $0xffff;
	v41 =	vmul.f32 v34, v11;
	[tilespmem:s16+$0xFFFFFF78] =	vst v35  }
0x319: {  	v46 =	vld [tilespmem:s16+$0x40];
	v6 =	vmul.f32 v59, v10;
	[tilespmem:s16+$0xFFFFFF98] =	vst v38  }
0x31a: {  	v21 =	vld [tilespmem:s16+$0x100];
	v61 =	vmul.f32 v54, v11;
	v44 =	vmul.f32 v37, v11;
	[tilespmem:s16+$0xFFFFFFB8] =	vst v41  }
0x31b: {  	[tilespmem:s16+$0xFFFFFF20] =	vst v6;
	v6 =	vld [tilespmem:s16+$0xFFFFFF88]  }
0x31c: {  	v32 =	vld [tilespmem:s16+$0xFFFFFFA8];
	v56 =	vmul.f32 v49, v10;
	v20 =	vsel vm0, v54, v61;
	[tilespmem:s16+$0xFFFFFFD8] =	vst v44  }
0x31d: {  	v36 =	vld [tilespmem:s16+$0xFFFFFFC8];
	v8 =	vmul.f32 v48, v7;
	[tilespmem:s16+$0xFFFFFFF0] =	vst v20  }
0x31e: {  	v58 =	vld [tilespmem:s16+$0xD8];
	v50 =	vmul.f32 v43, v7;
	[tilespmem:s16+$0xFFFFFF50] =	vst v56  }
0x31f: {  	v39 =	vld [tilespmem:s16+$0xFFFFFFE8];
	v53 =	vmul.f32 v46, v7;
	[tilespmem:s16+$0x70] =	vst v8  }
0x320: {  	v54 =	vld [tilespmem:s16+$0xA8];
	v29 =	vmul.f32 v21, v9;
	[tilespmem:s16+$0x20] =	vst v50;
	v6 =	vmul.f32 v6, v11  }
0x321: {  	v63 =	vld [tilespmem:s16+$0xFFFFFF68];
	[tilespmem:s16+$0x40] =	vst v53  }
0x322: {  	v42 =	vld [tilespmem:s16+$0x10];
	v12 =	vsel vm0, v21, v29;
	[tilespmem:s16+$0xFFFFFF88] =	vst v6;
	v6 =	vmul.f32 v32, v11  }
0x323: {  	v62 =	vld [tilespmem:s16+$0x78];
	v61 =	vmul.f32 v58, v9;
	[tilespmem:s16+$0x100] =	vst v12  }
0x324: {  	[tilespmem:s16+$0xFFFFFFA8] =	vst v6;
	v6 =	vmul.f32 v36, v11  }
0x325: {  	v45 =	vld [tilespmem:s16+$0x30];
	v60 =	vmul.f32 v54, v9;
	[tilespmem:s16+$0xD8] =	vst v61  }
0x326: {  	v40 =	vld [tilespmem:s16+$0x0];
	v27 =	vmul.f32 v63, v10;
	[tilespmem:s16+$0xFFFFFFC8] =	vst v6;
	v6 =	vmul.f32 v39, v11  }
0x327: {  	v47 =	vld [tilespmem:s16+$0x50];
	[tilespmem:s16+$0xA8] =	vst v60  }
0x328: {  	v48 =	vld [tilespmem:s16+$0x60];
	v26 =	vmul.f32 v62, v7;
	v8 =	vsel vm0, v63, v27;
	[tilespmem:s16+$0xFFFFFFE8] =	vst v6;
	v6 =	vmul.f32 v42, v7  }
0x329: {  	v51 =	vld [tilespmem:s16+$0x88];
	[tilespmem:s16+$0xFFFFFF68] =	vst v8  }
0x32a: {  	v52 =	vld [tilespmem:s16+$0x98];
	v13 =	vsel vm0, v62, v26;
	[tilespmem:s16+$0x10] =	vst v6;
	v6 =	vmul.f32 v45, v7  }
0x32b: {  	v55 =	vld [tilespmem:s16+$0xB8];
	v8 =	vmul.f32 v40, v7;
	[tilespmem:s16+$0x78] =	vst v13  }
0x32c: {  	v57 =	vld [tilespmem:s16+$0xC8];
	[tilespmem:s16+$0x30] =	vst v6;
	v6 =	vmul.f32 v47, v7  }
0x32d: {  	v59 =	vld [tilespmem:s16+$0xE8];
	[tilespmem:s16+$0x0] =	vst v8;
	v7 =	vmul.f32 v48, v7  }
0x32e: {  	[tilespmem:s16+$0x50] =	vst v6;
	v6 =	vmul.f32 v51, v9  }
0x32f: {  	[tilespmem:s16+$0x60] =	vst v7;
	v7 =	vmul.f32 v52, v9  }
0x330: {  	[tilespmem:s16+$0x88] =	vst v6;
	v6 =	vmul.f32 v55, v9  }
0x331: {  	[tilespmem:s16+$0x98] =	vst v7;
	v7 =	vmul.f32 v57, v9  }
0x332: {  	[tilespmem:s16+$0xB8] =	vst v6;
	v6 =	vmul.f32 v59, v9  }
0x333: {  	[tilespmem:s16+$0xC8] =	vst v7  }
0x334: {  	[tilespmem:s16+$0xE8] =	vst v6  }
0x335: {  	v6 =	vld [tilespmem:$0x19A28]  }
0x336: {  	v7 =	vld [tilespmem:$0x19A38]  }
0x337: {  	v8 =	vld [tilespmem:$0x19A48]  }
0x338: {  	v62 =	vld [tilespmem:$0x19A58]  }
0x339: {  	s21 =	sadd.s32 $0x1, s21;
	v63 =	vld [tilespmem:$0x19A68]  }
0x33a: {  	p0 =	sne.s32 s21, $0x3D;
	[tilespmem:$0x1A018] =	vst v6  }
.Ltmp4:
0x33b: {  	[tilespmem:$0x1A028] =	vst v7;
	(pc) =	sbr.rel @p0 .LBB2_6-.Ltmp4, $4  }
0x33c: {  	[tilespmem:$0x1A038] =	vst v8  }
0x33d: {  	[tilespmem:$0x1A048] =	vst v62  }
0x33e: {  	s0 =	rddreg [dreg:$0x2];
	s17 =	simm.s32 $0x1A018;
	[tilespmem:$0x1A058] =	vst v63  }
0x33f: {  	[spmem:s0] =	stream.indirect.scatter.add.f32 [tilespmem:s6], [sflag:$0x5], $0x88, s17, s10, $0xb8;
	[tilespmem:$0x1FE28] =	vst v63  }
0x340: {  	s0 =	rddreg [dreg:$0xf]  }
0x341: {  	s1 =	simm.s32 $0x0;
	s2 =	simm.s32 $0x19A28;
	s16 =	sld [smem:$0x7F5]  }
0x342: {  	[tilespmem:s2], [sflag:$0x1] =	stream.linear.gather [hbm4b:s0+s1], $0x50, $0x38;
	[tilespmem:$0x1FE28] =	vst v63  }
0x343: {  	_ = 	snop  }
0x344: {  	[tilespmem:s15], [sflag:$0x2] =	stream.linear.gather [hbm4b:s16+s1], $0x50, $0x38;
	[tilespmem:$0x1FE28] =	vst v63  }
0x345: {  	s17 =	rddreg [dreg:$0x10]  }
0x346: {  	[tilespmem:s18], [sflag:$0x3] =	stream.linear.gather [hbm4b:s17+s1], $0x500, $0x38;
	[tilespmem:$0x1FE28] =	vst v63  }
0x347: {  	v6 =	vld [tilespmem:$0x1CD68]  }
0x348: {  	v7 =	vld [tilespmem:$0x1CDB8];
	_ =	sdelay $0x6  }
0x349: {  	v6 =	vld.idx.msk [tilespmem:v6+s1+$0x0], $0xffff  }
0x34a: {  	v7 =	vld.idx.msk [tilespmem:v7+s13+$0x0], $0xffff;
	_ =	sdelay $0x1  }
0x34b: {  	v8 =	vld.idx.msk [tilespmem:v1+s4+$0x0], $0xffff;
	_ =	sdelay $0x2  }
0x34c: {  	v6 =	vadd.f32 v7, v6;
	_ =	sdelay $0x1  }
0x34d: {  	v6 =	vadd.f32 v6, v8;
	_ =	sdelay $0x1  }
0x34e: {  	v7 =	vmul.f32 $9.999999770e-03, v6  }
0x34f: {  	vm1 =	vgt.f32 v6, $0.0e+00  }
0x350: {  	v6 =	vsel vm1, v6, v7  }
0x351: {  	v6 =	vmul.f32 $1.442695020e+00, v6;
	_ =	sdelay $0x1  }
0x352: {  	(erf) = vpow2.f32 v6;
	_ =	sdelay $0x2  }
0x353: {  	v6 =	vld [tilespmem:$0x1CD78]  }
0x354: {  	v7 =	vld [tilespmem:$0x1CDC8];
	_ =	sdelay $0x4  }
0x355: {  	v8 =	vpop (erf)  }
0x356: {  	[tilespmem:$0x1D308] =	vst v8  }
0x357: {  	v6 =	vld.idx.msk [tilespmem:v6+s1+$0x0], $0xffff  }
0x358: {  	v7 =	vld.idx.msk [tilespmem:v7+s13+$0x0], $0xffff;
	_ =	sdelay $0x1  }
0x359: {  	v8 =	vld.idx.msk [tilespmem:v2+s4+$0x0], $0xffff;
	_ =	sdelay $0x2  }
0x35a: {  	v6 =	vadd.f32 v7, v6;
	_ =	sdelay $0x1  }
0x35b: {  	v6 =	vadd.f32 v6, v8;
	_ =	sdelay $0x1  }
0x35c: {  	v7 =	vmul.f32 $9.999999770e-03, v6  }
0x35d: {  	vm1 =	vgt.f32 v6, $0.0e+00  }
0x35e: {  	v6 =	vsel vm1, v6, v7  }
0x35f: {  	v6 =	vmul.f32 $1.442695020e+00, v6;
	_ =	sdelay $0x1  }
0x360: {  	(erf) = vpow2.f32 v6;
	_ =	sdelay $0x2  }
0x361: {  	v6 =	vld [tilespmem:$0x1CD88]  }
0x362: {  	v7 =	vld [tilespmem:$0x1CDD8];
	_ =	sdelay $0x4  }
0x363: {  	v8 =	vpop (erf)  }
0x364: {  	[tilespmem:$0x1D318] =	vst v8  }
0x365: {  	v6 =	vld.idx.msk [tilespmem:v6+s1+$0x0], $0xffff  }
0x366: {  	v7 =	vld.idx.msk [tilespmem:v7+s13+$0x0], $0xffff;
	_ =	sdelay $0x1  }
0x367: {  	v8 =	vld.idx.msk [tilespmem:v3+s4+$0x0], $0xffff;
	_ =	sdelay $0x2  }
0x368: {  	v6 =	vadd.f32 v7, v6;
	_ =	sdelay $0x1  }
0x369: {  	v6 =	vadd.f32 v6, v8;
	_ =	sdelay $0x1  }
0x36a: {  	v7 =	vmul.f32 $9.999999770e-03, v6  }
0x36b: {  	vm1 =	vgt.f32 v6, $0.0e+00  }
0x36c: {  	v6 =	vsel vm1, v6, v7  }
0x36d: {  	v6 =	vmul.f32 $1.442695020e+00, v6;
	_ =	sdelay $0x1  }
0x36e: {  	(erf) = vpow2.f32 v6;
	_ =	sdelay $0x2  }
0x36f: {  	v6 =	vld [tilespmem:$0x1CD98]  }
0x370: {  	v7 =	vld [tilespmem:$0x1CDE8];
	_ =	sdelay $0x4  }
0x371: {  	v8 =	vpop (erf)  }
0x372: {  	[tilespmem:$0x1D328] =	vst v8  }
0x373: {  	v6 =	vld.idx.msk [tilespmem:v6+s1+$0x0], $0xffff  }
0x374: {  	v7 =	vld.idx.msk [tilespmem:v7+s13+$0x0], $0xffff;
	_ =	sdelay $0x1  }
0x375: {  	v8 =	vld.idx.msk [tilespmem:v4+s4+$0x0], $0xffff;
	_ =	sdelay $0x2  }
0x376: {  	v6 =	vadd.f32 v7, v6;
	_ =	sdelay $0x1  }
0x377: {  	v6 =	vadd.f32 v6, v8;
	_ =	sdelay $0x1  }
0x378: {  	v7 =	vmul.f32 $9.999999770e-03, v6  }
0x379: {  	vm1 =	vgt.f32 v6, $0.0e+00  }
0x37a: {  	v6 =	vsel vm1, v6, v7  }
0x37b: {  	v6 =	vmul.f32 $1.442695020e+00, v6;
	_ =	sdelay $0x1  }
0x37c: {  	(erf) = vpow2.f32 v6;
	_ =	sdelay $0x2  }
0x37d: {  	v6 =	vld [tilespmem:$0x1CDA8]  }
0x37e: {  	v7 =	vld [tilespmem:$0x1CDF8];
	_ =	sdelay $0x4  }
0x37f: {  	v8 =	vpop (erf)  }
0x380: {  	[tilespmem:$0x1D338] =	vst v8  }
0x381: {  	v6 =	vld.idx.msk [tilespmem:v6+s1+$0x0], $0xffff  }
0x382: {  	v7 =	vld.idx.msk [tilespmem:v7+s13+$0x0], $0xffff;
	_ =	sdelay $0x1  }
0x383: {  	v8 =	vld.idx.msk [tilespmem:v5+s4+$0x0], $0xffff;
	_ =	sdelay $0x2  }
0x384: {  	v6 =	vadd.f32 v7, v6;
	_ =	sdelay $0x1  }
0x385: {  	v6 =	vadd.f32 v6, v8;
	_ =	sdelay $0x1  }
0x386: {  	v7 =	vmul.f32 $9.999999770e-03, v6  }
0x387: {  	vm1 =	vgt.f32 v6, $0.0e+00  }
0x388: {  	v6 =	vsel vm1, v6, v7  }
0x389: {  	v6 =	vmul.f32 $1.442695020e+00, v6;
	_ =	sdelay $0x1  }
0x38a: {  	(erf) = vpow2.f32 v6;
	_ =	sdelay $0x8  }
0x38b: {  	v6 =	vpop (erf)  }
0x38c: {  	[tilespmem:$0x1D348] =	vst v6  }
0x38d: {  	_ =	swait.ge [sflag:s12], $0x2A80  }
0x38e: {  	[sflag:s12] =	ssyncset.done $0x0  }
0x38f: {  	[sflag:s12] =	ssyncadd.s32 $0xFFFFD580  }
0x390: {  	_ =	swait.ge [sflag:s7], $0x2A80  }
0x391: {  	[sflag:s7] =	ssyncset.done $0x0  }
0x392: {  	[sflag:s7] =	ssyncadd.s32 $0xFFFFD580  }
0x393: {  	_ =	swait.ge [sflag:s19], $0x50  }
0x394: {  	[sflag:s19] =	ssyncset.done $0x0  }
0x395: {  	[sflag:s19] =	ssyncadd.s32 $0xFFFFFFB0  }
0x396: {  	s21 =	simm.s32 $0x1;
	s0 =	simm.s32 $0x3;
	v6 =	vmov s1;
	_ =	swait.ge [sflag:s22], $0x50  }
0x397: {  	s14 =	simm.s32 $0x2;
	v8 =	vmov s0;
	v7 =	vmov s21;
	v6 =	vand.u32 $0xFFFFFFFC, v6;
	[sflag:s22] =	ssyncset.done $0x0  }
0x398: {  	v7 =	vand.u32 $0xFFFFFFFD, v7;
	v9 =	vbroadcast v6, $0x0;
	v6 =	vmov s14;
	[sflag:s22] =	ssyncadd.s32 $0xFFFFFFB0  }
0x399: {  	v7 =	vbroadcast v7, $0x0;
	v6 =	vand.u32 $0xFFFFFFFE, v6;
	_ =	swait.ge [sflag:s23], $0x500  }
0x39a: {  	v10 =	vbroadcast v6, $0x0;
	[sflag:s23] =	ssyncset.done $0x0  }
0x39b: {  	[sflag:s23] =	ssyncadd.s32 $0xFFFFFB00  }
0x39c: {  	[tilespmem:s6], [sflag:$0x4] =	stream.indirect.gather [hbm4b:s5+s10], $0x88, s15, s10, $0xb8;
	[tilespmem:$0x1FE28] =	vst v63  }
0x39d: {  	v6 =	vld.idx.msk [tilespmem:v8+s20+$0x0], $0xffff  }
0x39e: {  	v8 =	vld.idx.msk [tilespmem:v9+s20+$0x0], $0xffff  }
0x39f: {  	v9 =	vld.idx.msk [tilespmem:v7+s20+$0x0], $0xffff  }
0x3a0: {  	s14 =	simm.s32 $0x1D4B8;
	v7 =	vld.idx.msk [tilespmem:v10+s20+$0x0], $0xffff  }
0x3a1: {  	v10 =	vld [tilespmem:s14+$0x70]  }
0x3a2: {  	v11 =	vld [tilespmem:s14+$0xFFFFFF60]  }
0x3a3: {  	v12 =	vld [tilespmem:s14+$0xF8]  }
0x3a4: {  	v13 =	vld [tilespmem:s14+$0xFFFFFFF0]  }
0x3a5: {  	v14 =	vld [tilespmem:s14+$0xFFFFFEF0]  }
0x3a6: {  	v15 =	vld [tilespmem:s14+$0xFFFFFF00]  }
0x3a7: {  	v10 =	vmul.f32 v10, v7  }
0x3a8: {  	v16 =	vld [tilespmem:s14+$0xFFFFFF10];
	v11 =	vmul.f32 v11, v8  }
0x3a9: {  	v17 =	vld [tilespmem:s14+$0xFFFFFF20];
	[tilespmem:s14+$0x70] =	vst v10  }
0x3aa: {  	v18 =	vmul.f32 v13, v9;
	v10 =	vmul.f32 v12, v6;
	[tilespmem:s14+$0xFFFFFF60] =	vst v11;
	v11 =	vld [tilespmem:s14+$0x78]  }
0x3ab: {  	v15 =	vmul.f32 v15, v8;
	v12 =	vmul.f32 v14, v8;
	v14 =	vld [tilespmem:s14+$0xFFFFFF68]  }
0x3ac: {  	[tilespmem:s14+$0xF8] =	vst v10;
	v10 =	vld [tilespmem:s14+$0xFFFFFF30]  }
0x3ad: {  	v13 =	vsel vm0, v13, v18;
	[tilespmem:s14+$0xFFFFFF00] =	vst v15;
	v19 =	vld [tilespmem:s14+$0x100]  }
0x3ae: {  	v20 =	vld [tilespmem:s14+$0xFFFFFF88];
	v15 =	vmul.f32 v16, v8;
	[tilespmem:s14+$0xFFFFFFF0] =	vst v13  }
0x3af: {  	v16 =	vmul.f32 v17, v8;
	[tilespmem:s14+$0xFFFFFEF0] =	vst v12;
	v12 =	vld [tilespmem:s14+$0xFFFFFF40];
	v17 =	vmul.f32 v11, v7  }
0x3b0: {  	v18 =	vld [tilespmem:s14+$0xFFFFFF78];
	[tilespmem:s14+$0xFFFFFF10] =	vst v15;
	v15 =	vmul.f32 v14, v8  }
0x3b1: {  	v13 =	vld [tilespmem:s14+$0xFFFFFF50];
	[tilespmem:s14+$0xFFFFFF20] =	vst v16;
	v11 =	vsel vm0, v11, v17  }
0x3b2: {  	v10 =	vmul.f32 v10, v8;
	v16 =	vmul.f32 v19, v6;
	v17 =	vld [tilespmem:s14+$0xFFFFFF98];
	v14 =	vsel vm0, v14, v15;
	[tilespmem:s14+$0x78] =	vst v11  }
0x3b3: {  	v11 =	vld [tilespmem:s14+$0xFFFFFFA8];
	[tilespmem:s14+$0xFFFFFF68] =	vst v14  }
0x3b4: {  	v12 =	vmul.f32 v12, v8;
	v15 =	vld [tilespmem:s14+$0xFFFFFFB8];
	[tilespmem:s14+$0xFFFFFF30] =	vst v10;
	v14 =	vsel vm0, v19, v16  }
0x3b5: {  	v16 =	vld [tilespmem:s14+$0xFFFFFFC8];
	[tilespmem:s14+$0x100] =	vst v14;
	v14 =	vmul.f32 v18, v9  }
0x3b6: {  	v10 =	vld [tilespmem:s14+$0xFFFFFFD8];
	[tilespmem:s14+$0xFFFFFF40] =	vst v12;
	v18 =	vmul.f32 v20, v9  }
0x3b7: {  	[tilespmem:s14+$0xFFFFFF78] =	vst v14;
	v12 =	vmul.f32 v17, v9;
	v14 =	vld [tilespmem:s14+$0xFFFFFFE8]  }
0x3b8: {  	[tilespmem:s14+$0xFFFFFF88] =	vst v18;
	v17 =	vld [tilespmem:s14+$0x0];
	v11 =	vmul.f32 v11, v9  }
0x3b9: {  	[tilespmem:s14+$0xFFFFFF98] =	vst v12;
	v12 =	vmul.f32 v15, v9;
	v15 =	vld [tilespmem:s14+$0x10]  }
0x3ba: {  	[tilespmem:s14+$0xFFFFFFA8] =	vst v11;
	v11 =	vmul.f32 v16, v9;
	v16 =	vld [tilespmem:s14+$0x20]  }
0x3bb: {  	v19 =	vld [tilespmem:s14+$0x30];
	[tilespmem:s14+$0xFFFFFFB8] =	vst v12;
	v12 =	vmul.f32 v10, v9  }
0x3bc: {  	v10 =	vld [tilespmem:s14+$0x40];
	[tilespmem:s14+$0xFFFFFFC8] =	vst v11;
	v11 =	vmul.f32 v14, v9  }
0x3bd: {  	s16 =	simm.s32 $0x4;
	s17 =	simm.s32 $0x5;
	v14 =	vmul.f32 v17, v7;
	v9 =	vld [tilespmem:s14+$0x50];
	[tilespmem:s14+$0xFFFFFFD8] =	vst v12  }
0x3be: {  	v21 =	vmov s17;
	v17 =	vmov s16;
	v12 =	vld [tilespmem:s14+$0x60];
	[tilespmem:s14+$0xFFFFFFE8] =	vst v11;
	v20 =	vmul.f32 v15, v7  }
0x3bf: {  	s21 =	simm.s32 $0x7;
	v8 =	vmul.f32 v13, v8;
	v13 =	vld [tilespmem:s14+$0x88];
	v18 =	vand.u32 $0xFFFFFFFC, v17;
	[tilespmem:s14+$0x0] =	vst v14;
	v15 =	vmul.f32 v16, v7  }
0x3c0: {  	s17 =	simm.s32 $0x6;
	s1 =	simm.s32 $0x1D4B8;
	s16 =	simm.s32 $0x8;
	v17 =	vand.u32 $0xFFFFFFFD, v21;
	v11 =	vmov s21;
	v14 =	vld [tilespmem:s14+$0x98];
	v16 =	vmul.f32 v19, v7;
	[tilespmem:s14+$0x10] =	vst v20  }
.LBB2_12:
0x3c1: {  	p0 =	slt.u32 s16, $0x4C;
	v18 =	vbroadcast v18, $0x0;
	v19 =	vmov s17;
	[tilespmem:s14+$0x20] =	vst v15;
	v10 =	vmul.f32 v10, v7;
	v15 =	vld [tilespmem:s14+$0xA8]  }
0x3c2: {  	v17 =	vbroadcast v17, $0x0;
	v19 =	vand.u32 $0xFFFFFFFE, v19;
	[tilespmem:s14+$0x30] =	vst v16;
	v9 =	vmul.f32 v9, v7;
	v16 =	vld [tilespmem:s14+$0xB8]  }
0x3c3: {  	v19 =	vbroadcast v19, $0x0;
	[tilespmem:s14+$0x40] =	vst v10;
	v7 =	vmul.f32 v12, v7;
	v10 =	vld [tilespmem:s14+$0xC8]  }
0x3c4: {  	[tilespmem:s14+$0x50] =	vst v9;
	v9 =	vmul.f32 v13, v6;
	v12 =	vld [tilespmem:s14+$0xD8]  }
0x3c5: {  	[tilespmem:s14+$0x60] =	vst v7;
	v7 =	vmul.f32 v14, v6;
	v13 =	vld [tilespmem:s14+$0xE8]  }
0x3c6: {  	v11 =	vld.idx.msk [tilespmem:v11+s20+$0x0], $0xffff;
	[tilespmem:s14+$0xFFFFFF50] =	vst v8;
	v8 =	vmul.f32 v15, v6  }
0x3c7: {  	v14 =	vld.idx.msk [tilespmem:v18+s20+$0x0], $0xffff;
	[tilespmem:s14+$0x88] =	vst v9;
	v9 =	vmul.f32 v16, v6  }
0x3c8: {  	v15 =	vld.idx.msk [tilespmem:v17+s20+$0x0], $0xffff;
	[tilespmem:s14+$0x98] =	vst v7;
	v10 =	vmul.f32 v10, v6  }
0x3c9: {  	s14 =	sadd.s32 $0x220, s14;
	v7 =	vld.idx.msk [tilespmem:v19+s20+$0x0], $0xffff;
	[tilespmem:s1+$0xA8] =	vst v8;
	v8 =	vmul.f32 v12, v6  }
0x3ca: {  	v12 =	vld [tilespmem:s14+$0x70];
	[tilespmem:s1+$0xB8] =	vst v9;
	v9 =	vmul.f32 v13, v6  }
0x3cb: {  	v13 =	vld [tilespmem:s14+$0xFFFFFF60];
	[tilespmem:s1+$0xC8] =	vst v10  }
0x3cc: {  	v6 =	vmov v11;
	v10 =	vld [tilespmem:s14+$0xF8];
	[tilespmem:s1+$0xD8] =	vst v8  }
0x3cd: {  	v8 =	vld [tilespmem:s14+$0xFFFFFFF0];
	[tilespmem:s1+$0xE8] =	vst v9;
	s1 =	smov.u32 s14  }
0x3ce: {  	v9 =	vld [tilespmem:s14+$0xFFFFFEF0]  }
0x3cf: {  	v11 =	vld [tilespmem:s14+$0xFFFFFF00];
	v12 =	vmul.f32 v12, v7  }
0x3d0: {  	v16 =	vld [tilespmem:s14+$0xFFFFFF10];
	v13 =	vmul.f32 v13, v14  }
0x3d1: {  	v17 =	vld [tilespmem:s14+$0xFFFFFF20];
	[tilespmem:s14+$0x70] =	vst v12;
	v10 =	vmul.f32 v10, v6  }
0x3d2: {  	[tilespmem:s14+$0xFFFFFF60] =	vst v13;
	v12 =	vmul.f32 v8, v15;
	v13 =	vld [tilespmem:s14+$0x78]  }
0x3d3: {  	v9 =	vmul.f32 v9, v14;
	v18 =	vld [tilespmem:s14+$0xFFFFFF68];
	[tilespmem:s14+$0xF8] =	vst v10  }
0x3d4: {  	v10 =	vmul.f32 v11, v14;
	v8 =	vsel vm0, v8, v12;
	v11 =	vld [tilespmem:s14+$0x100]  }
0x3d5: {  	v12 =	vmul.f32 v16, v14;
	v16 =	vld [tilespmem:s14+$0xFFFFFF30];
	[tilespmem:s14+$0xFFFFFFF0] =	vst v8  }
0x3d6: {  	[tilespmem:s14+$0xFFFFFEF0] =	vst v9;
	v8 =	vmul.f32 v17, v14;
	v9 =	vld [tilespmem:s14+$0xFFFFFF40]  }
0x3d7: {  	[tilespmem:s14+$0xFFFFFF00] =	vst v10;
	v10 =	vld [tilespmem:s14+$0xFFFFFF50];
	v17 =	vmul.f32 v13, v7  }
0x3d8: {  	[tilespmem:s14+$0xFFFFFF10] =	vst v12;
	v12 =	vmul.f32 v18, v14;
	v19 =	vld [tilespmem:s14+$0xFFFFFF78]  }
0x3d9: {  	[tilespmem:s14+$0xFFFFFF20] =	vst v8;
	v20 =	vld [tilespmem:s14+$0xFFFFFF88];
	v8 =	vsel vm0, v13, v17;
	v13 =	vmul.f32 v11, v6  }
0x3da: {  	v16 =	vmul.f32 v16, v14;
	v12 =	vsel vm0, v18, v12;
	v17 =	vld [tilespmem:s14+$0xFFFFFF98];
	[tilespmem:s14+$0x78] =	vst v8  }
0x3db: {  	v9 =	vmul.f32 v9, v14;
	[tilespmem:s14+$0xFFFFFF68] =	vst v12;
	v12 =	vld [tilespmem:s14+$0xFFFFFFA8];
	v11 =	vsel vm0, v11, v13  }
0x3dc: {  	v8 =	vmul.f32 v10, v14;
	v10 =	vld [tilespmem:s14+$0xFFFFFFB8];
	[tilespmem:s14+$0x100] =	vst v11  }
0x3dd: {  	[tilespmem:s14+$0xFFFFFF30] =	vst v16;
	v11 =	vmul.f32 v19, v15;
	v13 =	vld [tilespmem:s14+$0xFFFFFFC8]  }
0x3de: {  	[tilespmem:s14+$0xFFFFFF40] =	vst v9;
	v9 =	vmul.f32 v20, v15;
	v14 =	vld [tilespmem:s14+$0xFFFFFFD8]  }
0x3df: {  	[tilespmem:s14+$0xFFFFFF78] =	vst v11;
	v11 =	vmul.f32 v17, v15;
	v16 =	vld [tilespmem:s14+$0xFFFFFFE8]  }
0x3e0: {  	[tilespmem:s14+$0xFFFFFF88] =	vst v9;
	v9 =	vmul.f32 v12, v15;
	v12 =	vld [tilespmem:s14+$0x0]  }
0x3e1: {  	[tilespmem:s14+$0xFFFFFF98] =	vst v11;
	v10 =	vmul.f32 v10, v15;
	v11 =	vld [tilespmem:s14+$0x10]  }
0x3e2: {  	[tilespmem:s14+$0xFFFFFFA8] =	vst v9;
	v9 =	vmul.f32 v13, v15;
	v13 =	vld [tilespmem:s14+$0x20]  }
0x3e3: {  	[tilespmem:s14+$0xFFFFFFB8] =	vst v10;
	v14 =	vmul.f32 v14, v15;
	v19 =	vld [tilespmem:s14+$0x30]  }
.Ltmp5:
0x3e4: {  	[tilespmem:s14+$0xFFFFFFC8] =	vst v9;
	v15 =	vmul.f32 v16, v15;
	v10 =	vld [tilespmem:s14+$0x40];
	(pc) =	sbr.rel @p0 .LBB2_12-.Ltmp5, $4  }
0x3e5: {  	[tilespmem:s14+$0xFFFFFFD8] =	vst v14;
	v14 =	vmul.f32 v12, v7;
	v9 =	vld [tilespmem:s14+$0x50]  }
0x3e6: {  	s2 =	sadd.s32 $0x1, s16;
	s17 =	sadd.s32 $0x3, s16;
	v16 =	vmov s16;
	[tilespmem:s14+$0xFFFFFFE8] =	vst v15;
	v20 =	vmul.f32 v11, v7;
	v12 =	vld [tilespmem:s14+$0x60]  }
0x3e7: {  	v17 =	vmov s2;
	v11 =	vmov s17;
	[tilespmem:s14+$0x0] =	vst v14;
	v15 =	vmul.f32 v13, v7;
	v13 =	vld [tilespmem:s14+$0x88]  }
0x3e8: {  	v17 =	vand.u32 $0xFFFFFFFD, v17;
	v18 =	vand.u32 $0xFFFFFFFC, v16;
	s17 =	sadd.s32 $0x2, s16;
	s16 =	sadd.s32 $0x4, s16;
	[tilespmem:s14+$0x10] =	vst v20;
	v16 =	vmul.f32 v19, v7;
	v14 =	vld [tilespmem:s14+$0x98]  }
0x3e9: {  	v20 =	vld [tilespmem:s14+$0xA8]  }
0x3ea: {  	v21 =	vld [tilespmem:s14+$0xB8]  }
0x3eb: {  	v18 =	vbroadcast v18, $0x0;
	v19 =	vmov s17;
	v22 =	vld [tilespmem:s14+$0xC8]  }
0x3ec: {  	v17 =	vbroadcast v17, $0x0;
	v23 =	vld [tilespmem:s14+$0xD8];
	[tilespmem:s14+$0x20] =	vst v15;
	v10 =	vmul.f32 v10, v7;
	v19 =	vand.u32 $0xFFFFFFFE, v19  }
0x3ed: {  	v15 =	vld [tilespmem:s14+$0xE8];
	[tilespmem:s14+$0x30] =	vst v16;
	v16 =	vmul.f32 v9, v7;
	v19 =	vbroadcast v19, $0x0  }
0x3ee: {  	s16 =	sadd.s32 $0x220, s14;
	v9 =	vld.idx.msk [tilespmem:v11+s20+$0x0], $0xffff;
	v7 =	vmul.f32 v12, v7;
	v12 =	vmul.f32 v13, v6  }
0x3ef: {  	[tilespmem:s14+$0xFFFFFF50] =	vst v8;
	v8 =	vld [tilespmem:s16+$0x70]  }
0x3f0: {  	[tilespmem:s14+$0x88] =	vst v12;
	v12 =	vld [tilespmem:s16+$0xFFFFFF60]  }
0x3f1: {  	[tilespmem:s14+$0x40] =	vst v10;
	v10 =	vld.idx.msk [tilespmem:v18+s20+$0x0], $0xffff  }
0x3f2: {  	[tilespmem:s14+$0x50] =	vst v16;
	v13 =	vmul.f32 v14, v6;
	v11 =	vld.idx.msk [tilespmem:v17+s20+$0x0], $0xffff  }
0x3f3: {  	[tilespmem:s14+$0x60] =	vst v7;
	v14 =	vmul.f32 v20, v6;
	v7 =	vld.idx.msk [tilespmem:v19+s20+$0x0], $0xffff  }
0x3f4: {  	v16 =	vmul.f32 v21, v6;
	[tilespmem:s14+$0x98] =	vst v13;
	v13 =	vld [tilespmem:s16+$0xF8]  }
0x3f5: {  	v17 =	vmul.f32 v22, v6;
	[tilespmem:s1+$0xA8] =	vst v14;
	v14 =	vld [tilespmem:s16+$0xFFFFFFF0]  }
0x3f6: {  	v18 =	vmul.f32 v23, v6;
	[tilespmem:s1+$0xB8] =	vst v16;
	v16 =	vld [tilespmem:s16+$0xFFFFFEF0]  }
0x3f7: {  	[tilespmem:s1+$0xC8] =	vst v17;
	v17 =	vld [tilespmem:s16+$0xFFFFFF00];
	v12 =	vmul.f32 v12, v10  }
0x3f8: {  	[tilespmem:s1+$0xD8] =	vst v18;
	v18 =	vld [tilespmem:s16+$0xFFFFFF10];
	v8 =	vmul.f32 v8, v7  }
0x3f9: {  	v6 =	vmul.f32 v15, v6;
	v19 =	vld [tilespmem:s16+$0xFFFFFF20];
	[tilespmem:s16+$0xFFFFFF60] =	vst v12  }
0x3fa: {  	v15 =	vld [tilespmem:s16+$0xFFFFFF68];
	[tilespmem:s16+$0x70] =	vst v8;
	v8 =	vmul.f32 v13, v9  }
0x3fb: {  	[tilespmem:s1+$0xE8] =	vst v6;
	v6 =	vmul.f32 v16, v10;
	v12 =	vmul.f32 v14, v11;
	v13 =	vld [tilespmem:s16+$0x78]  }
0x3fc: {  	[tilespmem:s16+$0xF8] =	vst v8  }
0x3fd: {  	[tilespmem:s16+$0xFFFFFEF0] =	vst v6;
	v8 =	vsel vm0, v14, v12;
	v14 =	vmul.f32 v17, v10;
	v12 =	vld [tilespmem:s16+$0x100]  }
0x3fe: {  	[tilespmem:s16+$0xFFFFFFF0] =	vst v8;
	v8 =	vmul.f32 v18, v10  }
0x3ff: {  	v16 =	vld [tilespmem:s16+$0xFFFFFF30];
	v6 =	vmul.f32 v19, v10;
	[tilespmem:s16+$0xFFFFFF00] =	vst v14  }
0x400: {  	v17 =	vld [tilespmem:s16+$0xFFFFFF40];
	[tilespmem:s16+$0xFFFFFF10] =	vst v8;
	v8 =	vmul.f32 v15, v10;
	v14 =	vmul.f32 v13, v7  }
0x401: {  	v18 =	vld [tilespmem:s16+$0xFFFFFF78]  }
0x402: {  	[tilespmem:s16+$0xFFFFFF20] =	vst v6;
	v6 =	vld [tilespmem:s16+$0xFFFFFF88];
	v8 =	vsel vm0, v15, v8;
	v13 =	vsel vm0, v13, v14;
	v14 =	vmul.f32 v12, v9  }
0x403: {  	v15 =	vld [tilespmem:s16+$0xFFFFFF98];
	[tilespmem:s16+$0xFFFFFF68] =	vst v8  }
0x404: {  	v8 =	vld [tilespmem:s16+$0xFFFFFFA8];
	[tilespmem:s16+$0x78] =	vst v13;
	v13 =	vmul.f32 v16, v10;
	v12 =	vsel vm0, v12, v14  }
0x405: {  	v16 =	vld [tilespmem:s16+$0xFFFFFFB8];
	v14 =	vmul.f32 v17, v10;
	[tilespmem:s16+$0x100] =	vst v12  }
0x406: {  	[tilespmem:s16+$0xFFFFFF30] =	vst v13;
	v12 =	vmul.f32 v18, v11;
	v13 =	vld [tilespmem:s16+$0xFFFFFFC8]  }
0x407: {  	v6 =	vmul.f32 v6, v11;
	[tilespmem:s16+$0xFFFFFF40] =	vst v14;
	v14 =	vld [tilespmem:s16+$0xFFFFFFD8]  }
0x408: {  	[tilespmem:s16+$0xFFFFFF78] =	vst v12;
	v12 =	vmul.f32 v15, v11;
	v15 =	vld [tilespmem:s16+$0xFFFFFFE8]  }
0x409: {  	[tilespmem:s16+$0xFFFFFF88] =	vst v6;
	v6 =	vmul.f32 v8, v11;
	v8 =	vld [tilespmem:s16+$0x0]  }
0x40a: {  	[tilespmem:s16+$0xFFFFFF98] =	vst v12;
	v12 =	vmul.f32 v16, v11;
	v16 =	vld [tilespmem:s16+$0x10]  }
0x40b: {  	[tilespmem:s16+$0xFFFFFFA8] =	vst v6;
	v6 =	vmul.f32 v13, v11;
	v13 =	vld [tilespmem:s16+$0x20]  }
0x40c: {  	[tilespmem:s16+$0xFFFFFFB8] =	vst v12;
	v12 =	vmul.f32 v14, v11;
	v14 =	vld [tilespmem:s16+$0x30]  }
0x40d: {  	[tilespmem:s16+$0xFFFFFFC8] =	vst v6;
	v6 =	vmul.f32 v15, v11;
	v11 =	vld [tilespmem:s16+$0x40]  }
0x40e: {  	v8 =	vmul.f32 v8, v7;
	[tilespmem:s16+$0xFFFFFFD8] =	vst v12;
	v12 =	vld [tilespmem:s16+$0x50]  }
0x40f: {  	v15 =	vld [tilespmem:s16+$0x60];
	[tilespmem:s16+$0xFFFFFFE8] =	vst v6;
	v6 =	vmul.f32 v16, v7  }
0x410: {  	v16 =	vld [tilespmem:s16+$0xFFFFFF50];
	[tilespmem:s16+$0x0] =	vst v8;
	v8 =	vmul.f32 v13, v7  }
0x411: {  	v13 =	vld [tilespmem:s16+$0x88];
	[tilespmem:s16+$0x10] =	vst v6;
	v6 =	vmul.f32 v14, v7  }
0x412: {  	v14 =	vld [tilespmem:s16+$0x98];
	[tilespmem:s16+$0x20] =	vst v8;
	v8 =	vmul.f32 v11, v7  }
0x413: {  	v11 =	vld [tilespmem:s16+$0xA8];
	[tilespmem:s16+$0x30] =	vst v6;
	v6 =	vmul.f32 v12, v7  }
0x414: {  	v12 =	vld [tilespmem:s16+$0xB8];
	v7 =	vmul.f32 v15, v7;
	[tilespmem:s16+$0x40] =	vst v8  }
0x415: {  	v8 =	vmul.f32 v16, v10;
	v10 =	vld [tilespmem:s16+$0xC8];
	[tilespmem:s16+$0x50] =	vst v6  }
0x416: {  	v6 =	vmul.f32 v13, v9;
	v13 =	vld [tilespmem:s16+$0xD8];
	[tilespmem:s16+$0x60] =	vst v7  }
0x417: {  	v7 =	vmul.f32 v14, v9;
	v14 =	vld [tilespmem:s16+$0xE8];
	[tilespmem:s16+$0xFFFFFF50] =	vst v8  }
0x418: {  	v8 =	vmul.f32 v11, v9;
	[tilespmem:s16+$0x88] =	vst v6  }
0x419: {  	v6 =	vmul.f32 v12, v9;
	[tilespmem:s16+$0x98] =	vst v7  }
0x41a: {  	v7 =	vmul.f32 v10, v9;
	[tilespmem:s16+$0xA8] =	vst v8  }
0x41b: {  	v8 =	vmul.f32 v13, v9;
	[tilespmem:s16+$0xB8] =	vst v6  }
0x41c: {  	v6 =	vmul.f32 v14, v9;
	[tilespmem:s16+$0xC8] =	vst v7  }
0x41d: {  	[tilespmem:s16+$0xD8] =	vst v8  }
0x41e: {  	[tilespmem:s16+$0xE8] =	vst v6  }
0x41f: {  	v6 =	vld [tilespmem:$0x1CD68]  }
0x420: {  	v7 =	vld [tilespmem:$0x1CD78]  }
0x421: {  	v8 =	vld [tilespmem:$0x1CD88]  }
0x422: {  	v9 =	vld [tilespmem:$0x1CD98]  }
0x423: {  	v10 =	vld [tilespmem:$0x1CDA8]  }
0x424: {  	[tilespmem:$0x1D358] =	vst v6  }
0x425: {  	[tilespmem:$0x1D368] =	vst v7  }
0x426: {  	[tilespmem:$0x1D378] =	vst v8  }
0x427: {  	[tilespmem:$0x1D388] =	vst v9  }
0x428: {  	s0 =	rddreg [dreg:$0x2];
	s17 =	simm.s32 $0x1D358;
	[tilespmem:$0x1D398] =	vst v10  }
0x429: {  	[spmem:s0] =	stream.indirect.scatter.add.f32 [tilespmem:s28], [sflag:$0xA], $0x88, s17, s10, $0xb8;
	[tilespmem:$0x1FE28] =	vst v63  }
0x42a: {  	v6 =	vld [tilespmem:$0x19A28]  }
0x42b: {  	v7 =	vld [tilespmem:$0x19A78];
	_ =	sdelay $0x5  }
0x42c: {  	s21 =	simm.s32 $0x0  }
0x42d: {  	v6 =	vld.idx.msk [tilespmem:v6+s21+$0x0], $0xffff  }
0x42e: {  	v7 =	vld.idx.msk [tilespmem:v7+s13+$0x0], $0xffff;
	_ =	sdelay $0x1  }
0x42f: {  	v8 =	vld.idx.msk [tilespmem:v1+s18+$0x0], $0xffff;
	_ =	sdelay $0x2  }
0x430: {  	v6 =	vadd.f32 v7, v6;
	_ =	sdelay $0x1  }
0x431: {  	v6 =	vadd.f32 v6, v8;
	_ =	sdelay $0x1  }
0x432: {  	v7 =	vmul.f32 $9.999999770e-03, v6  }
0x433: {  	vm1 =	vgt.f32 v6, $0.0e+00  }
0x434: {  	v6 =	vsel vm1, v6, v7  }
0x435: {  	v6 =	vmul.f32 $1.442695020e+00, v6;
	_ =	sdelay $0x1  }
0x436: {  	(erf) = vpow2.f32 v6;
	_ =	sdelay $0x2  }
0x437: {  	v6 =	vld [tilespmem:$0x19A38]  }
0x438: {  	v7 =	vld [tilespmem:$0x19A88];
	_ =	sdelay $0x4  }
0x439: {  	v8 =	vpop (erf)  }
0x43a: {  	[tilespmem:$0x19FC8] =	vst v8  }
0x43b: {  	v6 =	vld.idx.msk [tilespmem:v6+s21+$0x0], $0xffff  }
0x43c: {  	v7 =	vld.idx.msk [tilespmem:v7+s13+$0x0], $0xffff;
	_ =	sdelay $0x1  }
0x43d: {  	v8 =	vld.idx.msk [tilespmem:v2+s18+$0x0], $0xffff;
	_ =	sdelay $0x2  }
0x43e: {  	v6 =	vadd.f32 v7, v6;
	_ =	sdelay $0x1  }
0x43f: {  	v6 =	vadd.f32 v6, v8;
	_ =	sdelay $0x1  }
0x440: {  	v7 =	vmul.f32 $9.999999770e-03, v6  }
0x441: {  	vm1 =	vgt.f32 v6, $0.0e+00  }
0x442: {  	v6 =	vsel vm1, v6, v7  }
0x443: {  	v6 =	vmul.f32 $1.442695020e+00, v6;
	_ =	sdelay $0x1  }
0x444: {  	(erf) = vpow2.f32 v6;
	_ =	sdelay $0x2  }
0x445: {  	v6 =	vld [tilespmem:$0x19A48]  }
0x446: {  	v7 =	vld [tilespmem:$0x19A98];
	_ =	sdelay $0x4  }
0x447: {  	v8 =	vpop (erf)  }
0x448: {  	[tilespmem:$0x19FD8] =	vst v8  }
0x449: {  	v6 =	vld.idx.msk [tilespmem:v6+s21+$0x0], $0xffff  }
0x44a: {  	v7 =	vld.idx.msk [tilespmem:v7+s13+$0x0], $0xffff;
	_ =	sdelay $0x1  }
0x44b: {  	v8 =	vld.idx.msk [tilespmem:v3+s18+$0x0], $0xffff;
	_ =	sdelay $0x2  }
0x44c: {  	v6 =	vadd.f32 v7, v6;
	_ =	sdelay $0x1  }
0x44d: {  	v6 =	vadd.f32 v6, v8;
	_ =	sdelay $0x1  }
0x44e: {  	v7 =	vmul.f32 $9.999999770e-03, v6  }
0x44f: {  	vm1 =	vgt.f32 v6, $0.0e+00  }
0x450: {  	v6 =	vsel vm1, v6, v7  }
0x451: {  	v6 =	vmul.f32 $1.442695020e+00, v6;
	_ =	sdelay $0x1  }
0x452: {  	(erf) = vpow2.f32 v6;
	_ =	sdelay $0x2  }
0x453: {  	v6 =	vld [tilespmem:$0x19A58]  }
0x454: {  	v7 =	vld [tilespmem:$0x19AA8];
	_ =	sdelay $0x4  }
0x455: {  	v8 =	vpop (erf)  }
0x456: {  	[tilespmem:$0x19FE8] =	vst v8  }
0x457: {  	v6 =	vld.idx.msk [tilespmem:v6+s21+$0x0], $0xffff  }
0x458: {  	v7 =	vld.idx.msk [tilespmem:v7+s13+$0x0], $0xffff;
	_ =	sdelay $0x1  }
0x459: {  	v8 =	vld.idx.msk [tilespmem:v4+s18+$0x0], $0xffff;
	_ =	sdelay $0x2  }
0x45a: {  	v6 =	vadd.f32 v7, v6;
	_ =	sdelay $0x1  }
0x45b: {  	v6 =	vadd.f32 v6, v8;
	_ =	sdelay $0x1  }
0x45c: {  	v7 =	vmul.f32 $9.999999770e-03, v6  }
0x45d: {  	vm1 =	vgt.f32 v6, $0.0e+00  }
0x45e: {  	v6 =	vsel vm1, v6, v7  }
0x45f: {  	v6 =	vmul.f32 $1.442695020e+00, v6;
	_ =	sdelay $0x1  }
0x460: {  	(erf) = vpow2.f32 v6;
	_ =	sdelay $0x2  }
0x461: {  	v6 =	vld [tilespmem:$0x19A68]  }
0x462: {  	v7 =	vld [tilespmem:$0x19AB8];
	_ =	sdelay $0x4  }
0x463: {  	v8 =	vpop (erf)  }
0x464: {  	[tilespmem:$0x19FF8] =	vst v8  }
0x465: {  	v6 =	vld.idx.msk [tilespmem:v6+s21+$0x0], $0xffff  }
0x466: {  	v7 =	vld.idx.msk [tilespmem:v7+s13+$0x0], $0xffff;
	_ =	sdelay $0x1  }
0x467: {  	v8 =	vld.idx.msk [tilespmem:v5+s18+$0x0], $0xffff;
	_ =	sdelay $0x2  }
0x468: {  	v6 =	vadd.f32 v7, v6;
	_ =	sdelay $0x1  }
0x469: {  	v6 =	vadd.f32 v6, v8;
	_ =	sdelay $0x1  }
0x46a: {  	v7 =	vmul.f32 $9.999999770e-03, v6  }
0x46b: {  	vm1 =	vgt.f32 v6, $0.0e+00  }
0x46c: {  	v6 =	vsel vm1, v6, v7  }
0x46d: {  	v6 =	vmul.f32 $1.442695020e+00, v6;
	_ =	sdelay $0x1  }
0x46e: {  	(erf) = vpow2.f32 v6;
	_ =	sdelay $0x8  }
0x46f: {  	v6 =	vpop (erf)  }
0x470: {  	[tilespmem:$0x1A008] =	vst v6  }
0x471: {  	s2 =	simm.s32 $0x3;
	_ =	swait.ge [sflag:s11], $0x2A80  }
0x472: {  	s0 =	simm.s32 $0x1;
	v8 =	vmov s2;
	v6 =	vmov s21;
	[sflag:s11] =	ssyncset.done $0x0  }
0x473: {  	s14 =	simm.s32 $0x2;
	v7 =	vmov s0;
	v6 =	vand.u32 $0xFFFFFFFC, v6;
	[sflag:s11] =	ssyncadd.s32 $0xFFFFD580  }
0x474: {  	v7 =	vand.u32 $0xFFFFFFFD, v7;
	v9 =	vbroadcast v6, $0x0;
	v6 =	vmov s14;
	_ =	swait.ge [sflag:s3], $0x2A80  }
0x475: {  	v7 =	vbroadcast v7, $0x0;
	v6 =	vand.u32 $0xFFFFFFFE, v6;
	[sflag:s3] =	ssyncset.done $0x0  }
0x476: {  	v10 =	vbroadcast v6, $0x0;
	[sflag:s3] =	ssyncadd.s32 $0xFFFFD580  }
0x477: {  	s14 =	simm.s32 $0x1A3F8;
	v6 =	vld.idx.msk [tilespmem:v8+s29+$0x0], $0xffff  }
0x478: {  	v11 =	vld [tilespmem:s14+$0xFFFFFF60]  }
0x479: {  	v12 =	vld [tilespmem:s14+$0xF8]  }
0x47a: {  	v8 =	vld.idx.msk [tilespmem:v9+s29+$0x0], $0xffff  }
0x47b: {  	v9 =	vld.idx.msk [tilespmem:v7+s29+$0x0], $0xffff  }
0x47c: {  	v7 =	vld.idx.msk [tilespmem:v10+s29+$0x0], $0xffff  }
0x47d: {  	v10 =	vld [tilespmem:s14+$0x70]  }
0x47e: {  	v15 =	vld [tilespmem:s14+$0xFFFFFF00]  }
0x47f: {  	v14 =	vld [tilespmem:s14+$0xFFFFFEF0];
	_ =	sdelay $0x1  }
0x480: {  	v16 =	vld [tilespmem:s14+$0xFFFFFF10];
	v11 =	vmul.f32 v11, v8  }
0x481: {  	v13 =	vld [tilespmem:s14+$0xFFFFFFF0];
	v10 =	vmul.f32 v10, v7  }
0x482: {  	v17 =	vld [tilespmem:s14+$0xFFFFFF20];
	v15 =	vmul.f32 v15, v8;
	[tilespmem:s14+$0xFFFFFF60] =	vst v11  }
0x483: {  	[tilespmem:s14+$0x70] =	vst v10;
	v10 =	vmul.f32 v12, v6;
	v12 =	vmul.f32 v14, v8;
	v14 =	vld [tilespmem:s14+$0xFFFFFF68]  }
0x484: {  	[tilespmem:s14+$0xFFFFFF00] =	vst v15;
	v11 =	vld [tilespmem:s14+$0x78]  }
0x485: {  	v15 =	vmul.f32 v16, v8;
	[tilespmem:s14+$0xF8] =	vst v10;
	v10 =	vld [tilespmem:s14+$0xFFFFFF30]  }
0x486: {  	v18 =	vmul.f32 v13, v9;
	v19 =	vld [tilespmem:s14+$0x100]  }
0x487: {  	v20 =	vld [tilespmem:s14+$0xFFFFFF88];
	[tilespmem:s14+$0xFFFFFF10] =	vst v15  }
0x488: {  	v13 =	vsel vm0, v13, v18;
	v16 =	vmul.f32 v17, v8;
	[tilespmem:s14+$0xFFFFFEF0] =	vst v12;
	v12 =	vld [tilespmem:s14+$0xFFFFFF40];
	v15 =	vmul.f32 v14, v8  }
0x489: {  	v18 =	vld [tilespmem:s14+$0xFFFFFF78];
	[tilespmem:s14+$0xFFFFFFF0] =	vst v13;
	v17 =	vmul.f32 v11, v7  }
0x48a: {  	v13 =	vld [tilespmem:s14+$0xFFFFFF50];
	[tilespmem:s14+$0xFFFFFF20] =	vst v16;
	v14 =	vsel vm0, v14, v15  }
0x48b: {  	v10 =	vmul.f32 v10, v8;
	v11 =	vsel vm0, v11, v17;
	v16 =	vmul.f32 v19, v6;
	v17 =	vld [tilespmem:s14+$0xFFFFFF98];
	[tilespmem:s14+$0xFFFFFF68] =	vst v14  }
0x48c: {  	[tilespmem:s14+$0x78] =	vst v11;
	v11 =	vld [tilespmem:s14+$0xFFFFFFA8]  }
0x48d: {  	v15 =	vld [tilespmem:s14+$0xFFFFFFB8];
	v12 =	vmul.f32 v12, v8;
	[tilespmem:s14+$0xFFFFFF30] =	vst v10;
	v14 =	vsel vm0, v19, v16  }
0x48e: {  	v16 =	vld [tilespmem:s14+$0xFFFFFFC8];
	[tilespmem:s14+$0x100] =	vst v14;
	v14 =	vmul.f32 v18, v9  }
0x48f: {  	v10 =	vld [tilespmem:s14+$0xFFFFFFD8];
	[tilespmem:s14+$0xFFFFFF40] =	vst v12;
	v18 =	vmul.f32 v20, v9  }
0x490: {  	[tilespmem:s14+$0xFFFFFF78] =	vst v14;
	v12 =	vmul.f32 v17, v9;
	v14 =	vld [tilespmem:s14+$0xFFFFFFE8]  }
0x491: {  	[tilespmem:s14+$0xFFFFFF88] =	vst v18;
	v17 =	vld [tilespmem:s14+$0x0];
	v11 =	vmul.f32 v11, v9  }
0x492: {  	[tilespmem:s14+$0xFFFFFF98] =	vst v12;
	v12 =	vmul.f32 v15, v9;
	v15 =	vld [tilespmem:s14+$0x10]  }
0x493: {  	[tilespmem:s14+$0xFFFFFFA8] =	vst v11;
	v11 =	vmul.f32 v16, v9;
	v16 =	vld [tilespmem:s14+$0x20]  }
0x494: {  	v19 =	vld [tilespmem:s14+$0x30];
	[tilespmem:s14+$0xFFFFFFB8] =	vst v12;
	v12 =	vmul.f32 v10, v9  }
0x495: {  	v10 =	vld [tilespmem:s14+$0x40];
	[tilespmem:s14+$0xFFFFFFC8] =	vst v11;
	v11 =	vmul.f32 v14, v9  }
0x496: {  	s16 =	simm.s32 $0x4;
	s17 =	simm.s32 $0x5;
	v14 =	vmul.f32 v17, v7;
	v9 =	vld [tilespmem:s14+$0x50];
	[tilespmem:s14+$0xFFFFFFD8] =	vst v12  }
0x497: {  	v63 =	vmov s17;
	v17 =	vmov s16;
	v12 =	vld [tilespmem:s14+$0x60];
	[tilespmem:s14+$0xFFFFFFE8] =	vst v11;
	v20 =	vmul.f32 v15, v7  }
0x498: {  	s21 =	simm.s32 $0x7;
	v8 =	vmul.f32 v13, v8;
	v13 =	vld [tilespmem:s14+$0x88];
	v18 =	vand.u32 $0xFFFFFFFC, v17;
	[tilespmem:s14+$0x0] =	vst v14;
	v15 =	vmul.f32 v16, v7  }
0x499: {  	s1 =	simm.s32 $0x1A3F8;
	s17 =	simm.s32 $0x6;
	s16 =	simm.s32 $0x8;
	v17 =	vand.u32 $0xFFFFFFFD, v63;
	v11 =	vmov s21;
	v14 =	vld [tilespmem:s14+$0x98];
	v16 =	vmul.f32 v19, v7;
	[tilespmem:s14+$0x10] =	vst v20  }
.LBB2_14:
0x49a: {  	p0 =	slt.u32 s16, $0x4C;
	v18 =	vbroadcast v18, $0x0;
	v19 =	vmov s17;
	[tilespmem:s14+$0x20] =	vst v15;
	v10 =	vmul.f32 v10, v7;
	v15 =	vld [tilespmem:s14+$0xA8]  }
0x49b: {  	v17 =	vbroadcast v17, $0x0;
	v19 =	vand.u32 $0xFFFFFFFE, v19;
	[tilespmem:s14+$0x30] =	vst v16;
	v9 =	vmul.f32 v9, v7;
	v16 =	vld [tilespmem:s14+$0xB8]  }
0x49c: {  	v19 =	vbroadcast v19, $0x0;
	[tilespmem:s14+$0x40] =	vst v10;
	v7 =	vmul.f32 v12, v7;
	v10 =	vld [tilespmem:s14+$0xC8]  }
0x49d: {  	[tilespmem:s14+$0x50] =	vst v9;
	v9 =	vmul.f32 v13, v6;
	v12 =	vld [tilespmem:s14+$0xD8]  }
0x49e: {  	[tilespmem:s14+$0x60] =	vst v7;
	v7 =	vmul.f32 v14, v6;
	v13 =	vld [tilespmem:s14+$0xE8]  }
0x49f: {  	v11 =	vld.idx.msk [tilespmem:v11+s29+$0x0], $0xffff;
	[tilespmem:s14+$0xFFFFFF50] =	vst v8;
	v8 =	vmul.f32 v15, v6  }
0x4a0: {  	v14 =	vld.idx.msk [tilespmem:v18+s29+$0x0], $0xffff;
	[tilespmem:s14+$0x88] =	vst v9;
	v9 =	vmul.f32 v16, v6  }
0x4a1: {  	v15 =	vld.idx.msk [tilespmem:v17+s29+$0x0], $0xffff;
	[tilespmem:s14+$0x98] =	vst v7;
	v10 =	vmul.f32 v10, v6  }
0x4a2: {  	s14 =	sadd.s32 $0x220, s14;
	v7 =	vld.idx.msk [tilespmem:v19+s29+$0x0], $0xffff;
	[tilespmem:s1+$0xA8] =	vst v8;
	v8 =	vmul.f32 v12, v6  }
0x4a3: {  	v12 =	vld [tilespmem:s14+$0x70];
	[tilespmem:s1+$0xB8] =	vst v9;
	v9 =	vmul.f32 v13, v6  }
0x4a4: {  	v13 =	vld [tilespmem:s14+$0xFFFFFF60];
	[tilespmem:s1+$0xC8] =	vst v10  }
0x4a5: {  	v6 =	vmov v11;
	v10 =	vld [tilespmem:s14+$0xF8];
	[tilespmem:s1+$0xD8] =	vst v8  }
0x4a6: {  	v8 =	vld [tilespmem:s14+$0xFFFFFFF0];
	[tilespmem:s1+$0xE8] =	vst v9;
	s1 =	smov.u32 s14  }
0x4a7: {  	v9 =	vld [tilespmem:s14+$0xFFFFFEF0]  }
0x4a8: {  	v11 =	vld [tilespmem:s14+$0xFFFFFF00];
	v12 =	vmul.f32 v12, v7  }
0x4a9: {  	v16 =	vld [tilespmem:s14+$0xFFFFFF10];
	v13 =	vmul.f32 v13, v14  }
0x4aa: {  	v17 =	vld [tilespmem:s14+$0xFFFFFF20];
	[tilespmem:s14+$0x70] =	vst v12;
	v10 =	vmul.f32 v10, v6  }
0x4ab: {  	[tilespmem:s14+$0xFFFFFF60] =	vst v13;
	v12 =	vmul.f32 v8, v15;
	v13 =	vld [tilespmem:s14+$0x78]  }
0x4ac: {  	v9 =	vmul.f32 v9, v14;
	v18 =	vld [tilespmem:s14+$0xFFFFFF68];
	[tilespmem:s14+$0xF8] =	vst v10  }
0x4ad: {  	v10 =	vmul.f32 v11, v14;
	v8 =	vsel vm0, v8, v12;
	v11 =	vld [tilespmem:s14+$0x100]  }
0x4ae: {  	v12 =	vmul.f32 v16, v14;
	v16 =	vld [tilespmem:s14+$0xFFFFFF30];
	[tilespmem:s14+$0xFFFFFFF0] =	vst v8  }
0x4af: {  	[tilespmem:s14+$0xFFFFFEF0] =	vst v9;
	v8 =	vmul.f32 v17, v14;
	v9 =	vld [tilespmem:s14+$0xFFFFFF40]  }
0x4b0: {  	[tilespmem:s14+$0xFFFFFF00] =	vst v10;
	v10 =	vld [tilespmem:s14+$0xFFFFFF50];
	v17 =	vmul.f32 v13, v7  }
0x4b1: {  	[tilespmem:s14+$0xFFFFFF10] =	vst v12;
	v12 =	vmul.f32 v18, v14;
	v19 =	vld [tilespmem:s14+$0xFFFFFF78]  }
0x4b2: {  	[tilespmem:s14+$0xFFFFFF20] =	vst v8;
	v20 =	vld [tilespmem:s14+$0xFFFFFF88];
	v8 =	vsel vm0, v13, v17;
	v13 =	vmul.f32 v11, v6  }
0x4b3: {  	v16 =	vmul.f32 v16, v14;
	v12 =	vsel vm0, v18, v12;
	v17 =	vld [tilespmem:s14+$0xFFFFFF98];
	[tilespmem:s14+$0x78] =	vst v8  }
0x4b4: {  	v9 =	vmul.f32 v9, v14;
	[tilespmem:s14+$0xFFFFFF68] =	vst v12;
	v12 =	vld [tilespmem:s14+$0xFFFFFFA8];
	v11 =	vsel vm0, v11, v13  }
0x4b5: {  	v8 =	vmul.f32 v10, v14;
	v10 =	vld [tilespmem:s14+$0xFFFFFFB8];
	[tilespmem:s14+$0x100] =	vst v11  }
0x4b6: {  	[tilespmem:s14+$0xFFFFFF30] =	vst v16;
	v11 =	vmul.f32 v19, v15;
	v13 =	vld [tilespmem:s14+$0xFFFFFFC8]  }
0x4b7: {  	[tilespmem:s14+$0xFFFFFF40] =	vst v9;
	v9 =	vmul.f32 v20, v15;
	v14 =	vld [tilespmem:s14+$0xFFFFFFD8]  }
0x4b8: {  	[tilespmem:s14+$0xFFFFFF78] =	vst v11;
	v11 =	vmul.f32 v17, v15;
	v16 =	vld [tilespmem:s14+$0xFFFFFFE8]  }
0x4b9: {  	[tilespmem:s14+$0xFFFFFF88] =	vst v9;
	v9 =	vmul.f32 v12, v15;
	v12 =	vld [tilespmem:s14+$0x0]  }
0x4ba: {  	[tilespmem:s14+$0xFFFFFF98] =	vst v11;
	v10 =	vmul.f32 v10, v15;
	v11 =	vld [tilespmem:s14+$0x10]  }
0x4bb: {  	[tilespmem:s14+$0xFFFFFFA8] =	vst v9;
	v9 =	vmul.f32 v13, v15;
	v13 =	vld [tilespmem:s14+$0x20]  }
0x4bc: {  	[tilespmem:s14+$0xFFFFFFB8] =	vst v10;
	v14 =	vmul.f32 v14, v15;
	v19 =	vld [tilespmem:s14+$0x30]  }
.Ltmp6:
0x4bd: {  	[tilespmem:s14+$0xFFFFFFC8] =	vst v9;
	v15 =	vmul.f32 v16, v15;
	v10 =	vld [tilespmem:s14+$0x40];
	(pc) =	sbr.rel @p0 .LBB2_14-.Ltmp6, $4  }
0x4be: {  	[tilespmem:s14+$0xFFFFFFD8] =	vst v14;
	v14 =	vmul.f32 v12, v7;
	v9 =	vld [tilespmem:s14+$0x50]  }
0x4bf: {  	s2 =	sadd.s32 $0x1, s16;
	s17 =	sadd.s32 $0x3, s16;
	v16 =	vmov s16;
	[tilespmem:s14+$0xFFFFFFE8] =	vst v15;
	v20 =	vmul.f32 v11, v7;
	v12 =	vld [tilespmem:s14+$0x60]  }
0x4c0: {  	v17 =	vmov s2;
	v11 =	vmov s17;
	[tilespmem:s14+$0x0] =	vst v14;
	v15 =	vmul.f32 v13, v7;
	v13 =	vld [tilespmem:s14+$0x88]  }
0x4c1: {  	v17 =	vand.u32 $0xFFFFFFFD, v17;
	v18 =	vand.u32 $0xFFFFFFFC, v16;
	s17 =	sadd.s32 $0x2, s16;
	s16 =	sadd.s32 $0x4, s16;
	[tilespmem:s14+$0x10] =	vst v20;
	v16 =	vmul.f32 v19, v7;
	v14 =	vld [tilespmem:s14+$0x98]  }
0x4c2: {  	v20 =	vld [tilespmem:s14+$0xA8]  }
0x4c3: {  	v21 =	vld [tilespmem:s14+$0xB8]  }
0x4c4: {  	v22 =	vld [tilespmem:s14+$0xC8]  }
0x4c5: {  	v23 =	vld [tilespmem:s14+$0xD8]  }
0x4c6: {  	v18 =	vbroadcast v18, $0x0;
	[tilespmem:s14+$0x20] =	vst v15;
	v44 =	vld [tilespmem:s14+$0xE8]  }
0x4c7: {  	v10 =	vmul.f32 v10, v7;
	s16 =	sadd.s32 $0x220, s14;
	[tilespmem:s14+$0xFFFFFF50] =	vst v8;
	v45 =	vmul.f32 v9, v7;
	v9 =	vld.idx.msk [tilespmem:v11+s29+$0x0], $0xffff  }
0x4c8: {  	[tilespmem:s14+$0x30] =	vst v16;
	v48 =	vld [tilespmem:s16+$0x70]  }
0x4c9: {  	v50 =	vld [tilespmem:s16+$0xFFFFFF60];
	[tilespmem:s14+$0x40] =	vst v10;
	v7 =	vmul.f32 v12, v7  }
0x4ca: {  	v52 =	vld [tilespmem:s16+$0xF8];
	[tilespmem:s14+$0x50] =	vst v45;
	v46 =	vmul.f32 v13, v6  }
0x4cb: {  	v54 =	vld [tilespmem:s16+$0xFFFFFFF0];
	[tilespmem:s14+$0x60] =	vst v7;
	v47 =	vmul.f32 v14, v6  }
0x4cc: {  	v56 =	vld [tilespmem:s16+$0xFFFFFEF0];
	v49 =	vmul.f32 v20, v6;
	[tilespmem:s14+$0x88] =	vst v46  }
0x4cd: {  	v17 =	vbroadcast v17, $0x0;
	v51 =	vmul.f32 v21, v6;
	v10 =	vld.idx.msk [tilespmem:v18+s29+$0x0], $0xffff;
	[tilespmem:s14+$0x98] =	vst v47  }
0x4ce: {  	v57 =	vld [tilespmem:s16+$0xFFFFFF00];
	v53 =	vmul.f32 v22, v6;
	[tilespmem:s1+$0xA8] =	vst v49  }
0x4cf: {  	v58 =	vld [tilespmem:s16+$0xFFFFFF10];
	v55 =	vmul.f32 v23, v6;
	[tilespmem:s1+$0xB8] =	vst v51  }
0x4d0: {  	v24 =	vld [tilespmem:s16+$0xFFFFFF30];
	v6 =	vmul.f32 v44, v6;
	[tilespmem:s1+$0xC8] =	vst v53  }
0x4d1: {  	v25 =	vld [tilespmem:s16+$0xFFFFFF40];
	v60 =	vmul.f32 v52, v9;
	[tilespmem:s1+$0xD8] =	vst v55  }
0x4d2: {  	v19 =	vmov s17;
	v28 =	vld [tilespmem:s16+$0xFFFFFF78];
	[tilespmem:s1+$0xE8] =	vst v6;
	v12 =	vmul.f32 v50, v10  }
0x4d3: {  	v19 =	vand.u32 $0xFFFFFFFE, v19;
	v11 =	vld.idx.msk [tilespmem:v17+s29+$0x0], $0xffff;
	[tilespmem:s16+$0xF8] =	vst v60;
	v6 =	vmul.f32 v56, v10  }
0x4d4: {  	v30 =	vld [tilespmem:s16+$0xFFFFFF98];
	v19 =	vbroadcast v19, $0x0;
	v22 =	vmul.f32 v57, v10;
	[tilespmem:s16+$0xFFFFFF60] =	vst v12  }
0x4d5: {  	v34 =	vld [tilespmem:s16+$0xFFFFFFB8];
	v23 =	vmul.f32 v58, v10;
	[tilespmem:s16+$0xFFFFFEF0] =	vst v6  }
0x4d6: {  	v59 =	vld [tilespmem:s16+$0xFFFFFF20];
	v31 =	vmul.f32 v24, v10;
	[tilespmem:s16+$0xFFFFFF00] =	vst v22  }
0x4d7: {  	v37 =	vld [tilespmem:s16+$0xFFFFFFD8];
	v33 =	vmul.f32 v25, v10;
	[tilespmem:s16+$0xFFFFFF10] =	vst v23  }
0x4d8: {  	v43 =	vld [tilespmem:s16+$0x20];
	v35 =	vmul.f32 v28, v11;
	[tilespmem:s16+$0xFFFFFF30] =	vst v31  }
0x4d9: {  	v49 =	vld [tilespmem:s16+$0xFFFFFF50];
	v38 =	vmul.f32 v30, v11;
	[tilespmem:s16+$0xFFFFFF40] =	vst v33  }
0x4da: {  	v7 =	vld.idx.msk [tilespmem:v19+s29+$0x0], $0xffff;
	v41 =	vmul.f32 v34, v11;
	[tilespmem:s16+$0xFFFFFF78] =	vst v35  }
0x4db: {  	v46 =	vld [tilespmem:s16+$0x40];
	v6 =	vmul.f32 v59, v10;
	[tilespmem:s16+$0xFFFFFF98] =	vst v38  }
0x4dc: {  	v21 =	vld [tilespmem:s16+$0x100];
	v61 =	vmul.f32 v54, v11;
	v44 =	vmul.f32 v37, v11;
	[tilespmem:s16+$0xFFFFFFB8] =	vst v41  }
0x4dd: {  	[tilespmem:s16+$0xFFFFFF20] =	vst v6;
	v6 =	vld [tilespmem:s16+$0xFFFFFF88]  }
0x4de: {  	v32 =	vld [tilespmem:s16+$0xFFFFFFA8];
	v56 =	vmul.f32 v49, v10;
	v20 =	vsel vm0, v54, v61;
	[tilespmem:s16+$0xFFFFFFD8] =	vst v44  }
0x4df: {  	v36 =	vld [tilespmem:s16+$0xFFFFFFC8];
	v8 =	vmul.f32 v48, v7;
	[tilespmem:s16+$0xFFFFFFF0] =	vst v20  }
0x4e0: {  	v58 =	vld [tilespmem:s16+$0xD8];
	v50 =	vmul.f32 v43, v7;
	[tilespmem:s16+$0xFFFFFF50] =	vst v56  }
0x4e1: {  	v39 =	vld [tilespmem:s16+$0xFFFFFFE8];
	v53 =	vmul.f32 v46, v7;
	[tilespmem:s16+$0x70] =	vst v8  }
0x4e2: {  	v54 =	vld [tilespmem:s16+$0xA8];
	v29 =	vmul.f32 v21, v9;
	[tilespmem:s16+$0x20] =	vst v50;
	v6 =	vmul.f32 v6, v11  }
0x4e3: {  	v63 =	vld [tilespmem:s16+$0xFFFFFF68];
	[tilespmem:s16+$0x40] =	vst v53  }
0x4e4: {  	v42 =	vld [tilespmem:s16+$0x10];
	v12 =	vsel vm0, v21, v29;
	[tilespmem:s16+$0xFFFFFF88] =	vst v6;
	v6 =	vmul.f32 v32, v11  }
0x4e5: {  	v62 =	vld [tilespmem:s16+$0x78];
	v61 =	vmul.f32 v58, v9;
	[tilespmem:s16+$0x100] =	vst v12  }
0x4e6: {  	[tilespmem:s16+$0xFFFFFFA8] =	vst v6;
	v6 =	vmul.f32 v36, v11  }
0x4e7: {  	v45 =	vld [tilespmem:s16+$0x30];
	v60 =	vmul.f32 v54, v9;
	[tilespmem:s16+$0xD8] =	vst v61  }
0x4e8: {  	v40 =	vld [tilespmem:s16+$0x0];
	v27 =	vmul.f32 v63, v10;
	[tilespmem:s16+$0xFFFFFFC8] =	vst v6;
	v6 =	vmul.f32 v39, v11  }
0x4e9: {  	v47 =	vld [tilespmem:s16+$0x50];
	[tilespmem:s16+$0xA8] =	vst v60  }
0x4ea: {  	v48 =	vld [tilespmem:s16+$0x60];
	v26 =	vmul.f32 v62, v7;
	v8 =	vsel vm0, v63, v27;
	[tilespmem:s16+$0xFFFFFFE8] =	vst v6;
	v6 =	vmul.f32 v42, v7  }
0x4eb: {  	v51 =	vld [tilespmem:s16+$0x88];
	[tilespmem:s16+$0xFFFFFF68] =	vst v8  }
0x4ec: {  	v52 =	vld [tilespmem:s16+$0x98];
	v13 =	vsel vm0, v62, v26;
	[tilespmem:s16+$0x10] =	vst v6;
	v6 =	vmul.f32 v45, v7  }
0x4ed: {  	v55 =	vld [tilespmem:s16+$0xB8];
	v8 =	vmul.f32 v40, v7;
	[tilespmem:s16+$0x78] =	vst v13  }
0x4ee: {  	v57 =	vld [tilespmem:s16+$0xC8];
	[tilespmem:s16+$0x30] =	vst v6;
	v6 =	vmul.f32 v47, v7  }
0x4ef: {  	v59 =	vld [tilespmem:s16+$0xE8];
	[tilespmem:s16+$0x0] =	vst v8;
	v7 =	vmul.f32 v48, v7  }
0x4f0: {  	[tilespmem:s16+$0x50] =	vst v6;
	v6 =	vmul.f32 v51, v9  }
0x4f1: {  	[tilespmem:s16+$0x60] =	vst v7;
	v7 =	vmul.f32 v52, v9  }
0x4f2: {  	[tilespmem:s16+$0x88] =	vst v6;
	v6 =	vmul.f32 v55, v9  }
0x4f3: {  	[tilespmem:s16+$0x98] =	vst v7;
	v7 =	vmul.f32 v57, v9  }
0x4f4: {  	[tilespmem:s16+$0xB8] =	vst v6;
	v6 =	vmul.f32 v59, v9  }
0x4f5: {  	[tilespmem:s16+$0xC8] =	vst v7  }
0x4f6: {  	[tilespmem:s16+$0xE8] =	vst v6  }
0x4f7: {  	v6 =	vld [tilespmem:$0x19A28]  }
0x4f8: {  	v7 =	vld [tilespmem:$0x19A38]  }
0x4f9: {  	v8 =	vld [tilespmem:$0x19A48]  }
0x4fa: {  	v62 =	vld [tilespmem:$0x19A58]  }
0x4fb: {  	v63 =	vld [tilespmem:$0x19A68]  }
0x4fc: {  	[tilespmem:$0x1A018] =	vst v6  }
0x4fd: {  	[tilespmem:$0x1A028] =	vst v7  }
0x4fe: {  	[tilespmem:$0x1A038] =	vst v8  }
0x4ff: {  	[tilespmem:$0x1A048] =	vst v62  }
0x500: {  	s0 =	rddreg [dreg:$0x2];
	s21 =	simm.s32 $0x1A018;
	[tilespmem:$0x1A058] =	vst v63  }
0x501: {  	[spmem:s0] =	stream.indirect.scatter.add.f32 [tilespmem:s6], [sflag:$0x5], $0x88, s21, s10, $0xb8;
	[tilespmem:$0x1FE28] =	vst v63  }
0x502: {  	_ =	swait.ge [sflag:s7], $0x2A80  }
0x503: {  	[sflag:s7] =	ssyncset.done $0x0  }
0x504: {  	s1 =	stileid.u32;
	[sflag:s7] =	ssyncadd.s32 $0xFFFFD580  }
0x505: {  	s2 =	sshll.u32 s1, $0x6;
	[bflag:$0x0] =	sbarrier.arrive $0xFFFF  }
0x506: {  	s17 =	simm.s32 $0x10;
	s1 =	sor.u32 $0x1C0B, s2;
	s16 =	rddreg [dreg:$0x11]  }
0x507: {  	s21 =	simm.s32 $0x11;
	s14 =	rddreg [dreg:$0x14];
	s2 =	sshrl.u32 s16, $0x3  }
0x508: {  	[hbm:s14@s17], [sflag:s1] =	dma.strided [spmem:s2@s21], $0x2710, s19, $0x10   }
0x509: {  	_ =	swait.ge [sflag:s8], $0x2710  }
0x50a: {  	s21 =	sld [smem:$0x7F7]  }
0x50b: {  	[sflag:s8] =	ssyncset.done $0x0  }
0x50c: {  	s14 =	simm.s32 $0x88;
	s17 =	simm.s32 $0x1A068;
	[sflag:s8] =	ssyncadd.s32 $0xFFFFD8F0  }
0x50d: {  	[tilespmem:s17], [sflag:$0xB] =	stream.strided.gather [spmem:s21], $0x280, s14, s26, $0x38;
	[tilespmem:$0x1FE28] =	vst v63  }
0x50e: {  	_ =	swait.ge [sflag:s8], $0x280  }
0x50f: {  	s1 =	rddreg [dreg:$0x5]  }
0x510: {  	[sflag:s8] =	ssyncset.done $0x0;
	s2 =	rddreg [dreg:$0x12]  }
0x511: {  	s0 =	simm.s32 $0x0;
	[sflag:s8] =	ssyncadd.s32 $0xFFFFFD80;
	s21 =	sadd.s32 s1, s2  }
0x512: {  	[hbm4b:s21+s0] =	stream.linear.scatter [tilespmem:s17], [sflag:$0xB], $0x280, $0x38;
	[tilespmem:$0x1FE28] =	vst v63  }
0x513: {  	_ =	swait.ge [sflag:s8], $0x280  }
0x514: {  	s21 =	sld [smem:$0x7F8]  }
0x515: {  	[sflag:s8] =	ssyncset.done $0x0  }
0x516: {  	[sflag:s8] =	ssyncadd.s32 $0xFFFFFD80  }
0x517: {  	[tilespmem:s17], [sflag:$0xB] =	stream.strided.gather [spmem:s21], $0x280, s14, s26, $0x38;
	[tilespmem:$0x1FE28] =	vst v63  }
0x518: {  	_ =	swait.ge [sflag:s8], $0x280  }
0x519: {  	[sflag:s8] =	ssyncset.done $0x0  }
0x51a: {  	s21 =	rddreg [dreg:$0x1b];
	[sflag:s8] =	ssyncadd.s32 $0xFFFFFD80  }
0x51b: {  	[hbm4b:s21+s0] =	stream.linear.scatter [tilespmem:s17], [sflag:$0xB], $0x280, $0x38;
	[tilespmem:$0x1FE28] =	vst v63  }
0x51c: {  	_ =	swait.ge [sflag:s8], $0x280  }
0x51d: {  	s21 =	sld [smem:$0x7F9]  }
0x51e: {  	[sflag:s8] =	ssyncset.done $0x0  }
0x51f: {  	[sflag:s8] =	ssyncadd.s32 $0xFFFFFD80  }
0x520: {  	[tilespmem:s17], [sflag:$0xB] =	stream.strided.gather [spmem:s21], $0x280, s14, s26, $0x38;
	[tilespmem:$0x1FE28] =	vst v63  }
0x521: {  	_ =	swait.ge [sflag:s8], $0x280  }
0x522: {  	[sflag:s8] =	ssyncset.done $0x0  }
0x523: {  	s21 =	rddreg [dreg:$0x1c];
	[sflag:s8] =	ssyncadd.s32 $0xFFFFFD80  }
0x524: {  	[hbm4b:s21+s0] =	stream.linear.scatter [tilespmem:s17], [sflag:$0xB], $0x280, $0x38;
	[tilespmem:$0x1FE28] =	vst v63  }
0x525: {  	_ =	swait.ge [sflag:s8], $0x280  }
0x526: {  	s21 =	sld [smem:$0x7FA]  }
0x527: {  	[sflag:s8] =	ssyncset.done $0x0  }
0x528: {  	[sflag:s8] =	ssyncadd.s32 $0xFFFFFD80  }
0x529: {  	[tilespmem:s17], [sflag:$0xB] =	stream.strided.gather [spmem:s21], $0x280, s14, s26, $0x38;
	[tilespmem:$0x1FE28] =	vst v63  }
0x52a: {  	_ =	swait.ge [sflag:s8], $0x280  }
0x52b: {  	[sflag:s8] =	ssyncset.done $0x0  }
0x52c: {  	s21 =	rddreg [dreg:$0x1d];
	[sflag:s8] =	ssyncadd.s32 $0xFFFFFD80  }
0x52d: {  	[hbm4b:s21+s0] =	stream.linear.scatter [tilespmem:s17], [sflag:$0xB], $0x280, $0x38;
	[tilespmem:$0x1FE28] =	vst v63  }
0x52e: {  	_ =	swait.ge [sflag:s8], $0x280  }
0x52f: {  	s21 =	sld [smem:$0x7FB]  }
0x530: {  	[sflag:s8] =	ssyncset.done $0x0  }
0x531: {  	[sflag:s8] =	ssyncadd.s32 $0xFFFFFD80  }
0x532: {  	[tilespmem:s17], [sflag:$0xB] =	stream.strided.gather [spmem:s21], $0x280, s14, s26, $0x38;
	[tilespmem:$0x1FE28] =	vst v63  }
0x533: {  	_ =	swait.ge [sflag:s8], $0x280  }
0x534: {  	[sflag:s8] =	ssyncset.done $0x0  }
0x535: {  	s21 =	rddreg [dreg:$0x1e];
	[sflag:s8] =	ssyncadd.s32 $0xFFFFFD80  }
0x536: {  	[hbm4b:s21+s0] =	stream.linear.scatter [tilespmem:s17], [sflag:$0xB], $0x280, $0x38;
	[tilespmem:$0x1FE28] =	vst v63  }
0x537: {  	_ =	swait.ge [sflag:s8], $0x280  }
0x538: {  	s21 =	sld [smem:$0x7FC]  }
0x539: {  	[sflag:s8] =	ssyncset.done $0x0  }
0x53a: {  	[sflag:s8] =	ssyncadd.s32 $0xFFFFFD80  }
0x53b: {  	[tilespmem:s17], [sflag:$0xB] =	stream.strided.gather [spmem:s21], $0x280, s14, s26, $0x38;
	[tilespmem:$0x1FE28] =	vst v63  }
0x53c: {  	_ =	swait.ge [sflag:s8], $0x280  }
0x53d: {  	[sflag:s8] =	ssyncset.done $0x0  }
0x53e: {  	s21 =	rddreg [dreg:$0x1f];
	[sflag:s8] =	ssyncadd.s32 $0xFFFFFD80  }
0x53f: {  	[hbm4b:s21+s0] =	stream.linear.scatter [tilespmem:s17], [sflag:$0xB], $0x280, $0x38;
	[tilespmem:$0x1FE28] =	vst v63  }
0x540: {  	_ =	swait.ge [sflag:s8], $0x280  }
0x541: {  	s21 =	sld [smem:$0x7FD]  }
0x542: {  	[sflag:s8] =	ssyncset.done $0x0  }
0x543: {  	[sflag:s8] =	ssyncadd.s32 $0xFFFFFD80  }
0x544: {  	[tilespmem:s17], [sflag:$0xB] =	stream.strided.gather [spmem:s21], $0x280, s14, s26, $0x38;
	[tilespmem:$0x1FE28] =	vst v63  }
0x545: {  	_ =	swait.ge [sflag:s8], $0x280  }
0x546: {  	s21 =	sld [smem:$0x7F2]  }
0x547: {  	[sflag:s8] =	ssyncset.done $0x0  }
0x548: {  	[sflag:s8] =	ssyncadd.s32 $0xFFFFFD80  }
0x549: {  	[hbm4b:s21+s0] =	stream.linear.scatter [tilespmem:s17], [sflag:$0xB], $0x280, $0x38;
	[tilespmem:$0x1FE28] =	vst v63  }
0x54a: {  	_ =	swait.ge [sflag:s8], $0x280  }
0x54b: {  	s21 =	sld [smem:$0x7F6]  }
0x54c: {  	[sflag:s8] =	ssyncset.done $0x0  }
0x54d: {  	[sflag:s8] =	ssyncadd.s32 $0xFFFFFD80  }
0x54e: {  	[tilespmem:s17], [sflag:$0xB] =	stream.strided.gather [spmem:s21], $0x208, s14, s26, $0x38;
	[tilespmem:$0x1FE28] =	vst v63  }
0x54f: {  	_ =	swait.ge [sflag:s8], $0x208  }
0x550: {  	[sflag:s8] =	ssyncset.done $0x0;
	s14 =	rddreg [dreg:$0x7]  }
0x551: {  	[sflag:s8] =	ssyncadd.s32 $0xFFFFFDF8;
	s1 =	sadd.s32 s14, s2  }
0x552: {  	[hbm4b:s1+s0] =	stream.linear.scatter [tilespmem:s17], [sflag:$0xB], $0x208, $0x38;
	[tilespmem:$0x1FE28] =	vst v63  }
0x553: {  	_ =	swait.ge [sflag:s8], $0x208  }
0x554: {  	s17 =	sld [smem:$0x7F1];
	_ =	sdelay $0x2  }
0x555: {  	s21 =	rddreg [dreg:$0x13];
	s1 =	sadd.s32 $0x1, s17  }
0x556: {  	p0 =	sne.s32 s1, s21  }
.Ltmp7:
0x557: {  	_ = 	snop;
	(pc) =	sbr.rel @p0 .LBB2_1-.Ltmp7, $3  }
0x558: {  	_ =	sdelay $0x1  }
0x559: {  	[sflag:s8] =	ssyncset.done $0x0  }
0x55a: {  	[sflag:s8] =	ssyncadd.s32 $0xFFFFFDF8  }
0x55b: {  	_ =	sfence.sel $0x180000  }
0x55c: {  	[bflag:$0x0] =	sbarrier.arrive $0xFFFF  }
0x55d: {  	_ =	strace $0x90000047  }
0x55e: {  	s0 =	stileid.u32;
	[bflag:$0x2] =	sbarrier.arrive $0xFFFF  }
0x55f: {  	p0 =	sne.s32 s0, $0x0;
	s0 =	rddreg [dreg:$0x3]  }
0x560: {  	s0 =	sadd.s32 @!p0 $0x100000, s0  }
0x561: {  	[sflag:s0] =	ssyncadd.tile.s32 @!p0 $0x1;
	_ =	shalt  }
.Lfunc_end2:
_tile_overlayer_lowered:
.L_overlay_start_2:
0x562: {  	(tag) =	ssettag $0x2  }
0x563: {  	s0 =	rddreg [dreg:$0x0];
	s2 =	stileid.u32  }
0x564: {  	s1 =	rddreg [dreg:$0x1];
	p0 =	sne.s32 s2, $0x0  }
0x565: {  	s3 =	rddreg [dreg:$0x2];
	[bflag:$0x3] =	sbarrier.arrive $0xFFFF;
	s2 =	simm.s32 @!p0 $0x1C0B  }
0x566: {  	[timem:s3], [sflag:s2] =	dma.local @!p0 [hbm:s0], s1  }
0x567: {  	s0 =	simm.s32 @!p0 $0xB  }
0x568: {  	_ =	swait.ge @!p0 [sflag:s0], s1  }
0x569: {  	s1 =	ssub.s32 @!p0 $0x0, s1;
	[sflag:s0] =	ssyncset.done @!p0 $0x0  }
0x56a: {  	[sflag:s0] =	ssyncadd.s32 @!p0 s1  }
0x56b: {  	[bflag:$0x3] =	sbarrier.arrive $0xFFFF  }
0x56c: {  	_ =	shalt  }

</sc_bundles>
